<compile_context>
chip_gen: v7x
topology: tpu7x:2x2x1
jax: 0.10.2.dev20260603
libtpu: 0.0.44.dev20260713+nightly
codegen_flags: <defaults>
</compile_context>

<pallas_src>
import jax
import jax.numpy as jnp
from jax import lax
from jax.experimental import pallas as pl
from jax.experimental.pallas import tpu as pltpu
from jax.experimental.pallas import tpu_sc as plsc

N = 4096
D = 128
K = 2048
RT = 512
NW = 32
RPW = K // NW
RB = 8
L = 16
f32 = jnp.float32



CB = 4


def _p23_j(t):
    return jnp.where(t == 0, 7, jnp.where(t < 4, t + 3, t - 4))


def _tc_body(feat_ref, w1_ref, b1_ref, w2_ref, b2_ref, ws_ref, bs_ref,
             adj_ref, emb_ref, idx_ref, mult_ref,
             adjv_ref, x1_ref, x2_ref, v8_ref, yrow_ref, ranks_ref):
    i = pl.program_id(0)

    @pl.when(i == 0)
    def _():
        x1_ref[...] = jnp.dot(feat_ref[...], w1_ref[...],
                              preferred_element_type=f32)

    @pl.when(i < 8)
    def _():
        adj_blk = adj_ref[...]
        acc = jnp.dot(adj_blk, x1_ref[...], preferred_element_type=f32)
        h_tile = jnp.maximum(acc + b1_ref[...], 0.0)
        x2_ref[pl.ds(i * RT, RT), :] = jnp.dot(h_tile, w2_ref[...],
                                               preferred_element_type=f32)

        @pl.when(i < CB)
        def _():
            adjv_ref[pl.ds(i * RT, RT), :] = adj_blk

    @pl.when((i >= 8) & (i < 16))
    def _():
        j = _p23_j(i - 8)

        def _emit_emb(adj_blk):
            emb = jnp.dot(adj_blk, x2_ref[...], preferred_element_type=f32)
            emb = emb + b2_ref[...]
            emb_ref[...] = emb
            v8 = jnp.dot(emb, ws_ref[...], preferred_element_type=f32)
            v8_ref[:, pl.ds(j * RT, RT)] = jnp.broadcast_to(
                jnp.transpose(v8, (1, 0)), (8, RT))

        @pl.when(j < CB)
        def _():
            _emit_emb(adjv_ref[pl.ds(j * RT, RT), :])

        @pl.when(j >= CB)
        def _():
            _emit_emb(adj_ref[...])

    @pl.when((i >= 16) & (i < 24))
    def _():
        j = _p23_j(i - 16)

        def _emit_y(adj_blk):
            z8 = lax.dot_general(adj_blk, v8_ref[...],
                                 (((1,), (1,)), ((), ())),
                                 preferred_element_type=f32)
            z = z8[:, :1] + bs_ref[...]
            y = 1.0 / (1.0 + jnp.exp(-z))
            yrow_ref[:, pl.ds(j * RT, RT)] = jnp.transpose(y, (1, 0))

        @pl.when(j < CB)
        def _():
            _emit_y(adjv_ref[pl.ds(j * RT, RT), :])

        @pl.when(j >= CB)
        def _():
            _emit_y(adj_ref[...])

    @pl.when((i >= 24) & (i < 32))
    def _():
        j = i - 24
        yr = yrow_ref[...]
        yc = jnp.transpose(yrow_ref[:, pl.ds(j * RT, RT)], (1, 0))
        j_ids = j * RT + lax.broadcasted_iota(jnp.int32, (RT, 1), 0)
        i_ids = lax.broadcasted_iota(jnp.int32, (RT, N), 1)
        beats = (yc > yr) | ((yc == yr) & (j_ids < i_ids))
        contrib = jnp.sum(beats.astype(jnp.int32), axis=0, keepdims=True)

        @pl.when(j == 0)
        def _():
            ranks_ref[...] = contrib

        @pl.when(j > 0)
        def _():
            ranks_ref[...] = ranks_ref[...] + contrib

    @pl.when(i >= 32)
    def _():
        yr = yrow_ref[...]
        ranks = ranks_ref[...]
        r_col = (i - 32) * RT + lax.broadcasted_iota(jnp.int32, (RT, 1), 0)
        eq = ranks == r_col
        col_ids = lax.broadcasted_iota(jnp.int32, (RT, N), 1)
        idx_ref[...] = jnp.sum(jnp.where(eq, col_ids, 0), axis=1)
        m_row = yr + (1.0 - yr)
        mult_ref[...] = jnp.sum(jnp.where(eq, m_row, 0.0), axis=1)


def _adj_map(i):
    t = jnp.where(i < 16, i - 8, jnp.where(i < 24, i - 16, 8))
    p23 = jnp.where(t == 0, 7, jnp.where(t < 4, t + 3, 6))
    return (jnp.where(i < 8, i, p23), 0)


def _emb_map(i):
    return (jnp.where(i <= 8, 7,
                      jnp.where(i < 12, i - 5,
                                jnp.where(i < 16, i - 12, 3))), 0)


def _tc_pipeline(features, adj, W1, b1, W2, b2, Ws, bs):
    b1r = b1.reshape(1, D)
    b2r = b2.reshape(1, D)
    bsr = bs.reshape(1, 1)
    const = lambda i: (0, 0)

    emb, idx, mult = pl.pallas_call(
        _tc_body,
        grid=(36,),
        in_specs=[
            pl.BlockSpec((N, D), const),
            pl.BlockSpec((D, D), const),
            pl.BlockSpec((1, D), const),
            pl.BlockSpec((D, D), const),
            pl.BlockSpec((1, D), const),
            pl.BlockSpec((D, 1), const),
            pl.BlockSpec((1, 1), const),
            pl.BlockSpec((RT, N), _adj_map),
        ],
        out_specs=[
            pl.BlockSpec((RT, D), _emb_map),
            pl.BlockSpec((RT,), lambda i: (jnp.clip(i - 32, 0, 3),)),
            pl.BlockSpec((RT,), lambda i: (jnp.clip(i - 32, 0, 3),)),
        ],
        out_shape=[
            jax.ShapeDtypeStruct((N, D), f32),
            jax.ShapeDtypeStruct((K,), jnp.int32),
            jax.ShapeDtypeStruct((K,), f32),
        ],
        scratch_shapes=[
            pltpu.VMEM((CB * RT, N), f32),
            pltpu.VMEM((N, D), f32),
            pltpu.VMEM((N, D), f32),
            pltpu.VMEM((8, N), f32),
            pltpu.VMEM((1, N), f32),
            pltpu.VMEM((1, N), jnp.int32),
        ],
        compiler_params=pltpu.CompilerParams(
            vmem_limit_bytes=128 * 1024 * 1024),
    )(features, W1, b1r, W2, b2r, Ws, bsr, adj)

    return emb, idx, mult



def _sc_body(adj_hbm, emb_hbm, idx_hbm, mult_hbm, out_emb, out_adj,
             idx_all, my_idx, my_mult, emb_rows,
             row_a, row_b, out_a, out_b,
             sem, sem_ra, sem_rb, sem_oa, sem_ob):
    c = lax.axis_index("c")
    s = lax.axis_index("s")
    wid = s * 2 + c
    base = wid * RPW

    pltpu.sync_copy(idx_hbm, idx_all)
    pltpu.sync_copy(idx_hbm.at[pl.ds(base, RPW)], my_idx)
    pltpu.sync_copy(mult_hbm.at[pl.ds(base, RPW)], my_mult)

    pltpu.async_copy(emb_hbm.at[my_idx], emb_rows, sem).wait()

    def _scale_row(r, carry):
        m = plsc.load_gather(my_mult, [jnp.full((L,), r, jnp.int32)])
        for ch in range(D // L):
            sl = pl.ds(ch * L, L)
            emb_rows[r, sl] = emb_rows[r, sl] * m
        return carry

    lax.fori_loop(0, RPW, _scale_row, 0)
    pltpu.sync_copy(emb_rows, out_emb.at[pl.ds(base, RPW)])

    zeros16 = jnp.zeros((L,), jnp.int32)
    i0 = plsc.load_gather(idx_all, [zeros16])

    def _chk(cc, acc):
        gi = cc * L + lax.iota(jnp.int32, L)
        d = idx_all[pl.ds(cc * L, L)] - (i0 + gi)
        return jnp.maximum(acc, jnp.abs(d))

    dev = lax.fori_loop(0, K // L, _chk, jnp.zeros((L,), jnp.int32))
    c0 = jnp.min(idx_all[pl.ds(0, L)])
    contig = (jnp.max(dev) == 0) & (c0 % 128 == 0)

    @pl.when(contig)
    def _():
        c0m = pl.multiple_of(c0, 128)
        pltpu.sync_copy(
            adj_hbm.at[pl.ds(c0m + base, RPW), pl.ds(c0m, K)],
            out_adj.at[pl.ds(base, RPW)])

    @pl.when(jnp.logical_not(contig))
    def _():
        _slow_adj_gather(adj_hbm, out_adj, idx_all, my_idx, base,
                         row_a, row_b, out_a, out_b,
                         sem_ra, sem_rb, sem_oa, sem_ob)


def _slow_adj_gather(adj_hbm, out_adj, idx_all, my_idx, base,
                     row_a, row_b, out_a, out_b,
                     sem_ra, sem_rb, sem_oa, sem_ob):
    nblk = RPW // RB
    rows = (row_a, row_b)
    rsems = (sem_ra, sem_rb)
    outs = (out_a, out_b)
    osems = (sem_oa, sem_ob)
    splats = [jnp.full((L,), rb, jnp.int32) for rb in range(RB)]

    in_cp = [None, None]
    out_cp = [None, None]
    in_cp[0] = pltpu.async_copy(adj_hbm.at[my_idx.at[pl.ds(0, RB)]],
                                row_a, sem_ra)
    for b in range(nblk):
        k = b % 2
        if b + 1 < nblk:
            in_cp[1 - k] = pltpu.async_copy(
                adj_hbm.at[my_idx.at[pl.ds((b + 1) * RB, RB)]],
                rows[1 - k], rsems[1 - k])
        in_cp[k].wait()
        if b >= 2:
            out_cp[k].wait()
        row_blk = rows[k]
        out_blk = outs[k]

        @plsc.parallel_loop(0, K // L, 1, unroll=4)
        def _col(cc):
            cols = idx_all[pl.ds(cc * L, L)]
            sl = pl.ds(cc * L, L)
            for rb in range(RB):
                out_blk[rb, sl] = plsc.load_gather(row_blk, [splats[rb], cols])
        out_cp[k] = pltpu.async_copy(out_blk,
                                     out_adj.at[pl.ds(base + b * RB, RB)],
                                     osems[k])
    out_cp[0].wait()
    out_cp[1].wait()


def _sc_gather(adj, emb, idx, mult):
    call = pl.kernel(
        _sc_body,
        out_type=[
            jax.ShapeDtypeStruct((K, D), f32),
            jax.ShapeDtypeStruct((K, K), f32),
        ],
        mesh=plsc.VectorSubcoreMesh(core_axis_name="c", subcore_axis_name="s"),
        scratch_types=[
            pltpu.VMEM((K,), jnp.int32),
            pltpu.VMEM((RPW,), jnp.int32),
            pltpu.VMEM((RPW,), f32),
            pltpu.VMEM((RPW, D), f32),
            pltpu.VMEM((RB, N), f32),
            pltpu.VMEM((RB, N), f32),
            pltpu.VMEM((RB, K), f32),
            pltpu.VMEM((RB, K), f32),
            pltpu.SemaphoreType.DMA,
            pltpu.SemaphoreType.DMA,
            pltpu.SemaphoreType.DMA,
            pltpu.SemaphoreType.DMA,
            pltpu.SemaphoreType.DMA,
        ],
        compiler_params=pltpu.CompilerParams(needs_layout_passes=False),
    )
    return call(adj, emb, idx, mult)


@jax.jit
def kernel(features, adj, W1, b1, W2, b2, Ws, bs):
    emb, idx, mult = _tc_pipeline(features, adj, W1, b1, W2, b2, Ws, bs)
    out_emb, out_adj = _sc_gather(adj, emb, idx, mult)
    return out_emb, out_adj

# --- scband reference (transcript-rebuilt; emitter-appended) ---
"""Pipeline reference for scband-stage-gnn-learner-38190849196426 (READ-ONLY COPY).

The authoritative reference and input builder live on the scoring server;
editing this copy changes nothing except your own understanding.
"""

import jax, jax.numpy as jnp
import numpy as np

N = 4096
ISIZE = 128
OSIZE = 128
KS = [0.5]


def setup_inputs(seed: int = 0) -> dict:
    key = jax.random.key(seed)
    ks = jax.random.split(key, 8)
    features = jax.random.normal(ks[0], (N, ISIZE), dtype=jnp.float32)
    adj = jax.random.uniform(ks[1], (N, N), dtype=jnp.float32)
    W1 = jax.random.normal(ks[2], (ISIZE, OSIZE), dtype=jnp.float32) * (1.0 / np.sqrt(ISIZE))
    b1 = jnp.zeros((OSIZE,), dtype=jnp.float32)
    W2 = jax.random.normal(ks[3], (OSIZE, OSIZE), dtype=jnp.float32) * (1.0 / np.sqrt(OSIZE))
    b2 = jnp.zeros((OSIZE,), dtype=jnp.float32)
    Ws = jax.random.normal(ks[4], (OSIZE, 1), dtype=jnp.float32) * (1.0 / np.sqrt(OSIZE))
    bs = jnp.zeros((1,), dtype=jnp.float32)
    return {"features": features, "adj": adj, "W1": W1, "b1": b1, "W2": W2, "b2": b2, "Ws": Ws, "bs": bs}


def _anchor_gcn(h, adj, W, b):
    # AnchorGCNLayer: linear transform followed by dense adjacency aggregation
    return adj @ (h @ W) + b


def reference(features, adj, W1, b1, W2, b2, Ws, bs):
    # internal_forward: 2-layer GNN with relu between layers (internal_type='gnn', act='relu')
    h = jax.nn.relu(_anchor_gcn(features, adj, W1, b1))
    embeddings = _anchor_gcn(h, adj, W2, b2)
    embeddings_ = embeddings
    cur_adj = adj
    # stage pooling loop (l_n = len(ks) = 1)
    for i in range(len(KS)):
        y = jax.nn.sigmoid(jnp.squeeze(_anchor_gcn(embeddings, cur_adj, Ws, bs), axis=-1))
        num_nodes = cur_adj.shape[0]
        k_i = max(2, int(KS[i] * num_nodes))
        score, idx = jax.lax.top_k(y, k_i)
        embeddings = embeddings[idx, :]
        embeddings_ = embeddings * (score[:, None] + jax.lax.stop_gradient(1.0 - score)[:, None])
        cur_adj = cur_adj[idx, :][:, idx]
    return embeddings_, cur_adj

if __name__ == "__main__":
    import jax
    _d = setup_inputs()
    print(jax.jit(kernel)(*tuple(_d.values())))

</pallas_src>

<mosaic_0001>
#map = affine_map<(d0, d1) -> (0, 0)>
#map1 = affine_map<(d0, d1) -> (0)>
module attributes {stable_mosaic.version = 14 : i64} {
  func.func @_sc_body(%arg0: i32, %arg1: i32, %arg2: memref<4096x4096xf32, #tpu.memory_space<hbm>>, %arg3: memref<4096x128xf32, #tpu.memory_space<hbm>>, %arg4: memref<2048xi32, #tpu.memory_space<hbm>>, %arg5: memref<2048xf32, #tpu.memory_space<hbm>>, %arg6: memref<2048x128xf32, #tpu.memory_space<hbm>>, %arg7: memref<2048x2048xf32, #tpu.memory_space<hbm>>, %arg8: memref<2048xi32, #tpu.memory_space<vmem>>, %arg9: memref<64xi32, #tpu.memory_space<vmem>>, %arg10: memref<64xf32, #tpu.memory_space<vmem>>, %arg11: memref<64x128xf32, #tpu.memory_space<vmem>>, %arg12: memref<8x4096xf32, #tpu.memory_space<vmem>>, %arg13: memref<8x4096xf32, #tpu.memory_space<vmem>>, %arg14: memref<8x2048xf32, #tpu.memory_space<vmem>>, %arg15: memref<8x2048xf32, #tpu.memory_space<vmem>>, %arg16: memref<!tpu.dma_semaphore, #tpu.memory_space<semaphore_mem>>, %arg17: memref<!tpu.dma_semaphore, #tpu.memory_space<semaphore_mem>>, %arg18: memref<!tpu.dma_semaphore, #tpu.memory_space<semaphore_mem>>, %arg19: memref<!tpu.dma_semaphore, #tpu.memory_space<semaphore_mem>>, %arg20: memref<!tpu.dma_semaphore, #tpu.memory_space<semaphore_mem>>) attributes {dimension_semantics = [#tpu.dimension_semantics<core_parallel>, #tpu.dimension_semantics<subcore_parallel>], iteration_bounds = array<i64: 2, 16>, scalar_prefetch = 0 : i64, scratch_operands = 13 : i64, tpu.core_type = #tpu.core_type<sc_vector_subcore>, window_params = [{transform_indices = #map}, {transform_indices = #map}, {transform_indices = #map1}, {transform_indices = #map1}, {transform_indices = #map}, {transform_indices = #map}]} {
    %mul3A = arith.constant 2 : i32
    %mul3A_0 = arith.muli %arg1, %mul3A : i32
    %add3A = arith.addi %mul3A_0, %arg0 : i32
    %mul3A_1 = arith.constant 64 : i32
    %mul3A_2 = arith.muli %add3A, %mul3A_1 : i32
    "tpu.region"() ({
      %run_scoped3A = tpu.sem_alloc : memref<!tpu.dma_semaphore, #tpu.memory_space<semaphore_mem>>
      tpu.enqueue_dma source(%arg4 : memref<2048xi32, #tpu.memory_space<hbm>>) target(%arg8 : memref<2048xi32, #tpu.memory_space<vmem>>) target_semaphore(%run_scoped3A : memref<!tpu.dma_semaphore, #tpu.memory_space<semaphore_mem>>)
      tpu.wait_dma2 semaphore(%run_scoped3A : memref<!tpu.dma_semaphore, #tpu.memory_space<semaphore_mem>>) src(%arg4 : memref<2048xi32, #tpu.memory_space<hbm>>) dst(%arg8 : memref<2048xi32, #tpu.memory_space<vmem>>)
      tpu.yield
    }) : () -> ()
    "tpu.region"() ({
      %run_scoped3A = tpu.sem_alloc : memref<!tpu.dma_semaphore, #tpu.memory_space<semaphore_mem>>
      %dma_start3A_55 = tpu.memref_slice %arg4[%mul3A_2] : memref<2048xi32, #tpu.memory_space<hbm>> -> memref<64xi32, #tpu.memory_space<hbm>>
      %dma_start3A_56 = tpu.memref_slice %arg4[%mul3A_2] : memref<2048xi32, #tpu.memory_space<hbm>> -> memref<64xi32, #tpu.memory_space<hbm>>
      tpu.enqueue_dma source(%dma_start3A_56 : memref<64xi32, #tpu.memory_space<hbm>>) target(%arg9 : memref<64xi32, #tpu.memory_space<vmem>>) target_semaphore(%run_scoped3A : memref<!tpu.dma_semaphore, #tpu.memory_space<semaphore_mem>>)
      %dma_wait3A_57 = tpu.memref_slice %arg4[%mul3A_2] : memref<2048xi32, #tpu.memory_space<hbm>> -> memref<64xi32, #tpu.memory_space<hbm>>
      %dma_wait3A_58 = tpu.memref_slice %arg4[%mul3A_2] : memref<2048xi32, #tpu.memory_space<hbm>> -> memref<64xi32, #tpu.memory_space<hbm>>
      tpu.wait_dma2 semaphore(%run_scoped3A : memref<!tpu.dma_semaphore, #tpu.memory_space<semaphore_mem>>) src(%dma_wait3A_58 : memref<64xi32, #tpu.memory_space<hbm>>) dst(%arg9 : memref<64xi32, #tpu.memory_space<vmem>>)
      tpu.yield
    }) : () -> ()
    "tpu.region"() ({
      %run_scoped3A = tpu.sem_alloc : memref<!tpu.dma_semaphore, #tpu.memory_space<semaphore_mem>>
      %dma_start3A_55 = tpu.memref_slice %arg5[%mul3A_2] : memref<2048xf32, #tpu.memory_space<hbm>> -> memref<64xf32, #tpu.memory_space<hbm>>
      %dma_start3A_56 = tpu.memref_slice %arg5[%mul3A_2] : memref<2048xf32, #tpu.memory_space<hbm>> -> memref<64xf32, #tpu.memory_space<hbm>>
      tpu.enqueue_dma source(%dma_start3A_56 : memref<64xf32, #tpu.memory_space<hbm>>) target(%arg10 : memref<64xf32, #tpu.memory_space<vmem>>) target_semaphore(%run_scoped3A : memref<!tpu.dma_semaphore, #tpu.memory_space<semaphore_mem>>)
      %dma_wait3A_57 = tpu.memref_slice %arg5[%mul3A_2] : memref<2048xf32, #tpu.memory_space<hbm>> -> memref<64xf32, #tpu.memory_space<hbm>>
      %dma_wait3A_58 = tpu.memref_slice %arg5[%mul3A_2] : memref<2048xf32, #tpu.memory_space<hbm>> -> memref<64xf32, #tpu.memory_space<hbm>>
      tpu.wait_dma2 semaphore(%run_scoped3A : memref<!tpu.dma_semaphore, #tpu.memory_space<semaphore_mem>>) src(%dma_wait3A_58 : memref<64xf32, #tpu.memory_space<hbm>>) dst(%arg10 : memref<64xf32, #tpu.memory_space<vmem>>)
      tpu.yield
    }) : () -> ()
    %dma_start3A = arith.constant 0 : i32
    %dma_start3A_3 = arith.constant 0 : i32
    %dma_start3A_4 = tpu.memref_slice %arg3[%dma_start3A, %dma_start3A_3] : memref<4096x128xf32, #tpu.memory_space<hbm>> -> memref<4096x128xf32, #tpu.memory_space<hbm>>
    tpu.enqueue_indirect_dma source(%dma_start3A_4 : memref<4096x128xf32, #tpu.memory_space<hbm>>) target(%arg11 : memref<64x128xf32, #tpu.memory_space<vmem>>) offsets(%arg9 : memref<64xi32, #tpu.memory_space<vmem>>) semaphore(%arg16 : memref<!tpu.dma_semaphore, #tpu.memory_space<semaphore_mem>>)
    %dma_wait3A = arith.constant 0 : i32
    %dma_wait3A_5 = arith.constant 0 : i32
    %dma_wait3A_6 = tpu.memref_slice %arg3[%dma_wait3A, %dma_wait3A_5] : memref<4096x128xf32, #tpu.memory_space<hbm>> -> memref<4096x128xf32, #tpu.memory_space<hbm>>
    tpu.wait_indirect_dma semaphore(%arg16 : memref<!tpu.dma_semaphore, #tpu.memory_space<semaphore_mem>>) src(%dma_wait3A_6 : memref<4096x128xf32, #tpu.memory_space<hbm>>) dst(%arg11 : memref<64x128xf32, #tpu.memory_space<vmem>>)
    %scan3A = arith.constant 0 : i32
    %scan3A_7 = arith.constant 0 : i32
    %scan3A_8 = arith.constant 64 : i32
    %scan3A_9 = arith.addi %scan3A_7, %scan3A_8 : i32
    %scan3A_10 = arith.constant 1 : i32
    scf.for %scan3A_55 = %scan3A_7 to %scan3A_9 step %scan3A_10  : i32 {
      %broadcast_in_dim3A_56 = vector.broadcast %scan3A_55 : i32 to vector<16xi32>
      %gather3A_57 = tpu.vector_load_idx %arg10[%broadcast_in_dim3A_56] : memref<64xf32, #tpu.memory_space<vmem>>[vector<16xi32>], vector<16xf32>,
      %get3A_58 = arith.index_cast %scan3A_55 : i32 to index
      %get3A_59 = arith.constant 0 : index
      %get3A_60 = tpu.vector_load %arg11[%get3A_58, %get3A_59] {strides = array<i32>} : memref<64x128xf32, #tpu.memory_space<vmem>>, vector<16xf32>,
      %mul3A_61 = arith.mulf %get3A_60, %gather3A_57 : vector<16xf32>
      %swap3A = arith.index_cast %scan3A_55 : i32 to index
      %swap3A_62 = arith.constant 0 : index
      %swap3A_63 = tpu.vector_load %arg11[%swap3A, %swap3A_62] {strides = array<i32>} : memref<64x128xf32, #tpu.memory_space<vmem>>, vector<16xf32>,
      tpu.vector_store %arg11[%swap3A, %swap3A_62], %mul3A_61 {strides = array<i32>} : memref<64x128xf32, #tpu.memory_space<vmem>>, vector<16xf32>,
      %get3A_64 = arith.index_cast %scan3A_55 : i32 to index
      %get3A_65 = arith.constant 16 : index
      %get3A_66 = tpu.vector_load %arg11[%get3A_64, %get3A_65] {strides = array<i32>} : memref<64x128xf32, #tpu.memory_space<vmem>>, vector<16xf32>,
      %mul3A_67 = arith.mulf %get3A_66, %gather3A_57 : vector<16xf32>
      %swap3A_68 = arith.index_cast %scan3A_55 : i32 to index
      %swap3A_69 = arith.constant 16 : index
      %swap3A_70 = tpu.vector_load %arg11[%swap3A_68, %swap3A_69] {strides = array<i32>} : memref<64x128xf32, #tpu.memory_space<vmem>>, vector<16xf32>,
      tpu.vector_store %arg11[%swap3A_68, %swap3A_69], %mul3A_67 {strides = array<i32>} : memref<64x128xf32, #tpu.memory_space<vmem>>, vector<16xf32>,
      %get3A_71 = arith.index_cast %scan3A_55 : i32 to index
      %get3A_72 = arith.constant 32 : index
      %get3A_73 = tpu.vector_load %arg11[%get3A_71, %get3A_72] {strides = array<i32>} : memref<64x128xf32, #tpu.memory_space<vmem>>, vector<16xf32>,
      %mul3A_74 = arith.mulf %get3A_73, %gather3A_57 : vector<16xf32>
      %swap3A_75 = arith.index_cast %scan3A_55 : i32 to index
      %swap3A_76 = arith.constant 32 : index
      %swap3A_77 = tpu.vector_load %arg11[%swap3A_75, %swap3A_76] {strides = array<i32>} : memref<64x128xf32, #tpu.memory_space<vmem>>, vector<16xf32>,
      tpu.vector_store %arg11[%swap3A_75, %swap3A_76], %mul3A_74 {strides = array<i32>} : memref<64x128xf32, #tpu.memory_space<vmem>>, vector<16xf32>,
      %get3A_78 = arith.index_cast %scan3A_55 : i32 to index
      %get3A_79 = arith.constant 48 : index
      %get3A_80 = tpu.vector_load %arg11[%get3A_78, %get3A_79] {strides = array<i32>} : memref<64x128xf32, #tpu.memory_space<vmem>>, vector<16xf32>,
      %mul3A_81 = arith.mulf %get3A_80, %gather3A_57 : vector<16xf32>
      %swap3A_82 = arith.index_cast %scan3A_55 : i32 to index
      %swap3A_83 = arith.constant 48 : index
      %swap3A_84 = tpu.vector_load %arg11[%swap3A_82, %swap3A_83] {strides = array<i32>} : memref<64x128xf32, #tpu.memory_space<vmem>>, vector<16xf32>,
      tpu.vector_store %arg11[%swap3A_82, %swap3A_83], %mul3A_81 {strides = array<i32>} : memref<64x128xf32, #tpu.memory_space<vmem>>, vector<16xf32>,
      %get3A_85 = arith.index_cast %scan3A_55 : i32 to index
      %get3A_86 = arith.constant 64 : index
      %get3A_87 = tpu.vector_load %arg11[%get3A_85, %get3A_86] {strides = array<i32>} : memref<64x128xf32, #tpu.memory_space<vmem>>, vector<16xf32>,
      %mul3A_88 = arith.mulf %get3A_87, %gather3A_57 : vector<16xf32>
      %swap3A_89 = arith.index_cast %scan3A_55 : i32 to index
      %swap3A_90 = arith.constant 64 : index
      %swap3A_91 = tpu.vector_load %arg11[%swap3A_89, %swap3A_90] {strides = array<i32>} : memref<64x128xf32, #tpu.memory_space<vmem>>, vector<16xf32>,
      tpu.vector_store %arg11[%swap3A_89, %swap3A_90], %mul3A_88 {strides = array<i32>} : memref<64x128xf32, #tpu.memory_space<vmem>>, vector<16xf32>,
      %get3A_92 = arith.index_cast %scan3A_55 : i32 to index
      %get3A_93 = arith.constant 80 : index
      %get3A_94 = tpu.vector_load %arg11[%get3A_92, %get3A_93] {strides = array<i32>} : memref<64x128xf32, #tpu.memory_space<vmem>>, vector<16xf32>,
      %mul3A_95 = arith.mulf %get3A_94, %gather3A_57 : vector<16xf32>
      %swap3A_96 = arith.index_cast %scan3A_55 : i32 to index
      %swap3A_97 = arith.constant 80 : index
      %swap3A_98 = tpu.vector_load %arg11[%swap3A_96, %swap3A_97] {strides = array<i32>} : memref<64x128xf32, #tpu.memory_space<vmem>>, vector<16xf32>,
      tpu.vector_store %arg11[%swap3A_96, %swap3A_97], %mul3A_95 {strides = array<i32>} : memref<64x128xf32, #tpu.memory_space<vmem>>, vector<16xf32>,
      %get3A_99 = arith.index_cast %scan3A_55 : i32 to index
      %get3A_100 = arith.constant 96 : index
      %get3A_101 = tpu.vector_load %arg11[%get3A_99, %get3A_100] {strides = array<i32>} : memref<64x128xf32, #tpu.memory_space<vmem>>, vector<16xf32>,
      %mul3A_102 = arith.mulf %get3A_101, %gather3A_57 : vector<16xf32>
      %swap3A_103 = arith.index_cast %scan3A_55 : i32 to index
      %swap3A_104 = arith.constant 96 : index
      %swap3A_105 = tpu.vector_load %arg11[%swap3A_103, %swap3A_104] {strides = array<i32>} : memref<64x128xf32, #tpu.memory_space<vmem>>, vector<16xf32>,
      tpu.vector_store %arg11[%swap3A_103, %swap3A_104], %mul3A_102 {strides = array<i32>} : memref<64x128xf32, #tpu.memory_space<vmem>>, vector<16xf32>,
      %get3A_106 = arith.index_cast %scan3A_55 : i32 to index
      %get3A_107 = arith.constant 112 : index
      %get3A_108 = tpu.vector_load %arg11[%get3A_106, %get3A_107] {strides = array<i32>} : memref<64x128xf32, #tpu.memory_space<vmem>>, vector<16xf32>,
      %mul3A_109 = arith.mulf %get3A_108, %gather3A_57 : vector<16xf32>
      %swap3A_110 = arith.index_cast %scan3A_55 : i32 to index
      %swap3A_111 = arith.constant 112 : index
      %swap3A_112 = tpu.vector_load %arg11[%swap3A_110, %swap3A_111] {strides = array<i32>} : memref<64x128xf32, #tpu.memory_space<vmem>>, vector<16xf32>,
      tpu.vector_store %arg11[%swap3A_110, %swap3A_111], %mul3A_109 {strides = array<i32>} : memref<64x128xf32, #tpu.memory_space<vmem>>, vector<16xf32>,
    }
    %scan3A_11 = arith.constant 64 : i32
    "tpu.region"() ({
      %run_scoped3A = tpu.sem_alloc : memref<!tpu.dma_semaphore, #tpu.memory_space<semaphore_mem>>
      %dma_start3A_55 = arith.constant 0 : i32
      %dma_start3A_56 = tpu.memref_slice %arg6[%mul3A_2, %dma_start3A_55] : memref<2048x128xf32, #tpu.memory_space<hbm>> -> memref<64x128xf32, #tpu.memory_space<hbm>>
      %dma_start3A_57 = arith.constant 0 : i32
      %dma_start3A_58 = tpu.memref_slice %arg6[%mul3A_2, %dma_start3A_57] : memref<2048x128xf32, #tpu.memory_space<hbm>> -> memref<64x128xf32, #tpu.memory_space<hbm>>
      tpu.enqueue_dma source(%arg11 : memref<64x128xf32, #tpu.memory_space<vmem>>) target(%dma_start3A_58 : memref<64x128xf32, #tpu.memory_space<hbm>>) target_semaphore(%run_scoped3A : memref<!tpu.dma_semaphore, #tpu.memory_space<semaphore_mem>>)
      %dma_wait3A_59 = arith.constant 0 : i32
      %dma_wait3A_60 = tpu.memref_slice %arg6[%mul3A_2, %dma_wait3A_59] : memref<2048x128xf32, #tpu.memory_space<hbm>> -> memref<64x128xf32, #tpu.memory_space<hbm>>
      %dma_wait3A_61 = arith.constant 0 : i32
      %dma_wait3A_62 = tpu.memref_slice %arg6[%mul3A_2, %dma_wait3A_61] : memref<2048x128xf32, #tpu.memory_space<hbm>> -> memref<64x128xf32, #tpu.memory_space<hbm>>
      tpu.wait_dma2 semaphore(%run_scoped3A : memref<!tpu.dma_semaphore, #tpu.memory_space<semaphore_mem>>) src(%arg11 : memref<64x128xf32, #tpu.memory_space<vmem>>) dst(%dma_wait3A_62 : memref<64x128xf32, #tpu.memory_space<hbm>>)
      tpu.yield
    }) : () -> ()
    %broadcast_in_dim3A = arith.constant 0 : i32
    %broadcast_in_dim3A_12 = vector.broadcast %broadcast_in_dim3A : i32 to vector<16xi32>
    %gather3A = tpu.vector_load_idx %arg8[%broadcast_in_dim3A_12] : memref<2048xi32, #tpu.memory_space<vmem>>[vector<16xi32>], vector<16xi32>,
    %broadcast_in_dim3A_13 = arith.constant 0 : i32
    %broadcast_in_dim3A_14 = vector.broadcast %broadcast_in_dim3A_13 : i32 to vector<16xi32>
    %scan3A_15 = arith.constant 0 : i32
    %scan3A_16 = arith.constant 128 : i32
    %scan3A_17 = arith.addi %scan3A_15, %scan3A_16 : i32
    %scan3A_18 = arith.constant 1 : i32
    %scan3A_19 = scf.for %scan3A_55 = %scan3A_15 to %scan3A_17 step %scan3A_18 iter_args(%scan3A_56 = %broadcast_in_dim3A_14) -> (vector<16xi32>)  : i32 {
      %mul3A_57 = arith.constant 16 : i32
      %mul3A_58 = arith.muli %scan3A_55, %mul3A_57 : i32
      %iota3A = tpu.iota {dimensions = array<i32: 0>} : vector<16xi32>
      %add3A_59 = vector.broadcast %mul3A_58 : i32 to vector<16xi32>
      %add3A_60 = arith.addi %add3A_59, %iota3A : vector<16xi32>
      %mul3A_61 = arith.constant 16 : i32
      %mul3A_62 = arith.muli %scan3A_55, %mul3A_61 : i32
      %get3A_63 = arith.index_cast %mul3A_62 : i32 to index
      %get3A_64 = tpu.vector_load %arg8[%get3A_63] {strides = array<i32>} : memref<2048xi32, #tpu.memory_space<vmem>>, vector<16xi32>,
      %add3A_65 = arith.addi %gather3A, %add3A_60 : vector<16xi32>
      %sub3A = arith.subi %get3A_64, %add3A_65 : vector<16xi32>
      %abs3A = math.absi %sub3A : vector<16xi32>
      %max3A = arith.maxsi %scan3A_56, %abs3A : vector<16xi32>
      scf.yield %max3A : vector<16xi32>
    }
    %scan3A_20 = arith.constant 128 : i32
    %get3A = arith.constant 0 : index
    %get3A_21 = tpu.vector_load %arg8[%get3A] {strides = array<i32>} : memref<2048xi32, #tpu.memory_space<vmem>>, vector<16xi32>,
    %reduce_min3A = arith.constant true
    %reduce_min3A_22 = vector.broadcast %reduce_min3A : i1 to vector<16xi1>
    %reduce_min3A_23 = arith.constant -2147483648 : i32
    %reduce_min3A_24 = vector.broadcast %reduce_min3A_23 : i32 to vector<16xi32>
    %reduce_min3A_25 = arith.xori %get3A_21, %reduce_min3A_24 : vector<16xi32>
    %reduce_min3A_26 = tpu.scan <min>, %reduce_min3A_25 masked %reduce_min3A_22 : vector<16xi32>, vector<16xi1> -> vector<16xi32>
    %reduce_min3A_27 = arith.xori %reduce_min3A_26, %reduce_min3A_24 : vector<16xi32>
    %reduce_min3A_28 = vector.extract %reduce_min3A_27[15] : i32 from vector<16xi32>
    %reduce_max3A = arith.constant true
    %reduce_max3A_29 = vector.broadcast %reduce_max3A : i1 to vector<16xi1>
    %reduce_max3A_30 = arith.constant -2147483648 : i32
    %reduce_max3A_31 = vector.broadcast %reduce_max3A_30 : i32 to vector<16xi32>
    %reduce_max3A_32 = arith.xori %scan3A_19, %reduce_max3A_31 : vector<16xi32>
    %reduce_max3A_33 = tpu.scan <max>, %reduce_max3A_32 masked %reduce_max3A_29 : vector<16xi32>, vector<16xi1> -> vector<16xi32>
    %reduce_max3A_34 = arith.xori %reduce_max3A_33, %reduce_max3A_31 : vector<16xi32>
    %reduce_max3A_35 = vector.extract %reduce_max3A_34[15] : i32 from vector<16xi32>
    %eq3A = arith.constant 0 : i32
    %eq3A_36 = arith.cmpi eq, %reduce_max3A_35, %eq3A : i32
    %jit3A = arith.constant 128 : i32
    %eq3A_37 = arith.constant 0 : i32
    %eq3A_38 = arith.cmpi eq, %jit3A, %eq3A_37 : i32
    %jit3A_39 = arith.constant 1 : i32
    %select_n3A = arith.select %eq3A_38, %jit3A_39, %jit3A : i32
    %rem3A = arith.remsi %reduce_min3A_28, %select_n3A : i32
    %ne3A = arith.constant 0 : i32
    %ne3A_40 = arith.cmpi ne, %rem3A, %ne3A : i32
    %lt3A = arith.constant 0 : i32
    %lt3A_41 = arith.cmpi slt, %rem3A, %lt3A : i32
    %lt3A_42 = arith.constant 0 : i32
    %lt3A_43 = arith.cmpi slt, %select_n3A, %lt3A_42 : i32
    %ne3A_44 = arith.xori %lt3A_41, %lt3A_43 : i1
    %and3A = arith.andi %ne3A_44, %ne3A_40 : i1
    %add3A_45 = arith.addi %rem3A, %select_n3A : i32
    %select_n3A_46 = arith.select %and3A, %add3A_45, %rem3A : i32
    %eq3A_47 = arith.constant 0 : i32
    %eq3A_48 = arith.cmpi eq, %select_n3A_46, %eq3A_47 : i32
    %and3A_49 = arith.andi %eq3A_36, %eq3A_48 : i1
    %convert_element_type3A = arith.extui %and3A_49 : i1 to i32
    %cond3A = arith.constant 0 : i32
    %cond3A_50 = arith.cmpi ne, %convert_element_type3A, %cond3A : i32
    scf.if %cond3A_50 {
      %multiple_of3A = tpu.assume_multiple %reduce_min3A_28, 128 : i32
      %add3A_55 = arith.addi %multiple_of3A, %mul3A_2 : i32
      "tpu.region"() ({
        %run_scoped3A = tpu.sem_alloc : memref<!tpu.dma_semaphore, #tpu.memory_space<semaphore_mem>>
        %dma_start3A_56 = arith.constant 0 : i32
        %dma_start3A_57 = tpu.memref_slice %arg7[%mul3A_2, %dma_start3A_56] : memref<2048x2048xf32, #tpu.memory_space<hbm>> -> memref<64x2048xf32, #tpu.memory_space<hbm>>
        %dma_start3A_58 = tpu.memref_slice %arg2[%add3A_55, %multiple_of3A] : memref<4096x4096xf32, #tpu.memory_space<hbm>> -> memref<64x2048xf32, #tpu.memory_space<hbm>>
        tpu.enqueue_dma source(%dma_start3A_58 : memref<64x2048xf32, #tpu.memory_space<hbm>>) target(%dma_start3A_57 : memref<64x2048xf32, #tpu.memory_space<hbm>>) target_semaphore(%run_scoped3A : memref<!tpu.dma_semaphore, #tpu.memory_space<semaphore_mem>>)
        %dma_wait3A_59 = arith.constant 0 : i32
        %dma_wait3A_60 = tpu.memref_slice %arg7[%mul3A_2, %dma_wait3A_59] : memref<2048x2048xf32, #tpu.memory_space<hbm>> -> memref<64x2048xf32, #tpu.memory_space<hbm>>
        %dma_wait3A_61 = tpu.memref_slice %arg2[%add3A_55, %multiple_of3A] : memref<4096x4096xf32, #tpu.memory_space<hbm>> -> memref<64x2048xf32, #tpu.memory_space<hbm>>
        tpu.wait_dma2 semaphore(%run_scoped3A : memref<!tpu.dma_semaphore, #tpu.memory_space<semaphore_mem>>) src(%dma_wait3A_61 : memref<64x2048xf32, #tpu.memory_space<hbm>>) dst(%dma_wait3A_60 : memref<64x2048xf32, #tpu.memory_space<hbm>>)
        tpu.yield
      }) : () -> ()
    } else {
    }
    %not3A = arith.constant true
    %not3A_51 = arith.xori %and3A_49, %not3A : i1
    %convert_element_type3A_52 = arith.extui %not3A_51 : i1 to i32
    %cond3A_53 = arith.constant 0 : i32
    %cond3A_54 = arith.cmpi ne, %convert_element_type3A_52, %cond3A_53 : i32
    scf.if %cond3A_54 {
      %broadcast_in_dim3A_55 = arith.constant 0 : i32
      %broadcast_in_dim3A_56 = vector.broadcast %broadcast_in_dim3A_55 : i32 to vector<16xi32>
      %broadcast_in_dim3A_57 = arith.constant 1 : i32
      %broadcast_in_dim3A_58 = vector.broadcast %broadcast_in_dim3A_57 : i32 to vector<16xi32>
      %broadcast_in_dim3A_59 = arith.constant 2 : i32
      %broadcast_in_dim3A_60 = vector.broadcast %broadcast_in_dim3A_59 : i32 to vector<16xi32>
      %broadcast_in_dim3A_61 = arith.constant 3 : i32
      %broadcast_in_dim3A_62 = vector.broadcast %broadcast_in_dim3A_61 : i32 to vector<16xi32>
      %broadcast_in_dim3A_63 = arith.constant 4 : i32
      %broadcast_in_dim3A_64 = vector.broadcast %broadcast_in_dim3A_63 : i32 to vector<16xi32>
      %broadcast_in_dim3A_65 = arith.constant 5 : i32
      %broadcast_in_dim3A_66 = vector.broadcast %broadcast_in_dim3A_65 : i32 to vector<16xi32>
      %broadcast_in_dim3A_67 = arith.constant 6 : i32
      %broadcast_in_dim3A_68 = vector.broadcast %broadcast_in_dim3A_67 : i32 to vector<16xi32>
      %broadcast_in_dim3A_69 = arith.constant 7 : i32
      %broadcast_in_dim3A_70 = vector.broadcast %broadcast_in_dim3A_69 : i32 to vector<16xi32>
      %dma_start3A_71 = arith.constant 0 : i32
      %dma_start3A_72 = tpu.memref_slice %arg9[%dma_start3A_71] : memref<64xi32, #tpu.memory_space<vmem>> -> memref<8xi32, #tpu.memory_space<vmem>>
      %dma_start3A_73 = arith.constant 0 : i32
      %dma_start3A_74 = arith.constant 0 : i32
      %dma_start3A_75 = tpu.memref_slice %arg2[%dma_start3A_73, %dma_start3A_74] : memref<4096x4096xf32, #tpu.memory_space<hbm>> -> memref<4096x4096xf32, #tpu.memory_space<hbm>>
      tpu.enqueue_indirect_dma source(%dma_start3A_75 : memref<4096x4096xf32, #tpu.memory_space<hbm>>) target(%arg12 : memref<8x4096xf32, #tpu.memory_space<vmem>>) offsets(%dma_start3A_72 : memref<8xi32, #tpu.memory_space<vmem>>) semaphore(%arg17 : memref<!tpu.dma_semaphore, #tpu.memory_space<semaphore_mem>>)
      %dma_start3A_76 = arith.constant 8 : i32
      %dma_start3A_77 = tpu.memref_slice %arg9[%dma_start3A_76] : memref<64xi32, #tpu.memory_space<vmem>> -> memref<8xi32, #tpu.memory_space<vmem>>
      %dma_start3A_78 = arith.constant 0 : i32
      %dma_start3A_79 = arith.constant 0 : i32
      %dma_start3A_80 = tpu.memref_slice %arg2[%dma_start3A_78, %dma_start3A_79] : memref<4096x4096xf32, #tpu.memory_space<hbm>> -> memref<4096x4096xf32, #tpu.memory_space<hbm>>
      tpu.enqueue_indirect_dma source(%dma_start3A_80 : memref<4096x4096xf32, #tpu.memory_space<hbm>>) target(%arg13 : memref<8x4096xf32, #tpu.memory_space<vmem>>) offsets(%dma_start3A_77 : memref<8xi32, #tpu.memory_space<vmem>>) semaphore(%arg18 : memref<!tpu.dma_semaphore, #tpu.memory_space<semaphore_mem>>)
      %dma_wait3A_81 = arith.constant 0 : i32
      %dma_wait3A_82 = tpu.memref_slice %arg9[%dma_wait3A_81] : memref<64xi32, #tpu.memory_space<vmem>> -> memref<8xi32, #tpu.memory_space<vmem>>
      %dma_wait3A_83 = arith.constant 0 : i32
      %dma_wait3A_84 = arith.constant 0 : i32
      %dma_wait3A_85 = tpu.memref_slice %arg2[%dma_wait3A_83, %dma_wait3A_84] : memref<4096x4096xf32, #tpu.memory_space<hbm>> -> memref<4096x4096xf32, #tpu.memory_space<hbm>>
      tpu.wait_indirect_dma semaphore(%arg17 : memref<!tpu.dma_semaphore, #tpu.memory_space<semaphore_mem>>) src(%dma_wait3A_85 : memref<4096x4096xf32, #tpu.memory_space<hbm>>) dst(%arg12 : memref<8x4096xf32, #tpu.memory_space<vmem>>)
      %parallel_loop3A = arith.constant 0 : i32
      %parallel_loop3A_86 = arith.constant 128 : i32
      %parallel_loop3A_87 = arith.constant 1 : i32
      scf.for %parallel_loop3A_254 = %parallel_loop3A to %parallel_loop3A_86 step %parallel_loop3A_87  : i32 {
        %parallel_loop3A_255 = arith.constant 16 : i32
        %parallel_loop3A_256 = arith.muli %parallel_loop3A_254, %parallel_loop3A_255 : i32
        %parallel_loop3A_257 = arith.index_cast %parallel_loop3A_256 : i32 to index
        %parallel_loop3A_258 = tpu.vector_load %arg8[%parallel_loop3A_257] {strides = array<i32>} : memref<2048xi32, #tpu.memory_space<vmem>>, vector<16xi32>,
        %parallel_loop3A_259 = arith.constant 16 : i32
        %parallel_loop3A_260 = arith.muli %parallel_loop3A_254, %parallel_loop3A_259 : i32
        %parallel_loop3A_261 = tpu.vector_load_idx %arg12[%broadcast_in_dim3A_56, %parallel_loop3A_258] : memref<8x4096xf32, #tpu.memory_space<vmem>>[vector<16xi32>, vector<16xi32>], vector<16xf32>,
        %parallel_loop3A_262 = arith.constant 0 : i32
        %parallel_loop3A_263 = arith.index_cast %parallel_loop3A_262 : i32 to index
        %parallel_loop3A_264 = arith.index_cast %parallel_loop3A_260 : i32 to index
        %parallel_loop3A_265 = tpu.vector_load %arg14[%parallel_loop3A_263, %parallel_loop3A_264] {strides = array<i32>} : memref<8x2048xf32, #tpu.memory_space<vmem>>, vector<16xf32>,
        tpu.vector_store %arg14[%parallel_loop3A_263, %parallel_loop3A_264], %parallel_loop3A_261 {strides = array<i32>} : memref<8x2048xf32, #tpu.memory_space<vmem>>, vector<16xf32>,
        %parallel_loop3A_266 = tpu.vector_load_idx %arg12[%broadcast_in_dim3A_58, %parallel_loop3A_258] : memref<8x4096xf32, #tpu.memory_space<vmem>>[vector<16xi32>, vector<16xi32>], vector<16xf32>,
        %parallel_loop3A_267 = arith.constant 1 : i32
        %parallel_loop3A_268 = arith.index_cast %parallel_loop3A_267 : i32 to index
        %parallel_loop3A_269 = arith.index_cast %parallel_loop3A_260 : i32 to index
        %parallel_loop3A_270 = tpu.vector_load %arg14[%parallel_loop3A_268, %parallel_loop3A_269] {strides = array<i32>} : memref<8x2048xf32, #tpu.memory_space<vmem>>, vector<16xf32>,
        tpu.vector_store %arg14[%parallel_loop3A_268, %parallel_loop3A_269], %parallel_loop3A_266 {strides = array<i32>} : memref<8x2048xf32, #tpu.memory_space<vmem>>, vector<16xf32>,
        %parallel_loop3A_271 = tpu.vector_load_idx %arg12[%broadcast_in_dim3A_60, %parallel_loop3A_258] : memref<8x4096xf32, #tpu.memory_space<vmem>>[vector<16xi32>, vector<16xi32>], vector<16xf32>,
        %parallel_loop3A_272 = arith.constant 2 : i32
        %parallel_loop3A_273 = arith.index_cast %parallel_loop3A_272 : i32 to index
        %parallel_loop3A_274 = arith.index_cast %parallel_loop3A_260 : i32 to index
        %parallel_loop3A_275 = tpu.vector_load %arg14[%parallel_loop3A_273, %parallel_loop3A_274] {strides = array<i32>} : memref<8x2048xf32, #tpu.memory_space<vmem>>, vector<16xf32>,
        tpu.vector_store %arg14[%parallel_loop3A_273, %parallel_loop3A_274], %parallel_loop3A_271 {strides = array<i32>} : memref<8x2048xf32, #tpu.memory_space<vmem>>, vector<16xf32>,
        %parallel_loop3A_276 = tpu.vector_load_idx %arg12[%broadcast_in_dim3A_62, %parallel_loop3A_258] : memref<8x4096xf32, #tpu.memory_space<vmem>>[vector<16xi32>, vector<16xi32>], vector<16xf32>,
        %parallel_loop3A_277 = arith.constant 3 : i32
        %parallel_loop3A_278 = arith.index_cast %parallel_loop3A_277 : i32 to index
        %parallel_loop3A_279 = arith.index_cast %parallel_loop3A_260 : i32 to index
        %parallel_loop3A_280 = tpu.vector_load %arg14[%parallel_loop3A_278, %parallel_loop3A_279] {strides = array<i32>} : memref<8x2048xf32, #tpu.memory_space<vmem>>, vector<16xf32>,
        tpu.vector_store %arg14[%parallel_loop3A_278, %parallel_loop3A_279], %parallel_loop3A_276 {strides = array<i32>} : memref<8x2048xf32, #tpu.memory_space<vmem>>, vector<16xf32>,
        %parallel_loop3A_281 = tpu.vector_load_idx %arg12[%broadcast_in_dim3A_64, %parallel_loop3A_258] : memref<8x4096xf32, #tpu.memory_space<vmem>>[vector<16xi32>, vector<16xi32>], vector<16xf32>,
        %parallel_loop3A_282 = arith.constant 4 : i32
        %parallel_loop3A_283 = arith.index_cast %parallel_loop3A_282 : i32 to index
        %parallel_loop3A_284 = arith.index_cast %parallel_loop3A_260 : i32 to index
        %parallel_loop3A_285 = tpu.vector_load %arg14[%parallel_loop3A_283, %parallel_loop3A_284] {strides = array<i32>} : memref<8x2048xf32, #tpu.memory_space<vmem>>, vector<16xf32>,
        tpu.vector_store %arg14[%parallel_loop3A_283, %parallel_loop3A_284], %parallel_loop3A_281 {strides = array<i32>} : memref<8x2048xf32, #tpu.memory_space<vmem>>, vector<16xf32>,
        %parallel_loop3A_286 = tpu.vector_load_idx %arg12[%broadcast_in_dim3A_66, %parallel_loop3A_258] : memref<8x4096xf32, #tpu.memory_space<vmem>>[vector<16xi32>, vector<16xi32>], vector<16xf32>,
        %parallel_loop3A_287 = arith.constant 5 : i32
        %parallel_loop3A_288 = arith.index_cast %parallel_loop3A_287 : i32 to index
        %parallel_loop3A_289 = arith.index_cast %parallel_loop3A_260 : i32 to index
        %parallel_loop3A_290 = tpu.vector_load %arg14[%parallel_loop3A_288, %parallel_loop3A_289] {strides = array<i32>} : memref<8x2048xf32, #tpu.memory_space<vmem>>, vector<16xf32>,
        tpu.vector_store %arg14[%parallel_loop3A_288, %parallel_loop3A_289], %parallel_loop3A_286 {strides = array<i32>} : memref<8x2048xf32, #tpu.memory_space<vmem>>, vector<16xf32>,
        %parallel_loop3A_291 = tpu.vector_load_idx %arg12[%broadcast_in_dim3A_68, %parallel_loop3A_258] : memref<8x4096xf32, #tpu.memory_space<vmem>>[vector<16xi32>, vector<16xi32>], vector<16xf32>,
        %parallel_loop3A_292 = arith.constant 6 : i32
        %parallel_loop3A_293 = arith.index_cast %parallel_loop3A_292 : i32 to index
        %parallel_loop3A_294 = arith.index_cast %parallel_loop3A_260 : i32 to index
        %parallel_loop3A_295 = tpu.vector_load %arg14[%parallel_loop3A_293, %parallel_loop3A_294] {strides = array<i32>} : memref<8x2048xf32, #tpu.memory_space<vmem>>, vector<16xf32>,
        tpu.vector_store %arg14[%parallel_loop3A_293, %parallel_loop3A_294], %parallel_loop3A_291 {strides = array<i32>} : memref<8x2048xf32, #tpu.memory_space<vmem>>, vector<16xf32>,
        %parallel_loop3A_296 = tpu.vector_load_idx %arg12[%broadcast_in_dim3A_70, %parallel_loop3A_258] : memref<8x4096xf32, #tpu.memory_space<vmem>>[vector<16xi32>, vector<16xi32>], vector<16xf32>,
        %parallel_loop3A_297 = arith.constant 7 : i32
        %parallel_loop3A_298 = arith.index_cast %parallel_loop3A_297 : i32 to index
        %parallel_loop3A_299 = arith.index_cast %parallel_loop3A_260 : i32 to index
        %parallel_loop3A_300 = tpu.vector_load %arg14[%parallel_loop3A_298, %parallel_loop3A_299] {strides = array<i32>} : memref<8x2048xf32, #tpu.memory_space<vmem>>, vector<16xf32>,
        tpu.vector_store %arg14[%parallel_loop3A_298, %parallel_loop3A_299], %parallel_loop3A_296 {strides = array<i32>} : memref<8x2048xf32, #tpu.memory_space<vmem>>, vector<16xf32>,
      } {sc.loop_unroll_factor = 4 : i64, sc.parallel_access}
      %add3A_88 = arith.constant 0 : i32
      %add3A_89 = arith.addi %mul3A_2, %add3A_88 : i32
      %dma_start3A_90 = arith.constant 0 : i32
      %dma_start3A_91 = tpu.memref_slice %arg7[%add3A_89, %dma_start3A_90] : memref<2048x2048xf32, #tpu.memory_space<hbm>> -> memref<8x2048xf32, #tpu.memory_space<hbm>>
      %dma_start3A_92 = arith.constant 0 : i32
      %dma_start3A_93 = tpu.memref_slice %arg7[%add3A_89, %dma_start3A_92] : memref<2048x2048xf32, #tpu.memory_space<hbm>> -> memref<8x2048xf32, #tpu.memory_space<hbm>>
      tpu.enqueue_dma source(%arg14 : memref<8x2048xf32, #tpu.memory_space<vmem>>) target(%dma_start3A_93 : memref<8x2048xf32, #tpu.memory_space<hbm>>) target_semaphore(%arg19 : memref<!tpu.dma_semaphore, #tpu.memory_space<semaphore_mem>>)
      %dma_start3A_94 = arith.constant 16 : i32
      %dma_start3A_95 = tpu.memref_slice %arg9[%dma_start3A_94] : memref<64xi32, #tpu.memory_space<vmem>> -> memref<8xi32, #tpu.memory_space<vmem>>
      %dma_start3A_96 = arith.constant 0 : i32
      %dma_start3A_97 = arith.constant 0 : i32
      %dma_start3A_98 = tpu.memref_slice %arg2[%dma_start3A_96, %dma_start3A_97] : memref<4096x4096xf32, #tpu.memory_space<hbm>> -> memref<4096x4096xf32, #tpu.memory_space<hbm>>
      tpu.enqueue_indirect_dma source(%dma_start3A_98 : memref<4096x4096xf32, #tpu.memory_space<hbm>>) target(%arg12 : memref<8x4096xf32, #tpu.memory_space<vmem>>) offsets(%dma_start3A_95 : memref<8xi32, #tpu.memory_space<vmem>>) semaphore(%arg17 : memref<!tpu.dma_semaphore, #tpu.memory_space<semaphore_mem>>)
      %dma_wait3A_99 = arith.constant 8 : i32
      %dma_wait3A_100 = tpu.memref_slice %arg9[%dma_wait3A_99] : memref<64xi32, #tpu.memory_space<vmem>> -> memref<8xi32, #tpu.memory_space<vmem>>
      %dma_wait3A_101 = arith.constant 0 : i32
      %dma_wait3A_102 = arith.constant 0 : i32
      %dma_wait3A_103 = tpu.memref_slice %arg2[%dma_wait3A_101, %dma_wait3A_102] : memref<4096x4096xf32, #tpu.memory_space<hbm>> -> memref<4096x4096xf32, #tpu.memory_space<hbm>>
      tpu.wait_indirect_dma semaphore(%arg18 : memref<!tpu.dma_semaphore, #tpu.memory_space<semaphore_mem>>) src(%dma_wait3A_103 : memref<4096x4096xf32, #tpu.memory_space<hbm>>) dst(%arg13 : memref<8x4096xf32, #tpu.memory_space<vmem>>)
      %parallel_loop3A_104 = arith.constant 0 : i32
      %parallel_loop3A_105 = arith.constant 128 : i32
      %parallel_loop3A_106 = arith.constant 1 : i32
      scf.for %parallel_loop3A_254 = %parallel_loop3A_104 to %parallel_loop3A_105 step %parallel_loop3A_106  : i32 {
        %parallel_loop3A_255 = arith.constant 16 : i32
        %parallel_loop3A_256 = arith.muli %parallel_loop3A_254, %parallel_loop3A_255 : i32
        %parallel_loop3A_257 = arith.index_cast %parallel_loop3A_256 : i32 to index
        %parallel_loop3A_258 = tpu.vector_load %arg8[%parallel_loop3A_257] {strides = array<i32>} : memref<2048xi32, #tpu.memory_space<vmem>>, vector<16xi32>,
        %parallel_loop3A_259 = arith.constant 16 : i32
        %parallel_loop3A_260 = arith.muli %parallel_loop3A_254, %parallel_loop3A_259 : i32
        %parallel_loop3A_261 = tpu.vector_load_idx %arg13[%broadcast_in_dim3A_56, %parallel_loop3A_258] : memref<8x4096xf32, #tpu.memory_space<vmem>>[vector<16xi32>, vector<16xi32>], vector<16xf32>,
        %parallel_loop3A_262 = arith.constant 0 : i32
        %parallel_loop3A_263 = arith.index_cast %parallel_loop3A_262 : i32 to index
        %parallel_loop3A_264 = arith.index_cast %parallel_loop3A_260 : i32 to index
        %parallel_loop3A_265 = tpu.vector_load %arg15[%parallel_loop3A_263, %parallel_loop3A_264] {strides = array<i32>} : memref<8x2048xf32, #tpu.memory_space<vmem>>, vector<16xf32>,
        tpu.vector_store %arg15[%parallel_loop3A_263, %parallel_loop3A_264], %parallel_loop3A_261 {strides = array<i32>} : memref<8x2048xf32, #tpu.memory_space<vmem>>, vector<16xf32>,
        %parallel_loop3A_266 = tpu.vector_load_idx %arg13[%broadcast_in_dim3A_58, %parallel_loop3A_258] : memref<8x4096xf32, #tpu.memory_space<vmem>>[vector<16xi32>, vector<16xi32>], vector<16xf32>,
        %parallel_loop3A_267 = arith.constant 1 : i32
        %parallel_loop3A_268 = arith.index_cast %parallel_loop3A_267 : i32 to index
        %parallel_loop3A_269 = arith.index_cast %parallel_loop3A_260 : i32 to index
        %parallel_loop3A_270 = tpu.vector_load %arg15[%parallel_loop3A_268, %parallel_loop3A_269] {strides = array<i32>} : memref<8x2048xf32, #tpu.memory_space<vmem>>, vector<16xf32>,
        tpu.vector_store %arg15[%parallel_loop3A_268, %parallel_loop3A_269], %parallel_loop3A_266 {strides = array<i32>} : memref<8x2048xf32, #tpu.memory_space<vmem>>, vector<16xf32>,
        %parallel_loop3A_271 = tpu.vector_load_idx %arg13[%broadcast_in_dim3A_60, %parallel_loop3A_258] : memref<8x4096xf32, #tpu.memory_space<vmem>>[vector<16xi32>, vector<16xi32>], vector<16xf32>,
        %parallel_loop3A_272 = arith.constant 2 : i32
        %parallel_loop3A_273 = arith.index_cast %parallel_loop3A_272 : i32 to index
        %parallel_loop3A_274 = arith.index_cast %parallel_loop3A_260 : i32 to index
        %parallel_loop3A_275 = tpu.vector_load %arg15[%parallel_loop3A_273, %parallel_loop3A_274] {strides = array<i32>} : memref<8x2048xf32, #tpu.memory_space<vmem>>, vector<16xf32>,
        tpu.vector_store %arg15[%parallel_loop3A_273, %parallel_loop3A_274], %parallel_loop3A_271 {strides = array<i32>} : memref<8x2048xf32, #tpu.memory_space<vmem>>, vector<16xf32>,
        %parallel_loop3A_276 = tpu.vector_load_idx %arg13[%broadcast_in_dim3A_62, %parallel_loop3A_258] : memref<8x4096xf32, #tpu.memory_space<vmem>>[vector<16xi32>, vector<16xi32>], vector<16xf32>,
        %parallel_loop3A_277 = arith.constant 3 : i32
        %parallel_loop3A_278 = arith.index_cast %parallel_loop3A_277 : i32 to index
        %parallel_loop3A_279 = arith.index_cast %parallel_loop3A_260 : i32 to index
        %parallel_loop3A_280 = tpu.vector_load %arg15[%parallel_loop3A_278, %parallel_loop3A_279] {strides = array<i32>} : memref<8x2048xf32, #tpu.memory_space<vmem>>, vector<16xf32>,
        tpu.vector_store %arg15[%parallel_loop3A_278, %parallel_loop3A_279], %parallel_loop3A_276 {strides = array<i32>} : memref<8x2048xf32, #tpu.memory_space<vmem>>, vector<16xf32>,
        %parallel_loop3A_281 = tpu.vector_load_idx %arg13[%broadcast_in_dim3A_64, %parallel_loop3A_258] : memref<8x4096xf32, #tpu.memory_space<vmem>>[vector<16xi32>, vector<16xi32>], vector<16xf32>,
        %parallel_loop3A_282 = arith.constant 4 : i32
        %parallel_loop3A_283 = arith.index_cast %parallel_loop3A_282 : i32 to index
        %parallel_loop3A_284 = arith.index_cast %parallel_loop3A_260 : i32 to index
        %parallel_loop3A_285 = tpu.vector_load %arg15[%parallel_loop3A_283, %parallel_loop3A_284] {strides = array<i32>} : memref<8x2048xf32, #tpu.memory_space<vmem>>, vector<16xf32>,
        tpu.vector_store %arg15[%parallel_loop3A_283, %parallel_loop3A_284], %parallel_loop3A_281 {strides = array<i32>} : memref<8x2048xf32, #tpu.memory_space<vmem>>, vector<16xf32>,
        %parallel_loop3A_286 = tpu.vector_load_idx %arg13[%broadcast_in_dim3A_66, %parallel_loop3A_258] : memref<8x4096xf32, #tpu.memory_space<vmem>>[vector<16xi32>, vector<16xi32>], vector<16xf32>,
        %parallel_loop3A_287 = arith.constant 5 : i32
        %parallel_loop3A_288 = arith.index_cast %parallel_loop3A_287 : i32 to index
        %parallel_loop3A_289 = arith.index_cast %parallel_loop3A_260 : i32 to index
        %parallel_loop3A_290 = tpu.vector_load %arg15[%parallel_loop3A_288, %parallel_loop3A_289] {strides = array<i32>} : memref<8x2048xf32, #tpu.memory_space<vmem>>, vector<16xf32>,
        tpu.vector_store %arg15[%parallel_loop3A_288, %parallel_loop3A_289], %parallel_loop3A_286 {strides = array<i32>} : memref<8x2048xf32, #tpu.memory_space<vmem>>, vector<16xf32>,
        %parallel_loop3A_291 = tpu.vector_load_idx %arg13[%broadcast_in_dim3A_68, %parallel_loop3A_258] : memref<8x4096xf32, #tpu.memory_space<vmem>>[vector<16xi32>, vector<16xi32>], vector<16xf32>,
        %parallel_loop3A_292 = arith.constant 6 : i32
        %parallel_loop3A_293 = arith.index_cast %parallel_loop3A_292 : i32 to index
        %parallel_loop3A_294 = arith.index_cast %parallel_loop3A_260 : i32 to index
        %parallel_loop3A_295 = tpu.vector_load %arg15[%parallel_loop3A_293, %parallel_loop3A_294] {strides = array<i32>} : memref<8x2048xf32, #tpu.memory_space<vmem>>, vector<16xf32>,
        tpu.vector_store %arg15[%parallel_loop3A_293, %parallel_loop3A_294], %parallel_loop3A_291 {strides = array<i32>} : memref<8x2048xf32, #tpu.memory_space<vmem>>, vector<16xf32>,
        %parallel_loop3A_296 = tpu.vector_load_idx %arg13[%broadcast_in_dim3A_70, %parallel_loop3A_258] : memref<8x4096xf32, #tpu.memory_space<vmem>>[vector<16xi32>, vector<16xi32>], vector<16xf32>,
        %parallel_loop3A_297 = arith.constant 7 : i32
        %parallel_loop3A_298 = arith.index_cast %parallel_loop3A_297 : i32 to index
        %parallel_loop3A_299 = arith.index_cast %parallel_loop3A_260 : i32 to index
        %parallel_loop3A_300 = tpu.vector_load %arg15[%parallel_loop3A_298, %parallel_loop3A_299] {strides = array<i32>} : memref<8x2048xf32, #tpu.memory_space<vmem>>, vector<16xf32>,
        tpu.vector_store %arg15[%parallel_loop3A_298, %parallel_loop3A_299], %parallel_loop3A_296 {strides = array<i32>} : memref<8x2048xf32, #tpu.memory_space<vmem>>, vector<16xf32>,
      } {sc.loop_unroll_factor = 4 : i64, sc.parallel_access}
      %add3A_107 = arith.constant 8 : i32
      %add3A_108 = arith.addi %mul3A_2, %add3A_107 : i32
      %dma_start3A_109 = arith.constant 0 : i32
      %dma_start3A_110 = tpu.memref_slice %arg7[%add3A_108, %dma_start3A_109] : memref<2048x2048xf32, #tpu.memory_space<hbm>> -> memref<8x2048xf32, #tpu.memory_space<hbm>>
      %dma_start3A_111 = arith.constant 0 : i32
      %dma_start3A_112 = tpu.memref_slice %arg7[%add3A_108, %dma_start3A_111] : memref<2048x2048xf32, #tpu.memory_space<hbm>> -> memref<8x2048xf32, #tpu.memory_space<hbm>>
      tpu.enqueue_dma source(%arg15 : memref<8x2048xf32, #tpu.memory_space<vmem>>) target(%dma_start3A_112 : memref<8x2048xf32, #tpu.memory_space<hbm>>) target_semaphore(%arg20 : memref<!tpu.dma_semaphore, #tpu.memory_space<semaphore_mem>>)
      %dma_start3A_113 = arith.constant 24 : i32
      %dma_start3A_114 = tpu.memref_slice %arg9[%dma_start3A_113] : memref<64xi32, #tpu.memory_space<vmem>> -> memref<8xi32, #tpu.memory_space<vmem>>
      %dma_start3A_115 = arith.constant 0 : i32
      %dma_start3A_116 = arith.constant 0 : i32
      %dma_start3A_117 = tpu.memref_slice %arg2[%dma_start3A_115, %dma_start3A_116] : memref<4096x4096xf32, #tpu.memory_space<hbm>> -> memref<4096x4096xf32, #tpu.memory_space<hbm>>
      tpu.enqueue_indirect_dma source(%dma_start3A_117 : memref<4096x4096xf32, #tpu.memory_space<hbm>>) target(%arg13 : memref<8x4096xf32, #tpu.memory_space<vmem>>) offsets(%dma_start3A_114 : memref<8xi32, #tpu.memory_space<vmem>>) semaphore(%arg18 : memref<!tpu.dma_semaphore, #tpu.memory_space<semaphore_mem>>)
      %dma_wait3A_118 = arith.constant 16 : i32
      %dma_wait3A_119 = tpu.memref_slice %arg9[%dma_wait3A_118] : memref<64xi32, #tpu.memory_space<vmem>> -> memref<8xi32, #tpu.memory_space<vmem>>
      %dma_wait3A_120 = arith.constant 0 : i32
      %dma_wait3A_121 = arith.constant 0 : i32
      %dma_wait3A_122 = tpu.memref_slice %arg2[%dma_wait3A_120, %dma_wait3A_121] : memref<4096x4096xf32, #tpu.memory_space<hbm>> -> memref<4096x4096xf32, #tpu.memory_space<hbm>>
      tpu.wait_indirect_dma semaphore(%arg17 : memref<!tpu.dma_semaphore, #tpu.memory_space<semaphore_mem>>) src(%dma_wait3A_122 : memref<4096x4096xf32, #tpu.memory_space<hbm>>) dst(%arg12 : memref<8x4096xf32, #tpu.memory_space<vmem>>)
      %dma_wait3A_123 = arith.constant 0 : i32
      %dma_wait3A_124 = tpu.memref_slice %arg7[%add3A_89, %dma_wait3A_123] : memref<2048x2048xf32, #tpu.memory_space<hbm>> -> memref<8x2048xf32, #tpu.memory_space<hbm>>
      %dma_wait3A_125 = arith.constant 0 : i32
      %dma_wait3A_126 = tpu.memref_slice %arg7[%add3A_89, %dma_wait3A_125] : memref<2048x2048xf32, #tpu.memory_space<hbm>> -> memref<8x2048xf32, #tpu.memory_space<hbm>>
      tpu.wait_dma2 semaphore(%arg19 : memref<!tpu.dma_semaphore, #tpu.memory_space<semaphore_mem>>) src(%arg14 : memref<8x2048xf32, #tpu.memory_space<vmem>>) dst(%dma_wait3A_126 : memref<8x2048xf32, #tpu.memory_space<hbm>>)
      %parallel_loop3A_127 = arith.constant 0 : i32
      %parallel_loop3A_128 = arith.constant 128 : i32
      %parallel_loop3A_129 = arith.constant 1 : i32
      scf.for %parallel_loop3A_254 = %parallel_loop3A_127 to %parallel_loop3A_128 step %parallel_loop3A_129  : i32 {
        %parallel_loop3A_255 = arith.constant 16 : i32
        %parallel_loop3A_256 = arith.muli %parallel_loop3A_254, %parallel_loop3A_255 : i32
        %parallel_loop3A_257 = arith.index_cast %parallel_loop3A_256 : i32 to index
        %parallel_loop3A_258 = tpu.vector_load %arg8[%parallel_loop3A_257] {strides = array<i32>} : memref<2048xi32, #tpu.memory_space<vmem>>, vector<16xi32>,
        %parallel_loop3A_259 = arith.constant 16 : i32
        %parallel_loop3A_260 = arith.muli %parallel_loop3A_254, %parallel_loop3A_259 : i32
        %parallel_loop3A_261 = tpu.vector_load_idx %arg12[%broadcast_in_dim3A_56, %parallel_loop3A_258] : memref<8x4096xf32, #tpu.memory_space<vmem>>[vector<16xi32>, vector<16xi32>], vector<16xf32>,
        %parallel_loop3A_262 = arith.constant 0 : i32
        %parallel_loop3A_263 = arith.index_cast %parallel_loop3A_262 : i32 to index
        %parallel_loop3A_264 = arith.index_cast %parallel_loop3A_260 : i32 to index
        %parallel_loop3A_265 = tpu.vector_load %arg14[%parallel_loop3A_263, %parallel_loop3A_264] {strides = array<i32>} : memref<8x2048xf32, #tpu.memory_space<vmem>>, vector<16xf32>,
        tpu.vector_store %arg14[%parallel_loop3A_263, %parallel_loop3A_264], %parallel_loop3A_261 {strides = array<i32>} : memref<8x2048xf32, #tpu.memory_space<vmem>>, vector<16xf32>,
        %parallel_loop3A_266 = tpu.vector_load_idx %arg12[%broadcast_in_dim3A_58, %parallel_loop3A_258] : memref<8x4096xf32, #tpu.memory_space<vmem>>[vector<16xi32>, vector<16xi32>], vector<16xf32>,
        %parallel_loop3A_267 = arith.constant 1 : i32
        %parallel_loop3A_268 = arith.index_cast %parallel_loop3A_267 : i32 to index
        %parallel_loop3A_269 = arith.index_cast %parallel_loop3A_260 : i32 to index
        %parallel_loop3A_270 = tpu.vector_load %arg14[%parallel_loop3A_268, %parallel_loop3A_269] {strides = array<i32>} : memref<8x2048xf32, #tpu.memory_space<vmem>>, vector<16xf32>,
        tpu.vector_store %arg14[%parallel_loop3A_268, %parallel_loop3A_269], %parallel_loop3A_266 {strides = array<i32>} : memref<8x2048xf32, #tpu.memory_space<vmem>>, vector<16xf32>,
        %parallel_loop3A_271 = tpu.vector_load_idx %arg12[%broadcast_in_dim3A_60, %parallel_loop3A_258] : memref<8x4096xf32, #tpu.memory_space<vmem>>[vector<16xi32>, vector<16xi32>], vector<16xf32>,
        %parallel_loop3A_272 = arith.constant 2 : i32
        %parallel_loop3A_273 = arith.index_cast %parallel_loop3A_272 : i32 to index
        %parallel_loop3A_274 = arith.index_cast %parallel_loop3A_260 : i32 to index
        %parallel_loop3A_275 = tpu.vector_load %arg14[%parallel_loop3A_273, %parallel_loop3A_274] {strides = array<i32>} : memref<8x2048xf32, #tpu.memory_space<vmem>>, vector<16xf32>,
        tpu.vector_store %arg14[%parallel_loop3A_273, %parallel_loop3A_274], %parallel_loop3A_271 {strides = array<i32>} : memref<8x2048xf32, #tpu.memory_space<vmem>>, vector<16xf32>,
        %parallel_loop3A_276 = tpu.vector_load_idx %arg12[%broadcast_in_dim3A_62, %parallel_loop3A_258] : memref<8x4096xf32, #tpu.memory_space<vmem>>[vector<16xi32>, vector<16xi32>], vector<16xf32>,
        %parallel_loop3A_277 = arith.constant 3 : i32
        %parallel_loop3A_278 = arith.index_cast %parallel_loop3A_277 : i32 to index
        %parallel_loop3A_279 = arith.index_cast %parallel_loop3A_260 : i32 to index
        %parallel_loop3A_280 = tpu.vector_load %arg14[%parallel_loop3A_278, %parallel_loop3A_279] {strides = array<i32>} : memref<8x2048xf32, #tpu.memory_space<vmem>>, vector<16xf32>,
        tpu.vector_store %arg14[%parallel_loop3A_278, %parallel_loop3A_279], %parallel_loop3A_276 {strides = array<i32>} : memref<8x2048xf32, #tpu.memory_space<vmem>>, vector<16xf32>,
        %parallel_loop3A_281 = tpu.vector_load_idx %arg12[%broadcast_in_dim3A_64, %parallel_loop3A_258] : memref<8x4096xf32, #tpu.memory_space<vmem>>[vector<16xi32>, vector<16xi32>], vector<16xf32>,
        %parallel_loop3A_282 = arith.constant 4 : i32
        %parallel_loop3A_283 = arith.index_cast %parallel_loop3A_282 : i32 to index
        %parallel_loop3A_284 = arith.index_cast %parallel_loop3A_260 : i32 to index
        %parallel_loop3A_285 = tpu.vector_load %arg14[%parallel_loop3A_283, %parallel_loop3A_284] {strides = array<i32>} : memref<8x2048xf32, #tpu.memory_space<vmem>>, vector<16xf32>,
        tpu.vector_store %arg14[%parallel_loop3A_283, %parallel_loop3A_284], %parallel_loop3A_281 {strides = array<i32>} : memref<8x2048xf32, #tpu.memory_space<vmem>>, vector<16xf32>,
        %parallel_loop3A_286 = tpu.vector_load_idx %arg12[%broadcast_in_dim3A_66, %parallel_loop3A_258] : memref<8x4096xf32, #tpu.memory_space<vmem>>[vector<16xi32>, vector<16xi32>], vector<16xf32>,
        %parallel_loop3A_287 = arith.constant 5 : i32
        %parallel_loop3A_288 = arith.index_cast %parallel_loop3A_287 : i32 to index
        %parallel_loop3A_289 = arith.index_cast %parallel_loop3A_260 : i32 to index
        %parallel_loop3A_290 = tpu.vector_load %arg14[%parallel_loop3A_288, %parallel_loop3A_289] {strides = array<i32>} : memref<8x2048xf32, #tpu.memory_space<vmem>>, vector<16xf32>,
        tpu.vector_store %arg14[%parallel_loop3A_288, %parallel_loop3A_289], %parallel_loop3A_286 {strides = array<i32>} : memref<8x2048xf32, #tpu.memory_space<vmem>>, vector<16xf32>,
        %parallel_loop3A_291 = tpu.vector_load_idx %arg12[%broadcast_in_dim3A_68, %parallel_loop3A_258] : memref<8x4096xf32, #tpu.memory_space<vmem>>[vector<16xi32>, vector<16xi32>], vector<16xf32>,
        %parallel_loop3A_292 = arith.constant 6 : i32
        %parallel_loop3A_293 = arith.index_cast %parallel_loop3A_292 : i32 to index
        %parallel_loop3A_294 = arith.index_cast %parallel_loop3A_260 : i32 to index
        %parallel_loop3A_295 = tpu.vector_load %arg14[%parallel_loop3A_293, %parallel_loop3A_294] {strides = array<i32>} : memref<8x2048xf32, #tpu.memory_space<vmem>>, vector<16xf32>,
        tpu.vector_store %arg14[%parallel_loop3A_293, %parallel_loop3A_294], %parallel_loop3A_291 {strides = array<i32>} : memref<8x2048xf32, #tpu.memory_space<vmem>>, vector<16xf32>,
        %parallel_loop3A_296 = tpu.vector_load_idx %arg12[%broadcast_in_dim3A_70, %parallel_loop3A_258] : memref<8x4096xf32, #tpu.memory_space<vmem>>[vector<16xi32>, vector<16xi32>], vector<16xf32>,
        %parallel_loop3A_297 = arith.constant 7 : i32
        %parallel_loop3A_298 = arith.index_cast %parallel_loop3A_297 : i32 to index
        %parallel_loop3A_299 = arith.index_cast %parallel_loop3A_260 : i32 to index
        %parallel_loop3A_300 = tpu.vector_load %arg14[%parallel_loop3A_298, %parallel_loop3A_299] {strides = array<i32>} : memref<8x2048xf32, #tpu.memory_space<vmem>>, vector<16xf32>,
        tpu.vector_store %arg14[%parallel_loop3A_298, %parallel_loop3A_299], %parallel_loop3A_296 {strides = array<i32>} : memref<8x2048xf32, #tpu.memory_space<vmem>>, vector<16xf32>,
      } {sc.loop_unroll_factor = 4 : i64, sc.parallel_access}
      %add3A_130 = arith.constant 16 : i32
      %add3A_131 = arith.addi %mul3A_2, %add3A_130 : i32
      %dma_start3A_132 = arith.constant 0 : i32
      %dma_start3A_133 = tpu.memref_slice %arg7[%add3A_131, %dma_start3A_132] : memref<2048x2048xf32, #tpu.memory_space<hbm>> -> memref<8x2048xf32, #tpu.memory_space<hbm>>
      %dma_start3A_134 = arith.constant 0 : i32
      %dma_start3A_135 = tpu.memref_slice %arg7[%add3A_131, %dma_start3A_134] : memref<2048x2048xf32, #tpu.memory_space<hbm>> -> memref<8x2048xf32, #tpu.memory_space<hbm>>
      tpu.enqueue_dma source(%arg14 : memref<8x2048xf32, #tpu.memory_space<vmem>>) target(%dma_start3A_135 : memref<8x2048xf32, #tpu.memory_space<hbm>>) target_semaphore(%arg19 : memref<!tpu.dma_semaphore, #tpu.memory_space<semaphore_mem>>)
      %dma_start3A_136 = arith.constant 32 : i32
      %dma_start3A_137 = tpu.memref_slice %arg9[%dma_start3A_136] : memref<64xi32, #tpu.memory_space<vmem>> -> memref<8xi32, #tpu.memory_space<vmem>>
      %dma_start3A_138 = arith.constant 0 : i32
      %dma_start3A_139 = arith.constant 0 : i32
      %dma_start3A_140 = tpu.memref_slice %arg2[%dma_start3A_138, %dma_start3A_139] : memref<4096x4096xf32, #tpu.memory_space<hbm>> -> memref<4096x4096xf32, #tpu.memory_space<hbm>>
      tpu.enqueue_indirect_dma source(%dma_start3A_140 : memref<4096x4096xf32, #tpu.memory_space<hbm>>) target(%arg12 : memref<8x4096xf32, #tpu.memory_space<vmem>>) offsets(%dma_start3A_137 : memref<8xi32, #tpu.memory_space<vmem>>) semaphore(%arg17 : memref<!tpu.dma_semaphore, #tpu.memory_space<semaphore_mem>>)
      %dma_wait3A_141 = arith.constant 24 : i32
      %dma_wait3A_142 = tpu.memref_slice %arg9[%dma_wait3A_141] : memref<64xi32, #tpu.memory_space<vmem>> -> memref<8xi32, #tpu.memory_space<vmem>>
      %dma_wait3A_143 = arith.constant 0 : i32
      %dma_wait3A_144 = arith.constant 0 : i32
      %dma_wait3A_145 = tpu.memref_slice %arg2[%dma_wait3A_143, %dma_wait3A_144] : memref<4096x4096xf32, #tpu.memory_space<hbm>> -> memref<4096x4096xf32, #tpu.memory_space<hbm>>
      tpu.wait_indirect_dma semaphore(%arg18 : memref<!tpu.dma_semaphore, #tpu.memory_space<semaphore_mem>>) src(%dma_wait3A_145 : memref<4096x4096xf32, #tpu.memory_space<hbm>>) dst(%arg13 : memref<8x4096xf32, #tpu.memory_space<vmem>>)
      %dma_wait3A_146 = arith.constant 0 : i32
      %dma_wait3A_147 = tpu.memref_slice %arg7[%add3A_108, %dma_wait3A_146] : memref<2048x2048xf32, #tpu.memory_space<hbm>> -> memref<8x2048xf32, #tpu.memory_space<hbm>>
      %dma_wait3A_148 = arith.constant 0 : i32
      %dma_wait3A_149 = tpu.memref_slice %arg7[%add3A_108, %dma_wait3A_148] : memref<2048x2048xf32, #tpu.memory_space<hbm>> -> memref<8x2048xf32, #tpu.memory_space<hbm>>
      tpu.wait_dma2 semaphore(%arg20 : memref<!tpu.dma_semaphore, #tpu.memory_space<semaphore_mem>>) src(%arg15 : memref<8x2048xf32, #tpu.memory_space<vmem>>) dst(%dma_wait3A_149 : memref<8x2048xf32, #tpu.memory_space<hbm>>)
      %parallel_loop3A_150 = arith.constant 0 : i32
      %parallel_loop3A_151 = arith.constant 128 : i32
      %parallel_loop3A_152 = arith.constant 1 : i32
      scf.for %parallel_loop3A_254 = %parallel_loop3A_150 to %parallel_loop3A_151 step %parallel_loop3A_152  : i32 {
        %parallel_loop3A_255 = arith.constant 16 : i32
        %parallel_loop3A_256 = arith.muli %parallel_loop3A_254, %parallel_loop3A_255 : i32
        %parallel_loop3A_257 = arith.index_cast %parallel_loop3A_256 : i32 to index
        %parallel_loop3A_258 = tpu.vector_load %arg8[%parallel_loop3A_257] {strides = array<i32>} : memref<2048xi32, #tpu.memory_space<vmem>>, vector<16xi32>,
        %parallel_loop3A_259 = arith.constant 16 : i32
        %parallel_loop3A_260 = arith.muli %parallel_loop3A_254, %parallel_loop3A_259 : i32
        %parallel_loop3A_261 = tpu.vector_load_idx %arg13[%broadcast_in_dim3A_56, %parallel_loop3A_258] : memref<8x4096xf32, #tpu.memory_space<vmem>>[vector<16xi32>, vector<16xi32>], vector<16xf32>,
        %parallel_loop3A_262 = arith.constant 0 : i32
        %parallel_loop3A_263 = arith.index_cast %parallel_loop3A_262 : i32 to index
        %parallel_loop3A_264 = arith.index_cast %parallel_loop3A_260 : i32 to index
        %parallel_loop3A_265 = tpu.vector_load %arg15[%parallel_loop3A_263, %parallel_loop3A_264] {strides = array<i32>} : memref<8x2048xf32, #tpu.memory_space<vmem>>, vector<16xf32>,
        tpu.vector_store %arg15[%parallel_loop3A_263, %parallel_loop3A_264], %parallel_loop3A_261 {strides = array<i32>} : memref<8x2048xf32, #tpu.memory_space<vmem>>, vector<16xf32>,
        %parallel_loop3A_266 = tpu.vector_load_idx %arg13[%broadcast_in_dim3A_58, %parallel_loop3A_258] : memref<8x4096xf32, #tpu.memory_space<vmem>>[vector<16xi32>, vector<16xi32>], vector<16xf32>,
        %parallel_loop3A_267 = arith.constant 1 : i32
        %parallel_loop3A_268 = arith.index_cast %parallel_loop3A_267 : i32 to index
        %parallel_loop3A_269 = arith.index_cast %parallel_loop3A_260 : i32 to index
        %parallel_loop3A_270 = tpu.vector_load %arg15[%parallel_loop3A_268, %parallel_loop3A_269] {strides = array<i32>} : memref<8x2048xf32, #tpu.memory_space<vmem>>, vector<16xf32>,
        tpu.vector_store %arg15[%parallel_loop3A_268, %parallel_loop3A_269], %parallel_loop3A_266 {strides = array<i32>} : memref<8x2048xf32, #tpu.memory_space<vmem>>, vector<16xf32>,
        %parallel_loop3A_271 = tpu.vector_load_idx %arg13[%broadcast_in_dim3A_60, %parallel_loop3A_258] : memref<8x4096xf32, #tpu.memory_space<vmem>>[vector<16xi32>, vector<16xi32>], vector<16xf32>,
        %parallel_loop3A_272 = arith.constant 2 : i32
        %parallel_loop3A_273 = arith.index_cast %parallel_loop3A_272 : i32 to index
        %parallel_loop3A_274 = arith.index_cast %parallel_loop3A_260 : i32 to index
        %parallel_loop3A_275 = tpu.vector_load %arg15[%parallel_loop3A_273, %parallel_loop3A_274] {strides = array<i32>} : memref<8x2048xf32, #tpu.memory_space<vmem>>, vector<16xf32>,
        tpu.vector_store %arg15[%parallel_loop3A_273, %parallel_loop3A_274], %parallel_loop3A_271 {strides = array<i32>} : memref<8x2048xf32, #tpu.memory_space<vmem>>, vector<16xf32>,
        %parallel_loop3A_276 = tpu.vector_load_idx %arg13[%broadcast_in_dim3A_62, %parallel_loop3A_258] : memref<8x4096xf32, #tpu.memory_space<vmem>>[vector<16xi32>, vector<16xi32>], vector<16xf32>,
        %parallel_loop3A_277 = arith.constant 3 : i32
        %parallel_loop3A_278 = arith.index_cast %parallel_loop3A_277 : i32 to index
        %parallel_loop3A_279 = arith.index_cast %parallel_loop3A_260 : i32 to index
        %parallel_loop3A_280 = tpu.vector_load %arg15[%parallel_loop3A_278, %parallel_loop3A_279] {strides = array<i32>} : memref<8x2048xf32, #tpu.memory_space<vmem>>, vector<16xf32>,
        tpu.vector_store %arg15[%parallel_loop3A_278, %parallel_loop3A_279], %parallel_loop3A_276 {strides = array<i32>} : memref<8x2048xf32, #tpu.memory_space<vmem>>, vector<16xf32>,
        %parallel_loop3A_281 = tpu.vector_load_idx %arg13[%broadcast_in_dim3A_64, %parallel_loop3A_258] : memref<8x4096xf32, #tpu.memory_space<vmem>>[vector<16xi32>, vector<16xi32>], vector<16xf32>,
        %parallel_loop3A_282 = arith.constant 4 : i32
        %parallel_loop3A_283 = arith.index_cast %parallel_loop3A_282 : i32 to index
        %parallel_loop3A_284 = arith.index_cast %parallel_loop3A_260 : i32 to index
        %parallel_loop3A_285 = tpu.vector_load %arg15[%parallel_loop3A_283, %parallel_loop3A_284] {strides = array<i32>} : memref<8x2048xf32, #tpu.memory_space<vmem>>, vector<16xf32>,
        tpu.vector_store %arg15[%parallel_loop3A_283, %parallel_loop3A_284], %parallel_loop3A_281 {strides = array<i32>} : memref<8x2048xf32, #tpu.memory_space<vmem>>, vector<16xf32>,
        %parallel_loop3A_286 = tpu.vector_load_idx %arg13[%broadcast_in_dim3A_66, %parallel_loop3A_258] : memref<8x4096xf32, #tpu.memory_space<vmem>>[vector<16xi32>, vector<16xi32>], vector<16xf32>,
        %parallel_loop3A_287 = arith.constant 5 : i32
        %parallel_loop3A_288 = arith.index_cast %parallel_loop3A_287 : i32 to index
        %parallel_loop3A_289 = arith.index_cast %parallel_loop3A_260 : i32 to index
        %parallel_loop3A_290 = tpu.vector_load %arg15[%parallel_loop3A_288, %parallel_loop3A_289] {strides = array<i32>} : memref<8x2048xf32, #tpu.memory_space<vmem>>, vector<16xf32>,
        tpu.vector_store %arg15[%parallel_loop3A_288, %parallel_loop3A_289], %parallel_loop3A_286 {strides = array<i32>} : memref<8x2048xf32, #tpu.memory_space<vmem>>, vector<16xf32>,
        %parallel_loop3A_291 = tpu.vector_load_idx %arg13[%broadcast_in_dim3A_68, %parallel_loop3A_258] : memref<8x4096xf32, #tpu.memory_space<vmem>>[vector<16xi32>, vector<16xi32>], vector<16xf32>,
        %parallel_loop3A_292 = arith.constant 6 : i32
        %parallel_loop3A_293 = arith.index_cast %parallel_loop3A_292 : i32 to index
        %parallel_loop3A_294 = arith.index_cast %parallel_loop3A_260 : i32 to index
        %parallel_loop3A_295 = tpu.vector_load %arg15[%parallel_loop3A_293, %parallel_loop3A_294] {strides = array<i32>} : memref<8x2048xf32, #tpu.memory_space<vmem>>, vector<16xf32>,
        tpu.vector_store %arg15[%parallel_loop3A_293, %parallel_loop3A_294], %parallel_loop3A_291 {strides = array<i32>} : memref<8x2048xf32, #tpu.memory_space<vmem>>, vector<16xf32>,
        %parallel_loop3A_296 = tpu.vector_load_idx %arg13[%broadcast_in_dim3A_70, %parallel_loop3A_258] : memref<8x4096xf32, #tpu.memory_space<vmem>>[vector<16xi32>, vector<16xi32>], vector<16xf32>,
        %parallel_loop3A_297 = arith.constant 7 : i32
        %parallel_loop3A_298 = arith.index_cast %parallel_loop3A_297 : i32 to index
        %parallel_loop3A_299 = arith.index_cast %parallel_loop3A_260 : i32 to index
        %parallel_loop3A_300 = tpu.vector_load %arg15[%parallel_loop3A_298, %parallel_loop3A_299] {strides = array<i32>} : memref<8x2048xf32, #tpu.memory_space<vmem>>, vector<16xf32>,
        tpu.vector_store %arg15[%parallel_loop3A_298, %parallel_loop3A_299], %parallel_loop3A_296 {strides = array<i32>} : memref<8x2048xf32, #tpu.memory_space<vmem>>, vector<16xf32>,
      } {sc.loop_unroll_factor = 4 : i64, sc.parallel_access}
      %add3A_153 = arith.constant 24 : i32
      %add3A_154 = arith.addi %mul3A_2, %add3A_153 : i32
      %dma_start3A_155 = arith.constant 0 : i32
      %dma_start3A_156 = tpu.memref_slice %arg7[%add3A_154, %dma_start3A_155] : memref<2048x2048xf32, #tpu.memory_space<hbm>> -> memref<8x2048xf32, #tpu.memory_space<hbm>>
      %dma_start3A_157 = arith.constant 0 : i32
      %dma_start3A_158 = tpu.memref_slice %arg7[%add3A_154, %dma_start3A_157] : memref<2048x2048xf32, #tpu.memory_space<hbm>> -> memref<8x2048xf32, #tpu.memory_space<hbm>>
      tpu.enqueue_dma source(%arg15 : memref<8x2048xf32, #tpu.memory_space<vmem>>) target(%dma_start3A_158 : memref<8x2048xf32, #tpu.memory_space<hbm>>) target_semaphore(%arg20 : memref<!tpu.dma_semaphore, #tpu.memory_space<semaphore_mem>>)
      %dma_start3A_159 = arith.constant 40 : i32
      %dma_start3A_160 = tpu.memref_slice %arg9[%dma_start3A_159] : memref<64xi32, #tpu.memory_space<vmem>> -> memref<8xi32, #tpu.memory_space<vmem>>
      %dma_start3A_161 = arith.constant 0 : i32
      %dma_start3A_162 = arith.constant 0 : i32
      %dma_start3A_163 = tpu.memref_slice %arg2[%dma_start3A_161, %dma_start3A_162] : memref<4096x4096xf32, #tpu.memory_space<hbm>> -> memref<4096x4096xf32, #tpu.memory_space<hbm>>
      tpu.enqueue_indirect_dma source(%dma_start3A_163 : memref<4096x4096xf32, #tpu.memory_space<hbm>>) target(%arg13 : memref<8x4096xf32, #tpu.memory_space<vmem>>) offsets(%dma_start3A_160 : memref<8xi32, #tpu.memory_space<vmem>>) semaphore(%arg18 : memref<!tpu.dma_semaphore, #tpu.memory_space<semaphore_mem>>)
      %dma_wait3A_164 = arith.constant 32 : i32
      %dma_wait3A_165 = tpu.memref_slice %arg9[%dma_wait3A_164] : memref<64xi32, #tpu.memory_space<vmem>> -> memref<8xi32, #tpu.memory_space<vmem>>
      %dma_wait3A_166 = arith.constant 0 : i32
      %dma_wait3A_167 = arith.constant 0 : i32
      %dma_wait3A_168 = tpu.memref_slice %arg2[%dma_wait3A_166, %dma_wait3A_167] : memref<4096x4096xf32, #tpu.memory_space<hbm>> -> memref<4096x4096xf32, #tpu.memory_space<hbm>>
      tpu.wait_indirect_dma semaphore(%arg17 : memref<!tpu.dma_semaphore, #tpu.memory_space<semaphore_mem>>) src(%dma_wait3A_168 : memref<4096x4096xf32, #tpu.memory_space<hbm>>) dst(%arg12 : memref<8x4096xf32, #tpu.memory_space<vmem>>)
      %dma_wait3A_169 = arith.constant 0 : i32
      %dma_wait3A_170 = tpu.memref_slice %arg7[%add3A_131, %dma_wait3A_169] : memref<2048x2048xf32, #tpu.memory_space<hbm>> -> memref<8x2048xf32, #tpu.memory_space<hbm>>
      %dma_wait3A_171 = arith.constant 0 : i32
      %dma_wait3A_172 = tpu.memref_slice %arg7[%add3A_131, %dma_wait3A_171] : memref<2048x2048xf32, #tpu.memory_space<hbm>> -> memref<8x2048xf32, #tpu.memory_space<hbm>>
      tpu.wait_dma2 semaphore(%arg19 : memref<!tpu.dma_semaphore, #tpu.memory_space<semaphore_mem>>) src(%arg14 : memref<8x2048xf32, #tpu.memory_space<vmem>>) dst(%dma_wait3A_172 : memref<8x2048xf32, #tpu.memory_space<hbm>>)
      %parallel_loop3A_173 = arith.constant 0 : i32
      %parallel_loop3A_174 = arith.constant 128 : i32
      %parallel_loop3A_175 = arith.constant 1 : i32
      scf.for %parallel_loop3A_254 = %parallel_loop3A_173 to %parallel_loop3A_174 step %parallel_loop3A_175  : i32 {
        %parallel_loop3A_255 = arith.constant 16 : i32
        %parallel_loop3A_256 = arith.muli %parallel_loop3A_254, %parallel_loop3A_255 : i32
        %parallel_loop3A_257 = arith.index_cast %parallel_loop3A_256 : i32 to index
        %parallel_loop3A_258 = tpu.vector_load %arg8[%parallel_loop3A_257] {strides = array<i32>} : memref<2048xi32, #tpu.memory_space<vmem>>, vector<16xi32>,
        %parallel_loop3A_259 = arith.constant 16 : i32
        %parallel_loop3A_260 = arith.muli %parallel_loop3A_254, %parallel_loop3A_259 : i32
        %parallel_loop3A_261 = tpu.vector_load_idx %arg12[%broadcast_in_dim3A_56, %parallel_loop3A_258] : memref<8x4096xf32, #tpu.memory_space<vmem>>[vector<16xi32>, vector<16xi32>], vector<16xf32>,
        %parallel_loop3A_262 = arith.constant 0 : i32
        %parallel_loop3A_263 = arith.index_cast %parallel_loop3A_262 : i32 to index
        %parallel_loop3A_264 = arith.index_cast %parallel_loop3A_260 : i32 to index
        %parallel_loop3A_265 = tpu.vector_load %arg14[%parallel_loop3A_263, %parallel_loop3A_264] {strides = array<i32>} : memref<8x2048xf32, #tpu.memory_space<vmem>>, vector<16xf32>,
        tpu.vector_store %arg14[%parallel_loop3A_263, %parallel_loop3A_264], %parallel_loop3A_261 {strides = array<i32>} : memref<8x2048xf32, #tpu.memory_space<vmem>>, vector<16xf32>,
        %parallel_loop3A_266 = tpu.vector_load_idx %arg12[%broadcast_in_dim3A_58, %parallel_loop3A_258] : memref<8x4096xf32, #tpu.memory_space<vmem>>[vector<16xi32>, vector<16xi32>], vector<16xf32>,
        %parallel_loop3A_267 = arith.constant 1 : i32
        %parallel_loop3A_268 = arith.index_cast %parallel_loop3A_267 : i32 to index
        %parallel_loop3A_269 = arith.index_cast %parallel_loop3A_260 : i32 to index
        %parallel_loop3A_270 = tpu.vector_load %arg14[%parallel_loop3A_268, %parallel_loop3A_269] {strides = array<i32>} : memref<8x2048xf32, #tpu.memory_space<vmem>>, vector<16xf32>,
        tpu.vector_store %arg14[%parallel_loop3A_268, %parallel_loop3A_269], %parallel_loop3A_266 {strides = array<i32>} : memref<8x2048xf32, #tpu.memory_space<vmem>>, vector<16xf32>,
        %parallel_loop3A_271 = tpu.vector_load_idx %arg12[%broadcast_in_dim3A_60, %parallel_loop3A_258] : memref<8x4096xf32, #tpu.memory_space<vmem>>[vector<16xi32>, vector<16xi32>], vector<16xf32>,
        %parallel_loop3A_272 = arith.constant 2 : i32
        %parallel_loop3A_273 = arith.index_cast %parallel_loop3A_272 : i32 to index
        %parallel_loop3A_274 = arith.index_cast %parallel_loop3A_260 : i32 to index
        %parallel_loop3A_275 = tpu.vector_load %arg14[%parallel_loop3A_273, %parallel_loop3A_274] {strides = array<i32>} : memref<8x2048xf32, #tpu.memory_space<vmem>>, vector<16xf32>,
        tpu.vector_store %arg14[%parallel_loop3A_273, %parallel_loop3A_274], %parallel_loop3A_271 {strides = array<i32>} : memref<8x2048xf32, #tpu.memory_space<vmem>>, vector<16xf32>,
        %parallel_loop3A_276 = tpu.vector_load_idx %arg12[%broadcast_in_dim3A_62, %parallel_loop3A_258] : memref<8x4096xf32, #tpu.memory_space<vmem>>[vector<16xi32>, vector<16xi32>], vector<16xf32>,
        %parallel_loop3A_277 = arith.constant 3 : i32
        %parallel_loop3A_278 = arith.index_cast %parallel_loop3A_277 : i32 to index
        %parallel_loop3A_279 = arith.index_cast %parallel_loop3A_260 : i32 to index
        %parallel_loop3A_280 = tpu.vector_load %arg14[%parallel_loop3A_278, %parallel_loop3A_279] {strides = array<i32>} : memref<8x2048xf32, #tpu.memory_space<vmem>>, vector<16xf32>,
        tpu.vector_store %arg14[%parallel_loop3A_278, %parallel_loop3A_279], %parallel_loop3A_276 {strides = array<i32>} : memref<8x2048xf32, #tpu.memory_space<vmem>>, vector<16xf32>,
        %parallel_loop3A_281 = tpu.vector_load_idx %arg12[%broadcast_in_dim3A_64, %parallel_loop3A_258] : memref<8x4096xf32, #tpu.memory_space<vmem>>[vector<16xi32>, vector<16xi32>], vector<16xf32>,
        %parallel_loop3A_282 = arith.constant 4 : i32
        %parallel_loop3A_283 = arith.index_cast %parallel_loop3A_282 : i32 to index
        %parallel_loop3A_284 = arith.index_cast %parallel_loop3A_260 : i32 to index
        %parallel_loop3A_285 = tpu.vector_load %arg14[%parallel_loop3A_283, %parallel_loop3A_284] {strides = array<i32>} : memref<8x2048xf32, #tpu.memory_space<vmem>>, vector<16xf32>,
        tpu.vector_store %arg14[%parallel_loop3A_283, %parallel_loop3A_284], %parallel_loop3A_281 {strides = array<i32>} : memref<8x2048xf32, #tpu.memory_space<vmem>>, vector<16xf32>,
        %parallel_loop3A_286 = tpu.vector_load_idx %arg12[%broadcast_in_dim3A_66, %parallel_loop3A_258] : memref<8x4096xf32, #tpu.memory_space<vmem>>[vector<16xi32>, vector<16xi32>], vector<16xf32>,
        %parallel_loop3A_287 = arith.constant 5 : i32
        %parallel_loop3A_288 = arith.index_cast %parallel_loop3A_287 : i32 to index
        %parallel_loop3A_289 = arith.index_cast %parallel_loop3A_260 : i32 to index
        %parallel_loop3A_290 = tpu.vector_load %arg14[%parallel_loop3A_288, %parallel_loop3A_289] {strides = array<i32>} : memref<8x2048xf32, #tpu.memory_space<vmem>>, vector<16xf32>,
        tpu.vector_store %arg14[%parallel_loop3A_288, %parallel_loop3A_289], %parallel_loop3A_286 {strides = array<i32>} : memref<8x2048xf32, #tpu.memory_space<vmem>>, vector<16xf32>,
        %parallel_loop3A_291 = tpu.vector_load_idx %arg12[%broadcast_in_dim3A_68, %parallel_loop3A_258] : memref<8x4096xf32, #tpu.memory_space<vmem>>[vector<16xi32>, vector<16xi32>], vector<16xf32>,
        %parallel_loop3A_292 = arith.constant 6 : i32
        %parallel_loop3A_293 = arith.index_cast %parallel_loop3A_292 : i32 to index
        %parallel_loop3A_294 = arith.index_cast %parallel_loop3A_260 : i32 to index
        %parallel_loop3A_295 = tpu.vector_load %arg14[%parallel_loop3A_293, %parallel_loop3A_294] {strides = array<i32>} : memref<8x2048xf32, #tpu.memory_space<vmem>>, vector<16xf32>,
        tpu.vector_store %arg14[%parallel_loop3A_293, %parallel_loop3A_294], %parallel_loop3A_291 {strides = array<i32>} : memref<8x2048xf32, #tpu.memory_space<vmem>>, vector<16xf32>,
        %parallel_loop3A_296 = tpu.vector_load_idx %arg12[%broadcast_in_dim3A_70, %parallel_loop3A_258] : memref<8x4096xf32, #tpu.memory_space<vmem>>[vector<16xi32>, vector<16xi32>], vector<16xf32>,
        %parallel_loop3A_297 = arith.constant 7 : i32
        %parallel_loop3A_298 = arith.index_cast %parallel_loop3A_297 : i32 to index
        %parallel_loop3A_299 = arith.index_cast %parallel_loop3A_260 : i32 to index
        %parallel_loop3A_300 = tpu.vector_load %arg14[%parallel_loop3A_298, %parallel_loop3A_299] {strides = array<i32>} : memref<8x2048xf32, #tpu.memory_space<vmem>>, vector<16xf32>,
        tpu.vector_store %arg14[%parallel_loop3A_298, %parallel_loop3A_299], %parallel_loop3A_296 {strides = array<i32>} : memref<8x2048xf32, #tpu.memory_space<vmem>>, vector<16xf32>,
      } {sc.loop_unroll_factor = 4 : i64, sc.parallel_access}
      %add3A_176 = arith.constant 32 : i32
      %add3A_177 = arith.addi %mul3A_2, %add3A_176 : i32
      %dma_start3A_178 = arith.constant 0 : i32
      %dma_start3A_179 = tpu.memref_slice %arg7[%add3A_177, %dma_start3A_178] : memref<2048x2048xf32, #tpu.memory_space<hbm>> -> memref<8x2048xf32, #tpu.memory_space<hbm>>
      %dma_start3A_180 = arith.constant 0 : i32
      %dma_start3A_181 = tpu.memref_slice %arg7[%add3A_177, %dma_start3A_180] : memref<2048x2048xf32, #tpu.memory_space<hbm>> -> memref<8x2048xf32, #tpu.memory_space<hbm>>
      tpu.enqueue_dma source(%arg14 : memref<8x2048xf32, #tpu.memory_space<vmem>>) target(%dma_start3A_181 : memref<8x2048xf32, #tpu.memory_space<hbm>>) target_semaphore(%arg19 : memref<!tpu.dma_semaphore, #tpu.memory_space<semaphore_mem>>)
      %dma_start3A_182 = arith.constant 48 : i32
      %dma_start3A_183 = tpu.memref_slice %arg9[%dma_start3A_182] : memref<64xi32, #tpu.memory_space<vmem>> -> memref<8xi32, #tpu.memory_space<vmem>>
      %dma_start3A_184 = arith.constant 0 : i32
      %dma_start3A_185 = arith.constant 0 : i32
      %dma_start3A_186 = tpu.memref_slice %arg2[%dma_start3A_184, %dma_start3A_185] : memref<4096x4096xf32, #tpu.memory_space<hbm>> -> memref<4096x4096xf32, #tpu.memory_space<hbm>>
      tpu.enqueue_indirect_dma source(%dma_start3A_186 : memref<4096x4096xf32, #tpu.memory_space<hbm>>) target(%arg12 : memref<8x4096xf32, #tpu.memory_space<vmem>>) offsets(%dma_start3A_183 : memref<8xi32, #tpu.memory_space<vmem>>) semaphore(%arg17 : memref<!tpu.dma_semaphore, #tpu.memory_space<semaphore_mem>>)
      %dma_wait3A_187 = arith.constant 40 : i32
      %dma_wait3A_188 = tpu.memref_slice %arg9[%dma_wait3A_187] : memref<64xi32, #tpu.memory_space<vmem>> -> memref<8xi32, #tpu.memory_space<vmem>>
      %dma_wait3A_189 = arith.constant 0 : i32
      %dma_wait3A_190 = arith.constant 0 : i32
      %dma_wait3A_191 = tpu.memref_slice %arg2[%dma_wait3A_189, %dma_wait3A_190] : memref<4096x4096xf32, #tpu.memory_space<hbm>> -> memref<4096x4096xf32, #tpu.memory_space<hbm>>
      tpu.wait_indirect_dma semaphore(%arg18 : memref<!tpu.dma_semaphore, #tpu.memory_space<semaphore_mem>>) src(%dma_wait3A_191 : memref<4096x4096xf32, #tpu.memory_space<hbm>>) dst(%arg13 : memref<8x4096xf32, #tpu.memory_space<vmem>>)
      %dma_wait3A_192 = arith.constant 0 : i32
      %dma_wait3A_193 = tpu.memref_slice %arg7[%add3A_154, %dma_wait3A_192] : memref<2048x2048xf32, #tpu.memory_space<hbm>> -> memref<8x2048xf32, #tpu.memory_space<hbm>>
      %dma_wait3A_194 = arith.constant 0 : i32
      %dma_wait3A_195 = tpu.memref_slice %arg7[%add3A_154, %dma_wait3A_194] : memref<2048x2048xf32, #tpu.memory_space<hbm>> -> memref<8x2048xf32, #tpu.memory_space<hbm>>
      tpu.wait_dma2 semaphore(%arg20 : memref<!tpu.dma_semaphore, #tpu.memory_space<semaphore_mem>>) src(%arg15 : memref<8x2048xf32, #tpu.memory_space<vmem>>) dst(%dma_wait3A_195 : memref<8x2048xf32, #tpu.memory_space<hbm>>)
      %parallel_loop3A_196 = arith.constant 0 : i32
      %parallel_loop3A_197 = arith.constant 128 : i32
      %parallel_loop3A_198 = arith.constant 1 : i32
      scf.for %parallel_loop3A_254 = %parallel_loop3A_196 to %parallel_loop3A_197 step %parallel_loop3A_198  : i32 {
        %parallel_loop3A_255 = arith.constant 16 : i32
        %parallel_loop3A_256 = arith.muli %parallel_loop3A_254, %parallel_loop3A_255 : i32
        %parallel_loop3A_257 = arith.index_cast %parallel_loop3A_256 : i32 to index
        %parallel_loop3A_258 = tpu.vector_load %arg8[%parallel_loop3A_257] {strides = array<i32>} : memref<2048xi32, #tpu.memory_space<vmem>>, vector<16xi32>,
        %parallel_loop3A_259 = arith.constant 16 : i32
        %parallel_loop3A_260 = arith.muli %parallel_loop3A_254, %parallel_loop3A_259 : i32
        %parallel_loop3A_261 = tpu.vector_load_idx %arg13[%broadcast_in_dim3A_56, %parallel_loop3A_258] : memref<8x4096xf32, #tpu.memory_space<vmem>>[vector<16xi32>, vector<16xi32>], vector<16xf32>,
        %parallel_loop3A_262 = arith.constant 0 : i32
        %parallel_loop3A_263 = arith.index_cast %parallel_loop3A_262 : i32 to index
        %parallel_loop3A_264 = arith.index_cast %parallel_loop3A_260 : i32 to index
        %parallel_loop3A_265 = tpu.vector_load %arg15[%parallel_loop3A_263, %parallel_loop3A_264] {strides = array<i32>} : memref<8x2048xf32, #tpu.memory_space<vmem>>, vector<16xf32>,
        tpu.vector_store %arg15[%parallel_loop3A_263, %parallel_loop3A_264], %parallel_loop3A_261 {strides = array<i32>} : memref<8x2048xf32, #tpu.memory_space<vmem>>, vector<16xf32>,
        %parallel_loop3A_266 = tpu.vector_load_idx %arg13[%broadcast_in_dim3A_58, %parallel_loop3A_258] : memref<8x4096xf32, #tpu.memory_space<vmem>>[vector<16xi32>, vector<16xi32>], vector<16xf32>,
        %parallel_loop3A_267 = arith.constant 1 : i32
        %parallel_loop3A_268 = arith.index_cast %parallel_loop3A_267 : i32 to index
        %parallel_loop3A_269 = arith.index_cast %parallel_loop3A_260 : i32 to index
        %parallel_loop3A_270 = tpu.vector_load %arg15[%parallel_loop3A_268, %parallel_loop3A_269] {strides = array<i32>} : memref<8x2048xf32, #tpu.memory_space<vmem>>, vector<16xf32>,
        tpu.vector_store %arg15[%parallel_loop3A_268, %parallel_loop3A_269], %parallel_loop3A_266 {strides = array<i32>} : memref<8x2048xf32, #tpu.memory_space<vmem>>, vector<16xf32>,
        %parallel_loop3A_271 = tpu.vector_load_idx %arg13[%broadcast_in_dim3A_60, %parallel_loop3A_258] : memref<8x4096xf32, #tpu.memory_space<vmem>>[vector<16xi32>, vector<16xi32>], vector<16xf32>,
        %parallel_loop3A_272 = arith.constant 2 : i32
        %parallel_loop3A_273 = arith.index_cast %parallel_loop3A_272 : i32 to index
        %parallel_loop3A_274 = arith.index_cast %parallel_loop3A_260 : i32 to index
        %parallel_loop3A_275 = tpu.vector_load %arg15[%parallel_loop3A_273, %parallel_loop3A_274] {strides = array<i32>} : memref<8x2048xf32, #tpu.memory_space<vmem>>, vector<16xf32>,
        tpu.vector_store %arg15[%parallel_loop3A_273, %parallel_loop3A_274], %parallel_loop3A_271 {strides = array<i32>} : memref<8x2048xf32, #tpu.memory_space<vmem>>, vector<16xf32>,
        %parallel_loop3A_276 = tpu.vector_load_idx %arg13[%broadcast_in_dim3A_62, %parallel_loop3A_258] : memref<8x4096xf32, #tpu.memory_space<vmem>>[vector<16xi32>, vector<16xi32>], vector<16xf32>,
        %parallel_loop3A_277 = arith.constant 3 : i32
        %parallel_loop3A_278 = arith.index_cast %parallel_loop3A_277 : i32 to index
        %parallel_loop3A_279 = arith.index_cast %parallel_loop3A_260 : i32 to index
        %parallel_loop3A_280 = tpu.vector_load %arg15[%parallel_loop3A_278, %parallel_loop3A_279] {strides = array<i32>} : memref<8x2048xf32, #tpu.memory_space<vmem>>, vector<16xf32>,
        tpu.vector_store %arg15[%parallel_loop3A_278, %parallel_loop3A_279], %parallel_loop3A_276 {strides = array<i32>} : memref<8x2048xf32, #tpu.memory_space<vmem>>, vector<16xf32>,
        %parallel_loop3A_281 = tpu.vector_load_idx %arg13[%broadcast_in_dim3A_64, %parallel_loop3A_258] : memref<8x4096xf32, #tpu.memory_space<vmem>>[vector<16xi32>, vector<16xi32>], vector<16xf32>,
        %parallel_loop3A_282 = arith.constant 4 : i32
        %parallel_loop3A_283 = arith.index_cast %parallel_loop3A_282 : i32 to index
        %parallel_loop3A_284 = arith.index_cast %parallel_loop3A_260 : i32 to index
        %parallel_loop3A_285 = tpu.vector_load %arg15[%parallel_loop3A_283, %parallel_loop3A_284] {strides = array<i32>} : memref<8x2048xf32, #tpu.memory_space<vmem>>, vector<16xf32>,
        tpu.vector_store %arg15[%parallel_loop3A_283, %parallel_loop3A_284], %parallel_loop3A_281 {strides = array<i32>} : memref<8x2048xf32, #tpu.memory_space<vmem>>, vector<16xf32>,
        %parallel_loop3A_286 = tpu.vector_load_idx %arg13[%broadcast_in_dim3A_66, %parallel_loop3A_258] : memref<8x4096xf32, #tpu.memory_space<vmem>>[vector<16xi32>, vector<16xi32>], vector<16xf32>,
        %parallel_loop3A_287 = arith.constant 5 : i32
        %parallel_loop3A_288 = arith.index_cast %parallel_loop3A_287 : i32 to index
        %parallel_loop3A_289 = arith.index_cast %parallel_loop3A_260 : i32 to index
        %parallel_loop3A_290 = tpu.vector_load %arg15[%parallel_loop3A_288, %parallel_loop3A_289] {strides = array<i32>} : memref<8x2048xf32, #tpu.memory_space<vmem>>, vector<16xf32>,
        tpu.vector_store %arg15[%parallel_loop3A_288, %parallel_loop3A_289], %parallel_loop3A_286 {strides = array<i32>} : memref<8x2048xf32, #tpu.memory_space<vmem>>, vector<16xf32>,
        %parallel_loop3A_291 = tpu.vector_load_idx %arg13[%broadcast_in_dim3A_68, %parallel_loop3A_258] : memref<8x4096xf32, #tpu.memory_space<vmem>>[vector<16xi32>, vector<16xi32>], vector<16xf32>,
        %parallel_loop3A_292 = arith.constant 6 : i32
        %parallel_loop3A_293 = arith.index_cast %parallel_loop3A_292 : i32 to index
        %parallel_loop3A_294 = arith.index_cast %parallel_loop3A_260 : i32 to index
        %parallel_loop3A_295 = tpu.vector_load %arg15[%parallel_loop3A_293, %parallel_loop3A_294] {strides = array<i32>} : memref<8x2048xf32, #tpu.memory_space<vmem>>, vector<16xf32>,
        tpu.vector_store %arg15[%parallel_loop3A_293, %parallel_loop3A_294], %parallel_loop3A_291 {strides = array<i32>} : memref<8x2048xf32, #tpu.memory_space<vmem>>, vector<16xf32>,
        %parallel_loop3A_296 = tpu.vector_load_idx %arg13[%broadcast_in_dim3A_70, %parallel_loop3A_258] : memref<8x4096xf32, #tpu.memory_space<vmem>>[vector<16xi32>, vector<16xi32>], vector<16xf32>,
        %parallel_loop3A_297 = arith.constant 7 : i32
        %parallel_loop3A_298 = arith.index_cast %parallel_loop3A_297 : i32 to index
        %parallel_loop3A_299 = arith.index_cast %parallel_loop3A_260 : i32 to index
        %parallel_loop3A_300 = tpu.vector_load %arg15[%parallel_loop3A_298, %parallel_loop3A_299] {strides = array<i32>} : memref<8x2048xf32, #tpu.memory_space<vmem>>, vector<16xf32>,
        tpu.vector_store %arg15[%parallel_loop3A_298, %parallel_loop3A_299], %parallel_loop3A_296 {strides = array<i32>} : memref<8x2048xf32, #tpu.memory_space<vmem>>, vector<16xf32>,
      } {sc.loop_unroll_factor = 4 : i64, sc.parallel_access}
      %add3A_199 = arith.constant 40 : i32
      %add3A_200 = arith.addi %mul3A_2, %add3A_199 : i32
      %dma_start3A_201 = arith.constant 0 : i32
      %dma_start3A_202 = tpu.memref_slice %arg7[%add3A_200, %dma_start3A_201] : memref<2048x2048xf32, #tpu.memory_space<hbm>> -> memref<8x2048xf32, #tpu.memory_space<hbm>>
      %dma_start3A_203 = arith.constant 0 : i32
      %dma_start3A_204 = tpu.memref_slice %arg7[%add3A_200, %dma_start3A_203] : memref<2048x2048xf32, #tpu.memory_space<hbm>> -> memref<8x2048xf32, #tpu.memory_space<hbm>>
      tpu.enqueue_dma source(%arg15 : memref<8x2048xf32, #tpu.memory_space<vmem>>) target(%dma_start3A_204 : memref<8x2048xf32, #tpu.memory_space<hbm>>) target_semaphore(%arg20 : memref<!tpu.dma_semaphore, #tpu.memory_space<semaphore_mem>>)
      %dma_start3A_205 = arith.constant 56 : i32
      %dma_start3A_206 = tpu.memref_slice %arg9[%dma_start3A_205] : memref<64xi32, #tpu.memory_space<vmem>> -> memref<8xi32, #tpu.memory_space<vmem>>
      %dma_start3A_207 = arith.constant 0 : i32
      %dma_start3A_208 = arith.constant 0 : i32
      %dma_start3A_209 = tpu.memref_slice %arg2[%dma_start3A_207, %dma_start3A_208] : memref<4096x4096xf32, #tpu.memory_space<hbm>> -> memref<4096x4096xf32, #tpu.memory_space<hbm>>
      tpu.enqueue_indirect_dma source(%dma_start3A_209 : memref<4096x4096xf32, #tpu.memory_space<hbm>>) target(%arg13 : memref<8x4096xf32, #tpu.memory_space<vmem>>) offsets(%dma_start3A_206 : memref<8xi32, #tpu.memory_space<vmem>>) semaphore(%arg18 : memref<!tpu.dma_semaphore, #tpu.memory_space<semaphore_mem>>)
      %dma_wait3A_210 = arith.constant 48 : i32
      %dma_wait3A_211 = tpu.memref_slice %arg9[%dma_wait3A_210] : memref<64xi32, #tpu.memory_space<vmem>> -> memref<8xi32, #tpu.memory_space<vmem>>
      %dma_wait3A_212 = arith.constant 0 : i32
      %dma_wait3A_213 = arith.constant 0 : i32
      %dma_wait3A_214 = tpu.memref_slice %arg2[%dma_wait3A_212, %dma_wait3A_213] : memref<4096x4096xf32, #tpu.memory_space<hbm>> -> memref<4096x4096xf32, #tpu.memory_space<hbm>>
      tpu.wait_indirect_dma semaphore(%arg17 : memref<!tpu.dma_semaphore, #tpu.memory_space<semaphore_mem>>) src(%dma_wait3A_214 : memref<4096x4096xf32, #tpu.memory_space<hbm>>) dst(%arg12 : memref<8x4096xf32, #tpu.memory_space<vmem>>)
      %dma_wait3A_215 = arith.constant 0 : i32
      %dma_wait3A_216 = tpu.memref_slice %arg7[%add3A_177, %dma_wait3A_215] : memref<2048x2048xf32, #tpu.memory_space<hbm>> -> memref<8x2048xf32, #tpu.memory_space<hbm>>
      %dma_wait3A_217 = arith.constant 0 : i32
      %dma_wait3A_218 = tpu.memref_slice %arg7[%add3A_177, %dma_wait3A_217] : memref<2048x2048xf32, #tpu.memory_space<hbm>> -> memref<8x2048xf32, #tpu.memory_space<hbm>>
      tpu.wait_dma2 semaphore(%arg19 : memref<!tpu.dma_semaphore, #tpu.memory_space<semaphore_mem>>) src(%arg14 : memref<8x2048xf32, #tpu.memory_space<vmem>>) dst(%dma_wait3A_218 : memref<8x2048xf32, #tpu.memory_space<hbm>>)
      %parallel_loop3A_219 = arith.constant 0 : i32
      %parallel_loop3A_220 = arith.constant 128 : i32
      %parallel_loop3A_221 = arith.constant 1 : i32
      scf.for %parallel_loop3A_254 = %parallel_loop3A_219 to %parallel_loop3A_220 step %parallel_loop3A_221  : i32 {
        %parallel_loop3A_255 = arith.constant 16 : i32
        %parallel_loop3A_256 = arith.muli %parallel_loop3A_254, %parallel_loop3A_255 : i32
        %parallel_loop3A_257 = arith.index_cast %parallel_loop3A_256 : i32 to index
        %parallel_loop3A_258 = tpu.vector_load %arg8[%parallel_loop3A_257] {strides = array<i32>} : memref<2048xi32, #tpu.memory_space<vmem>>, vector<16xi32>,
        %parallel_loop3A_259 = arith.constant 16 : i32
        %parallel_loop3A_260 = arith.muli %parallel_loop3A_254, %parallel_loop3A_259 : i32
        %parallel_loop3A_261 = tpu.vector_load_idx %arg12[%broadcast_in_dim3A_56, %parallel_loop3A_258] : memref<8x4096xf32, #tpu.memory_space<vmem>>[vector<16xi32>, vector<16xi32>], vector<16xf32>,
        %parallel_loop3A_262 = arith.constant 0 : i32
        %parallel_loop3A_263 = arith.index_cast %parallel_loop3A_262 : i32 to index
        %parallel_loop3A_264 = arith.index_cast %parallel_loop3A_260 : i32 to index
        %parallel_loop3A_265 = tpu.vector_load %arg14[%parallel_loop3A_263, %parallel_loop3A_264] {strides = array<i32>} : memref<8x2048xf32, #tpu.memory_space<vmem>>, vector<16xf32>,
        tpu.vector_store %arg14[%parallel_loop3A_263, %parallel_loop3A_264], %parallel_loop3A_261 {strides = array<i32>} : memref<8x2048xf32, #tpu.memory_space<vmem>>, vector<16xf32>,
        %parallel_loop3A_266 = tpu.vector_load_idx %arg12[%broadcast_in_dim3A_58, %parallel_loop3A_258] : memref<8x4096xf32, #tpu.memory_space<vmem>>[vector<16xi32>, vector<16xi32>], vector<16xf32>,
        %parallel_loop3A_267 = arith.constant 1 : i32
        %parallel_loop3A_268 = arith.index_cast %parallel_loop3A_267 : i32 to index
        %parallel_loop3A_269 = arith.index_cast %parallel_loop3A_260 : i32 to index
        %parallel_loop3A_270 = tpu.vector_load %arg14[%parallel_loop3A_268, %parallel_loop3A_269] {strides = array<i32>} : memref<8x2048xf32, #tpu.memory_space<vmem>>, vector<16xf32>,
        tpu.vector_store %arg14[%parallel_loop3A_268, %parallel_loop3A_269], %parallel_loop3A_266 {strides = array<i32>} : memref<8x2048xf32, #tpu.memory_space<vmem>>, vector<16xf32>,
        %parallel_loop3A_271 = tpu.vector_load_idx %arg12[%broadcast_in_dim3A_60, %parallel_loop3A_258] : memref<8x4096xf32, #tpu.memory_space<vmem>>[vector<16xi32>, vector<16xi32>], vector<16xf32>,
        %parallel_loop3A_272 = arith.constant 2 : i32
        %parallel_loop3A_273 = arith.index_cast %parallel_loop3A_272 : i32 to index
        %parallel_loop3A_274 = arith.index_cast %parallel_loop3A_260 : i32 to index
        %parallel_loop3A_275 = tpu.vector_load %arg14[%parallel_loop3A_273, %parallel_loop3A_274] {strides = array<i32>} : memref<8x2048xf32, #tpu.memory_space<vmem>>, vector<16xf32>,
        tpu.vector_store %arg14[%parallel_loop3A_273, %parallel_loop3A_274], %parallel_loop3A_271 {strides = array<i32>} : memref<8x2048xf32, #tpu.memory_space<vmem>>, vector<16xf32>,
        %parallel_loop3A_276 = tpu.vector_load_idx %arg12[%broadcast_in_dim3A_62, %parallel_loop3A_258] : memref<8x4096xf32, #tpu.memory_space<vmem>>[vector<16xi32>, vector<16xi32>], vector<16xf32>,
        %parallel_loop3A_277 = arith.constant 3 : i32
        %parallel_loop3A_278 = arith.index_cast %parallel_loop3A_277 : i32 to index
        %parallel_loop3A_279 = arith.index_cast %parallel_loop3A_260 : i32 to index
        %parallel_loop3A_280 = tpu.vector_load %arg14[%parallel_loop3A_278, %parallel_loop3A_279] {strides = array<i32>} : memref<8x2048xf32, #tpu.memory_space<vmem>>, vector<16xf32>,
        tpu.vector_store %arg14[%parallel_loop3A_278, %parallel_loop3A_279], %parallel_loop3A_276 {strides = array<i32>} : memref<8x2048xf32, #tpu.memory_space<vmem>>, vector<16xf32>,
        %parallel_loop3A_281 = tpu.vector_load_idx %arg12[%broadcast_in_dim3A_64, %parallel_loop3A_258] : memref<8x4096xf32, #tpu.memory_space<vmem>>[vector<16xi32>, vector<16xi32>], vector<16xf32>,
        %parallel_loop3A_282 = arith.constant 4 : i32
        %parallel_loop3A_283 = arith.index_cast %parallel_loop3A_282 : i32 to index
        %parallel_loop3A_284 = arith.index_cast %parallel_loop3A_260 : i32 to index
        %parallel_loop3A_285 = tpu.vector_load %arg14[%parallel_loop3A_283, %parallel_loop3A_284] {strides = array<i32>} : memref<8x2048xf32, #tpu.memory_space<vmem>>, vector<16xf32>,
        tpu.vector_store %arg14[%parallel_loop3A_283, %parallel_loop3A_284], %parallel_loop3A_281 {strides = array<i32>} : memref<8x2048xf32, #tpu.memory_space<vmem>>, vector<16xf32>,
        %parallel_loop3A_286 = tpu.vector_load_idx %arg12[%broadcast_in_dim3A_66, %parallel_loop3A_258] : memref<8x4096xf32, #tpu.memory_space<vmem>>[vector<16xi32>, vector<16xi32>], vector<16xf32>,
        %parallel_loop3A_287 = arith.constant 5 : i32
        %parallel_loop3A_288 = arith.index_cast %parallel_loop3A_287 : i32 to index
        %parallel_loop3A_289 = arith.index_cast %parallel_loop3A_260 : i32 to index
        %parallel_loop3A_290 = tpu.vector_load %arg14[%parallel_loop3A_288, %parallel_loop3A_289] {strides = array<i32>} : memref<8x2048xf32, #tpu.memory_space<vmem>>, vector<16xf32>,
        tpu.vector_store %arg14[%parallel_loop3A_288, %parallel_loop3A_289], %parallel_loop3A_286 {strides = array<i32>} : memref<8x2048xf32, #tpu.memory_space<vmem>>, vector<16xf32>,
        %parallel_loop3A_291 = tpu.vector_load_idx %arg12[%broadcast_in_dim3A_68, %parallel_loop3A_258] : memref<8x4096xf32, #tpu.memory_space<vmem>>[vector<16xi32>, vector<16xi32>], vector<16xf32>,
        %parallel_loop3A_292 = arith.constant 6 : i32
        %parallel_loop3A_293 = arith.index_cast %parallel_loop3A_292 : i32 to index
        %parallel_loop3A_294 = arith.index_cast %parallel_loop3A_260 : i32 to index
        %parallel_loop3A_295 = tpu.vector_load %arg14[%parallel_loop3A_293, %parallel_loop3A_294] {strides = array<i32>} : memref<8x2048xf32, #tpu.memory_space<vmem>>, vector<16xf32>,
        tpu.vector_store %arg14[%parallel_loop3A_293, %parallel_loop3A_294], %parallel_loop3A_291 {strides = array<i32>} : memref<8x2048xf32, #tpu.memory_space<vmem>>, vector<16xf32>,
        %parallel_loop3A_296 = tpu.vector_load_idx %arg12[%broadcast_in_dim3A_70, %parallel_loop3A_258] : memref<8x4096xf32, #tpu.memory_space<vmem>>[vector<16xi32>, vector<16xi32>], vector<16xf32>,
        %parallel_loop3A_297 = arith.constant 7 : i32
        %parallel_loop3A_298 = arith.index_cast %parallel_loop3A_297 : i32 to index
        %parallel_loop3A_299 = arith.index_cast %parallel_loop3A_260 : i32 to index
        %parallel_loop3A_300 = tpu.vector_load %arg14[%parallel_loop3A_298, %parallel_loop3A_299] {strides = array<i32>} : memref<8x2048xf32, #tpu.memory_space<vmem>>, vector<16xf32>,
        tpu.vector_store %arg14[%parallel_loop3A_298, %parallel_loop3A_299], %parallel_loop3A_296 {strides = array<i32>} : memref<8x2048xf32, #tpu.memory_space<vmem>>, vector<16xf32>,
      } {sc.loop_unroll_factor = 4 : i64, sc.parallel_access}
      %add3A_222 = arith.constant 48 : i32
      %add3A_223 = arith.addi %mul3A_2, %add3A_222 : i32
      %dma_start3A_224 = arith.constant 0 : i32
      %dma_start3A_225 = tpu.memref_slice %arg7[%add3A_223, %dma_start3A_224] : memref<2048x2048xf32, #tpu.memory_space<hbm>> -> memref<8x2048xf32, #tpu.memory_space<hbm>>
      %dma_start3A_226 = arith.constant 0 : i32
      %dma_start3A_227 = tpu.memref_slice %arg7[%add3A_223, %dma_start3A_226] : memref<2048x2048xf32, #tpu.memory_space<hbm>> -> memref<8x2048xf32, #tpu.memory_space<hbm>>
      tpu.enqueue_dma source(%arg14 : memref<8x2048xf32, #tpu.memory_space<vmem>>) target(%dma_start3A_227 : memref<8x2048xf32, #tpu.memory_space<hbm>>) target_semaphore(%arg19 : memref<!tpu.dma_semaphore, #tpu.memory_space<semaphore_mem>>)
      %dma_wait3A_228 = arith.constant 56 : i32
      %dma_wait3A_229 = tpu.memref_slice %arg9[%dma_wait3A_228] : memref<64xi32, #tpu.memory_space<vmem>> -> memref<8xi32, #tpu.memory_space<vmem>>
      %dma_wait3A_230 = arith.constant 0 : i32
      %dma_wait3A_231 = arith.constant 0 : i32
      %dma_wait3A_232 = tpu.memref_slice %arg2[%dma_wait3A_230, %dma_wait3A_231] : memref<4096x4096xf32, #tpu.memory_space<hbm>> -> memref<4096x4096xf32, #tpu.memory_space<hbm>>
      tpu.wait_indirect_dma semaphore(%arg18 : memref<!tpu.dma_semaphore, #tpu.memory_space<semaphore_mem>>) src(%dma_wait3A_232 : memref<4096x4096xf32, #tpu.memory_space<hbm>>) dst(%arg13 : memref<8x4096xf32, #tpu.memory_space<vmem>>)
      %dma_wait3A_233 = arith.constant 0 : i32
      %dma_wait3A_234 = tpu.memref_slice %arg7[%add3A_200, %dma_wait3A_233] : memref<2048x2048xf32, #tpu.memory_space<hbm>> -> memref<8x2048xf32, #tpu.memory_space<hbm>>
      %dma_wait3A_235 = arith.constant 0 : i32
      %dma_wait3A_236 = tpu.memref_slice %arg7[%add3A_200, %dma_wait3A_235] : memref<2048x2048xf32, #tpu.memory_space<hbm>> -> memref<8x2048xf32, #tpu.memory_space<hbm>>
      tpu.wait_dma2 semaphore(%arg20 : memref<!tpu.dma_semaphore, #tpu.memory_space<semaphore_mem>>) src(%arg15 : memref<8x2048xf32, #tpu.memory_space<vmem>>) dst(%dma_wait3A_236 : memref<8x2048xf32, #tpu.memory_space<hbm>>)
      %parallel_loop3A_237 = arith.constant 0 : i32
      %parallel_loop3A_238 = arith.constant 128 : i32
      %parallel_loop3A_239 = arith.constant 1 : i32
      scf.for %parallel_loop3A_254 = %parallel_loop3A_237 to %parallel_loop3A_238 step %parallel_loop3A_239  : i32 {
        %parallel_loop3A_255 = arith.constant 16 : i32
        %parallel_loop3A_256 = arith.muli %parallel_loop3A_254, %parallel_loop3A_255 : i32
        %parallel_loop3A_257 = arith.index_cast %parallel_loop3A_256 : i32 to index
        %parallel_loop3A_258 = tpu.vector_load %arg8[%parallel_loop3A_257] {strides = array<i32>} : memref<2048xi32, #tpu.memory_space<vmem>>, vector<16xi32>,
        %parallel_loop3A_259 = arith.constant 16 : i32
        %parallel_loop3A_260 = arith.muli %parallel_loop3A_254, %parallel_loop3A_259 : i32
        %parallel_loop3A_261 = tpu.vector_load_idx %arg13[%broadcast_in_dim3A_56, %parallel_loop3A_258] : memref<8x4096xf32, #tpu.memory_space<vmem>>[vector<16xi32>, vector<16xi32>], vector<16xf32>,
        %parallel_loop3A_262 = arith.constant 0 : i32
        %parallel_loop3A_263 = arith.index_cast %parallel_loop3A_262 : i32 to index
        %parallel_loop3A_264 = arith.index_cast %parallel_loop3A_260 : i32 to index
        %parallel_loop3A_265 = tpu.vector_load %arg15[%parallel_loop3A_263, %parallel_loop3A_264] {strides = array<i32>} : memref<8x2048xf32, #tpu.memory_space<vmem>>, vector<16xf32>,
        tpu.vector_store %arg15[%parallel_loop3A_263, %parallel_loop3A_264], %parallel_loop3A_261 {strides = array<i32>} : memref<8x2048xf32, #tpu.memory_space<vmem>>, vector<16xf32>,
        %parallel_loop3A_266 = tpu.vector_load_idx %arg13[%broadcast_in_dim3A_58, %parallel_loop3A_258] : memref<8x4096xf32, #tpu.memory_space<vmem>>[vector<16xi32>, vector<16xi32>], vector<16xf32>,
        %parallel_loop3A_267 = arith.constant 1 : i32
        %parallel_loop3A_268 = arith.index_cast %parallel_loop3A_267 : i32 to index
        %parallel_loop3A_269 = arith.index_cast %parallel_loop3A_260 : i32 to index
        %parallel_loop3A_270 = tpu.vector_load %arg15[%parallel_loop3A_268, %parallel_loop3A_269] {strides = array<i32>} : memref<8x2048xf32, #tpu.memory_space<vmem>>, vector<16xf32>,
        tpu.vector_store %arg15[%parallel_loop3A_268, %parallel_loop3A_269], %parallel_loop3A_266 {strides = array<i32>} : memref<8x2048xf32, #tpu.memory_space<vmem>>, vector<16xf32>,
        %parallel_loop3A_271 = tpu.vector_load_idx %arg13[%broadcast_in_dim3A_60, %parallel_loop3A_258] : memref<8x4096xf32, #tpu.memory_space<vmem>>[vector<16xi32>, vector<16xi32>], vector<16xf32>,
        %parallel_loop3A_272 = arith.constant 2 : i32
        %parallel_loop3A_273 = arith.index_cast %parallel_loop3A_272 : i32 to index
        %parallel_loop3A_274 = arith.index_cast %parallel_loop3A_260 : i32 to index
        %parallel_loop3A_275 = tpu.vector_load %arg15[%parallel_loop3A_273, %parallel_loop3A_274] {strides = array<i32>} : memref<8x2048xf32, #tpu.memory_space<vmem>>, vector<16xf32>,
        tpu.vector_store %arg15[%parallel_loop3A_273, %parallel_loop3A_274], %parallel_loop3A_271 {strides = array<i32>} : memref<8x2048xf32, #tpu.memory_space<vmem>>, vector<16xf32>,
        %parallel_loop3A_276 = tpu.vector_load_idx %arg13[%broadcast_in_dim3A_62, %parallel_loop3A_258] : memref<8x4096xf32, #tpu.memory_space<vmem>>[vector<16xi32>, vector<16xi32>], vector<16xf32>,
        %parallel_loop3A_277 = arith.constant 3 : i32
        %parallel_loop3A_278 = arith.index_cast %parallel_loop3A_277 : i32 to index
        %parallel_loop3A_279 = arith.index_cast %parallel_loop3A_260 : i32 to index
        %parallel_loop3A_280 = tpu.vector_load %arg15[%parallel_loop3A_278, %parallel_loop3A_279] {strides = array<i32>} : memref<8x2048xf32, #tpu.memory_space<vmem>>, vector<16xf32>,
        tpu.vector_store %arg15[%parallel_loop3A_278, %parallel_loop3A_279], %parallel_loop3A_276 {strides = array<i32>} : memref<8x2048xf32, #tpu.memory_space<vmem>>, vector<16xf32>,
        %parallel_loop3A_281 = tpu.vector_load_idx %arg13[%broadcast_in_dim3A_64, %parallel_loop3A_258] : memref<8x4096xf32, #tpu.memory_space<vmem>>[vector<16xi32>, vector<16xi32>], vector<16xf32>,
        %parallel_loop3A_282 = arith.constant 4 : i32
        %parallel_loop3A_283 = arith.index_cast %parallel_loop3A_282 : i32 to index
        %parallel_loop3A_284 = arith.index_cast %parallel_loop3A_260 : i32 to index
        %parallel_loop3A_285 = tpu.vector_load %arg15[%parallel_loop3A_283, %parallel_loop3A_284] {strides = array<i32>} : memref<8x2048xf32, #tpu.memory_space<vmem>>, vector<16xf32>,
        tpu.vector_store %arg15[%parallel_loop3A_283, %parallel_loop3A_284], %parallel_loop3A_281 {strides = array<i32>} : memref<8x2048xf32, #tpu.memory_space<vmem>>, vector<16xf32>,
        %parallel_loop3A_286 = tpu.vector_load_idx %arg13[%broadcast_in_dim3A_66, %parallel_loop3A_258] : memref<8x4096xf32, #tpu.memory_space<vmem>>[vector<16xi32>, vector<16xi32>], vector<16xf32>,
        %parallel_loop3A_287 = arith.constant 5 : i32
        %parallel_loop3A_288 = arith.index_cast %parallel_loop3A_287 : i32 to index
        %parallel_loop3A_289 = arith.index_cast %parallel_loop3A_260 : i32 to index
        %parallel_loop3A_290 = tpu.vector_load %arg15[%parallel_loop3A_288, %parallel_loop3A_289] {strides = array<i32>} : memref<8x2048xf32, #tpu.memory_space<vmem>>, vector<16xf32>,
        tpu.vector_store %arg15[%parallel_loop3A_288, %parallel_loop3A_289], %parallel_loop3A_286 {strides = array<i32>} : memref<8x2048xf32, #tpu.memory_space<vmem>>, vector<16xf32>,
        %parallel_loop3A_291 = tpu.vector_load_idx %arg13[%broadcast_in_dim3A_68, %parallel_loop3A_258] : memref<8x4096xf32, #tpu.memory_space<vmem>>[vector<16xi32>, vector<16xi32>], vector<16xf32>,
        %parallel_loop3A_292 = arith.constant 6 : i32
        %parallel_loop3A_293 = arith.index_cast %parallel_loop3A_292 : i32 to index
        %parallel_loop3A_294 = arith.index_cast %parallel_loop3A_260 : i32 to index
        %parallel_loop3A_295 = tpu.vector_load %arg15[%parallel_loop3A_293, %parallel_loop3A_294] {strides = array<i32>} : memref<8x2048xf32, #tpu.memory_space<vmem>>, vector<16xf32>,
        tpu.vector_store %arg15[%parallel_loop3A_293, %parallel_loop3A_294], %parallel_loop3A_291 {strides = array<i32>} : memref<8x2048xf32, #tpu.memory_space<vmem>>, vector<16xf32>,
        %parallel_loop3A_296 = tpu.vector_load_idx %arg13[%broadcast_in_dim3A_70, %parallel_loop3A_258] : memref<8x4096xf32, #tpu.memory_space<vmem>>[vector<16xi32>, vector<16xi32>], vector<16xf32>,
        %parallel_loop3A_297 = arith.constant 7 : i32
        %parallel_loop3A_298 = arith.index_cast %parallel_loop3A_297 : i32 to index
        %parallel_loop3A_299 = arith.index_cast %parallel_loop3A_260 : i32 to index
        %parallel_loop3A_300 = tpu.vector_load %arg15[%parallel_loop3A_298, %parallel_loop3A_299] {strides = array<i32>} : memref<8x2048xf32, #tpu.memory_space<vmem>>, vector<16xf32>,
        tpu.vector_store %arg15[%parallel_loop3A_298, %parallel_loop3A_299], %parallel_loop3A_296 {strides = array<i32>} : memref<8x2048xf32, #tpu.memory_space<vmem>>, vector<16xf32>,
      } {sc.loop_unroll_factor = 4 : i64, sc.parallel_access}
      %add3A_240 = arith.constant 56 : i32
      %add3A_241 = arith.addi %mul3A_2, %add3A_240 : i32
      %dma_start3A_242 = arith.constant 0 : i32
      %dma_start3A_243 = tpu.memref_slice %arg7[%add3A_241, %dma_start3A_242] : memref<2048x2048xf32, #tpu.memory_space<hbm>> -> memref<8x2048xf32, #tpu.memory_space<hbm>>
      %dma_start3A_244 = arith.constant 0 : i32
      %dma_start3A_245 = tpu.memref_slice %arg7[%add3A_241, %dma_start3A_244] : memref<2048x2048xf32, #tpu.memory_space<hbm>> -> memref<8x2048xf32, #tpu.memory_space<hbm>>
      tpu.enqueue_dma source(%arg15 : memref<8x2048xf32, #tpu.memory_space<vmem>>) target(%dma_start3A_245 : memref<8x2048xf32, #tpu.memory_space<hbm>>) target_semaphore(%arg20 : memref<!tpu.dma_semaphore, #tpu.memory_space<semaphore_mem>>)
      %dma_wait3A_246 = arith.constant 0 : i32
      %dma_wait3A_247 = tpu.memref_slice %arg7[%add3A_223, %dma_wait3A_246] : memref<2048x2048xf32, #tpu.memory_space<hbm>> -> memref<8x2048xf32, #tpu.memory_space<hbm>>
      %dma_wait3A_248 = arith.constant 0 : i32
      %dma_wait3A_249 = tpu.memref_slice %arg7[%add3A_223, %dma_wait3A_248] : memref<2048x2048xf32, #tpu.memory_space<hbm>> -> memref<8x2048xf32, #tpu.memory_space<hbm>>
      tpu.wait_dma2 semaphore(%arg19 : memref<!tpu.dma_semaphore, #tpu.memory_space<semaphore_mem>>) src(%arg14 : memref<8x2048xf32, #tpu.memory_space<vmem>>) dst(%dma_wait3A_249 : memref<8x2048xf32, #tpu.memory_space<hbm>>)
      %dma_wait3A_250 = arith.constant 0 : i32
      %dma_wait3A_251 = tpu.memref_slice %arg7[%add3A_241, %dma_wait3A_250] : memref<2048x2048xf32, #tpu.memory_space<hbm>> -> memref<8x2048xf32, #tpu.memory_space<hbm>>
      %dma_wait3A_252 = arith.constant 0 : i32
      %dma_wait3A_253 = tpu.memref_slice %arg7[%add3A_241, %dma_wait3A_252] : memref<2048x2048xf32, #tpu.memory_space<hbm>> -> memref<8x2048xf32, #tpu.memory_space<hbm>>
      tpu.wait_dma2 semaphore(%arg20 : memref<!tpu.dma_semaphore, #tpu.memory_space<semaphore_mem>>) src(%arg15 : memref<8x2048xf32, #tpu.memory_space<vmem>>) dst(%dma_wait3A_253 : memref<8x2048xf32, #tpu.memory_space<hbm>>)
    } else {
    }
    return
  }
}

module attributes {stable_mosaic.version = 14 : i64} {
  func.func @_tc_body(%arg0: i32, %arg1: memref<4096x128xf32, #tpu.memory_space<vmem>>, %arg2: memref<128x128xf32, #tpu.memory_space<vmem>>, %arg3: memref<1x128xf32, #tpu.memory_space<vmem>>, %arg4: memref<128x128xf32, #tpu.memory_space<vmem>>, %arg5: memref<1x128xf32, #tpu.memory_space<vmem>>, %arg6: memref<128x1xf32, #tpu.memory_space<vmem>>, %arg7: memref<1x1xf32, #tpu.memory_space<vmem>>, %arg8: memref<512x4096xf32, #tpu.memory_space<vmem>>, %arg9: memref<512x128xf32, #tpu.memory_space<vmem>>, %arg10: memref<512xi32, #tpu.memory_space<vmem>>, %arg11: memref<512xf32, #tpu.memory_space<vmem>>, %arg12: memref<2048x4096xf32, #tpu.memory_space<vmem>>, %arg13: memref<4096x128xf32, #tpu.memory_space<vmem>>, %arg14: memref<4096x128xf32, #tpu.memory_space<vmem>>, %arg15: memref<8x4096xf32, #tpu.memory_space<vmem>>, %arg16: memref<1x4096xf32, #tpu.memory_space<vmem>>, %arg17: memref<1x4096xi32, #tpu.memory_space<vmem>>) attributes {dimension_semantics = [#tpu.dimension_semantics<arbitrary>], iteration_bounds = array<i64: 36>, scalar_prefetch = 0 : i64, scratch_operands = 6 : i64, tpu.core_type = #tpu.core_type<tc>, window_params = [{pipeline_mode = #tpu.pipeline_mode<synchronous>, transform_indices = @transform_0, window_bounds = array<i64: 4096, 128>}, {pipeline_mode = #tpu.pipeline_mode<synchronous>, transform_indices = @transform_1, window_bounds = array<i64: 128, 128>}, {pipeline_mode = #tpu.pipeline_mode<synchronous>, transform_indices = @transform_2, window_bounds = array<i64: 1, 128>}, {pipeline_mode = #tpu.pipeline_mode<synchronous>, transform_indices = @transform_3, window_bounds = array<i64: 128, 128>}, {pipeline_mode = #tpu.pipeline_mode<synchronous>, transform_indices = @transform_4, window_bounds = array<i64: 1, 128>}, {pipeline_mode = #tpu.pipeline_mode<synchronous>, transform_indices = @transform_5, window_bounds = array<i64: 128, 1>}, {pipeline_mode = #tpu.pipeline_mode<synchronous>, transform_indices = @transform_6, window_bounds = array<i64: 1, 1>}, {transform_indices = @transform_7, window_bounds = array<i64: 512, 4096>}, {transform_indices = @transform_8, window_bounds = array<i64: 512, 128>}, {transform_indices = @transform_9, window_bounds = array<i64: 512>}, {transform_indices = @transform_10, window_bounds = array<i64: 512>}]} {
    %eq3A = arith.constant 0 : i32
    %eq3A_0 = arith.cmpi eq, %arg0, %eq3A : i32
    %convert_element_type3A = arith.extui %eq3A_0 : i1 to i32
    %cond3A = arith.constant 0 : i32
    %cond3A_1 = arith.cmpi ne, %convert_element_type3A, %cond3A : i32
    scf.if %cond3A_1 {
      %get3A = arith.constant 0 : index
      %get3A_33 = arith.constant 0 : index
      %get3A_34 = vector.load %arg1[%get3A, %get3A_33] : memref<4096x128xf32, #tpu.memory_space<vmem>>, vector<4096x128xf32>
      %get3A_35 = arith.constant 0 : index
      %get3A_36 = arith.constant 0 : index
      %get3A_37 = vector.load %arg2[%get3A_35, %get3A_36] : memref<128x128xf32, #tpu.memory_space<vmem>>, vector<128x128xf32>
      %dot_general3A = arith.constant dense<0.000000e+00> : vector<4096x128xf32>
      %dot_general3A_38 = tpu.matmul %get3A_34, %get3A_37, %dot_general3A {dimension_numbers = #tpu.dot_dimension_numbers<[1], [0], [0], [1], [0, 0, 1, 1], [], []>, transpose_lhs_hint = false} : vector<4096x128xf32>, vector<128x128xf32>, vector<4096x128xf32> -> vector<4096x128xf32>
      %swap3A = arith.constant 0 : index
      %swap3A_39 = arith.constant 0 : index
      %swap3A_40 = vector.load %arg13[%swap3A, %swap3A_39] : memref<4096x128xf32, #tpu.memory_space<vmem>>, vector<4096x128xf32>
      tpu.vector_store %arg13[%swap3A, %swap3A_39], %dot_general3A_38 {strides = array<i32>} : memref<4096x128xf32, #tpu.memory_space<vmem>>, vector<4096x128xf32>,
    } else {
    }
    %lt3A = arith.constant 8 : i32
    %lt3A_2 = arith.cmpi slt, %arg0, %lt3A : i32
    %convert_element_type3A_3 = arith.extui %lt3A_2 : i1 to i32
    %cond3A_4 = arith.constant 0 : i32
    %cond3A_5 = arith.cmpi ne, %convert_element_type3A_3, %cond3A_4 : i32
    scf.if %cond3A_5 {
      %get3A = arith.constant 0 : index
      %get3A_33 = arith.constant 0 : index
      %get3A_34 = vector.load %arg8[%get3A, %get3A_33] : memref<512x4096xf32, #tpu.memory_space<vmem>>, vector<512x4096xf32>
      %get3A_35 = arith.constant 0 : index
      %get3A_36 = arith.constant 0 : index
      %get3A_37 = vector.load %arg13[%get3A_35, %get3A_36] : memref<4096x128xf32, #tpu.memory_space<vmem>>, vector<4096x128xf32>
      %dot_general3A = arith.constant dense<0.000000e+00> : vector<512x128xf32>
      %dot_general3A_38 = tpu.matmul %get3A_34, %get3A_37, %dot_general3A {dimension_numbers = #tpu.dot_dimension_numbers<[1], [0], [0], [1], [0, 0, 1, 1], [], []>, transpose_lhs_hint = false} : vector<512x4096xf32>, vector<4096x128xf32>, vector<512x128xf32> -> vector<512x128xf32>
      %get3A_39 = arith.constant 0 : index
      %get3A_40 = arith.constant 0 : index
      %get3A_41 = vector.load %arg3[%get3A_39, %get3A_40] : memref<1x128xf32, #tpu.memory_space<vmem>>, vector<1x128xf32>
      %add3A = vector.broadcast %get3A_41 : vector<1x128xf32> to vector<512x128xf32>
      %add3A_42 = arith.addf %dot_general3A_38, %add3A : vector<512x128xf32>
      %max3A = arith.constant 0.000000e+00 : f32
      %max3A_43 = vector.broadcast %max3A : f32 to vector<512x128xf32>
      %max3A_44 = arith.maximumf %add3A_42, %max3A_43 : vector<512x128xf32>
      %get3A_45 = arith.constant 0 : index
      %get3A_46 = arith.constant 0 : index
      %get3A_47 = vector.load %arg4[%get3A_45, %get3A_46] : memref<128x128xf32, #tpu.memory_space<vmem>>, vector<128x128xf32>
      %dot_general3A_48 = arith.constant dense<0.000000e+00> : vector<512x128xf32>
      %dot_general3A_49 = tpu.matmul %max3A_44, %get3A_47, %dot_general3A_48 {dimension_numbers = #tpu.dot_dimension_numbers<[1], [0], [0], [1], [0, 0, 1, 1], [], []>, transpose_lhs_hint = false} : vector<512x128xf32>, vector<128x128xf32>, vector<512x128xf32> -> vector<512x128xf32>
      %mul3A = arith.constant 512 : i32
      %mul3A_50 = arith.muli %arg0, %mul3A : i32
      %swap3A = arith.index_cast %mul3A_50 : i32 to index
      %swap3A_51 = arith.constant 0 : index
      %swap3A_52 = vector.load %arg14[%swap3A, %swap3A_51] : memref<4096x128xf32, #tpu.memory_space<vmem>>, vector<512x128xf32>
      tpu.vector_store %arg14[%swap3A, %swap3A_51], %dot_general3A_49 {strides = array<i32>} : memref<4096x128xf32, #tpu.memory_space<vmem>>, vector<512x128xf32>,
      %lt3A_53 = arith.constant 4 : i32
      %lt3A_54 = arith.cmpi slt, %arg0, %lt3A_53 : i32
      %convert_element_type3A_55 = arith.extui %lt3A_54 : i1 to i32
      %cond3A_56 = arith.constant 0 : i32
      %cond3A_57 = arith.cmpi ne, %convert_element_type3A_55, %cond3A_56 : i32
      scf.if %cond3A_57 {
        %mul3A_58 = arith.constant 512 : i32
        %mul3A_59 = arith.muli %arg0, %mul3A_58 : i32
        %swap3A_60 = arith.index_cast %mul3A_59 : i32 to index
        %swap3A_61 = arith.constant 0 : index
        %swap3A_62 = vector.load %arg12[%swap3A_60, %swap3A_61] : memref<2048x4096xf32, #tpu.memory_space<vmem>>, vector<512x4096xf32>
        tpu.vector_store %arg12[%swap3A_60, %swap3A_61], %get3A_34 {strides = array<i32>} : memref<2048x4096xf32, #tpu.memory_space<vmem>>, vector<512x4096xf32>,
      } else {
      }
    } else {
    }
    %ge3A = arith.constant 8 : i32
    %ge3A_6 = arith.cmpi sge, %arg0, %ge3A : i32
    %lt3A_7 = arith.constant 16 : i32
    %lt3A_8 = arith.cmpi slt, %arg0, %lt3A_7 : i32
    %and3A = arith.andi %ge3A_6, %lt3A_8 : i1
    %convert_element_type3A_9 = arith.extui %and3A : i1 to i32
    %cond3A_10 = arith.constant 0 : i32
    %cond3A_11 = arith.cmpi ne, %convert_element_type3A_9, %cond3A_10 : i32
    scf.if %cond3A_11 {
      %sub3A = arith.constant 8 : i32
      %sub3A_33 = arith.subi %arg0, %sub3A : i32
      %eq3A_34 = arith.constant 0 : i32
      %eq3A_35 = arith.cmpi eq, %sub3A_33, %eq3A_34 : i32
      %lt3A_36 = arith.constant 4 : i32
      %lt3A_37 = arith.cmpi slt, %sub3A_33, %lt3A_36 : i32
      %add3A = arith.constant 3 : i32
      %add3A_38 = arith.addi %sub3A_33, %add3A : i32
      %sub3A_39 = arith.constant 4 : i32
      %sub3A_40 = arith.subi %sub3A_33, %sub3A_39 : i32
      %select_n3A = arith.select %lt3A_37, %add3A_38, %sub3A_40 : i32
      %jit3A = arith.constant 7 : i32
      %select_n3A_41 = arith.select %eq3A_35, %jit3A, %select_n3A : i32
      %lt3A_42 = arith.constant 4 : i32
      %lt3A_43 = arith.cmpi slt, %select_n3A_41, %lt3A_42 : i32
      %convert_element_type3A_44 = arith.extui %lt3A_43 : i1 to i32
      %cond3A_45 = arith.constant 0 : i32
      %cond3A_46 = arith.cmpi ne, %convert_element_type3A_44, %cond3A_45 : i32
      scf.if %cond3A_46 {
        %mul3A = arith.constant 512 : i32
        %mul3A_52 = arith.muli %select_n3A_41, %mul3A : i32
        %get3A = arith.index_cast %mul3A_52 : i32 to index
        %get3A_53 = arith.constant 0 : index
        %get3A_54 = vector.load %arg12[%get3A, %get3A_53] : memref<2048x4096xf32, #tpu.memory_space<vmem>>, vector<512x4096xf32>
        %get3A_55 = arith.constant 0 : index
        %get3A_56 = arith.constant 0 : index
        %get3A_57 = vector.load %arg14[%get3A_55, %get3A_56] : memref<4096x128xf32, #tpu.memory_space<vmem>>, vector<4096x128xf32>
        %dot_general3A = arith.constant dense<0.000000e+00> : vector<512x128xf32>
        %dot_general3A_58 = tpu.matmul %get3A_54, %get3A_57, %dot_general3A {dimension_numbers = #tpu.dot_dimension_numbers<[1], [0], [0], [1], [0, 0, 1, 1], [], []>, transpose_lhs_hint = false} : vector<512x4096xf32>, vector<4096x128xf32>, vector<512x128xf32> -> vector<512x128xf32>
        %get3A_59 = arith.constant 0 : index
        %get3A_60 = arith.constant 0 : index
        %get3A_61 = vector.load %arg5[%get3A_59, %get3A_60] : memref<1x128xf32, #tpu.memory_space<vmem>>, vector<1x128xf32>
        %add3A_62 = vector.broadcast %get3A_61 : vector<1x128xf32> to vector<512x128xf32>
        %add3A_63 = arith.addf %dot_general3A_58, %add3A_62 : vector<512x128xf32>
        %swap3A = arith.constant 0 : index
        %swap3A_64 = arith.constant 0 : index
        %swap3A_65 = vector.load %arg9[%swap3A, %swap3A_64] : memref<512x128xf32, #tpu.memory_space<vmem>>, vector<512x128xf32>
        tpu.vector_store %arg9[%swap3A, %swap3A_64], %add3A_63 {strides = array<i32>} : memref<512x128xf32, #tpu.memory_space<vmem>>, vector<512x128xf32>,
        %get3A_66 = arith.constant 0 : index
        %get3A_67 = arith.constant 0 : index
        %get3A_68 = vector.load %arg6[%get3A_66, %get3A_67] : memref<128x1xf32, #tpu.memory_space<vmem>>, vector<128x1xf32>
        %dot_general3A_69 = arith.constant dense<0.000000e+00> : vector<512x1xf32>
        %dot_general3A_70 = tpu.matmul %add3A_63, %get3A_68, %dot_general3A_69 {dimension_numbers = #tpu.dot_dimension_numbers<[1], [0], [0], [1], [0, 0, 1, 1], [], []>, transpose_lhs_hint = false} : vector<512x128xf32>, vector<128x1xf32>, vector<512x1xf32> -> vector<512x1xf32>
        %transpose3A = tpu.transpose %dot_general3A_70, [1, 0] : vector<512x1xf32> -> vector<1x512xf32>
        %broadcast_in_dim3A = vector.shape_cast %transpose3A : vector<1x512xf32> to vector<1x512xf32>
        %broadcast_in_dim3A_71 = vector.broadcast %broadcast_in_dim3A : vector<1x512xf32> to vector<8x512xf32>
        %mul3A_72 = arith.constant 512 : i32
        %mul3A_73 = arith.muli %select_n3A_41, %mul3A_72 : i32
        %swap3A_74 = arith.constant 0 : index
        %swap3A_75 = arith.index_cast %mul3A_73 : i32 to index
        %swap3A_76 = vector.load %arg15[%swap3A_74, %swap3A_75] : memref<8x4096xf32, #tpu.memory_space<vmem>>, vector<8x512xf32>
        tpu.vector_store %arg15[%swap3A_74, %swap3A_75], %broadcast_in_dim3A_71 {strides = array<i32>} : memref<8x4096xf32, #tpu.memory_space<vmem>>, vector<8x512xf32>,
      } else {
      }
      %ge3A_47 = arith.constant 4 : i32
      %ge3A_48 = arith.cmpi sge, %select_n3A_41, %ge3A_47 : i32
      %convert_element_type3A_49 = arith.extui %ge3A_48 : i1 to i32
      %cond3A_50 = arith.constant 0 : i32
      %cond3A_51 = arith.cmpi ne, %convert_element_type3A_49, %cond3A_50 : i32
      scf.if %cond3A_51 {
        %get3A = arith.constant 0 : index
        %get3A_52 = arith.constant 0 : index
        %get3A_53 = vector.load %arg8[%get3A, %get3A_52] : memref<512x4096xf32, #tpu.memory_space<vmem>>, vector<512x4096xf32>
        %get3A_54 = arith.constant 0 : index
        %get3A_55 = arith.constant 0 : index
        %get3A_56 = vector.load %arg14[%get3A_54, %get3A_55] : memref<4096x128xf32, #tpu.memory_space<vmem>>, vector<4096x128xf32>
        %dot_general3A = arith.constant dense<0.000000e+00> : vector<512x128xf32>
        %dot_general3A_57 = tpu.matmul %get3A_53, %get3A_56, %dot_general3A {dimension_numbers = #tpu.dot_dimension_numbers<[1], [0], [0], [1], [0, 0, 1, 1], [], []>, transpose_lhs_hint = false} : vector<512x4096xf32>, vector<4096x128xf32>, vector<512x128xf32> -> vector<512x128xf32>
        %get3A_58 = arith.constant 0 : index
        %get3A_59 = arith.constant 0 : index
        %get3A_60 = vector.load %arg5[%get3A_58, %get3A_59] : memref<1x128xf32, #tpu.memory_space<vmem>>, vector<1x128xf32>
        %add3A_61 = vector.broadcast %get3A_60 : vector<1x128xf32> to vector<512x128xf32>
        %add3A_62 = arith.addf %dot_general3A_57, %add3A_61 : vector<512x128xf32>
        %swap3A = arith.constant 0 : index
        %swap3A_63 = arith.constant 0 : index
        %swap3A_64 = vector.load %arg9[%swap3A, %swap3A_63] : memref<512x128xf32, #tpu.memory_space<vmem>>, vector<512x128xf32>
        tpu.vector_store %arg9[%swap3A, %swap3A_63], %add3A_62 {strides = array<i32>} : memref<512x128xf32, #tpu.memory_space<vmem>>, vector<512x128xf32>,
        %get3A_65 = arith.constant 0 : index
        %get3A_66 = arith.constant 0 : index
        %get3A_67 = vector.load %arg6[%get3A_65, %get3A_66] : memref<128x1xf32, #tpu.memory_space<vmem>>, vector<128x1xf32>
        %dot_general3A_68 = arith.constant dense<0.000000e+00> : vector<512x1xf32>
        %dot_general3A_69 = tpu.matmul %add3A_62, %get3A_67, %dot_general3A_68 {dimension_numbers = #tpu.dot_dimension_numbers<[1], [0], [0], [1], [0, 0, 1, 1], [], []>, transpose_lhs_hint = false} : vector<512x128xf32>, vector<128x1xf32>, vector<512x1xf32> -> vector<512x1xf32>
        %transpose3A = tpu.transpose %dot_general3A_69, [1, 0] : vector<512x1xf32> -> vector<1x512xf32>
        %broadcast_in_dim3A = vector.shape_cast %transpose3A : vector<1x512xf32> to vector<1x512xf32>
        %broadcast_in_dim3A_70 = vector.broadcast %broadcast_in_dim3A : vector<1x512xf32> to vector<8x512xf32>
        %mul3A = arith.constant 512 : i32
        %mul3A_71 = arith.muli %select_n3A_41, %mul3A : i32
        %swap3A_72 = arith.constant 0 : index
        %swap3A_73 = arith.index_cast %mul3A_71 : i32 to index
        %swap3A_74 = vector.load %arg15[%swap3A_72, %swap3A_73] : memref<8x4096xf32, #tpu.memory_space<vmem>>, vector<8x512xf32>
        tpu.vector_store %arg15[%swap3A_72, %swap3A_73], %broadcast_in_dim3A_70 {strides = array<i32>} : memref<8x4096xf32, #tpu.memory_space<vmem>>, vector<8x512xf32>,
      } else {
      }
    } else {
    }
    %ge3A_12 = arith.constant 16 : i32
    %ge3A_13 = arith.cmpi sge, %arg0, %ge3A_12 : i32
    %lt3A_14 = arith.constant 24 : i32
    %lt3A_15 = arith.cmpi slt, %arg0, %lt3A_14 : i32
    %and3A_16 = arith.andi %ge3A_13, %lt3A_15 : i1
    %convert_element_type3A_17 = arith.extui %and3A_16 : i1 to i32
    %cond3A_18 = arith.constant 0 : i32
    %cond3A_19 = arith.cmpi ne, %convert_element_type3A_17, %cond3A_18 : i32
    scf.if %cond3A_19 {
      %sub3A = arith.constant 16 : i32
      %sub3A_33 = arith.subi %arg0, %sub3A : i32
      %eq3A_34 = arith.constant 0 : i32
      %eq3A_35 = arith.cmpi eq, %sub3A_33, %eq3A_34 : i32
      %lt3A_36 = arith.constant 4 : i32
      %lt3A_37 = arith.cmpi slt, %sub3A_33, %lt3A_36 : i32
      %add3A = arith.constant 3 : i32
      %add3A_38 = arith.addi %sub3A_33, %add3A : i32
      %sub3A_39 = arith.constant 4 : i32
      %sub3A_40 = arith.subi %sub3A_33, %sub3A_39 : i32
      %select_n3A = arith.select %lt3A_37, %add3A_38, %sub3A_40 : i32
      %jit3A = arith.constant 7 : i32
      %select_n3A_41 = arith.select %eq3A_35, %jit3A, %select_n3A : i32
      %lt3A_42 = arith.constant 4 : i32
      %lt3A_43 = arith.cmpi slt, %select_n3A_41, %lt3A_42 : i32
      %convert_element_type3A_44 = arith.extui %lt3A_43 : i1 to i32
      %cond3A_45 = arith.constant 0 : i32
      %cond3A_46 = arith.cmpi ne, %convert_element_type3A_44, %cond3A_45 : i32
      scf.if %cond3A_46 {
        %mul3A = arith.constant 512 : i32
        %mul3A_52 = arith.muli %select_n3A_41, %mul3A : i32
        %get3A = arith.index_cast %mul3A_52 : i32 to index
        %get3A_53 = arith.constant 0 : index
        %get3A_54 = vector.load %arg12[%get3A, %get3A_53] : memref<2048x4096xf32, #tpu.memory_space<vmem>>, vector<512x4096xf32>
        %get3A_55 = arith.constant 0 : index
        %get3A_56 = arith.constant 0 : index
        %get3A_57 = vector.load %arg15[%get3A_55, %get3A_56] : memref<8x4096xf32, #tpu.memory_space<vmem>>, vector<8x4096xf32>
        %dot_general3A = arith.constant dense<0.000000e+00> : vector<512x8xf32>
        %dot_general3A_58 = tpu.matmul %get3A_54, %get3A_57, %dot_general3A {dimension_numbers = #tpu.dot_dimension_numbers<[1], [1], [0], [0], [0, 0, 1, 0], [], []>, transpose_lhs_hint = false} : vector<512x4096xf32>, vector<8x4096xf32>, vector<512x8xf32> -> vector<512x8xf32>
        %slice3A = vector.extract_strided_slice %dot_general3A_58 {offsets = [0, 0], sizes = [512, 1], strides = [1, 1]} : vector<512x8xf32> to vector<512x1xf32>
        %get3A_59 = arith.constant 0 : index
        %get3A_60 = arith.constant 0 : index
        %get3A_61 = vector.load %arg7[%get3A_59, %get3A_60] : memref<1x1xf32, #tpu.memory_space<vmem>>, vector<1x1xf32>
        %add3A_62 = vector.broadcast %get3A_61 : vector<1x1xf32> to vector<512x1xf32>
        %add3A_63 = arith.addf %slice3A, %add3A_62 : vector<512x1xf32>
        %neg3A = arith.constant 0.000000e+00 : f32
        %neg3A_64 = vector.broadcast %neg3A : f32 to vector<512x1xf32>
        %neg3A_65 = arith.subf %neg3A_64, %add3A_63 : vector<512x1xf32>
        %exp3A = math.exp %neg3A_65 : vector<512x1xf32>
        %add3A_66 = arith.constant 1.000000e+00 : f32
        %add3A_67 = vector.broadcast %add3A_66 : f32 to vector<512x1xf32>
        %add3A_68 = arith.addf %add3A_67, %exp3A : vector<512x1xf32>
        %div3A = arith.constant 1.000000e+00 : f32
        %div3A_69 = vector.broadcast %div3A : f32 to vector<512x1xf32>
        %div3A_70 = arith.divf %div3A_69, %add3A_68 : vector<512x1xf32>
        %transpose3A = tpu.transpose %div3A_70, [1, 0] : vector<512x1xf32> -> vector<1x512xf32>
        %mul3A_71 = arith.constant 512 : i32
        %mul3A_72 = arith.muli %select_n3A_41, %mul3A_71 : i32
        %swap3A = arith.constant 0 : index
        %swap3A_73 = arith.index_cast %mul3A_72 : i32 to index
        %swap3A_74 = vector.load %arg16[%swap3A, %swap3A_73] : memref<1x4096xf32, #tpu.memory_space<vmem>>, vector<1x512xf32>
        tpu.vector_store %arg16[%swap3A, %swap3A_73], %transpose3A {strides = array<i32>} : memref<1x4096xf32, #tpu.memory_space<vmem>>, vector<1x512xf32>,
      } else {
      }
      %ge3A_47 = arith.constant 4 : i32
      %ge3A_48 = arith.cmpi sge, %select_n3A_41, %ge3A_47 : i32
      %convert_element_type3A_49 = arith.extui %ge3A_48 : i1 to i32
      %cond3A_50 = arith.constant 0 : i32
      %cond3A_51 = arith.cmpi ne, %convert_element_type3A_49, %cond3A_50 : i32
      scf.if %cond3A_51 {
        %get3A = arith.constant 0 : index
        %get3A_52 = arith.constant 0 : index
        %get3A_53 = vector.load %arg8[%get3A, %get3A_52] : memref<512x4096xf32, #tpu.memory_space<vmem>>, vector<512x4096xf32>
        %get3A_54 = arith.constant 0 : index
        %get3A_55 = arith.constant 0 : index
        %get3A_56 = vector.load %arg15[%get3A_54, %get3A_55] : memref<8x4096xf32, #tpu.memory_space<vmem>>, vector<8x4096xf32>
        %dot_general3A = arith.constant dense<0.000000e+00> : vector<512x8xf32>
        %dot_general3A_57 = tpu.matmul %get3A_53, %get3A_56, %dot_general3A {dimension_numbers = #tpu.dot_dimension_numbers<[1], [1], [0], [0], [0, 0, 1, 0], [], []>, transpose_lhs_hint = false} : vector<512x4096xf32>, vector<8x4096xf32>, vector<512x8xf32> -> vector<512x8xf32>
        %slice3A = vector.extract_strided_slice %dot_general3A_57 {offsets = [0, 0], sizes = [512, 1], strides = [1, 1]} : vector<512x8xf32> to vector<512x1xf32>
        %get3A_58 = arith.constant 0 : index
        %get3A_59 = arith.constant 0 : index
        %get3A_60 = vector.load %arg7[%get3A_58, %get3A_59] : memref<1x1xf32, #tpu.memory_space<vmem>>, vector<1x1xf32>
        %add3A_61 = vector.broadcast %get3A_60 : vector<1x1xf32> to vector<512x1xf32>
        %add3A_62 = arith.addf %slice3A, %add3A_61 : vector<512x1xf32>
        %neg3A = arith.constant 0.000000e+00 : f32
        %neg3A_63 = vector.broadcast %neg3A : f32 to vector<512x1xf32>
        %neg3A_64 = arith.subf %neg3A_63, %add3A_62 : vector<512x1xf32>
        %exp3A = math.exp %neg3A_64 : vector<512x1xf32>
        %add3A_65 = arith.constant 1.000000e+00 : f32
        %add3A_66 = vector.broadcast %add3A_65 : f32 to vector<512x1xf32>
        %add3A_67 = arith.addf %add3A_66, %exp3A : vector<512x1xf32>
        %div3A = arith.constant 1.000000e+00 : f32
        %div3A_68 = vector.broadcast %div3A : f32 to vector<512x1xf32>
        %div3A_69 = arith.divf %div3A_68, %add3A_67 : vector<512x1xf32>
        %transpose3A = tpu.transpose %div3A_69, [1, 0] : vector<512x1xf32> -> vector<1x512xf32>
        %mul3A = arith.constant 512 : i32
        %mul3A_70 = arith.muli %select_n3A_41, %mul3A : i32
        %swap3A = arith.constant 0 : index
        %swap3A_71 = arith.index_cast %mul3A_70 : i32 to index
        %swap3A_72 = vector.load %arg16[%swap3A, %swap3A_71] : memref<1x4096xf32, #tpu.memory_space<vmem>>, vector<1x512xf32>
        tpu.vector_store %arg16[%swap3A, %swap3A_71], %transpose3A {strides = array<i32>} : memref<1x4096xf32, #tpu.memory_space<vmem>>, vector<1x512xf32>,
      } else {
      }
    } else {
    }
    %ge3A_20 = arith.constant 24 : i32
    %ge3A_21 = arith.cmpi sge, %arg0, %ge3A_20 : i32
    %lt3A_22 = arith.constant 32 : i32
    %lt3A_23 = arith.cmpi slt, %arg0, %lt3A_22 : i32
    %and3A_24 = arith.andi %ge3A_21, %lt3A_23 : i1
    %convert_element_type3A_25 = arith.extui %and3A_24 : i1 to i32
    %cond3A_26 = arith.constant 0 : i32
    %cond3A_27 = arith.cmpi ne, %convert_element_type3A_25, %cond3A_26 : i32
    scf.if %cond3A_27 {
      %sub3A = arith.constant 24 : i32
      %sub3A_33 = arith.subi %arg0, %sub3A : i32
      %get3A = arith.constant 0 : index
      %get3A_34 = arith.constant 0 : index
      %get3A_35 = vector.load %arg16[%get3A, %get3A_34] : memref<1x4096xf32, #tpu.memory_space<vmem>>, vector<1x4096xf32>
      %mul3A = arith.constant 512 : i32
      %mul3A_36 = arith.muli %sub3A_33, %mul3A : i32
      %get3A_37 = arith.constant 0 : index
      %get3A_38 = arith.index_cast %mul3A_36 : i32 to index
      %get3A_39 = vector.load %arg16[%get3A_37, %get3A_38] : memref<1x4096xf32, #tpu.memory_space<vmem>>, vector<1x512xf32>
      %transpose3A = tpu.transpose %get3A_39, [1, 0] : vector<1x512xf32> -> vector<512x1xf32>
      %mul3A_40 = arith.constant 512 : i32
      %mul3A_41 = arith.muli %sub3A_33, %mul3A_40 : i32
      %iota3A = tpu.iota {dimensions = array<i32: 0>} : vector<512x1xi32>
      %add3A = vector.broadcast %mul3A_41 : i32 to vector<512x1xi32>
      %add3A_42 = arith.addi %add3A, %iota3A : vector<512x1xi32>
      %iota3A_43 = tpu.iota {dimensions = array<i32: 1>} : vector<512x4096xi32>
      %gt3A = vector.broadcast %transpose3A : vector<512x1xf32> to vector<512x4096xf32>
      %gt3A_44 = vector.broadcast %get3A_35 : vector<1x4096xf32> to vector<512x4096xf32>
      %gt3A_45 = arith.cmpf ogt, %gt3A, %gt3A_44 : vector<512x4096xf32>
      %eq3A_46 = vector.broadcast %transpose3A : vector<512x1xf32> to vector<512x4096xf32>
      %eq3A_47 = vector.broadcast %get3A_35 : vector<1x4096xf32> to vector<512x4096xf32>
      %eq3A_48 = arith.cmpf oeq, %eq3A_46, %eq3A_47 : vector<512x4096xf32>
      %lt3A_49 = vector.broadcast %add3A_42 : vector<512x1xi32> to vector<512x4096xi32>
      %lt3A_50 = arith.cmpi slt, %lt3A_49, %iota3A_43 : vector<512x4096xi32>
      %and3A_51 = arith.andi %eq3A_48, %lt3A_50 : vector<512x4096xi1>
      %or3A = arith.ori %gt3A_45, %and3A_51 : vector<512x4096xi1>
      %convert_element_type3A_52 = arith.extui %or3A : vector<512x4096xi1> to vector<512x4096xi32>
      %reduce_sum3A = arith.constant dense<0> : vector<4096xi32>
      %reduce_sum3A_53 = vector.multi_reduction <add>, %convert_element_type3A_52, %reduce_sum3A [0] : vector<512x4096xi32> to vector<4096xi32>
      %broadcast_in_dim3A = vector.shape_cast %reduce_sum3A_53 : vector<4096xi32> to vector<1x4096xi32>
      %eq3A_54 = arith.constant 0 : i32
      %eq3A_55 = arith.cmpi eq, %sub3A_33, %eq3A_54 : i32
      %convert_element_type3A_56 = arith.extui %eq3A_55 : i1 to i32
      %cond3A_57 = arith.constant 0 : i32
      %cond3A_58 = arith.cmpi ne, %convert_element_type3A_56, %cond3A_57 : i32
      scf.if %cond3A_58 {
        %swap3A = arith.constant 0 : index
        %swap3A_64 = arith.constant 0 : index
        %swap3A_65 = vector.load %arg17[%swap3A, %swap3A_64] : memref<1x4096xi32, #tpu.memory_space<vmem>>, vector<1x4096xi32>
        tpu.vector_store %arg17[%swap3A, %swap3A_64], %broadcast_in_dim3A {strides = array<i32>} : memref<1x4096xi32, #tpu.memory_space<vmem>>, vector<1x4096xi32>,
      } else {
      }
      %gt3A_59 = arith.constant 0 : i32
      %gt3A_60 = arith.cmpi sgt, %sub3A_33, %gt3A_59 : i32
      %convert_element_type3A_61 = arith.extui %gt3A_60 : i1 to i32
      %cond3A_62 = arith.constant 0 : i32
      %cond3A_63 = arith.cmpi ne, %convert_element_type3A_61, %cond3A_62 : i32
      scf.if %cond3A_63 {
        %get3A_64 = arith.constant 0 : index
        %get3A_65 = arith.constant 0 : index
        %get3A_66 = vector.load %arg17[%get3A_64, %get3A_65] : memref<1x4096xi32, #tpu.memory_space<vmem>>, vector<1x4096xi32>
        %add3A_67 = arith.addi %get3A_66, %broadcast_in_dim3A : vector<1x4096xi32>
        %swap3A = arith.constant 0 : index
        %swap3A_68 = arith.constant 0 : index
        %swap3A_69 = vector.load %arg17[%swap3A, %swap3A_68] : memref<1x4096xi32, #tpu.memory_space<vmem>>, vector<1x4096xi32>
        tpu.vector_store %arg17[%swap3A, %swap3A_68], %add3A_67 {strides = array<i32>} : memref<1x4096xi32, #tpu.memory_space<vmem>>, vector<1x4096xi32>,
      } else {
      }
    } else {
    }
    %ge3A_28 = arith.constant 32 : i32
    %ge3A_29 = arith.cmpi sge, %arg0, %ge3A_28 : i32
    %convert_element_type3A_30 = arith.extui %ge3A_29 : i1 to i32
    %cond3A_31 = arith.constant 0 : i32
    %cond3A_32 = arith.cmpi ne, %convert_element_type3A_30, %cond3A_31 : i32
    scf.if %cond3A_32 {
      %get3A = arith.constant 0 : index
      %get3A_33 = arith.constant 0 : index
      %get3A_34 = vector.load %arg16[%get3A, %get3A_33] : memref<1x4096xf32, #tpu.memory_space<vmem>>, vector<1x4096xf32>
      %get3A_35 = arith.constant 0 : index
      %get3A_36 = arith.constant 0 : index
      %get3A_37 = vector.load %arg17[%get3A_35, %get3A_36] : memref<1x4096xi32, #tpu.memory_space<vmem>>, vector<1x4096xi32>
      %sub3A = arith.constant 32 : i32
      %sub3A_38 = arith.subi %arg0, %sub3A : i32
      %mul3A = arith.constant 512 : i32
      %mul3A_39 = arith.muli %sub3A_38, %mul3A : i32
      %iota3A = tpu.iota {dimensions = array<i32: 0>} : vector<512x1xi32>
      %add3A = vector.broadcast %mul3A_39 : i32 to vector<512x1xi32>
      %add3A_40 = arith.addi %add3A, %iota3A : vector<512x1xi32>
      %eq3A_41 = vector.broadcast %get3A_37 : vector<1x4096xi32> to vector<512x4096xi32>
      %eq3A_42 = vector.broadcast %add3A_40 : vector<512x1xi32> to vector<512x4096xi32>
      %eq3A_43 = arith.cmpi eq, %eq3A_41, %eq3A_42 : vector<512x4096xi32>
      %iota3A_44 = tpu.iota {dimensions = array<i32: 1>} : vector<512x4096xi32>
      %jit3A = arith.constant 0 : i32
      %broadcast_in_dim3A = vector.broadcast %jit3A : i32 to vector<512x4096xi32>
      %select_n3A = arith.select %eq3A_43, %iota3A_44, %broadcast_in_dim3A : vector<512x4096xi1>, vector<512x4096xi32>
      %reduce_sum3A = arith.constant dense<0> : vector<512xi32>
      %reduce_sum3A_45 = vector.multi_reduction <add>, %select_n3A, %reduce_sum3A [1] : vector<512x4096xi32> to vector<512xi32>
      %swap3A = arith.constant 0 : index
      %swap3A_46 = vector.load %arg10[%swap3A] : memref<512xi32, #tpu.memory_space<vmem>>, vector<512xi32>
      tpu.vector_store %arg10[%swap3A], %reduce_sum3A_45 {strides = array<i32>} : memref<512xi32, #tpu.memory_space<vmem>>, vector<512xi32>,
      %sub3A_47 = arith.constant 1.000000e+00 : f32
      %sub3A_48 = vector.broadcast %sub3A_47 : f32 to vector<1x4096xf32>
      %sub3A_49 = arith.subf %sub3A_48, %get3A_34 : vector<1x4096xf32>
      %add3A_50 = arith.addf %get3A_34, %sub3A_49 : vector<1x4096xf32>
      %jit3A_51 = arith.constant 0.000000e+00 : f32
      %broadcast_in_dim3A_52 = vector.shape_cast %add3A_50 : vector<1x4096xf32> to vector<1x4096xf32>
      %broadcast_in_dim3A_53 = vector.broadcast %broadcast_in_dim3A_52 : vector<1x4096xf32> to vector<512x4096xf32>
      %broadcast_in_dim3A_54 = vector.broadcast %jit3A_51 : f32 to vector<512x4096xf32>
      %select_n3A_55 = arith.select %eq3A_43, %broadcast_in_dim3A_53, %broadcast_in_dim3A_54 : vector<512x4096xi1>, vector<512x4096xf32>
      %reduce_sum3A_56 = arith.constant dense<0.000000e+00> : vector<512xf32>
      %reduce_sum3A_57 = vector.multi_reduction <add>, %select_n3A_55, %reduce_sum3A_56 [1] : vector<512x4096xf32> to vector<512xf32>
      %swap3A_58 = arith.constant 0 : index
      %swap3A_59 = vector.load %arg11[%swap3A_58] : memref<512xf32, #tpu.memory_space<vmem>>, vector<512xf32>
      tpu.vector_store %arg11[%swap3A_58], %reduce_sum3A_57 {strides = array<i32>} : memref<512xf32, #tpu.memory_space<vmem>>, vector<512xf32>,
    } else {
    }
    return
  }
  func.func @transform_0(%arg0: i32) -> (i32, i32) {
    %c0_i32 = arith.constant 0 : i32
    %c0_i32_0 = arith.constant 0 : i32
    %c0_i32_1 = arith.constant 0 : i32
    return %c0_i32, %c0_i32_0 : i32, i32
  }
  func.func @transform_1(%arg0: i32) -> (i32, i32) {
    %c0_i32 = arith.constant 0 : i32
    %c0_i32_0 = arith.constant 0 : i32
    %c0_i32_1 = arith.constant 0 : i32
    return %c0_i32, %c0_i32_0 : i32, i32
  }
  func.func @transform_2(%arg0: i32) -> (i32, i32) {
    %c0_i32 = arith.constant 0 : i32
    %c0_i32_0 = arith.constant 0 : i32
    %c0_i32_1 = arith.constant 0 : i32
    return %c0_i32, %c0_i32_0 : i32, i32
  }
  func.func @transform_3(%arg0: i32) -> (i32, i32) {
    %c0_i32 = arith.constant 0 : i32
    %c0_i32_0 = arith.constant 0 : i32
    %c0_i32_1 = arith.constant 0 : i32
    return %c0_i32, %c0_i32_0 : i32, i32
  }
  func.func @transform_4(%arg0: i32) -> (i32, i32) {
    %c0_i32 = arith.constant 0 : i32
    %c0_i32_0 = arith.constant 0 : i32
    %c0_i32_1 = arith.constant 0 : i32
    return %c0_i32, %c0_i32_0 : i32, i32
  }
  func.func @transform_5(%arg0: i32) -> (i32, i32) {
    %c0_i32 = arith.constant 0 : i32
    %c0_i32_0 = arith.constant 0 : i32
    %c0_i32_1 = arith.constant 0 : i32
    return %c0_i32, %c0_i32_0 : i32, i32
  }
  func.func @transform_6(%arg0: i32) -> (i32, i32) {
    %c0_i32 = arith.constant 0 : i32
    %c0_i32_0 = arith.constant 0 : i32
    %c0_i32_1 = arith.constant 0 : i32
    return %c0_i32, %c0_i32_0 : i32, i32
  }
  func.func @transform_7(%arg0: i32) -> (i32, i32) {
    %lt3A = arith.constant 16 : i32
    %lt3A_0 = arith.cmpi slt, %arg0, %lt3A : i32
    %sub3A = arith.constant 8 : i32
    %sub3A_1 = arith.subi %arg0, %sub3A : i32
    %lt3A_2 = arith.constant 24 : i32
    %lt3A_3 = arith.cmpi slt, %arg0, %lt3A_2 : i32
    %sub3A_4 = arith.constant 16 : i32
    %sub3A_5 = arith.subi %arg0, %sub3A_4 : i32
    %jit3A = arith.constant 8 : i32
    %select_n3A = arith.select %lt3A_3, %sub3A_5, %jit3A : i32
    %select_n3A_6 = arith.select %lt3A_0, %sub3A_1, %select_n3A : i32
    %eq3A = arith.constant 0 : i32
    %eq3A_7 = arith.cmpi eq, %select_n3A_6, %eq3A : i32
    %lt3A_8 = arith.constant 4 : i32
    %lt3A_9 = arith.cmpi slt, %select_n3A_6, %lt3A_8 : i32
    %add3A = arith.constant 3 : i32
    %add3A_10 = arith.addi %select_n3A_6, %add3A : i32
    %jit3A_11 = arith.constant 6 : i32
    %select_n3A_12 = arith.select %lt3A_9, %add3A_10, %jit3A_11 : i32
    %jit3A_13 = arith.constant 7 : i32
    %select_n3A_14 = arith.select %eq3A_7, %jit3A_13, %select_n3A_12 : i32
    %lt3A_15 = arith.constant 8 : i32
    %lt3A_16 = arith.cmpi slt, %arg0, %lt3A_15 : i32
    %select_n3A_17 = arith.select %lt3A_16, %arg0, %select_n3A_14 : i32
    %c0_i32 = arith.constant 0 : i32
    %c0_i32_18 = arith.constant 0 : i32
    return %select_n3A_17, %c0_i32 : i32, i32
  }
  func.func @transform_8(%arg0: i32) -> (i32, i32) {
    %le3A = arith.constant 8 : i32
    %le3A_0 = arith.cmpi sle, %arg0, %le3A : i32
    %lt3A = arith.constant 12 : i32
    %lt3A_1 = arith.cmpi slt, %arg0, %lt3A : i32
    %sub3A = arith.constant 5 : i32
    %sub3A_2 = arith.subi %arg0, %sub3A : i32
    %lt3A_3 = arith.constant 16 : i32
    %lt3A_4 = arith.cmpi slt, %arg0, %lt3A_3 : i32
    %sub3A_5 = arith.constant 12 : i32
    %sub3A_6 = arith.subi %arg0, %sub3A_5 : i32
    %jit3A = arith.constant 3 : i32
    %select_n3A = arith.select %lt3A_4, %sub3A_6, %jit3A : i32
    %select_n3A_7 = arith.select %lt3A_1, %sub3A_2, %select_n3A : i32
    %jit3A_8 = arith.constant 7 : i32
    %select_n3A_9 = arith.select %le3A_0, %jit3A_8, %select_n3A_7 : i32
    %c0_i32 = arith.constant 0 : i32
    %c0_i32_10 = arith.constant 0 : i32
    return %select_n3A_9, %c0_i32 : i32, i32
  }
  func.func @transform_9(%arg0: i32) -> i32 {
    %sub3A = arith.constant 32 : i32
    %sub3A_0 = arith.subi %arg0, %sub3A : i32
    %jit3A = arith.constant 0 : i32
    %jit3A_1 = arith.constant 3 : i32
    %max3A = arith.maxsi %jit3A, %sub3A_0 : i32
    %min3A = arith.minsi %jit3A_1, %max3A : i32
    %c0_i32 = arith.constant 0 : i32
    return %min3A : i32
  }
  func.func @transform_10(%arg0: i32) -> i32 {
    %sub3A = arith.constant 32 : i32
    %sub3A_0 = arith.subi %arg0, %sub3A : i32
    %jit3A = arith.constant 0 : i32
    %jit3A_1 = arith.constant 3 : i32
    %max3A = arith.maxsi %jit3A, %sub3A_0 : i32
    %min3A = arith.minsi %jit3A_1, %max3A : i32
    %c0_i32 = arith.constant 0 : i32
    return %min3A : i32
  }
}

</mosaic_0001>

<sc_bundles>
// kernel: kernel.4.cloned.1.call-start
scs
__scs_entry_jumppad:
0x0: {  	(pc) =	sbr.rel $0x88, $3  }
0x1: {  	(tag) =	ssettag $0x0;
	lr =	simm.s32 $0x1  }
0x2: {  	[smem:$0x3F99] =	sst lr;
	_ =	strace $0xD0000000  }
0x3: {  	_ = 	snop  }
0x4: {  	_ = 	snop  }
0x5: {  	_ = 	snop  }
0x6: {  	_ = 	snop  }
0x7: {  	_ = 	snop  }
__scs_overlays_trampoline_lowered:
0x8: {  	[smem:$0x3FA8] =	sst s0  }
0x9: {  	[smem:$0x3FA9] =	sst s1  }
0xa: {  	[smem:$0x3FAA] =	sst s2  }
0xb: {  	[smem:$0x3FAB] =	sst s3  }
0xc: {  	[smem:$0x3FAC] =	sst s4  }
0xd: {  	[smem:$0x3FAD] =	sst s5  }
0xe: {  	[smem:$0x3FAE] =	sst s6  }
0xf: {  	[smem:$0x3FAF] =	sst s7  }
0x10: {  	[smem:$0x3FB0] =	sst s8  }
0x11: {  	[smem:$0x3FB1] =	sst s9;
	s0 =	simm.s32 @!p0 $0x0  }
0x12: {  	s1 =	sld [smem:$0x3F97];
	s0 =	simm.s32 @p0 $0x1  }
0x13: {  	[smem:$0x3FB2] =	sst s0;
	s0 =	simm.s32 @!p1 $0x0  }
0x14: {  	s2 =	sld [smem:$0x3F96];
	s0 =	simm.s32 @p1 $0x1  }
0x15: {  	[smem:$0x3FB3] =	sst s0;
	s0 =	simm.s32 @!p2 $0x0  }
0x16: {  	s3 =	sld [smem:$0x3FDB];
	s0 =	simm.s32 @p2 $0x1  }
0x17: {  	s4 =	simm.s32 $0x1BF5;
	[smem:$0x3FB5] =	sst s0  }
0x18: {  	s0 =	sld [smem:$0x3F98];
	_ =	swait.ge [sflag:s4], $0x0  }
0x19: {  	s7 =	sld [smem:$0x3F99]  }
0x1a: {  	s8 =	sadd.s32 $0xFFFFE003, lr  }
0x1b: {  	s9 =	sadd.s32 $0xFFFFFEF7, lr;
	s5 =	simm.s32 $0xFFFFFFFF;
	p2 =	slt.u32 s8, $0xFFFFF086  }
0x1c: {  	p1 =	slt.u32 s9, $0xF7A;
	s5 =	simm.s32 @!p2 $0x0  }
0x1d: {  	s5 =	simm.s32 @p1 $0x1;
	p0 =	seq.s32 s7, s2  }
0x1e: {  	s7 =	smul.u32 @!p0 $0xF7A, s2;
	p2 =	seq.s32 @!p0 s5, $0x0  }
0x1f: {  	s9 =	smul.u32 $0xF7A, s1;
	s8 =	simm.s32 @!p0 $0x1BF5;
	p2 =	por !p2, p0  }
0x20: {  	[sflag:s8] =	ssyncset.s32 @!p0 $0xFFFFF086;
	s6 =	sadd.s32 @!p0 s3, s7;
	s7 =	simm.s32 @!p0 $0x108  }
0x21: {  	s3 =	sadd.s32 s3, s9;
	s6 =	sadd.s32 @!p0 $0x88, s6;
	s7 =	simm.s32 @p2 $0x1082  }
0x22: {  	[simem:s7], [sflag:s8] =	dma.local @!p0 [hbm:s6], $0xF7A  }
0x23: {  	s9 =	sor.u32 $0xD0000000, s2;
	s6 =	simm.s32 $0x108;
	_ =	swait.ge @!p0 [sflag:s8], $0x0  }
0x24: {  	s3 =	sadd.s32 $0x88, s3;
	s6 =	simm.s32 @!p1 $0x1082;
	[sflag:s4] =	ssyncset.s32 $0xFFFFF086  }
0x25: {  	[simem:s6], [sflag:s4] =	dma.local [hbm:s3], $0xF7A  }
0x26: {  	[smem:$0x3F99] =	sst s1;
	(tag) =	ssettag s2;
	_ =	strace s9  }
0x27: {  	s1 =	sld [smem:$0x3FA9]  }
0x28: {  	s2 =	sld [smem:$0x3FAA]  }
0x29: {  	s4 =	sld [smem:$0x3FAC]  }
0x2a: {  	p0 =	seq.s32 s5, $0x0;
	s5 =	sld [smem:$0x3FAD]  }
0x2b: {  	s6 =	sld [smem:$0x3FAE]  }
0x2c: {  	s7 =	sld [smem:$0x3FAF]  }
0x2d: {  	s3 =	simm.s32 $0x108;
	s8 =	sld [smem:$0x3FB0]  }
0x2e: {  	s3 =	simm.s32 @!p0 $0x1082;
	s9 =	sld [smem:$0x3FB1]  }
0x2f: {  	lr =	sadd.s32 s0, s3;
	s0 =	sld [smem:$0x3FA8]  }
0x30: {  	s3 =	sld [smem:$0x3FAB]  }
0x31: {  	[smem:$0x3FB4] =	sst s10  }
0x32: {  	s10 =	sld [smem:$0x3FB2];
	_ =	sdelay $0x3  }
0x33: {  	p0 =	seq.s32 s10, $0x1;
	s10 =	sld [smem:$0x3FB4];
	_ =	sdelay $0x3  }
0x34: {  	[smem:$0x3FB4] =	sst s10  }
0x35: {  	s10 =	sld [smem:$0x3FB3];
	_ =	sdelay $0x3  }
0x36: {  	p1 =	seq.s32 s10, $0x1;
	s10 =	sld [smem:$0x3FB4];
	_ =	sdelay $0x3  }
0x37: {  	[smem:$0x3FB4] =	sst s10  }
0x38: {  	s10 =	sld [smem:$0x3FB5]  }
0x39: {  	_ = 	snop;
	(pc) =	sbr.ind lr, $3  }
0x3a: {  	_ = 	snop  }
0x3b: {  	_ = 	snop  }
0x3c: {  	p2 =	seq.s32 s10, $0x1;
	s10 =	sld [smem:$0x3FB4]  }
0x3d: {  	_ =	shalt  }
0x3e: {  	_ =	shalt  }
0x3f: {  	_ =	shalt  }
0x40: {  	_ =	shalt  }
0x41: {  	_ =	shalt  }
0x42: {  	_ =	shalt  }
0x43: {  	_ =	shalt  }
0x44: {  	_ =	shalt  }
0x45: {  	_ =	shalt  }
0x46: {  	_ =	shalt  }
0x47: {  	_ =	shalt  }
0x48: {  	_ =	shalt  }
0x49: {  	_ =	shalt  }
0x4a: {  	_ =	shalt  }
0x4b: {  	_ =	shalt  }
0x4c: {  	_ =	shalt  }
0x4d: {  	_ =	shalt  }
0x4e: {  	_ =	shalt  }
0x4f: {  	_ =	shalt  }
0x50: {  	_ =	shalt  }
0x51: {  	_ =	shalt  }
0x52: {  	_ =	shalt  }
0x53: {  	_ =	shalt  }
0x54: {  	_ =	shalt  }
0x55: {  	_ =	shalt  }
0x56: {  	_ =	shalt  }
0x57: {  	_ =	shalt  }
0x58: {  	_ =	shalt  }
0x59: {  	_ =	shalt  }
0x5a: {  	_ =	shalt  }
0x5b: {  	_ =	shalt  }
0x5c: {  	_ =	shalt  }
0x5d: {  	_ =	shalt  }
0x5e: {  	_ =	shalt  }
0x5f: {  	_ =	shalt  }
0x60: {  	_ =	shalt  }
0x61: {  	_ =	shalt  }
0x62: {  	_ =	shalt  }
0x63: {  	_ =	shalt  }
0x64: {  	_ =	shalt  }
0x65: {  	_ =	shalt  }
0x66: {  	_ =	shalt  }
0x67: {  	_ =	shalt  }
0x68: {  	_ =	shalt  }
0x69: {  	_ =	shalt  }
0x6a: {  	_ =	shalt  }
0x6b: {  	_ =	shalt  }
0x6c: {  	_ =	shalt  }
0x6d: {  	_ =	shalt  }
0x6e: {  	_ =	shalt  }
0x6f: {  	_ =	shalt  }
0x70: {  	_ =	shalt  }
0x71: {  	_ =	shalt  }
0x72: {  	_ =	shalt  }
0x73: {  	_ =	shalt  }
0x74: {  	_ =	shalt  }
0x75: {  	_ =	shalt  }
0x76: {  	_ =	shalt  }
0x77: {  	_ =	shalt  }
0x78: {  	_ =	shalt  }
0x79: {  	_ =	shalt  }
0x7a: {  	_ =	shalt  }
0x7b: {  	_ =	shalt  }
0x7c: {  	_ =	shalt  }
0x7d: {  	_ =	shalt  }
0x7e: {  	_ =	shalt  }
0x7f: {  	_ =	shalt  }
0x80: {  	_ =	shalt  }
0x81: {  	_ =	shalt  }
0x82: {  	_ =	shalt  }
0x83: {  	_ =	shalt  }
0x84: {  	_ =	shalt  }
0x85: {  	_ =	shalt  }
0x86: {  	_ =	shalt  }
0x87: {  	_ =	shalt  }
.Lfunc_end0:
.L_simem_size_0:
called_computation_lowered:
.L_overlay_start_0:
0x88: {  	s2 =	sld [smem:$0x3FD9]  }
0x89: {  	s3 =	sld [smem:$0x3FFE];
	_ =	sdelay $0x1  }
0x8a: {  	s1 =	srdreg.scid  }
0x8b: {  	s0 =	sand.u32 $0x1, s1  }
0x8c: {  	s14 =	sshll.u32 s0, $0xA;
	s2 =	sadd.s32 s3, s2  }
0x8d: {  	s2 =	sadd.s32 s2, s14  }
0x8e: {  	[smem:$0x3FC0] =	sst s2  }
0x8f: {  	_ = 	snop  }
0x90: {  	s2 =	sld [smem:$0x3FD0];
	_ =	sdelay $0x2  }
0x91: {  	s4 =	simm.s32 $0xA;
	s5 =	simm.s32 $0x10;
	s15 =	sld [smem:$0x3FC8]  }
0x92: {  	[smem:s5], [sflag:s4] =	dma.local [hbm:s2], $0x1  }
0x93: {  	_ =	swait.eq [sflag:s4], $0x1  }
0x94: {  	[sflag:s4] =	ssyncset.done $0x0  }
0x95: {  	s16 =	sld [smem:$0x10];
	[sflag:s4] =	ssyncadd.s32 $0xFFFFFFFF  }
0x96: {  	s17 =	sld [smem:$0x11];
	(tm) =	ssettm $0x1  }
0x97: {  	s18 =	sld [smem:$0x3FFB];
	_ =	sdelay $0x3  }
0x98: {  	_ =	strace s18  }
0x99: {  	s5 =	sld [smem:$0x3FFC];
	_ =	sdelay $0x3  }
0x9a: {  	_ =	strace s5  }
0x9b: {  	s5 =	sld [smem:$0x3FFD];
	_ =	sdelay $0x3  }
0x9c: {  	_ =	strace s5  }
0x9d: {  	_ =	strace $0x8FFFFFFF  }
0x9e: {  	s19 =	sld [smem:$0x3FDB];
	_ =	sdelay $0x1  }
0x9f: {  	s6 =	simm.s32 $_scs_section_size  }
0xa0: {  	s7 =	simm.s32 $_size__tile_overlayer_lowered;
	s8 =	simm.s32 $_tile_overlayer_lowered  }
0xa1: {  	s22 =	simm.s32 $0x1BFF;
	s21 =	sshll.u32 s8, $0x1;
	s5 =	sadd.s32 s6, s19  }
0xa2: {  	s9 =	simm.s32 $0x0;
	s20 =	sshll.u32 s7, $0x1;
	s7 =	sadd.s32 s21, s5  }
0xa3: {  	[timem:s9], [sflag:s22] =	dma.local [hbm:s7], s20  }
0xa4: {  	_ =	swait.ge [sflag:s22], s20  }
0xa5: {  	s6 =	ssub.s32 $0x0, s20;
	[sflag:s22] =	ssyncset.done $0x0  }
0xa6: {  	[sflag:s22] =	ssyncadd.s32 s6;
	_ =	sdelay $0x1  }
0xa7: {  	s23 =	simm.s32 $0x1B8B  }
0xa8: {  	_ =	swait.ge [sflag:s23], $0x1  }
0xa9: {  	[sflag:s23] =	ssyncset.done $0x0  }
0xaa: {  	s25 =	simm.s32 $0x1B8E;
	s24 =	sld [smem:$0x3FFE];
	[sflag:s23] =	ssyncadd.s32 $0xFFFFFFFF  }
0xab: {  	s26 =	simm.s32 $execute0_lowered;
	[smem:$0x3FD2] =	sst s25  }
0xac: {  	s7 =	sshll.u32 s26, $0x1;
	_ =	strace $0x80000046;
	[dreg:$0x1] =	wrdreg $0xFFFFFFFF  }
0xad: {  	s28 =	simm.s32 $_size_execute0_lowered;
	s5 =	sadd.s32 s5, s7;
	[dreg:$0x0] =	wrdreg $0x0  }
0xae: {  	s7 =	sshll.u32 s28, $0x1;
	[dreg:$0x2] =	wrdreg s5  }
0xaf: {  	[dreg:$0x3] =	wrdreg s7  }
0xb0: {  	[dreg:$0x4] =	wrdreg $0xC0  }
0xb1: {  	_ =	task [dreg:s9], $0x5FFFF  }
0xb2: {  	[dreg:$0x1] =	wrdreg $0xFFFFFFFF  }
0xb3: {  	[dreg:$0x0] =	wrdreg $0x60  }
0xb4: {  	[dreg:$0x2] =	wrdreg s15  }
0xb5: {  	[dreg:$0x3] =	wrdreg s24  }
0xb6: {  	[dreg:$0x4] =	wrdreg s16  }
0xb7: {  	[dreg:$0x5] =	wrdreg s17  }
0xb8: {  	[dreg:$0x6] =	wrdreg $0x9  }
0xb9: {  	_ =	task.clear_ibuf [dreg:s9], $0x7FFFF;
	_ =	strace $0x90000046  }
0xba: {  	s29 =	simm.s32 $0x9;
	_ =	strace $0x80000048  }
0xbb: {  	_ =	swait.ge [sflag:s29], $0x1  }
0xbc: {  	[sflag:s29] =	ssyncadd.s32 $0xFFFFFFFF  }
0xbd: {  	_ =	strace $0x90000048  }
0xbe: {  	_ =	sfence  }
0xbf: {  	s30 =	sld [smem:$0x0];
	_ =	sdelay $0x2  }
0xc0: {  	s31 =	sshll.u32 s1, $0xD;
	s1 =	sshrl.u32 s1, $0x2  }
0xc1: {  	s3 =	sand.u32 $0x4000, s31;
	s1 =	sadd.s32 s1, s30  }
0xc2: {  	s0 =	sor.u32 s3, s0;
	s1 =	sshll.u32 s1, $0x11  }
0xc3: {  	s0 =	sor.u32 s1, s0  }
0xc4: {  	s0 =	sadd.s32 $0x8F2B, s0  }
0xc5: {  	[sflag:s0] =	ssyncadd.remote.s32 $0x1  }
0xc6: {  	_ =	sfence.sel $0xFFFF  }
0xc7: {  	[dreg:$0x0] =	wrdreg $0xFFFFFFFF;
	(pc) =	sbr.abs _section_cstart, $3  }
0xc8: {  	[dreg:$0x1] =	wrdreg $0xFFFFFFFF  }
0xc9: {  	_ =	task.clear_ibuf [dreg:s9], $0x2FFFF;
	_ =	strace $0x9FFFFFFF  }
0xca: {  	(tm) =	ssettm $0x7FFFFFFF  }
0xcb: {  	_ =	shalt  }
tec
execute0_lowered:
.L_overlay_start_1:
0x0: {  	(tag) =	ssettag $0x1  }
0x1: {  	s6 =	rddreg [dreg:$0x0]  }
0x2: {  	s0 =	rddreg [dreg:$0x1]  }
0x3: {  	s1 =	rddreg [dreg:$0x2]  }
0x4: {  	s2 =	rddreg [dreg:$0x3];
	s8 =	simm.s32 $0x0  }
0x5: {  	[smem:$0x7FF] =	sst s8;
	s25 =	sadd.s32 $0x100, s6  }
0x6: {  	s26 =	sadd.s32 $0x200, s6;
	_ =	strace $0x80000047;
	[dreg:$0xc] =	wrdreg s25  }
0x7: {  	s29 =	sadd.s32 $0x300, s6;
	[dreg:$0xd] =	wrdreg s26  }
0x8: {  	s31 =	sadd.s32 $0x400, s6;
	[dreg:$0xe] =	wrdreg s29  }
0x9: {  	s9 =	sadd.s32 $0x800, s6;
	[dreg:$0xf] =	wrdreg s31  }
0xa: {  	s16 =	sadd.s32 $0x900, s6;
	[dreg:$0x13] =	wrdreg s9  }
0xb: {  	s3 =	srdreg.scid;
	s17 =	sadd.s32 $0xA00, s6;
	[dreg:$0x14] =	wrdreg s16  }
0xc: {  	s7 =	stileid.u32;
	s18 =	sadd.s32 $0xB00, s6;
	[dreg:$0x15] =	wrdreg s17  }
0xd: {  	s3 =	sand.u32 $0x1, s3;
	s19 =	sadd.s32 $0xC00, s6;
	[dreg:$0x16] =	wrdreg s18  }
0xe: {  	s4 =	sshll.u32 s7, $0x7;
	s10 =	sadd.s32 $0x800, s0;
	[dreg:$0x17] =	wrdreg s19  }
0xf: {  	s12 =	sadd.s32 $0x10800, s0;
	s5 =	sshll.u32 s3, $0x6;
	[dreg:$0x5] =	wrdreg s10  }
0x10: {  	[dreg:$0x7] =	wrdreg s12;
	s11 =	sor.u32 s5, s4;
	s5 =	sadd.s32 $0x700, s6  }
0x11: {  	s3 =	ssub.s32 $0x2, s3;
	[dreg:$0x12] =	wrdreg s5  }
0x12: {  	s22 =	sshrl.u32 s3, $0x1;
	s4 =	sshrl.u32 s11, $0x3;
	[dreg:$0x6] =	wrdreg s11  }
0x13: {  	s0 =	sadd.s32 s4, s0;
	s13 =	sadd.s32 s12, s4;
	s4 =	sadd.s32 $0x600, s6  }
0x14: {  	s3 =	ssub.s32 s3, s22;
	s23 =	sshll.u32 s11, $0x4;
	[dreg:$0x11] =	wrdreg s4  }
0x15: {  	s24 =	sshll.u32 s11, $0x8;
	s15 =	sadd.s32 s1, s23;
	[dreg:$0x8] =	wrdreg s13  }
0x16: {  	s16 =	smax.u32 s3, $0x1;
	s14 =	sadd.s32 $0x10A00, s0;
	[dreg:$0xa] =	wrdreg s15  }
0x17: {  	s0 =	sadd.s32 s2, s24;
	s2 =	sadd.s32 $0x500, s6;
	[dreg:$0x18] =	wrdreg s16  }
0x18: {  	s30 =	simm.s32 $0x6;
	[dreg:$0x10] =	wrdreg s2  }
0x19: {  	s28 =	simm.s32 $0x2900;
	s26 =	sadd.s32 $0xF00, s6;
	[dreg:$0xb] =	wrdreg s0  }
0x1a: {  	s17 =	simm.s32 $0x40;
	s20 =	sadd.s32 $0x800, s0;
	[dreg:$0x9] =	wrdreg s14  }
0x1b: {  	s18 =	simm.s32 $0x900;
	s21 =	sadd.s32 $0x1000, s0;
	[dreg:$0x19] =	wrdreg s20  }
0x1c: {  	s19 =	simm.s32 $0x1;
	s22 =	sadd.s32 $0x1800, s0;
	[dreg:$0x1a] =	wrdreg s21  }
0x1d: {  	s9 =	simm.s32 $0x0;
	s25 =	sadd.s32 $0x2000, s0;
	[dreg:$0x1b] =	wrdreg s22  }
.Ltmp0:
0x1e: {  	s29 =	sadd.s32 $0x2800, s0;
	[dreg:$0x1c] =	wrdreg s25;
	(pc) =	sbr.rel .LBB2_1-.Ltmp0, $4  }
0x1f: {  	s5 =	simm.s32 $0xA900;
	s31 =	sadd.s32 $0x3000, s0;
	[dreg:$0x1d] =	wrdreg s29  }
0x20: {  	v1 =	vlaneseq.u32;
	s23 =	sadd.s32 $0xD00, s6;
	s0 =	sadd.s32 $0x3800, s0;
	[dreg:$0x1e] =	wrdreg s31  }
0x21: {  	v0 =	vmul.u32 $0xFFFFFFFF, v1;
	v2 =	vshrl.u32 v1, $0x3;
	s24 =	sadd.s32 $0xE00, s6;
	s6 =	simm.s32 $0x800;
	[dreg:$0x1f] =	wrdreg s0  }
0x22: {  	vm0 =	vmmov $0xffff;
	v1 =	vand.u32 $0x7, v1;
	v2 =	vmul.u32 $0x8, v2;
	s0 =	simm.s32 $0x880;
	s20 =	simm.s32 $0x80;
	s21 =	simm.s32 $0x1000  }
.LBB2_6:
0x23: {  	s2 =	sadd.s32 s11, s1;
	s3 =	rddreg [dreg:$0x0]  }
0x24: {  	s2 =	sshll.u32 s2, $0x9;
	s25 =	sadd.s32 s1, s3  }
0x25: {  	s29 =	sshll.u32 s7, $0x6;
	s1 =	sadd.s32 s2, s25  }
0x26: {  	s31 =	rddreg [dreg:$0xb];
	s2 =	sor.u32 $0x1C06, s29;
	s1 =	sadd.s32 $0x80000000, s1  }
0x27: {  	[hbm:s31@s6], [sflag:s2] =	dma.strided [hbm:s1@s21], $0x4000, s20, $0x10   }
0x28: {  	s1 =	simm.s32 $0x6  }
.LBB2_24:
0x29: {  	s9 =	sadd.s32 $0x1, s9  }
0x2a: {  	p0 =	sne.s32 s9, s16  }
.Ltmp1:
0x2b: {  	_ = 	snop;
	(pc) =	sbr.rel @!p0 .LBB2_25-.Ltmp1, $4  }
0x2c: {  	_ = 	snop  }
0x2d: {  	_ =	swait.ge [sflag:s1], $0x4000  }
0x2e: {  	[sflag:s1] =	ssyncset.done $0x0  }
0x2f: {  	[sflag:s1] =	ssyncadd.s32 $0xFFFFC000  }
.LBB2_1:
0x30: {  	[tilespmem:s8], [sflag:$0x6] =	stream.linear.gather [hbm4b:s12+s8], $0x800, $0x38;
	[tilespmem:$0x1A900] =	vst v63  }
0x31: {  	_ =	swait.ge [sflag:s30], $0x800  }
0x32: {  	[sflag:s30] =	ssyncset.done $0x0  }
0x33: {  	[sflag:s30] =	ssyncadd.s32 $0xFFFFF800  }
0x34: {  	[tilespmem:s6], [sflag:$0x6] =	stream.linear.gather [hbm4b:s13+s8], $0x40, $0x38;
	[tilespmem:$0x1A900] =	vst v63  }
0x35: {  	_ =	swait.ge [sflag:s30], $0x40  }
0x36: {  	[sflag:s30] =	ssyncset.done $0x0  }
0x37: {  	[sflag:s30] =	ssyncadd.s32 $0xFFFFFFC0  }
0x38: {  	[tilespmem:s0], [sflag:$0x6] =	stream.linear.gather [hbm4b:s14+s8], $0x40, $0x38;
	[tilespmem:$0x1A900] =	vst v63  }
0x39: {  	_ =	swait.ge [sflag:s30], $0x40  }
0x3a: {  	[sflag:s30] =	ssyncset.done $0x0  }
0x3b: {  	[sflag:s30] =	ssyncadd.s32 $0xFFFFFFC0  }
0x3c: {  	[tilespmem:s18], [sflag:$0x1] =	stream.indirect.gather [hbm4b:s10+s17], $0x80, s6, s17, $0xb8;
	[tilespmem:$0x1A900] =	vst v63  }
0x3d: {  	_ =	swait.ge [sflag:s19], $0x2000  }
0x3e: {  	v3 =	vmov s8;
	[sflag:s19] =	ssyncset.done $0x0  }
0x3f: {  	s1 =	simm.s32 $0x940;
	[sflag:s19] =	ssyncadd.s32 $0xFFFFE000  }
0x40: {  	v7 =	vld [tilespmem:s1+$0x30]  }
0x41: {  	v10 =	vld [tilespmem:s1+$0x10]  }
0x42: {  	v8 =	vld [tilespmem:s1+$0xFFFFFFC0]  }
0x43: {  	v4 =	vld.idx.msk [tilespmem:v3+s0+$0x0], $0xffff  }
0x44: {  	v12 =	vld [tilespmem:s1+$0xFFFFFFE0]  }
0x45: {  	v3 =	vld [tilespmem:s1+$0xFFFFFFF0]  }
0x46: {  	v5 =	vld [tilespmem:s1+$0x20]  }
0x47: {  	v6 =	vld [tilespmem:s1+$0xFFFFFFD0]  }
0x48: {  	v11 =	vmul.f32 v7, v4;
	v7 =	vld [tilespmem:s1+$0x0]  }
0x49: {  	v9 =	vmul.f32 v8, v4  }
0x4a: {  	s2 =	simm.s32 $0x1;
	s3 =	simm.s32 $0x940;
	v8 =	vmul.f32 v12, v4;
	v10 =	vmul.f32 v10, v4  }
.LBB2_2:
0x4b: {  	p0 =	sne.s32 s2, $0x3F  }
0x4c: {  	v6 =	vmul.f32 v6, v4;
	v5 =	vmul.f32 v5, v4;
	[tilespmem:s1+$0x30] =	vst v11;
	s3 =	sadd.s32 $0x80, s3;
	s4 =	smov.u32 s2;
	s2 =	sadd.s32 $0x1, s2  }
0x4d: {  	[tilespmem:s1+$0xFFFFFFC0] =	vst v9;
	v9 =	vmul.f32 v3, v4;
	v4 =	vmul.f32 v7, v4  }
0x4e: {  	[tilespmem:s1+$0x10] =	vst v10  }
0x4f: {  	v7 =	vmov s4;
	[tilespmem:s1+$0xFFFFFFE0] =	vst v8  }
0x50: {  	v3 =	vld [tilespmem:s3+$0xFFFFFFF0];
	[tilespmem:s1+$0xFFFFFFF0] =	vst v9  }
0x51: {  	v8 =	vld [tilespmem:s3+$0x30];
	[tilespmem:s1+$0x0] =	vst v4  }
0x52: {  	v10 =	vld [tilespmem:s3+$0x10];
	[tilespmem:s1+$0x20] =	vst v5  }
0x53: {  	v9 =	vld [tilespmem:s3+$0xFFFFFFC0];
	[tilespmem:s1+$0xFFFFFFD0] =	vst v6;
	s1 =	smov.u32 s3  }
0x54: {  	v4 =	vld.idx.msk [tilespmem:v7+s0+$0x0], $0xffff  }
0x55: {  	v12 =	vld [tilespmem:s3+$0xFFFFFFE0]  }
0x56: {  	v5 =	vld [tilespmem:s3+$0x20]  }
.Ltmp2:
0x57: {  	v6 =	vld [tilespmem:s3+$0xFFFFFFD0];
	(pc) =	sbr.rel @p0 .LBB2_2-.Ltmp2, $3  }
0x58: {  	v7 =	vld [tilespmem:s3+$0x0];
	_ =	sdelay $0x1  }
0x59: {  	v9 =	vmul.f32 v9, v4;
	v11 =	vmul.f32 v8, v4  }
0x5a: {  	v10 =	vmul.f32 v10, v4;
	v8 =	vmul.f32 v12, v4  }
0x5b: {  	[tilespmem:s1+$0x30] =	vst v11  }
0x5c: {  	[tilespmem:s1+$0xFFFFFFC0] =	vst v9  }
0x5d: {  	v3 =	vmul.f32 v3, v4;
	[tilespmem:s1+$0x10] =	vst v10  }
0x5e: {  	v5 =	vmul.f32 v5, v4;
	[tilespmem:s1+$0xFFFFFFE0] =	vst v8  }
0x5f: {  	v7 =	vmul.f32 v7, v4;
	[tilespmem:s1+$0xFFFFFFF0] =	vst v3  }
0x60: {  	v3 =	vmul.f32 v6, v4;
	[tilespmem:s1+$0x20] =	vst v5  }
0x61: {  	[tilespmem:s1+$0x0] =	vst v7  }
0x62: {  	s31 =	simm.s32 $0x0;
	[tilespmem:s1+$0xFFFFFFD0] =	vst v3  }
0x63: {  	[hbm4b:s15+s31] =	stream.linear.scatter [tilespmem:s18], [sflag:$0x6], $0x2000, $0x38;
	[tilespmem:$0x1A900] =	vst v63  }
0x64: {  	_ =	swait.ge [sflag:s30], $0x2000  }
0x65: {  	[sflag:s30] =	ssyncset.done $0x0  }
0x66: {  	[sflag:s30] =	ssyncadd.s32 $0xFFFFE000  }
0x67: {  	v4 =	vld.msk [tilespmem:s31+$0x0], $0xffff  }
0x68: {  	v3 =	vmov s31;
	v5 =	vld [tilespmem:s31+$0x0]  }
0x69: {  	v3 =	vsub.s32 $0x0, v3  }
0x6a: {  	v3 =	vbroadcast v3, $0x0;
	_ =	sdelay $0x1  }
0x6b: {  	v6 =	vsub.s32 v3, v4  }
0x6c: {  	s2 =	simm.s32 $0x10;
	s1 =	simm.s32 $0x10;
	v3 =	vimm.s32 $0x0;
	v5 =	vadd.s32 v5, v6  }
.LBB2_4:
0x6d: {  	v6 =	vmov s1;
	v7 =	vld [tilespmem:s2+$0x0];
	p0 =	sne.s32 s1, $0x7F0;
	s1 =	sadd.s32 $0x10, s1;
	v5 =	vadd.s32 v0, v5  }
.Ltmp3:
0x6e: {  	v6 =	vsub.s32 $0x0, v6;
	v8 =	vsub.s32 $0x0, v5;
	(pc) =	sbr.rel @p0 .LBB2_4-.Ltmp3, $4  }
0x6f: {  	v6 =	vbroadcast v6, $0x0;
	v5 =	vmin.u32 v5, v8  }
0x70: {  	vm1 =	vgt.s32 v3, v5  }
0x71: {  	v6 =	vsub.s32 v6, v4;
	v3 =	vsel vm1, v3, v5  }
0x72: {  	s2 =	sadd.s32 $0x10, s2;
	v5 =	vadd.s32 v7, v6  }
0x73: {  	v4 =	vld [tilespmem:$0x0]  }
0x74: {  	v5 =	vadd.s32 v0, v5  }
0x75: {  	v6 =	vsub.s32 $0x0, v5  }
0x76: {  	v5 =	vmin.u32 v5, v6  }
0x77: {  	vm1 =	vgt.s32 v3, v5  }
0x78: {  	v3 =	vsel vm1, v3, v5;
	v4 =	vxor.u32 $0x80000000, v4  }
0x79: {  	v3 =	vxor.u32 $0x80000000, v3;
	(xrf0) =	vmin.scan.msk.u32 $0xffff, v4  }
0x7a: {  	(xrf0) =	vmax.scan.msk.u32 $0xffff, v3;
	_ =	sdelay $0x4  }
0x7b: {  	v3, _, _ =	vpop (xrf0)  }
0x7c: {  	(v2sf) =	vpush v3, $0xF;
	v3, _, _ =	vpop (xrf0)  }
0x7d: {  	(v2sf) =	vpush v3, $0xF;
	_ =	sdelay $0xd  }
0x7e: {  	s1 =	spop (v2sf)  }
0x7f: {  	s2 =	spop (v2sf)  }
0x80: {  	p0 =	sne.s32 s2, $0x80000000;
	s2 =	sand.u32 $0x7F, s1  }
0x81: {  	p1 =	sne.s32 @!p0 s2, $0x0  }
0x82: {  	p0 =	por p0, p1  }
.Ltmp4:
0x83: {  	_ = 	snop;
	(pc) =	sbr.rel @!p0 .LBB2_6-.Ltmp4, $1  }
0x84: {  	_ =	sdelay $0x3  }
0x85: {  	v3 =	vld.msk [tilespmem:$0x800], $0xff;
	_ =	sdelay $0x4  }
0x86: {  	v4 =	vshll.u32 v3, $0x5  }
0x87: {  	v3 =	vand.u32 $0x7, v3;
	v4 =	vand.u32 $0xFFFFFF00, v4  }
0x88: {  	v3 =	vor.u32 v3, v4  }
0x89: {  	v3 =	vperm.xlane v3, v1;
	_ =	sdelay $0x1  }
0x8a: {  	v3 =	vadd.s32 v2, v3;
	_ =	sdelay $0x3  }
0x8b: {  	s1 =	simm.s32 $0x0;
	s2 =	rddreg [dreg:$0x0]  }
0x8c: {  	[tilespmem:s28], [sflag:$0x2] =	stream.indirect_vreg.gather [hbm4b:s2+s1], $0x80, v3, vm0, $0xb8;
	[tilespmem:$0x1A900] =	vst v63  }
0x8d: {  	s3 =	rddreg [dreg:$0xc];
	s4 =	simm.s32 $0x3100  }
0x8e: {  	[tilespmem:s4], [sflag:$0x2] =	stream.indirect_vreg.gather [hbm4b:s3+s1], $0x80, v3, vm0, $0xb8;
	[tilespmem:$0x1A900] =	vst v63  }
0x8f: {  	s18 =	rddreg [dreg:$0xd];
	s6 =	simm.s32 $0x3900  }
0x90: {  	[tilespmem:s6], [sflag:$0x2] =	stream.indirect_vreg.gather [hbm4b:s18+s1], $0x80, v3, vm0, $0xb8;
	[tilespmem:$0x1A900] =	vst v63  }
0x91: {  	s19 =	rddreg [dreg:$0xe];
	s7 =	simm.s32 $0x4100  }
0x92: {  	[tilespmem:s7], [sflag:$0x2] =	stream.indirect_vreg.gather [hbm4b:s19+s1], $0x80, v3, vm0, $0xb8;
	[tilespmem:$0x1A900] =	vst v63  }
0x93: {  	s8 =	simm.s32 $0x4900;
	s7 =	rddreg [dreg:$0xf]  }
0x94: {  	[tilespmem:s8], [sflag:$0x2] =	stream.indirect_vreg.gather [hbm4b:s7+s1], $0x80, v3, vm0, $0xb8;
	[tilespmem:$0x1A900] =	vst v63  }
0x95: {  	s10 =	simm.s32 $0x5100;
	s8 =	rddreg [dreg:$0x10]  }
0x96: {  	[tilespmem:s10], [sflag:$0x2] =	stream.indirect_vreg.gather [hbm4b:s8+s1], $0x80, v3, vm0, $0xb8;
	[tilespmem:$0x1A900] =	vst v63  }
0x97: {  	s11 =	simm.s32 $0x5900;
	s10 =	rddreg [dreg:$0x11]  }
0x98: {  	[tilespmem:s11], [sflag:$0x2] =	stream.indirect_vreg.gather [hbm4b:s10+s1], $0x80, v3, vm0, $0xb8;
	[tilespmem:$0x1A900] =	vst v63  }
0x99: {  	s12 =	simm.s32 $0x6100;
	s11 =	rddreg [dreg:$0x12]  }
0x9a: {  	[tilespmem:s12], [sflag:$0x2] =	stream.indirect_vreg.gather [hbm4b:s11+s1], $0x80, v3, vm0, $0xb8;
	[tilespmem:$0x1A900] =	vst v63  }
0x9b: {  	s13 =	simm.s32 $0x6900;
	s12 =	rddreg [dreg:$0x13]  }
0x9c: {  	[tilespmem:s13], [sflag:$0x2] =	stream.indirect_vreg.gather [hbm4b:s12+s1], $0x80, v3, vm0, $0xb8;
	[tilespmem:$0x1A900] =	vst v63  }
0x9d: {  	s14 =	simm.s32 $0x7100;
	s13 =	rddreg [dreg:$0x14]  }
0x9e: {  	[tilespmem:s14], [sflag:$0x2] =	stream.indirect_vreg.gather [hbm4b:s13+s1], $0x80, v3, vm0, $0xb8;
	[tilespmem:$0x1A900] =	vst v63  }
0x9f: {  	s15 =	simm.s32 $0x7900;
	s14 =	rddreg [dreg:$0x15]  }
0xa0: {  	[tilespmem:s15], [sflag:$0x2] =	stream.indirect_vreg.gather [hbm4b:s14+s1], $0x80, v3, vm0, $0xb8;
	[tilespmem:$0x1A900] =	vst v63  }
0xa1: {  	s16 =	simm.s32 $0x8100;
	s15 =	rddreg [dreg:$0x16]  }
0xa2: {  	[tilespmem:s16], [sflag:$0x2] =	stream.indirect_vreg.gather [hbm4b:s15+s1], $0x80, v3, vm0, $0xb8;
	[tilespmem:$0x1A900] =	vst v63  }
0xa3: {  	s17 =	simm.s32 $0x8900;
	s16 =	rddreg [dreg:$0x17]  }
0xa4: {  	[tilespmem:s17], [sflag:$0x2] =	stream.indirect_vreg.gather [hbm4b:s16+s1], $0x80, v3, vm0, $0xb8;
	[tilespmem:$0x1A900] =	vst v63  }
0xa5: {  	s20 =	simm.s32 $0x9100  }
0xa6: {  	[tilespmem:s20], [sflag:$0x2] =	stream.indirect_vreg.gather [hbm4b:s23+s1], $0x80, v3, vm0, $0xb8;
	[tilespmem:$0x1A900] =	vst v63  }
0xa7: {  	s21 =	simm.s32 $0x9900  }
0xa8: {  	[tilespmem:s21], [sflag:$0x2] =	stream.indirect_vreg.gather [hbm4b:s24+s1], $0x80, v3, vm0, $0xb8;
	[tilespmem:$0x1A900] =	vst v63  }
0xa9: {  	s22 =	simm.s32 $0xA100  }
0xaa: {  	[tilespmem:s22], [sflag:$0x2] =	stream.indirect_vreg.gather [hbm4b:s26+s1], $0x80, v3, vm0, $0xb8;
	[tilespmem:$0x1A900] =	vst v63  }
0xab: {  	v3 =	vld.msk [tilespmem:$0x808], $0xff;
	_ =	sdelay $0x4  }
0xac: {  	v4 =	vshll.u32 v3, $0x5  }
0xad: {  	v3 =	vand.u32 $0x7, v3;
	v4 =	vand.u32 $0xFFFFFF00, v4  }
0xae: {  	v3 =	vor.u32 v3, v4  }
0xaf: {  	v3 =	vperm.xlane v3, v1;
	_ =	sdelay $0x1  }
0xb0: {  	v3 =	vadd.s32 v2, v3;
	_ =	sdelay $0x4  }
0xb1: {  	[tilespmem:s5], [sflag:$0x3] =	stream.indirect_vreg.gather [hbm4b:s2+s1], $0x80, v3, vm0, $0xb8;
	[tilespmem:$0x1A900] =	vst v63  }
0xb2: {  	s25 =	simm.s32 $0xB100  }
0xb3: {  	[tilespmem:s25], [sflag:$0x3] =	stream.indirect_vreg.gather [hbm4b:s3+s1], $0x80, v3, vm0, $0xb8;
	[tilespmem:$0x1A900] =	vst v63  }
0xb4: {  	s17 =	simm.s32 $0xB900  }
0xb5: {  	[tilespmem:s17], [sflag:$0x3] =	stream.indirect_vreg.gather [hbm4b:s18+s1], $0x80, v3, vm0, $0xb8;
	[tilespmem:$0x1A900] =	vst v63  }
0xb6: {  	s18 =	simm.s32 $0xC100  }
0xb7: {  	[tilespmem:s18], [sflag:$0x3] =	stream.indirect_vreg.gather [hbm4b:s19+s1], $0x80, v3, vm0, $0xb8;
	[tilespmem:$0x1A900] =	vst v63  }
0xb8: {  	s19 =	simm.s32 $0xC900  }
0xb9: {  	[tilespmem:s19], [sflag:$0x3] =	stream.indirect_vreg.gather [hbm4b:s7+s1], $0x80, v3, vm0, $0xb8;
	[tilespmem:$0x1A900] =	vst v63  }
0xba: {  	s20 =	simm.s32 $0xD100  }
0xbb: {  	[tilespmem:s20], [sflag:$0x3] =	stream.indirect_vreg.gather [hbm4b:s8+s1], $0x80, v3, vm0, $0xb8;
	[tilespmem:$0x1A900] =	vst v63  }
0xbc: {  	s21 =	simm.s32 $0xD900  }
0xbd: {  	[tilespmem:s21], [sflag:$0x3] =	stream.indirect_vreg.gather [hbm4b:s10+s1], $0x80, v3, vm0, $0xb8;
	[tilespmem:$0x1A900] =	vst v63  }
0xbe: {  	s22 =	simm.s32 $0xE100  }
0xbf: {  	[tilespmem:s22], [sflag:$0x3] =	stream.indirect_vreg.gather [hbm4b:s11+s1], $0x80, v3, vm0, $0xb8;
	[tilespmem:$0x1A900] =	vst v63  }
0xc0: {  	s25 =	simm.s32 $0xE900  }
0xc1: {  	[tilespmem:s25], [sflag:$0x3] =	stream.indirect_vreg.gather [hbm4b:s12+s1], $0x80, v3, vm0, $0xb8;
	[tilespmem:$0x1A900] =	vst v63  }
0xc2: {  	s3 =	simm.s32 $0xF100  }
0xc3: {  	[tilespmem:s3], [sflag:$0x3] =	stream.indirect_vreg.gather [hbm4b:s13+s1], $0x80, v3, vm0, $0xb8;
	[tilespmem:$0x1A900] =	vst v63  }
0xc4: {  	s4 =	simm.s32 $0xF900  }
0xc5: {  	[tilespmem:s4], [sflag:$0x3] =	stream.indirect_vreg.gather [hbm4b:s14+s1], $0x80, v3, vm0, $0xb8;
	[tilespmem:$0x1A900] =	vst v63  }
0xc6: {  	s6 =	simm.s32 $0x10100  }
0xc7: {  	[tilespmem:s6], [sflag:$0x3] =	stream.indirect_vreg.gather [hbm4b:s15+s1], $0x80, v3, vm0, $0xb8;
	[tilespmem:$0x1A900] =	vst v63  }
0xc8: {  	s7 =	simm.s32 $0x10900  }
0xc9: {  	[tilespmem:s7], [sflag:$0x3] =	stream.indirect_vreg.gather [hbm4b:s16+s1], $0x80, v3, vm0, $0xb8;
	[tilespmem:$0x1A900] =	vst v63  }
0xca: {  	s8 =	simm.s32 $0x11100  }
0xcb: {  	[tilespmem:s8], [sflag:$0x3] =	stream.indirect_vreg.gather [hbm4b:s23+s1], $0x80, v3, vm0, $0xb8;
	[tilespmem:$0x1A900] =	vst v63  }
0xcc: {  	s10 =	simm.s32 $0x11900  }
0xcd: {  	[tilespmem:s10], [sflag:$0x3] =	stream.indirect_vreg.gather [hbm4b:s24+s1], $0x80, v3, vm0, $0xb8;
	[tilespmem:$0x1A900] =	vst v63  }
0xce: {  	s11 =	simm.s32 $0x12100;
	s12 =	simm.s32 $0x2  }
0xcf: {  	[tilespmem:s11], [sflag:$0x3] =	stream.indirect_vreg.gather [hbm4b:s26+s1], $0x80, v3, vm0, $0xb8;
	[tilespmem:$0x1A900] =	vst v63  }
0xd0: {  	s13 =	sand.u32 $0x40, s1;
	_ =	swait.ge [sflag:s12], $0x8000  }
0xd1: {  	s14 =	sand.u32 $0x780, s1;
	s15 =	sor.u32 $0x30, s13;
	[sflag:s12] =	ssyncset.done $0x0  }
0xd2: {  	s16 =	sor.u32 s15, s14;
	[sflag:s12] =	ssyncadd.s32 $0xFFFF8000  }
0xd3: {  	v3 =	vld [tilespmem:s16+$0x0]  }
0xd4: {  	s17 =	sor.u32 $0x10, s13;
	v4 =	vld [tilespmem:s1+$0x0]  }
0xd5: {  	s18 =	sor.u32 $0x20, s13;
	s19 =	sor.u32 s17, s14  }
0xd6: {  	s3 =	sor.u32 s18, s14;
	v5 =	vld [tilespmem:s19+$0x0]  }
0xd7: {  	v6 =	vld [tilespmem:s3+$0x0]  }
0xd8: {  	v7 =	vshll.u32 v3, $0x3  }
0xd9: {  	v8 =	vshll.u32 v4, $0x3;
	v3 =	vand.u32 $0x7F, v3;
	v7 =	vand.u32 $0xFFFFFC00, v7  }
0xda: {  	v4 =	vand.u32 $0x7F, v4;
	v9 =	vand.u32 $0xFFFFFC00, v8;
	v8 =	vor.u32 v3, v7  }
0xdb: {  	v3 =	vor.u32 v4, v9;
	v4 =	vshll.u32 v5, $0x3  }
0xdc: {  	v7 =	vshll.u32 v6, $0x3;
	v5 =	vand.u32 $0x7F, v5;
	v4 =	vand.u32 $0xFFFFFC00, v4  }
0xdd: {  	v9 =	vand.u32 $0xFFFFFC00, v7;
	v7 =	vor.u32 v5, v4;
	v4 =	vand.u32 $0x7F, v6  }
0xde: {  	v6 =	vor.u32 v4, v9  }
0xdf: {  	v4 =	vld.idx.msk [tilespmem:v8+s28+$0x0], $0xffff  }
0xe0: {  	v9 =	vor.u32 $0x80, v8;
	v5 =	vld.idx.msk [tilespmem:v3+s28+$0x0], $0xffff  }
0xe1: {  	s1 =	sand.u32 $0x3C00, s1;
	v10 =	vor.u32 $0x80, v3  }
0xe2: {  	s20 =	sadd.s32 $0x12900, s1;
	v11 =	vld.idx.msk [tilespmem:v7+s28+$0x0], $0xffff  }
0xe3: {  	s21 =	sor.u32 s15, s20;
	v12 =	vor.u32 $0x80, v7;
	v13 =	vld.idx.msk [tilespmem:v6+s28+$0x0], $0xffff  }
0xe4: {  	s1 =	sor.u32 s13, s20;
	v14 =	vor.u32 $0x80, v6;
	[tilespmem:s21+$0x0] =	vst v4  }
0xe5: {  	[tilespmem:s1+$0x0] =	vst v5;
	v4 =	vld.idx.msk [tilespmem:v9+s28+$0x0], $0xffff  }
0xe6: {  	s22 =	sor.u32 s17, s20;
	v5 =	vld.idx.msk [tilespmem:v10+s28+$0x0], $0xffff;
	v9 =	vor.u32 $0x100, v8  }
0xe7: {  	s2 =	sor.u32 s18, s20;
	v10 =	vor.u32 $0x100, v3;
	[tilespmem:s22+$0x0] =	vst v11  }
0xe8: {  	v11 =	vld.idx.msk [tilespmem:v12+s28+$0x0], $0xffff;
	[tilespmem:s2+$0x0] =	vst v13  }
0xe9: {  	v12 =	vor.u32 $0x100, v7;
	v13 =	vld.idx.msk [tilespmem:v14+s28+$0x0], $0xffff  }
0xea: {  	v14 =	vor.u32 $0x100, v6;
	[tilespmem:s21+$0x80] =	vst v4  }
0xeb: {  	[tilespmem:s1+$0x80] =	vst v5;
	v4 =	vld.idx.msk [tilespmem:v9+s28+$0x0], $0xffff  }
0xec: {  	v5 =	vld.idx.msk [tilespmem:v10+s28+$0x0], $0xffff;
	v9 =	vor.u32 $0x180, v8  }
0xed: {  	v10 =	vor.u32 $0x180, v3;
	[tilespmem:s22+$0x80] =	vst v11  }
0xee: {  	v11 =	vld.idx.msk [tilespmem:v12+s28+$0x0], $0xffff;
	[tilespmem:s2+$0x80] =	vst v13  }
0xef: {  	s25 =	simm.s32 $0x40;
	v12 =	vor.u32 $0x180, v7;
	v13 =	vld.idx.msk [tilespmem:v14+s28+$0x0], $0xffff  }
0xf0: {  	s3 =	sand.u32 $0x40, s25;
	v14 =	vld [tilespmem:s25+$0x0];
	[tilespmem:s21+$0x100] =	vst v4  }
0xf1: {  	s12 =	sand.u32 $0x780, s25;
	s13 =	sor.u32 $0x30, s3;
	[tilespmem:s1+$0x100] =	vst v5;
	v4 =	vld.idx.msk [tilespmem:v9+s28+$0x0], $0xffff  }
0xf2: {  	s17 =	sor.u32 s13, s12;
	v5 =	vor.u32 $0x180, v6;
	v9 =	vld.idx.msk [tilespmem:v10+s28+$0x0], $0xffff  }
0xf3: {  	s18 =	sor.u32 $0x10, s3;
	v10 =	vor.u32 $0x200, v8;
	[tilespmem:s22+$0x100] =	vst v11;
	v11 =	vld [tilespmem:s17+$0x0]  }
0xf4: {  	s19 =	sor.u32 $0x20, s3;
	s20 =	sor.u32 s18, s12;
	v12 =	vld.idx.msk [tilespmem:v12+s28+$0x0], $0xffff  }
0xf5: {  	s11 =	sor.u32 s19, s12;
	v16 =	vld [tilespmem:s20+$0x0];
	v15 =	vor.u32 $0x200, v7;
	v17 =	vshll.u32 v14, $0x3  }
0xf6: {  	v18 =	vld [tilespmem:s11+$0x0];
	[tilespmem:s2+$0x100] =	vst v13;
	v13 =	vor.u32 $0x200, v3;
	v14 =	vand.u32 $0x7F, v14;
	v17 =	vand.u32 $0xFFFFFC00, v17  }
0xf7: {  	p0 =	por $0x0, $0x0;
	s8 =	simm.s32 $0x1;
	v19 =	vld.idx.msk [tilespmem:v5+s28+$0x0], $0xffff;
	[tilespmem:s21+$0x180] =	vst v4;
	v4 =	vor.u32 v14, v17  }
0xf8: {  	s8 =	simm.s32 @!p0 $0x0;
	v14 =	vor.u32 $0x200, v6;
	v10 =	vld.idx.msk [tilespmem:v10+s28+$0x0], $0xffff;
	v5 =	vshll.u32 v11, $0x3  }
0xf9: {  	s8 =	sshll.u32 s8, $0x6;
	v11 =	vand.u32 $0x7F, v11;
	[tilespmem:s22+$0x180] =	vst v12;
	v5 =	vand.u32 $0xFFFFFC00, v5;
	v12 =	vor.u32 $0x280, v8  }
0xfa: {  	v17 =	vor.u32 $0x280, v7;
	[tilespmem:s1+$0x180] =	vst v9;
	s1 =	sadd.s32 $0x0, s8;
	v9 =	vld.idx.msk [tilespmem:v15+s28+$0x0], $0xffff;
	v15 =	vshll.u32 v16, $0x3;
	v5 =	vor.u32 v11, v5  }
0xfb: {  	s10 =	sadd.s32 $0x30, s1;
	v11 =	vld.idx.msk [tilespmem:v13+s28+$0x0], $0xffff;
	v13 =	vshll.u32 v18, $0x3;
	v16 =	vand.u32 $0x7F, v16;
	v15 =	vand.u32 $0xFFFFFC00, v15  }
0xfc: {  	s21 =	sor.u32 $0x200, s10;
	v13 =	vand.u32 $0xFFFFFC00, v13;
	[tilespmem:s2+$0x180] =	vst v19;
	v20 =	vld.idx.msk [tilespmem:v4+s28+$0x0], $0xffff;
	v24 =	vor.u32 v16, v15;
	v15 =	vand.u32 $0x7F, v18  }
0xfd: {  	s22 =	sadd.s32 $0x10, s1;
	v14 =	vld.idx.msk [tilespmem:v14+s28+$0x0], $0xffff;
	v13 =	vor.u32 v15, v13;
	[tilespmem:s21+$0x12900] =	vst v10  }
0xfe: {  	s11 =	sor.u32 $0x200, s22;
	v10 =	vor.u32 $0x280, v3;
	v12 =	vld.idx.msk [tilespmem:v12+s28+$0x0], $0xffff  }
0xff: {  	s6 =	simm.s32 $0x200;
	s8 =	sor.u32 $0x200, s1;
	v15 =	vor.u32 $0x280, v6;
	v16 =	vld.idx.msk [tilespmem:v5+s28+$0x0], $0xffff;
	[tilespmem:s11+$0x12900] =	vst v9  }
0x100: {  	s15 =	sand.u32 $0x3C00, s6;
	s14 =	sadd.s32 $0x20, s1;
	[tilespmem:s8+$0x12900] =	vst v11;
	v11 =	vor.u32 $0x80, v4;
	v9 =	vld.idx.msk [tilespmem:v17+s28+$0x0], $0xffff  }
0x101: {  	s12 =	sor.u32 $0x200, s14;
	s8 =	sadd.s32 $0x12900, s15;
	v17 =	vor.u32 $0x300, v8;
	v18 =	vld.idx.msk [tilespmem:v24+s28+$0x0], $0xffff  }
0x102: {  	v19 =	vor.u32 $0x80, v5;
	s7 =	sor.u32 s3, s8;
	[tilespmem:s12+$0x12900] =	vst v14;
	v21 =	vld.idx.msk [tilespmem:v13+s28+$0x0], $0xffff  }
0x103: {  	s16 =	sor.u32 $0x280, s10;
	v22 =	vor.u32 $0x80, v24;
	[tilespmem:s7+$0x0] =	vst v20;
	v10 =	vld.idx.msk [tilespmem:v10+s28+$0x0], $0xffff  }
0x104: {  	v14 =	vor.u32 $0x80, v13;
	s12 =	sor.u32 s13, s8;
	v15 =	vld.idx.msk [tilespmem:v15+s28+$0x0], $0xffff;
	[tilespmem:s16+$0x12900] =	vst v12  }
0x105: {  	s17 =	sor.u32 $0x280, s22;
	v12 =	vor.u32 $0x300, v7;
	[tilespmem:s12+$0x0] =	vst v16;
	v11 =	vld.idx.msk [tilespmem:v11+s28+$0x0], $0xffff  }
0x106: {  	s11 =	sor.u32 s18, s8;
	v16 =	vld.idx.msk [tilespmem:v17+s28+$0x0], $0xffff;
	v17 =	vor.u32 $0x300, v6;
	[tilespmem:s17+$0x12900] =	vst v9  }
0x107: {  	v8 =	vor.u32 $0x380, v8;
	s8 =	sor.u32 s19, s8;
	v19 =	vld.idx.msk [tilespmem:v19+s28+$0x0], $0xffff;
	[tilespmem:s11+$0x0] =	vst v18  }
0x108: {  	s18 =	sor.u32 $0x280, s14;
	v20 =	vor.u32 $0x100, v5;
	v18 =	vld.idx.msk [tilespmem:v22+s28+$0x0], $0xffff;
	[tilespmem:s8+$0x0] =	vst v21  }
0x109: {  	v21 =	vor.u32 $0x100, v4;
	[tilespmem:s18+$0x12900] =	vst v15;
	v23 =	vld.idx.msk [tilespmem:v14+s28+$0x0], $0xffff  }
0x10a: {  	s19 =	sor.u32 $0x300, s10;
	v9 =	vor.u32 $0x100, v24;
	v25 =	vld.idx.msk [tilespmem:v12+s28+$0x0], $0xffff;
	[tilespmem:s7+$0x80] =	vst v11  }
0x10b: {  	v26 =	vor.u32 $0x100, v13;
	v17 =	vld.idx.msk [tilespmem:v17+s28+$0x0], $0xffff;
	[tilespmem:s19+$0x12900] =	vst v16  }
0x10c: {  	[tilespmem:s12+$0x80] =	vst v19;
	v19 =	vor.u32 $0x300, v3;
	v27 =	vld.idx.msk [tilespmem:v8+s28+$0x0], $0xffff  }
0x10d: {  	v28 =	vor.u32 $0x380, v7;
	v22 =	vld.idx.msk [tilespmem:v20+s28+$0x0], $0xffff;
	[tilespmem:s11+$0x80] =	vst v18  }
0x10e: {  	s21 =	sor.u32 $0x300, s22;
	v7 =	vor.u32 $0x380, v24;
	v20 =	vld.idx.msk [tilespmem:v21+s28+$0x0], $0xffff;
	[tilespmem:s8+$0x80] =	vst v23  }
0x10f: {  	s20 =	sor.u32 $0x280, s1;
	v14 =	vor.u32 $0x200, v24;
	v11 =	vor.u32 $0x280, v24;
	v21 =	vld.idx.msk [tilespmem:v9+s28+$0x0], $0xffff;
	[tilespmem:s21+$0x12900] =	vst v25;
	v25 =	vor.u32 $0x180, v5  }
0x110: {  	s4 =	sor.u32 $0x300, s1;
	s31 =	sor.u32 $0x380, s14;
	[tilespmem:s20+$0x12900] =	vst v10;
	v16 =	vor.u32 $0x180, v24;
	v9 =	vor.u32 $0x300, v24;
	v24 =	vor.u32 $0x180, v4;
	v23 =	vld.idx.msk [tilespmem:v26+s28+$0x0], $0xffff  }
0x111: {  	s29 =	sor.u32 $0x380, s22;
	s2 =	simm.s32 $0x4;
	s22 =	sor.u32 $0x380, s10;
	v6 =	vor.u32 $0x380, v6;
	v15 =	vor.u32 $0x180, v13;
	v10 =	vor.u32 $0x280, v13;
	v18 =	vld.idx.msk [tilespmem:v19+s28+$0x0], $0xffff  }
0x112: {  	s3 =	sor.u32 $0x300, s14;
	s10 =	sor.u32 $0x380, s1;
	s1 =	simm.s32 $0x80;
	v12 =	vor.u32 $0x200, v13;
	v8 =	vor.u32 $0x300, v13;
	v13 =	vor.u32 $0x380, v13;
	v19 =	vld.idx.msk [tilespmem:v28+s28+$0x0], $0xffff;
	[tilespmem:s22+$0x12900] =	vst v27  }
.LBB2_8:
0x113: {  	v26 =	vld [tilespmem:s1+$0x0];
	[tilespmem:s12+$0x100] =	vst v22;
	s25 =	sadd.s32 $0x40, s25  }
0x114: {  	s2 =	sadd.s32 $0x4, s2;
	s13 =	sand.u32 $0x40, s25;
	[tilespmem:s7+$0x100] =	vst v20;
	v20 =	vld.idx.msk [tilespmem:v25+s28+$0x0], $0xffff  }
0x115: {  	s17 =	sand.u32 $0x780, s25;
	p1 =	slt.u32 s2, $0x7C;
	s14 =	sor.u32 $0x30, s13;
	v22 =	vld.idx.msk [tilespmem:v24+s28+$0x0], $0xffff;
	[tilespmem:s11+$0x100] =	vst v21  }
0x116: {  	s16 =	sor.u32 $0x10, s13;
	s15 =	sor.u32 $0x20, s13;
	v21 =	vor.u32 $0x200, v5;
	s18 =	sor.u32 s14, s17;
	v16 =	vld.idx.msk [tilespmem:v16+s28+$0x0], $0xffff;
	[tilespmem:s8+$0x100] =	vst v23  }
0x117: {  	v24 =	vor.u32 $0x200, v4;
	s19 =	sor.u32 s16, s17;
	s17 =	sor.u32 s15, s17;
	v23 =	vld [tilespmem:s18+$0x0];
	[tilespmem:s3+$0x12900] =	vst v17  }
0x118: {  	v17 =	vld [tilespmem:s19+$0x0];
	[tilespmem:s4+$0x12900] =	vst v18  }
0x119: {  	v18 =	vshll.u32 v26, $0x3;
	v25 =	vld [tilespmem:s17+$0x0];
	[tilespmem:s29+$0x12900] =	vst v19  }
0x11a: {  	v19 =	vand.u32 $0x7F, v26;
	v18 =	vand.u32 $0xFFFFFC00, v18;
	v15 =	vld.idx.msk [tilespmem:v15+s28+$0x0], $0xffff;
	[tilespmem:s12+$0x180] =	vst v20;
	v20 =	vor.u32 $0x380, v3;
	v3 =	vmovc v4  }
0x11b: {  	p0 =	por !p0, !p0;
	s3 =	simm.s32 $0x1;
	v4 =	vor.u32 v19, v18;
	[tilespmem:s7+$0x180] =	vst v22;
	v18 =	vld.idx.msk [tilespmem:v21+s28+$0x0], $0xffff  }
0x11c: {  	s3 =	simm.s32 @!p0 $0x0;
	v19 =	vshll.u32 v23, $0x3;
	v21 =	vld.idx.msk [tilespmem:v24+s28+$0x0], $0xffff;
	[tilespmem:s11+$0x180] =	vst v16  }
0x11d: {  	s3 =	sshll.u32 s3, $0x6;
	v16 =	vand.u32 $0x7F, v23;
	v19 =	vand.u32 $0xFFFFFC00, v19;
	v22 =	vld.idx.msk [tilespmem:v14+s28+$0x0], $0xffff;
	v14 =	vor.u32 $0x280, v5  }
0x11e: {  	s7 =	sadd.s32 s3, s6;
	v23 =	vshll.u32 v17, $0x3;
	v24 =	vshll.u32 v25, $0x3;
	v19 =	vor.u32 v16, v19;
	v26 =	vld.idx.msk [tilespmem:v6+s28+$0x0], $0xffff;
	v6 =	vmovc v13  }
0x11f: {  	s11 =	sadd.s32 $0x10, s7;
	s12 =	sadd.s32 $0x20, s7;
	s17 =	sadd.s32 $0x30, s7;
	v13 =	vand.u32 $0x7F, v17;
	v16 =	vand.u32 $0xFFFFFC00, v23;
	v17 =	vand.u32 $0xFFFFFC00, v24;
	v20 =	vld.idx.msk [tilespmem:v20+s28+$0x0], $0xffff  }
0x120: {  	s29 =	sor.u32 $0x200, s11;
	s3 =	sor.u32 $0x200, s17;
	v13 =	vor.u32 v13, v16;
	v16 =	vand.u32 $0x7F, v25;
	v24 =	vor.u32 $0x280, v3;
	v23 =	vld.idx.msk [tilespmem:v4+s28+$0x0], $0xffff;
	[tilespmem:s8+$0x180] =	vst v15;
	s8 =	sor.u32 $0x200, s12  }
0x121: {  	s4 =	sor.u32 $0x200, s7;
	s21 =	sor.u32 $0x280, s11;
	s20 =	sor.u32 $0x280, s12;
	v25 =	vor.u32 $0x80, v13;
	v27 =	vor.u32 $0x100, v13;
	v17 =	vor.u32 v16, v17;
	v28 =	vld.idx.msk [tilespmem:v12+s28+$0x0], $0xffff;
	[tilespmem:s3+$0x12900] =	vst v18  }
0x122: {  	s19 =	sor.u32 $0x280, s7;
	s18 =	sor.u32 $0x300, s11;
	v16 =	vor.u32 $0x180, v13;
	v18 =	vor.u32 $0x80, v17;
	v29 =	vor.u32 $0x100, v17;
	s3 =	sor.u32 $0x300, s12;
	[tilespmem:s4+$0x12900] =	vst v21;
	v21 =	vld.idx.msk [tilespmem:v14+s28+$0x0], $0xffff  }
0x123: {  	v15 =	vor.u32 $0x180, v17;
	v12 =	vor.u32 $0x200, v17;
	v14 =	vor.u32 $0x200, v13;
	s4 =	sor.u32 $0x300, s7;
	v30 =	vld.idx.msk [tilespmem:v19+s28+$0x0], $0xffff;
	[tilespmem:s29+$0x12900] =	vst v22;
	s29 =	sor.u32 $0x380, s11;
	s11 =	sor.u32 $0x380, s12  }
0x124: {  	v32 =	vor.u32 $0x300, v5;
	s7 =	sor.u32 $0x380, s7;
	v22 =	vor.u32 $0x280, v17;
	v31 =	vld.idx.msk [tilespmem:v11+s28+$0x0], $0xffff;
	v11 =	vor.u32 $0x280, v13;
	[tilespmem:s31+$0x12900] =	vst v26;
	s31 =	smov.u32 s11  }
0x125: {  	s6 =	sadd.s32 $0x200, s6;
	v35 =	vor.u32 $0x80, v19;
	v33 =	vor.u32 $0x300, v13;
	v34 =	vor.u32 $0x300, v17;
	v26 =	vld.idx.msk [tilespmem:v13+s28+$0x0], $0xffff;
	[tilespmem:s10+$0x12900] =	vst v20;
	s10 =	smov.u32 s7  }
0x126: {  	v36 =	vor.u32 $0x380, v13;
	s7 =	sand.u32 $0x3C00, s6;
	v20 =	vor.u32 $0x80, v4;
	v13 =	vor.u32 $0x380, v17;
	v37 =	vld.idx.msk [tilespmem:v17+s28+$0x0], $0xffff  }
0x127: {  	s22 =	sadd.s32 $0x12900, s7;
	v38 =	vld.idx.msk [tilespmem:v24+s28+$0x0], $0xffff;
	[tilespmem:s8+$0x12900] =	vst v28;
	s8 =	sor.u32 $0x280, s17  }
0x128: {  	s7 =	sor.u32 s13, s22;
	s11 =	sor.u32 s16, s22;
	s12 =	sor.u32 s14, s22;
	v17 =	vld.idx.msk [tilespmem:v10+s28+$0x0], $0xffff;
	[tilespmem:s8+$0x12900] =	vst v21;
	v10 =	vmov v22  }
0x129: {  	s8 =	sor.u32 s15, s22;
	[tilespmem:s12+$0x0] =	vst v30;
	v21 =	vld.idx.msk [tilespmem:v32+s28+$0x0], $0xffff  }
0x12a: {  	[tilespmem:s7+$0x0] =	vst v23;
	v22 =	vld.idx.msk [tilespmem:v35+s28+$0x0], $0xffff  }
0x12b: {  	v23 =	vor.u32 $0x380, v5;
	v5 =	vmov v19;
	v20 =	vld.idx.msk [tilespmem:v20+s28+$0x0], $0xffff;
	[tilespmem:s11+$0x0] =	vst v26  }
0x12c: {  	v24 =	vor.u32 $0x100, v5;
	v19 =	vld.idx.msk [tilespmem:v25+s28+$0x0], $0xffff;
	[tilespmem:s8+$0x0] =	vst v37  }
0x12d: {  	v25 =	vor.u32 $0x100, v4;
	v18 =	vld.idx.msk [tilespmem:v18+s28+$0x0], $0xffff;
	[tilespmem:s21+$0x12900] =	vst v31  }
0x12e: {  	s13 =	sor.u32 $0x300, s17;
	v26 =	vld.idx.msk [tilespmem:v9+s28+$0x0], $0xffff;
	[tilespmem:s20+$0x12900] =	vst v17;
	v9 =	vmov v33  }
0x12f: {  	v17 =	vld.idx.msk [tilespmem:v8+s28+$0x0], $0xffff;
	[tilespmem:s13+$0x12900] =	vst v21;
	v8 =	vmov v34  }
0x130: {  	v28 =	vor.u32 $0x300, v3;
	[tilespmem:s12+$0x80] =	vst v22;
	v30 =	vld.idx.msk [tilespmem:v23+s28+$0x0], $0xffff  }
0x131: {  	[tilespmem:s7+$0x80] =	vst v20;
	v22 =	vld.idx.msk [tilespmem:v24+s28+$0x0], $0xffff  }
.Ltmp5:
0x132: {  	v20 =	vld.idx.msk [tilespmem:v25+s28+$0x0], $0xffff;
	[tilespmem:s11+$0x80] =	vst v19;
	(pc) =	sbr.rel @p1 .LBB2_8-.Ltmp5, $4  }
0x133: {  	v25 =	vor.u32 $0x180, v5;
	v21 =	vld.idx.msk [tilespmem:v27+s28+$0x0], $0xffff;
	[tilespmem:s8+$0x80] =	vst v18  }
0x134: {  	v24 =	vor.u32 $0x180, v4;
	v23 =	vld.idx.msk [tilespmem:v29+s28+$0x0], $0xffff;
	[tilespmem:s19+$0x12900] =	vst v38  }
0x135: {  	s13 =	sor.u32 $0x380, s17;
	v18 =	vld.idx.msk [tilespmem:v28+s28+$0x0], $0xffff;
	[tilespmem:s18+$0x12900] =	vst v26  }
0x136: {  	s1 =	sadd.s32 $0x40, s1;
	v19 =	vld.idx.msk [tilespmem:v7+s28+$0x0], $0xffff;
	[tilespmem:s13+$0x12900] =	vst v30;
	v7 =	vmov v36  }
0x137: {  	_ =	sdelay $0x2  }
0x138: {  	[tilespmem:s12+$0x100] =	vst v22  }
0x139: {  	v22 =	vld.idx.msk [tilespmem:v25+s28+$0x0], $0xffff;
	[tilespmem:s11+$0x100] =	vst v21  }
0x13a: {  	[tilespmem:s7+$0x100] =	vst v20;
	v21 =	vor.u32 $0x200, v5;
	v16 =	vld.idx.msk [tilespmem:v16+s28+$0x0], $0xffff  }
0x13b: {  	v20 =	vld.idx.msk [tilespmem:v24+s28+$0x0], $0xffff;
	[tilespmem:s8+$0x100] =	vst v23  }
0x13c: {  	v23 =	vor.u32 $0x200, v4;
	v15 =	vld.idx.msk [tilespmem:v15+s28+$0x0], $0xffff;
	_ =	sdelay $0x1  }
0x13d: {  	p0 =	por !p0, !p0;
	s1 =	simm.s32 $0x1;
	[tilespmem:s12+$0x180] =	vst v22  }
0x13e: {  	s1 =	simm.s32 @!p0 $0x0;
	v21 =	vld.idx.msk [tilespmem:v21+s28+$0x0], $0xffff;
	[tilespmem:s11+$0x180] =	vst v16  }
0x13f: {  	s1 =	sshll.u32 s1, $0x6;
	[tilespmem:s7+$0x180] =	vst v20;
	v16 =	vor.u32 $0x280, v5;
	v14 =	vld.idx.msk [tilespmem:v14+s28+$0x0], $0xffff  }
0x140: {  	s1 =	sadd.s32 s1, s6;
	[tilespmem:s8+$0x180] =	vst v15;
	v15 =	vld.idx.msk [tilespmem:v23+s28+$0x0], $0xffff  }
0x141: {  	s2 =	sadd.s32 $0x30, s1;
	v20 =	vor.u32 $0x280, v4;
	v12 =	vld.idx.msk [tilespmem:v12+s28+$0x0], $0xffff  }
0x142: {  	s6 =	sadd.s32 $0x10, s1;
	s12 =	sor.u32 $0x200, s2  }
0x143: {  	s14 =	sor.u32 $0x200, s6;
	[tilespmem:s12+$0x12900] =	vst v21  }
0x144: {  	s13 =	sadd.s32 $0x20, s1;
	s16 =	sor.u32 $0x200, s1;
	v16 =	vld.idx.msk [tilespmem:v16+s28+$0x0], $0xffff;
	[tilespmem:s14+$0x12900] =	vst v14  }
0x145: {  	s15 =	sor.u32 $0x200, s13;
	v14 =	vor.u32 $0x300, v5;
	[tilespmem:s16+$0x12900] =	vst v15;
	v11 =	vld.idx.msk [tilespmem:v11+s28+$0x0], $0xffff  }
0x146: {  	[tilespmem:s15+$0x12900] =	vst v12;
	v12 =	vld.idx.msk [tilespmem:v20+s28+$0x0], $0xffff  }
0x147: {  	v15 =	vor.u32 $0x300, v4;
	v10 =	vld.idx.msk [tilespmem:v10+s28+$0x0], $0xffff  }
0x148: {  	[tilespmem:s3+$0x12900] =	vst v17;
	s17 =	sor.u32 $0x280, s2  }
0x149: {  	s18 =	sor.u32 $0x280, s6;
	[tilespmem:s17+$0x12900] =	vst v16  }
0x14a: {  	v3 =	vor.u32 $0x380, v3;
	s20 =	sor.u32 $0x280, s1;
	v14 =	vld.idx.msk [tilespmem:v14+s28+$0x0], $0xffff;
	[tilespmem:s18+$0x12900] =	vst v11  }
0x14b: {  	s19 =	sor.u32 $0x280, s13;
	v5 =	vor.u32 $0x380, v5;
	[tilespmem:s20+$0x12900] =	vst v12;
	v9 =	vld.idx.msk [tilespmem:v9+s28+$0x0], $0xffff  }
0x14c: {  	[tilespmem:s19+$0x12900] =	vst v10;
	v10 =	vld.idx.msk [tilespmem:v15+s28+$0x0], $0xffff  }
0x14d: {  	[tilespmem:s4+$0x12900] =	vst v18;
	v4 =	vor.u32 $0x380, v4;
	v8 =	vld.idx.msk [tilespmem:v8+s28+$0x0], $0xffff  }
0x14e: {  	v6 =	vld.idx.msk [tilespmem:v6+s28+$0x0], $0xffff;
	[tilespmem:s29+$0x12900] =	vst v19;
	s21 =	sor.u32 $0x300, s2  }
0x14f: {  	v3 =	vld.idx.msk [tilespmem:v3+s28+$0x0], $0xffff;
	s22 =	sor.u32 $0x300, s6;
	[tilespmem:s21+$0x12900] =	vst v14  }
0x150: {  	s7 =	sor.u32 $0x300, s1;
	v5 =	vld.idx.msk [tilespmem:v5+s28+$0x0], $0xffff;
	[tilespmem:s22+$0x12900] =	vst v9  }
0x151: {  	s25 =	sor.u32 $0x300, s13;
	[tilespmem:s7+$0x12900] =	vst v10;
	v7 =	vld.idx.msk [tilespmem:v7+s28+$0x0], $0xffff  }
0x152: {  	[tilespmem:s25+$0x12900] =	vst v8;
	v4 =	vld.idx.msk [tilespmem:v4+s28+$0x0], $0xffff  }
0x153: {  	[tilespmem:s31+$0x12900] =	vst v6;
	v8 =	vld.idx.msk [tilespmem:v13+s28+$0x0], $0xffff  }
0x154: {  	s2 =	sor.u32 $0x380, s2;
	[tilespmem:s10+$0x12900] =	vst v3  }
0x155: {  	s10 =	sor.u32 $0x380, s6;
	[tilespmem:s2+$0x12900] =	vst v5  }
0x156: {  	s1 =	sor.u32 $0x380, s1;
	[tilespmem:s10+$0x12900] =	vst v7  }
0x157: {  	s11 =	sor.u32 $0x380, s13;
	[tilespmem:s1+$0x12900] =	vst v4  }
0x158: {  	[tilespmem:s11+$0x12900] =	vst v8  }
0x159: {  	s12 =	simm.s32 $0x12900;
	s1 =	simm.s32 $0x0;
	s2 =	rddreg [dreg:$0xb]  }
0x15a: {  	[hbm4b:s2+s1] =	stream.linear.scatter [tilespmem:s12], [sflag:$0x4], $0x4000, $0x38;
	[tilespmem:$0x1A900] =	vst v63  }
0x15b: {  	v3 =	vld.msk [tilespmem:$0x810], $0xff;
	_ =	sdelay $0x4  }
0x15c: {  	v4 =	vshll.u32 v3, $0x5  }
0x15d: {  	v3 =	vand.u32 $0x7, v3;
	v4 =	vand.u32 $0xFFFFFF00, v4  }
0x15e: {  	v3 =	vor.u32 v3, v4  }
0x15f: {  	v3 =	vperm.xlane v3, v1;
	_ =	sdelay $0x1  }
0x160: {  	v3 =	vadd.s32 v2, v3;
	_ =	sdelay $0x3  }
0x161: {  	s13 =	rddreg [dreg:$0x0]  }
0x162: {  	[tilespmem:s28], [sflag:$0x2] =	stream.indirect_vreg.gather [hbm4b:s13+s1], $0x80, v3, vm0, $0xb8;
	[tilespmem:$0x1A900] =	vst v63  }
0x163: {  	s15 =	simm.s32 $0x3100;
	s14 =	rddreg [dreg:$0xc]  }
0x164: {  	[tilespmem:s15], [sflag:$0x2] =	stream.indirect_vreg.gather [hbm4b:s14+s1], $0x80, v3, vm0, $0xb8;
	[tilespmem:$0x1A900] =	vst v63  }
0x165: {  	s17 =	simm.s32 $0x3900;
	s16 =	rddreg [dreg:$0xd]  }
0x166: {  	[tilespmem:s17], [sflag:$0x2] =	stream.indirect_vreg.gather [hbm4b:s16+s1], $0x80, v3, vm0, $0xb8;
	[tilespmem:$0x1A900] =	vst v63  }
0x167: {  	s19 =	simm.s32 $0x4100;
	s18 =	rddreg [dreg:$0xe]  }
0x168: {  	[tilespmem:s19], [sflag:$0x2] =	stream.indirect_vreg.gather [hbm4b:s18+s1], $0x80, v3, vm0, $0xb8;
	[tilespmem:$0x1A900] =	vst v63  }
0x169: {  	s21 =	simm.s32 $0x4900;
	s20 =	rddreg [dreg:$0xf]  }
0x16a: {  	[tilespmem:s21], [sflag:$0x2] =	stream.indirect_vreg.gather [hbm4b:s20+s1], $0x80, v3, vm0, $0xb8;
	[tilespmem:$0x1A900] =	vst v63  }
0x16b: {  	s25 =	simm.s32 $0x5100;
	s22 =	rddreg [dreg:$0x10]  }
0x16c: {  	[tilespmem:s25], [sflag:$0x2] =	stream.indirect_vreg.gather [hbm4b:s22+s1], $0x80, v3, vm0, $0xb8;
	[tilespmem:$0x1A900] =	vst v63  }
0x16d: {  	s4 =	simm.s32 $0x5900;
	s3 =	rddreg [dreg:$0x11]  }
0x16e: {  	[tilespmem:s4], [sflag:$0x2] =	stream.indirect_vreg.gather [hbm4b:s3+s1], $0x80, v3, vm0, $0xb8;
	[tilespmem:$0x1A900] =	vst v63  }
0x16f: {  	s7 =	simm.s32 $0x6100;
	s6 =	rddreg [dreg:$0x12]  }
0x170: {  	[tilespmem:s7], [sflag:$0x2] =	stream.indirect_vreg.gather [hbm4b:s6+s1], $0x80, v3, vm0, $0xb8;
	[tilespmem:$0x1A900] =	vst v63  }
0x171: {  	s10 =	simm.s32 $0x6900;
	s8 =	rddreg [dreg:$0x13]  }
0x172: {  	[tilespmem:s10], [sflag:$0x2] =	stream.indirect_vreg.gather [hbm4b:s8+s1], $0x80, v3, vm0, $0xb8;
	[tilespmem:$0x1A900] =	vst v63  }
0x173: {  	s11 =	rddreg [dreg:$0x14];
	s12 =	simm.s32 $0x7100  }
0x174: {  	[tilespmem:s12], [sflag:$0x2] =	stream.indirect_vreg.gather [hbm4b:s11+s1], $0x80, v3, vm0, $0xb8;
	[tilespmem:$0x1A900] =	vst v63  }
0x175: {  	s13 =	rddreg [dreg:$0x15];
	s14 =	simm.s32 $0x7900  }
0x176: {  	[tilespmem:s14], [sflag:$0x2] =	stream.indirect_vreg.gather [hbm4b:s13+s1], $0x80, v3, vm0, $0xb8;
	[tilespmem:$0x1A900] =	vst v63  }
0x177: {  	s15 =	rddreg [dreg:$0x16];
	s16 =	simm.s32 $0x8100  }
0x178: {  	[tilespmem:s16], [sflag:$0x2] =	stream.indirect_vreg.gather [hbm4b:s15+s1], $0x80, v3, vm0, $0xb8;
	[tilespmem:$0x1A900] =	vst v63  }
0x179: {  	s17 =	rddreg [dreg:$0x17];
	s18 =	simm.s32 $0x8900  }
0x17a: {  	[tilespmem:s18], [sflag:$0x2] =	stream.indirect_vreg.gather [hbm4b:s17+s1], $0x80, v3, vm0, $0xb8;
	[tilespmem:$0x1A900] =	vst v63  }
0x17b: {  	s19 =	simm.s32 $0x9100  }
0x17c: {  	[tilespmem:s19], [sflag:$0x2] =	stream.indirect_vreg.gather [hbm4b:s23+s1], $0x80, v3, vm0, $0xb8;
	[tilespmem:$0x1A900] =	vst v63  }
0x17d: {  	s20 =	simm.s32 $0x9900  }
0x17e: {  	[tilespmem:s20], [sflag:$0x2] =	stream.indirect_vreg.gather [hbm4b:s24+s1], $0x80, v3, vm0, $0xb8;
	[tilespmem:$0x1A900] =	vst v63  }
0x17f: {  	s21 =	simm.s32 $0xA100;
	s22 =	simm.s32 $0x3  }
0x180: {  	[tilespmem:s21], [sflag:$0x2] =	stream.indirect_vreg.gather [hbm4b:s26+s1], $0x80, v3, vm0, $0xb8;
	[tilespmem:$0x1A900] =	vst v63  }
0x181: {  	s25 =	sand.u32 $0x40, s1;
	_ =	swait.ge [sflag:s22], $0x8000  }
0x182: {  	s4 =	sand.u32 $0x780, s1;
	s7 =	sor.u32 $0x30, s25;
	[sflag:s22] =	ssyncset.done $0x0  }
0x183: {  	s10 =	sor.u32 s7, s4;
	[sflag:s22] =	ssyncadd.s32 $0xFFFF8000  }
0x184: {  	v3 =	vld [tilespmem:s10+$0x0]  }
0x185: {  	s11 =	sor.u32 $0x10, s25;
	v4 =	vld [tilespmem:s1+$0x0]  }
0x186: {  	s12 =	sor.u32 $0x20, s25;
	s13 =	sor.u32 s11, s4  }
0x187: {  	s3 =	sor.u32 s12, s4;
	v5 =	vld [tilespmem:s13+$0x0]  }
0x188: {  	v6 =	vld [tilespmem:s3+$0x0]  }
0x189: {  	v7 =	vshll.u32 v3, $0x3  }
0x18a: {  	v8 =	vshll.u32 v4, $0x3;
	v3 =	vand.u32 $0x7F, v3;
	v7 =	vand.u32 $0xFFFFFC00, v7  }
0x18b: {  	v4 =	vand.u32 $0x7F, v4;
	v9 =	vand.u32 $0xFFFFFC00, v8;
	v8 =	vor.u32 v3, v7  }
0x18c: {  	v3 =	vor.u32 v4, v9;
	v4 =	vshll.u32 v5, $0x3  }
0x18d: {  	v7 =	vshll.u32 v6, $0x3;
	v5 =	vand.u32 $0x7F, v5;
	v4 =	vand.u32 $0xFFFFFC00, v4  }
0x18e: {  	v9 =	vand.u32 $0xFFFFFC00, v7;
	v7 =	vor.u32 v5, v4;
	v4 =	vand.u32 $0x7F, v6  }
0x18f: {  	v6 =	vor.u32 v4, v9  }
0x190: {  	v4 =	vld.idx.msk [tilespmem:v8+s5+$0x0], $0xffff  }
0x191: {  	v9 =	vor.u32 $0x80, v8;
	v5 =	vld.idx.msk [tilespmem:v3+s5+$0x0], $0xffff  }
0x192: {  	s1 =	sand.u32 $0x3C00, s1;
	v10 =	vor.u32 $0x80, v3  }
0x193: {  	s14 =	sadd.s32 $0x16900, s1;
	v11 =	vld.idx.msk [tilespmem:v7+s5+$0x0], $0xffff  }
0x194: {  	s15 =	sor.u32 s7, s14;
	v12 =	vor.u32 $0x80, v7;
	v13 =	vld.idx.msk [tilespmem:v6+s5+$0x0], $0xffff  }
0x195: {  	s1 =	sor.u32 s25, s14;
	v14 =	vor.u32 $0x80, v6;
	[tilespmem:s15+$0x0] =	vst v4  }
0x196: {  	[tilespmem:s1+$0x0] =	vst v5;
	v4 =	vld.idx.msk [tilespmem:v9+s5+$0x0], $0xffff  }
0x197: {  	s22 =	sor.u32 s11, s14;
	v5 =	vld.idx.msk [tilespmem:v10+s5+$0x0], $0xffff;
	v9 =	vor.u32 $0x100, v8  }
0x198: {  	s2 =	sor.u32 s12, s14;
	v10 =	vor.u32 $0x100, v3;
	[tilespmem:s22+$0x0] =	vst v11  }
0x199: {  	v11 =	vld.idx.msk [tilespmem:v12+s5+$0x0], $0xffff;
	[tilespmem:s2+$0x0] =	vst v13  }
0x19a: {  	v12 =	vor.u32 $0x100, v7;
	v13 =	vld.idx.msk [tilespmem:v14+s5+$0x0], $0xffff  }
0x19b: {  	v14 =	vor.u32 $0x100, v6;
	[tilespmem:s15+$0x80] =	vst v4  }
0x19c: {  	[tilespmem:s1+$0x80] =	vst v5;
	v4 =	vld.idx.msk [tilespmem:v9+s5+$0x0], $0xffff  }
0x19d: {  	v5 =	vld.idx.msk [tilespmem:v10+s5+$0x0], $0xffff;
	v9 =	vor.u32 $0x180, v8  }
0x19e: {  	v10 =	vor.u32 $0x180, v3;
	[tilespmem:s22+$0x80] =	vst v11  }
0x19f: {  	v11 =	vld.idx.msk [tilespmem:v12+s5+$0x0], $0xffff;
	[tilespmem:s2+$0x80] =	vst v13  }
0x1a0: {  	s25 =	simm.s32 $0x40;
	v12 =	vor.u32 $0x180, v7;
	v13 =	vld.idx.msk [tilespmem:v14+s5+$0x0], $0xffff  }
0x1a1: {  	s3 =	sand.u32 $0x40, s25;
	v14 =	vld [tilespmem:s25+$0x0];
	[tilespmem:s15+$0x100] =	vst v4  }
0x1a2: {  	s16 =	sand.u32 $0x780, s25;
	s17 =	sor.u32 $0x30, s3;
	[tilespmem:s1+$0x100] =	vst v5;
	v4 =	vld.idx.msk [tilespmem:v9+s5+$0x0], $0xffff  }
0x1a3: {  	s18 =	sor.u32 s17, s16;
	v5 =	vor.u32 $0x180, v6;
	v9 =	vld.idx.msk [tilespmem:v10+s5+$0x0], $0xffff  }
0x1a4: {  	s19 =	sor.u32 $0x10, s3;
	v10 =	vor.u32 $0x200, v8;
	[tilespmem:s22+$0x100] =	vst v11;
	v11 =	vld [tilespmem:s18+$0x0]  }
0x1a5: {  	s20 =	sor.u32 $0x20, s3;
	s21 =	sor.u32 s19, s16;
	v12 =	vld.idx.msk [tilespmem:v12+s5+$0x0], $0xffff  }
0x1a6: {  	s11 =	sor.u32 s20, s16;
	v16 =	vld [tilespmem:s21+$0x0];
	v15 =	vor.u32 $0x200, v7;
	v17 =	vshll.u32 v14, $0x3  }
0x1a7: {  	v18 =	vld [tilespmem:s11+$0x0];
	[tilespmem:s2+$0x100] =	vst v13;
	v13 =	vor.u32 $0x200, v3;
	v14 =	vand.u32 $0x7F, v14;
	v17 =	vand.u32 $0xFFFFFC00, v17  }
0x1a8: {  	p0 =	por $0x0, $0x0;
	s8 =	simm.s32 $0x1;
	v19 =	vld.idx.msk [tilespmem:v5+s5+$0x0], $0xffff;
	[tilespmem:s15+$0x180] =	vst v4;
	v4 =	vor.u32 v14, v17  }
0x1a9: {  	s8 =	simm.s32 @!p0 $0x0;
	v14 =	vor.u32 $0x200, v6;
	v10 =	vld.idx.msk [tilespmem:v10+s5+$0x0], $0xffff;
	v5 =	vshll.u32 v11, $0x3  }
0x1aa: {  	s8 =	sshll.u32 s8, $0x6;
	v11 =	vand.u32 $0x7F, v11;
	[tilespmem:s22+$0x180] =	vst v12;
	v5 =	vand.u32 $0xFFFFFC00, v5;
	v12 =	vor.u32 $0x280, v8  }
0x1ab: {  	v17 =	vor.u32 $0x280, v7;
	[tilespmem:s1+$0x180] =	vst v9;
	s1 =	sadd.s32 $0x0, s8;
	v9 =	vld.idx.msk [tilespmem:v15+s5+$0x0], $0xffff;
	v15 =	vshll.u32 v16, $0x3;
	v5 =	vor.u32 v11, v5  }
0x1ac: {  	s22 =	sadd.s32 $0x30, s1;
	v11 =	vld.idx.msk [tilespmem:v13+s5+$0x0], $0xffff;
	v13 =	vshll.u32 v18, $0x3;
	v16 =	vand.u32 $0x7F, v16;
	v15 =	vand.u32 $0xFFFFFC00, v15  }
0x1ad: {  	s8 =	sor.u32 $0x200, s22;
	v13 =	vand.u32 $0xFFFFFC00, v13;
	[tilespmem:s2+$0x180] =	vst v19;
	v20 =	vld.idx.msk [tilespmem:v4+s5+$0x0], $0xffff;
	v24 =	vor.u32 v16, v15;
	v15 =	vand.u32 $0x7F, v18  }
0x1ae: {  	s13 =	sadd.s32 $0x10, s1;
	v14 =	vld.idx.msk [tilespmem:v14+s5+$0x0], $0xffff;
	v13 =	vor.u32 v15, v13;
	[tilespmem:s8+$0x16900] =	vst v10  }
0x1af: {  	s11 =	sor.u32 $0x200, s13;
	v10 =	vor.u32 $0x280, v3;
	v12 =	vld.idx.msk [tilespmem:v12+s5+$0x0], $0xffff  }
0x1b0: {  	s6 =	simm.s32 $0x200;
	v15 =	vor.u32 $0x280, v6;
	s8 =	sor.u32 $0x200, s1;
	v16 =	vld.idx.msk [tilespmem:v5+s5+$0x0], $0xffff;
	[tilespmem:s11+$0x16900] =	vst v9  }
0x1b1: {  	s15 =	sand.u32 $0x3C00, s6;
	s14 =	sadd.s32 $0x20, s1;
	[tilespmem:s8+$0x16900] =	vst v11;
	v11 =	vor.u32 $0x80, v4;
	v9 =	vld.idx.msk [tilespmem:v17+s5+$0x0], $0xffff  }
0x1b2: {  	s12 =	sor.u32 $0x200, s14;
	s8 =	sadd.s32 $0x16900, s15;
	v17 =	vor.u32 $0x300, v8;
	v18 =	vld.idx.msk [tilespmem:v24+s5+$0x0], $0xffff  }
0x1b3: {  	v19 =	vor.u32 $0x80, v5;
	s7 =	sor.u32 s3, s8;
	[tilespmem:s12+$0x16900] =	vst v14;
	v21 =	vld.idx.msk [tilespmem:v13+s5+$0x0], $0xffff  }
0x1b4: {  	s16 =	sor.u32 $0x280, s22;
	v22 =	vor.u32 $0x80, v24;
	[tilespmem:s7+$0x0] =	vst v20;
	v10 =	vld.idx.msk [tilespmem:v10+s5+$0x0], $0xffff  }
0x1b5: {  	v14 =	vor.u32 $0x80, v13;
	s12 =	sor.u32 s17, s8;
	v15 =	vld.idx.msk [tilespmem:v15+s5+$0x0], $0xffff;
	[tilespmem:s16+$0x16900] =	vst v12  }
0x1b6: {  	s17 =	sor.u32 $0x280, s13;
	v12 =	vor.u32 $0x300, v7;
	[tilespmem:s12+$0x0] =	vst v16;
	v11 =	vld.idx.msk [tilespmem:v11+s5+$0x0], $0xffff  }
0x1b7: {  	s11 =	sor.u32 s19, s8;
	v16 =	vld.idx.msk [tilespmem:v17+s5+$0x0], $0xffff;
	v17 =	vor.u32 $0x300, v6;
	[tilespmem:s17+$0x16900] =	vst v9  }
0x1b8: {  	v8 =	vor.u32 $0x380, v8;
	s8 =	sor.u32 s20, s8;
	v19 =	vld.idx.msk [tilespmem:v19+s5+$0x0], $0xffff;
	[tilespmem:s11+$0x0] =	vst v18  }
0x1b9: {  	s18 =	sor.u32 $0x280, s14;
	v20 =	vor.u32 $0x100, v5;
	v18 =	vld.idx.msk [tilespmem:v22+s5+$0x0], $0xffff;
	[tilespmem:s8+$0x0] =	vst v21  }
0x1ba: {  	v21 =	vor.u32 $0x100, v4;
	[tilespmem:s18+$0x16900] =	vst v15;
	v23 =	vld.idx.msk [tilespmem:v14+s5+$0x0], $0xffff  }
0x1bb: {  	s19 =	sor.u32 $0x300, s22;
	v9 =	vor.u32 $0x100, v24;
	v25 =	vld.idx.msk [tilespmem:v12+s5+$0x0], $0xffff;
	[tilespmem:s7+$0x80] =	vst v11  }
0x1bc: {  	v26 =	vor.u32 $0x100, v13;
	v17 =	vld.idx.msk [tilespmem:v17+s5+$0x0], $0xffff;
	[tilespmem:s19+$0x16900] =	vst v16  }
0x1bd: {  	[tilespmem:s12+$0x80] =	vst v19;
	v19 =	vor.u32 $0x300, v3;
	v27 =	vld.idx.msk [tilespmem:v8+s5+$0x0], $0xffff  }
0x1be: {  	v28 =	vor.u32 $0x380, v7;
	v22 =	vld.idx.msk [tilespmem:v20+s5+$0x0], $0xffff;
	[tilespmem:s11+$0x80] =	vst v18  }
0x1bf: {  	s21 =	sor.u32 $0x300, s13;
	v7 =	vor.u32 $0x380, v24;
	v20 =	vld.idx.msk [tilespmem:v21+s5+$0x0], $0xffff;
	[tilespmem:s8+$0x80] =	vst v23  }
0x1c0: {  	s20 =	sor.u32 $0x280, s1;
	v14 =	vor.u32 $0x200, v24;
	v11 =	vor.u32 $0x280, v24;
	v21 =	vld.idx.msk [tilespmem:v9+s5+$0x0], $0xffff;
	[tilespmem:s21+$0x16900] =	vst v25;
	v25 =	vor.u32 $0x180, v5  }
0x1c1: {  	s4 =	sor.u32 $0x300, s1;
	s10 =	sor.u32 $0x380, s1;
	[tilespmem:s20+$0x16900] =	vst v10;
	v16 =	vor.u32 $0x180, v24;
	v9 =	vor.u32 $0x300, v24;
	v24 =	vor.u32 $0x180, v4;
	v23 =	vld.idx.msk [tilespmem:v26+s5+$0x0], $0xffff  }
0x1c2: {  	s29 =	sor.u32 $0x380, s13;
	s31 =	sor.u32 $0x380, s14;
	s22 =	sor.u32 $0x380, s22;
	v6 =	vor.u32 $0x380, v6;
	v15 =	vor.u32 $0x180, v13;
	v10 =	vor.u32 $0x280, v13;
	v18 =	vld.idx.msk [tilespmem:v19+s5+$0x0], $0xffff  }
0x1c3: {  	s2 =	simm.s32 $0x4;
	s3 =	sor.u32 $0x300, s14;
	s1 =	simm.s32 $0x80;
	v12 =	vor.u32 $0x200, v13;
	v8 =	vor.u32 $0x300, v13;
	v13 =	vor.u32 $0x380, v13;
	v19 =	vld.idx.msk [tilespmem:v28+s5+$0x0], $0xffff;
	[tilespmem:s22+$0x16900] =	vst v27  }
.LBB2_10:
0x1c4: {  	v26 =	vld [tilespmem:s1+$0x0];
	[tilespmem:s12+$0x100] =	vst v22;
	s25 =	sadd.s32 $0x40, s25  }
0x1c5: {  	s2 =	sadd.s32 $0x4, s2;
	s13 =	sand.u32 $0x40, s25;
	[tilespmem:s7+$0x100] =	vst v20;
	v20 =	vld.idx.msk [tilespmem:v25+s5+$0x0], $0xffff  }
0x1c6: {  	s17 =	sand.u32 $0x780, s25;
	p1 =	slt.u32 s2, $0x7C;
	s14 =	sor.u32 $0x30, s13;
	v22 =	vld.idx.msk [tilespmem:v24+s5+$0x0], $0xffff;
	[tilespmem:s11+$0x100] =	vst v21  }
0x1c7: {  	s16 =	sor.u32 $0x10, s13;
	s15 =	sor.u32 $0x20, s13;
	v21 =	vor.u32 $0x200, v5;
	s18 =	sor.u32 s14, s17;
	v16 =	vld.idx.msk [tilespmem:v16+s5+$0x0], $0xffff;
	[tilespmem:s8+$0x100] =	vst v23  }
0x1c8: {  	v24 =	vor.u32 $0x200, v4;
	s19 =	sor.u32 s16, s17;
	s17 =	sor.u32 s15, s17;
	v23 =	vld [tilespmem:s18+$0x0];
	[tilespmem:s3+$0x16900] =	vst v17  }
0x1c9: {  	v17 =	vld [tilespmem:s19+$0x0];
	[tilespmem:s4+$0x16900] =	vst v18  }
0x1ca: {  	v18 =	vshll.u32 v26, $0x3;
	v25 =	vld [tilespmem:s17+$0x0];
	[tilespmem:s29+$0x16900] =	vst v19  }
0x1cb: {  	v19 =	vand.u32 $0x7F, v26;
	v18 =	vand.u32 $0xFFFFFC00, v18;
	v15 =	vld.idx.msk [tilespmem:v15+s5+$0x0], $0xffff;
	[tilespmem:s12+$0x180] =	vst v20;
	v20 =	vor.u32 $0x380, v3;
	v3 =	vmovc v4  }
0x1cc: {  	p0 =	por !p0, !p0;
	s3 =	simm.s32 $0x1;
	v4 =	vor.u32 v19, v18;
	[tilespmem:s7+$0x180] =	vst v22;
	v18 =	vld.idx.msk [tilespmem:v21+s5+$0x0], $0xffff  }
0x1cd: {  	s3 =	simm.s32 @!p0 $0x0;
	v19 =	vshll.u32 v23, $0x3;
	v21 =	vld.idx.msk [tilespmem:v24+s5+$0x0], $0xffff;
	[tilespmem:s11+$0x180] =	vst v16  }
0x1ce: {  	s3 =	sshll.u32 s3, $0x6;
	v16 =	vand.u32 $0x7F, v23;
	v19 =	vand.u32 $0xFFFFFC00, v19;
	v22 =	vld.idx.msk [tilespmem:v14+s5+$0x0], $0xffff;
	v14 =	vor.u32 $0x280, v5  }
0x1cf: {  	s7 =	sadd.s32 s3, s6;
	v23 =	vshll.u32 v17, $0x3;
	v24 =	vshll.u32 v25, $0x3;
	v19 =	vor.u32 v16, v19;
	v26 =	vld.idx.msk [tilespmem:v6+s5+$0x0], $0xffff;
	v6 =	vmovc v13  }
0x1d0: {  	s11 =	sadd.s32 $0x10, s7;
	s12 =	sadd.s32 $0x20, s7;
	s17 =	sadd.s32 $0x30, s7;
	v13 =	vand.u32 $0x7F, v17;
	v16 =	vand.u32 $0xFFFFFC00, v23;
	v17 =	vand.u32 $0xFFFFFC00, v24;
	v20 =	vld.idx.msk [tilespmem:v20+s5+$0x0], $0xffff  }
0x1d1: {  	s22 =	sor.u32 $0x200, s11;
	s3 =	sor.u32 $0x200, s17;
	v13 =	vor.u32 v13, v16;
	v16 =	vand.u32 $0x7F, v25;
	v24 =	vor.u32 $0x280, v3;
	v23 =	vld.idx.msk [tilespmem:v4+s5+$0x0], $0xffff;
	[tilespmem:s8+$0x180] =	vst v15;
	s8 =	sor.u32 $0x200, s12  }
0x1d2: {  	s4 =	sor.u32 $0x200, s7;
	s21 =	sor.u32 $0x280, s11;
	s20 =	sor.u32 $0x280, s12;
	v25 =	vor.u32 $0x80, v13;
	v27 =	vor.u32 $0x100, v13;
	v17 =	vor.u32 v16, v17;
	v28 =	vld.idx.msk [tilespmem:v12+s5+$0x0], $0xffff;
	[tilespmem:s3+$0x16900] =	vst v18  }
0x1d3: {  	s19 =	sor.u32 $0x280, s7;
	s18 =	sor.u32 $0x300, s11;
	v16 =	vor.u32 $0x180, v13;
	v18 =	vor.u32 $0x80, v17;
	v29 =	vor.u32 $0x100, v17;
	s3 =	sor.u32 $0x300, s12;
	[tilespmem:s4+$0x16900] =	vst v21;
	v21 =	vld.idx.msk [tilespmem:v14+s5+$0x0], $0xffff  }
0x1d4: {  	s29 =	sor.u32 $0x380, s11;
	s11 =	sor.u32 $0x380, s12;
	v15 =	vor.u32 $0x180, v17;
	v12 =	vor.u32 $0x200, v17;
	v14 =	vor.u32 $0x200, v13;
	s4 =	sor.u32 $0x300, s7;
	v30 =	vld.idx.msk [tilespmem:v19+s5+$0x0], $0xffff;
	[tilespmem:s22+$0x16900] =	vst v22  }
0x1d5: {  	v32 =	vor.u32 $0x300, v5;
	s7 =	sor.u32 $0x380, s7;
	v22 =	vor.u32 $0x280, v17;
	v31 =	vld.idx.msk [tilespmem:v11+s5+$0x0], $0xffff;
	v11 =	vor.u32 $0x280, v13;
	[tilespmem:s31+$0x16900] =	vst v26;
	s31 =	smov.u32 s11  }
0x1d6: {  	s6 =	sadd.s32 $0x200, s6;
	v35 =	vor.u32 $0x80, v19;
	v33 =	vor.u32 $0x300, v13;
	v34 =	vor.u32 $0x300, v17;
	v26 =	vld.idx.msk [tilespmem:v13+s5+$0x0], $0xffff;
	[tilespmem:s10+$0x16900] =	vst v20;
	s10 =	smov.u32 s7  }
0x1d7: {  	v36 =	vor.u32 $0x380, v13;
	s7 =	sand.u32 $0x3C00, s6;
	v20 =	vor.u32 $0x80, v4;
	v13 =	vor.u32 $0x380, v17;
	v37 =	vld.idx.msk [tilespmem:v17+s5+$0x0], $0xffff  }
0x1d8: {  	s22 =	sadd.s32 $0x16900, s7;
	v38 =	vld.idx.msk [tilespmem:v24+s5+$0x0], $0xffff;
	[tilespmem:s8+$0x16900] =	vst v28;
	s8 =	sor.u32 $0x280, s17  }
0x1d9: {  	s7 =	sor.u32 s13, s22;
	s11 =	sor.u32 s16, s22;
	s12 =	sor.u32 s14, s22;
	v17 =	vld.idx.msk [tilespmem:v10+s5+$0x0], $0xffff;
	[tilespmem:s8+$0x16900] =	vst v21;
	v10 =	vmov v22  }
0x1da: {  	s8 =	sor.u32 s15, s22;
	[tilespmem:s12+$0x0] =	vst v30;
	v21 =	vld.idx.msk [tilespmem:v32+s5+$0x0], $0xffff  }
0x1db: {  	[tilespmem:s7+$0x0] =	vst v23;
	v22 =	vld.idx.msk [tilespmem:v35+s5+$0x0], $0xffff  }
0x1dc: {  	v23 =	vor.u32 $0x380, v5;
	v5 =	vmov v19;
	v20 =	vld.idx.msk [tilespmem:v20+s5+$0x0], $0xffff;
	[tilespmem:s11+$0x0] =	vst v26  }
0x1dd: {  	v24 =	vor.u32 $0x100, v5;
	v19 =	vld.idx.msk [tilespmem:v25+s5+$0x0], $0xffff;
	[tilespmem:s8+$0x0] =	vst v37  }
0x1de: {  	v25 =	vor.u32 $0x100, v4;
	v18 =	vld.idx.msk [tilespmem:v18+s5+$0x0], $0xffff;
	[tilespmem:s21+$0x16900] =	vst v31  }
0x1df: {  	s13 =	sor.u32 $0x300, s17;
	v26 =	vld.idx.msk [tilespmem:v9+s5+$0x0], $0xffff;
	[tilespmem:s20+$0x16900] =	vst v17;
	v9 =	vmov v33  }
0x1e0: {  	v17 =	vld.idx.msk [tilespmem:v8+s5+$0x0], $0xffff;
	[tilespmem:s13+$0x16900] =	vst v21;
	v8 =	vmov v34  }
0x1e1: {  	v28 =	vor.u32 $0x300, v3;
	[tilespmem:s12+$0x80] =	vst v22;
	v30 =	vld.idx.msk [tilespmem:v23+s5+$0x0], $0xffff  }
0x1e2: {  	[tilespmem:s7+$0x80] =	vst v20;
	v22 =	vld.idx.msk [tilespmem:v24+s5+$0x0], $0xffff  }
.Ltmp6:
0x1e3: {  	v20 =	vld.idx.msk [tilespmem:v25+s5+$0x0], $0xffff;
	[tilespmem:s11+$0x80] =	vst v19;
	(pc) =	sbr.rel @p1 .LBB2_10-.Ltmp6, $4  }
0x1e4: {  	v25 =	vor.u32 $0x180, v5;
	v21 =	vld.idx.msk [tilespmem:v27+s5+$0x0], $0xffff;
	[tilespmem:s8+$0x80] =	vst v18  }
0x1e5: {  	v24 =	vor.u32 $0x180, v4;
	v23 =	vld.idx.msk [tilespmem:v29+s5+$0x0], $0xffff;
	[tilespmem:s19+$0x16900] =	vst v38  }
0x1e6: {  	s13 =	sor.u32 $0x380, s17;
	v18 =	vld.idx.msk [tilespmem:v28+s5+$0x0], $0xffff;
	[tilespmem:s18+$0x16900] =	vst v26  }
0x1e7: {  	s1 =	sadd.s32 $0x40, s1;
	v19 =	vld.idx.msk [tilespmem:v7+s5+$0x0], $0xffff;
	[tilespmem:s13+$0x16900] =	vst v30;
	v7 =	vmov v36  }
0x1e8: {  	_ =	sdelay $0x2  }
0x1e9: {  	[tilespmem:s12+$0x100] =	vst v22  }
0x1ea: {  	v22 =	vld.idx.msk [tilespmem:v25+s5+$0x0], $0xffff;
	[tilespmem:s11+$0x100] =	vst v21  }
0x1eb: {  	[tilespmem:s7+$0x100] =	vst v20;
	v21 =	vor.u32 $0x200, v5;
	v16 =	vld.idx.msk [tilespmem:v16+s5+$0x0], $0xffff  }
0x1ec: {  	v20 =	vld.idx.msk [tilespmem:v24+s5+$0x0], $0xffff;
	[tilespmem:s8+$0x100] =	vst v23  }
0x1ed: {  	v23 =	vor.u32 $0x200, v4;
	v15 =	vld.idx.msk [tilespmem:v15+s5+$0x0], $0xffff;
	_ =	sdelay $0x1  }
0x1ee: {  	p0 =	por !p0, !p0;
	s1 =	simm.s32 $0x1;
	[tilespmem:s12+$0x180] =	vst v22  }
0x1ef: {  	s1 =	simm.s32 @!p0 $0x0;
	v21 =	vld.idx.msk [tilespmem:v21+s5+$0x0], $0xffff;
	[tilespmem:s11+$0x180] =	vst v16  }
0x1f0: {  	s1 =	sshll.u32 s1, $0x6;
	[tilespmem:s7+$0x180] =	vst v20;
	v16 =	vor.u32 $0x280, v5;
	v14 =	vld.idx.msk [tilespmem:v14+s5+$0x0], $0xffff  }
0x1f1: {  	s1 =	sadd.s32 s1, s6;
	[tilespmem:s8+$0x180] =	vst v15;
	v15 =	vld.idx.msk [tilespmem:v23+s5+$0x0], $0xffff  }
0x1f2: {  	s2 =	sadd.s32 $0x30, s1;
	v20 =	vor.u32 $0x280, v4;
	v12 =	vld.idx.msk [tilespmem:v12+s5+$0x0], $0xffff  }
0x1f3: {  	s6 =	sadd.s32 $0x10, s1;
	s11 =	sor.u32 $0x200, s2  }
0x1f4: {  	s13 =	sor.u32 $0x200, s6;
	[tilespmem:s11+$0x16900] =	vst v21  }
0x1f5: {  	s15 =	sor.u32 $0x200, s1;
	s12 =	sadd.s32 $0x20, s1;
	v16 =	vld.idx.msk [tilespmem:v16+s5+$0x0], $0xffff;
	[tilespmem:s13+$0x16900] =	vst v14  }
0x1f6: {  	s14 =	sor.u32 $0x200, s12;
	v14 =	vor.u32 $0x300, v5;
	[tilespmem:s15+$0x16900] =	vst v15;
	v11 =	vld.idx.msk [tilespmem:v11+s5+$0x0], $0xffff  }
0x1f7: {  	[tilespmem:s14+$0x16900] =	vst v12;
	v12 =	vld.idx.msk [tilespmem:v20+s5+$0x0], $0xffff  }
0x1f8: {  	v15 =	vor.u32 $0x300, v4;
	v10 =	vld.idx.msk [tilespmem:v10+s5+$0x0], $0xffff  }
0x1f9: {  	[tilespmem:s3+$0x16900] =	vst v17;
	s16 =	sor.u32 $0x280, s2  }
0x1fa: {  	s17 =	sor.u32 $0x280, s6;
	[tilespmem:s16+$0x16900] =	vst v16  }
0x1fb: {  	v3 =	vor.u32 $0x380, v3;
	s19 =	sor.u32 $0x280, s1;
	v14 =	vld.idx.msk [tilespmem:v14+s5+$0x0], $0xffff;
	[tilespmem:s17+$0x16900] =	vst v11  }
0x1fc: {  	s18 =	sor.u32 $0x280, s12;
	v5 =	vor.u32 $0x380, v5;
	[tilespmem:s19+$0x16900] =	vst v12;
	v9 =	vld.idx.msk [tilespmem:v9+s5+$0x0], $0xffff  }
0x1fd: {  	[tilespmem:s18+$0x16900] =	vst v10;
	v10 =	vld.idx.msk [tilespmem:v15+s5+$0x0], $0xffff  }
0x1fe: {  	[tilespmem:s4+$0x16900] =	vst v18;
	v4 =	vor.u32 $0x380, v4;
	v8 =	vld.idx.msk [tilespmem:v8+s5+$0x0], $0xffff  }
0x1ff: {  	v6 =	vld.idx.msk [tilespmem:v6+s5+$0x0], $0xffff;
	[tilespmem:s29+$0x16900] =	vst v19;
	s20 =	sor.u32 $0x300, s2  }
0x200: {  	v3 =	vld.idx.msk [tilespmem:v3+s5+$0x0], $0xffff;
	s21 =	sor.u32 $0x300, s6;
	[tilespmem:s20+$0x16900] =	vst v14  }
0x201: {  	s25 =	sor.u32 $0x300, s1;
	v5 =	vld.idx.msk [tilespmem:v5+s5+$0x0], $0xffff;
	[tilespmem:s21+$0x16900] =	vst v9  }
0x202: {  	s22 =	sor.u32 $0x300, s12;
	[tilespmem:s25+$0x16900] =	vst v10;
	v7 =	vld.idx.msk [tilespmem:v7+s5+$0x0], $0xffff  }
0x203: {  	[tilespmem:s22+$0x16900] =	vst v8;
	v4 =	vld.idx.msk [tilespmem:v4+s5+$0x0], $0xffff  }
0x204: {  	[tilespmem:s31+$0x16900] =	vst v6;
	v8 =	vld.idx.msk [tilespmem:v13+s5+$0x0], $0xffff  }
0x205: {  	s2 =	sor.u32 $0x380, s2;
	[tilespmem:s10+$0x16900] =	vst v3  }
0x206: {  	s7 =	sor.u32 $0x380, s6;
	[tilespmem:s2+$0x16900] =	vst v5  }
0x207: {  	s1 =	sor.u32 $0x380, s1;
	[tilespmem:s7+$0x16900] =	vst v7  }
0x208: {  	s8 =	sor.u32 $0x380, s12;
	[tilespmem:s1+$0x16900] =	vst v4  }
0x209: {  	[tilespmem:s8+$0x16900] =	vst v8  }
0x20a: {  	s10 =	simm.s32 $0x16900;
	s1 =	simm.s32 $0x0;
	s2 =	rddreg [dreg:$0x19]  }
0x20b: {  	[hbm4b:s2+s1] =	stream.linear.scatter [tilespmem:s10], [sflag:$0x5], $0x4000, $0x38;
	[tilespmem:$0x1A900] =	vst v63  }
0x20c: {  	v3 =	vld.msk [tilespmem:$0x818], $0xff;
	_ =	sdelay $0x4  }
0x20d: {  	v4 =	vshll.u32 v3, $0x5  }
0x20e: {  	v3 =	vand.u32 $0x7, v3;
	v4 =	vand.u32 $0xFFFFFF00, v4  }
0x20f: {  	v3 =	vor.u32 v3, v4  }
0x210: {  	v3 =	vperm.xlane v3, v1;
	_ =	sdelay $0x1  }
0x211: {  	v3 =	vadd.s32 v2, v3;
	_ =	sdelay $0x3  }
0x212: {  	s11 =	rddreg [dreg:$0x0]  }
0x213: {  	[tilespmem:s5], [sflag:$0x3] =	stream.indirect_vreg.gather [hbm4b:s11+s1], $0x80, v3, vm0, $0xb8;
	[tilespmem:$0x1A900] =	vst v63  }
0x214: {  	s13 =	simm.s32 $0xB100;
	s12 =	rddreg [dreg:$0xc]  }
0x215: {  	[tilespmem:s13], [sflag:$0x3] =	stream.indirect_vreg.gather [hbm4b:s12+s1], $0x80, v3, vm0, $0xb8;
	[tilespmem:$0x1A900] =	vst v63  }
0x216: {  	s15 =	simm.s32 $0xB900;
	s14 =	rddreg [dreg:$0xd]  }
0x217: {  	[tilespmem:s15], [sflag:$0x3] =	stream.indirect_vreg.gather [hbm4b:s14+s1], $0x80, v3, vm0, $0xb8;
	[tilespmem:$0x1A900] =	vst v63  }
0x218: {  	s17 =	simm.s32 $0xC100;
	s16 =	rddreg [dreg:$0xe]  }
0x219: {  	[tilespmem:s17], [sflag:$0x3] =	stream.indirect_vreg.gather [hbm4b:s16+s1], $0x80, v3, vm0, $0xb8;
	[tilespmem:$0x1A900] =	vst v63  }
0x21a: {  	s19 =	simm.s32 $0xC900;
	s18 =	rddreg [dreg:$0xf]  }
0x21b: {  	[tilespmem:s19], [sflag:$0x3] =	stream.indirect_vreg.gather [hbm4b:s18+s1], $0x80, v3, vm0, $0xb8;
	[tilespmem:$0x1A900] =	vst v63  }
0x21c: {  	s21 =	simm.s32 $0xD100;
	s20 =	rddreg [dreg:$0x10]  }
0x21d: {  	[tilespmem:s21], [sflag:$0x3] =	stream.indirect_vreg.gather [hbm4b:s20+s1], $0x80, v3, vm0, $0xb8;
	[tilespmem:$0x1A900] =	vst v63  }
0x21e: {  	s25 =	simm.s32 $0xD900;
	s22 =	rddreg [dreg:$0x11]  }
0x21f: {  	[tilespmem:s25], [sflag:$0x3] =	stream.indirect_vreg.gather [hbm4b:s22+s1], $0x80, v3, vm0, $0xb8;
	[tilespmem:$0x1A900] =	vst v63  }
0x220: {  	s6 =	simm.s32 $0xE100;
	s4 =	rddreg [dreg:$0x12]  }
0x221: {  	[tilespmem:s6], [sflag:$0x3] =	stream.indirect_vreg.gather [hbm4b:s4+s1], $0x80, v3, vm0, $0xb8;
	[tilespmem:$0x1A900] =	vst v63  }
0x222: {  	s8 =	simm.s32 $0xE900;
	s7 =	rddreg [dreg:$0x13]  }
0x223: {  	[tilespmem:s8], [sflag:$0x3] =	stream.indirect_vreg.gather [hbm4b:s7+s1], $0x80, v3, vm0, $0xb8;
	[tilespmem:$0x1A900] =	vst v63  }
0x224: {  	s10 =	rddreg [dreg:$0x14];
	s11 =	simm.s32 $0xF100  }
0x225: {  	[tilespmem:s11], [sflag:$0x3] =	stream.indirect_vreg.gather [hbm4b:s10+s1], $0x80, v3, vm0, $0xb8;
	[tilespmem:$0x1A900] =	vst v63  }
0x226: {  	s12 =	rddreg [dreg:$0x15];
	s13 =	simm.s32 $0xF900  }
0x227: {  	[tilespmem:s13], [sflag:$0x3] =	stream.indirect_vreg.gather [hbm4b:s12+s1], $0x80, v3, vm0, $0xb8;
	[tilespmem:$0x1A900] =	vst v63  }
0x228: {  	s14 =	rddreg [dreg:$0x16];
	s15 =	simm.s32 $0x10100  }
0x229: {  	[tilespmem:s15], [sflag:$0x3] =	stream.indirect_vreg.gather [hbm4b:s14+s1], $0x80, v3, vm0, $0xb8;
	[tilespmem:$0x1A900] =	vst v63  }
0x22a: {  	s16 =	rddreg [dreg:$0x17];
	s17 =	simm.s32 $0x10900  }
0x22b: {  	[tilespmem:s17], [sflag:$0x3] =	stream.indirect_vreg.gather [hbm4b:s16+s1], $0x80, v3, vm0, $0xb8;
	[tilespmem:$0x1A900] =	vst v63  }
0x22c: {  	s18 =	simm.s32 $0x11100  }
0x22d: {  	[tilespmem:s18], [sflag:$0x3] =	stream.indirect_vreg.gather [hbm4b:s23+s1], $0x80, v3, vm0, $0xb8;
	[tilespmem:$0x1A900] =	vst v63  }
0x22e: {  	s19 =	simm.s32 $0x11900  }
0x22f: {  	[tilespmem:s19], [sflag:$0x3] =	stream.indirect_vreg.gather [hbm4b:s24+s1], $0x80, v3, vm0, $0xb8;
	[tilespmem:$0x1A900] =	vst v63  }
0x230: {  	s20 =	simm.s32 $0x12100;
	s21 =	simm.s32 $0x2  }
0x231: {  	[tilespmem:s20], [sflag:$0x3] =	stream.indirect_vreg.gather [hbm4b:s26+s1], $0x80, v3, vm0, $0xb8;
	[tilespmem:$0x1A900] =	vst v63  }
0x232: {  	_ =	swait.ge [sflag:s21], $0x8000  }
0x233: {  	[sflag:s21] =	ssyncset.done $0x0  }
0x234: {  	s22 =	simm.s32 $0x4;
	[sflag:s21] =	ssyncadd.s32 $0xFFFF8000  }
0x235: {  	s25 =	sand.u32 $0x40, s1;
	_ =	swait.ge [sflag:s22], $0x4000  }
0x236: {  	s4 =	sand.u32 $0x780, s1;
	s7 =	sor.u32 $0x30, s25;
	[sflag:s22] =	ssyncset.done $0x0  }
0x237: {  	s10 =	sor.u32 s7, s4;
	[sflag:s22] =	ssyncadd.s32 $0xFFFFC000  }
0x238: {  	v3 =	vld [tilespmem:s10+$0x0]  }
0x239: {  	s11 =	sor.u32 $0x10, s25;
	v4 =	vld [tilespmem:s1+$0x0]  }
0x23a: {  	s12 =	sor.u32 $0x20, s25;
	s13 =	sor.u32 s11, s4  }
0x23b: {  	s3 =	sor.u32 s12, s4;
	v5 =	vld [tilespmem:s13+$0x0]  }
0x23c: {  	v6 =	vld [tilespmem:s3+$0x0]  }
0x23d: {  	v7 =	vshll.u32 v3, $0x3  }
0x23e: {  	v8 =	vshll.u32 v4, $0x3;
	v3 =	vand.u32 $0x7F, v3;
	v7 =	vand.u32 $0xFFFFFC00, v7  }
0x23f: {  	v4 =	vand.u32 $0x7F, v4;
	v9 =	vand.u32 $0xFFFFFC00, v8;
	v8 =	vor.u32 v3, v7  }
0x240: {  	v3 =	vor.u32 v4, v9;
	v4 =	vshll.u32 v5, $0x3  }
0x241: {  	v7 =	vshll.u32 v6, $0x3;
	v5 =	vand.u32 $0x7F, v5;
	v4 =	vand.u32 $0xFFFFFC00, v4  }
0x242: {  	v9 =	vand.u32 $0xFFFFFC00, v7;
	v7 =	vor.u32 v5, v4;
	v4 =	vand.u32 $0x7F, v6  }
0x243: {  	v6 =	vor.u32 v4, v9  }
0x244: {  	v4 =	vld.idx.msk [tilespmem:v8+s28+$0x0], $0xffff  }
0x245: {  	v9 =	vor.u32 $0x80, v8;
	v5 =	vld.idx.msk [tilespmem:v3+s28+$0x0], $0xffff  }
0x246: {  	s1 =	sand.u32 $0x3C00, s1;
	v10 =	vor.u32 $0x80, v3  }
0x247: {  	s14 =	sadd.s32 $0x12900, s1;
	v11 =	vld.idx.msk [tilespmem:v7+s28+$0x0], $0xffff  }
0x248: {  	s15 =	sor.u32 s7, s14;
	v12 =	vor.u32 $0x80, v7;
	v13 =	vld.idx.msk [tilespmem:v6+s28+$0x0], $0xffff  }
0x249: {  	s1 =	sor.u32 s25, s14;
	v14 =	vor.u32 $0x80, v6;
	[tilespmem:s15+$0x0] =	vst v4  }
0x24a: {  	[tilespmem:s1+$0x0] =	vst v5;
	v4 =	vld.idx.msk [tilespmem:v9+s28+$0x0], $0xffff  }
0x24b: {  	s22 =	sor.u32 s11, s14;
	v5 =	vld.idx.msk [tilespmem:v10+s28+$0x0], $0xffff;
	v9 =	vor.u32 $0x100, v8  }
0x24c: {  	s2 =	sor.u32 s12, s14;
	v10 =	vor.u32 $0x100, v3;
	[tilespmem:s22+$0x0] =	vst v11  }
0x24d: {  	v11 =	vld.idx.msk [tilespmem:v12+s28+$0x0], $0xffff;
	[tilespmem:s2+$0x0] =	vst v13  }
0x24e: {  	v12 =	vor.u32 $0x100, v7;
	v13 =	vld.idx.msk [tilespmem:v14+s28+$0x0], $0xffff  }
0x24f: {  	v14 =	vor.u32 $0x100, v6;
	[tilespmem:s15+$0x80] =	vst v4  }
0x250: {  	[tilespmem:s1+$0x80] =	vst v5;
	v4 =	vld.idx.msk [tilespmem:v9+s28+$0x0], $0xffff  }
0x251: {  	v5 =	vld.idx.msk [tilespmem:v10+s28+$0x0], $0xffff;
	v9 =	vor.u32 $0x180, v8  }
0x252: {  	v10 =	vor.u32 $0x180, v3;
	[tilespmem:s22+$0x80] =	vst v11  }
0x253: {  	v11 =	vld.idx.msk [tilespmem:v12+s28+$0x0], $0xffff;
	[tilespmem:s2+$0x80] =	vst v13  }
0x254: {  	s25 =	simm.s32 $0x40;
	v12 =	vor.u32 $0x180, v7;
	v13 =	vld.idx.msk [tilespmem:v14+s28+$0x0], $0xffff  }
0x255: {  	s3 =	sand.u32 $0x40, s25;
	v14 =	vld [tilespmem:s25+$0x0];
	[tilespmem:s15+$0x100] =	vst v4  }
0x256: {  	s16 =	sand.u32 $0x780, s25;
	s17 =	sor.u32 $0x30, s3;
	[tilespmem:s1+$0x100] =	vst v5;
	v4 =	vld.idx.msk [tilespmem:v9+s28+$0x0], $0xffff  }
0x257: {  	s18 =	sor.u32 s17, s16;
	v5 =	vor.u32 $0x180, v6;
	v9 =	vld.idx.msk [tilespmem:v10+s28+$0x0], $0xffff  }
0x258: {  	s19 =	sor.u32 $0x10, s3;
	v10 =	vor.u32 $0x200, v8;
	[tilespmem:s22+$0x100] =	vst v11;
	v11 =	vld [tilespmem:s18+$0x0]  }
0x259: {  	s20 =	sor.u32 $0x20, s3;
	s21 =	sor.u32 s19, s16;
	v12 =	vld.idx.msk [tilespmem:v12+s28+$0x0], $0xffff  }
0x25a: {  	s11 =	sor.u32 s20, s16;
	v16 =	vld [tilespmem:s21+$0x0];
	v15 =	vor.u32 $0x200, v7;
	v17 =	vshll.u32 v14, $0x3  }
0x25b: {  	v18 =	vld [tilespmem:s11+$0x0];
	[tilespmem:s2+$0x100] =	vst v13;
	v13 =	vor.u32 $0x200, v3;
	v14 =	vand.u32 $0x7F, v14;
	v17 =	vand.u32 $0xFFFFFC00, v17  }
0x25c: {  	p0 =	por $0x0, $0x0;
	s8 =	simm.s32 $0x1;
	v19 =	vld.idx.msk [tilespmem:v5+s28+$0x0], $0xffff;
	[tilespmem:s15+$0x180] =	vst v4;
	v4 =	vor.u32 v14, v17  }
0x25d: {  	s8 =	simm.s32 @!p0 $0x0;
	v14 =	vor.u32 $0x200, v6;
	v10 =	vld.idx.msk [tilespmem:v10+s28+$0x0], $0xffff;
	v5 =	vshll.u32 v11, $0x3  }
0x25e: {  	s8 =	sshll.u32 s8, $0x6;
	v11 =	vand.u32 $0x7F, v11;
	[tilespmem:s22+$0x180] =	vst v12;
	v5 =	vand.u32 $0xFFFFFC00, v5;
	v12 =	vor.u32 $0x280, v8  }
0x25f: {  	v17 =	vor.u32 $0x280, v7;
	[tilespmem:s1+$0x180] =	vst v9;
	s1 =	sadd.s32 $0x0, s8;
	v9 =	vld.idx.msk [tilespmem:v15+s28+$0x0], $0xffff;
	v15 =	vshll.u32 v16, $0x3;
	v5 =	vor.u32 v11, v5  }
0x260: {  	s22 =	sadd.s32 $0x30, s1;
	v11 =	vld.idx.msk [tilespmem:v13+s28+$0x0], $0xffff;
	v13 =	vshll.u32 v18, $0x3;
	v16 =	vand.u32 $0x7F, v16;
	v15 =	vand.u32 $0xFFFFFC00, v15  }
0x261: {  	s8 =	sor.u32 $0x200, s22;
	v13 =	vand.u32 $0xFFFFFC00, v13;
	[tilespmem:s2+$0x180] =	vst v19;
	v20 =	vld.idx.msk [tilespmem:v4+s28+$0x0], $0xffff;
	v24 =	vor.u32 v16, v15;
	v15 =	vand.u32 $0x7F, v18  }
0x262: {  	s13 =	sadd.s32 $0x10, s1;
	v14 =	vld.idx.msk [tilespmem:v14+s28+$0x0], $0xffff;
	v13 =	vor.u32 v15, v13;
	[tilespmem:s8+$0x12900] =	vst v10  }
0x263: {  	s11 =	sor.u32 $0x200, s13;
	v10 =	vor.u32 $0x280, v3;
	v12 =	vld.idx.msk [tilespmem:v12+s28+$0x0], $0xffff  }
0x264: {  	s6 =	simm.s32 $0x200;
	v15 =	vor.u32 $0x280, v6;
	s8 =	sor.u32 $0x200, s1;
	v16 =	vld.idx.msk [tilespmem:v5+s28+$0x0], $0xffff;
	[tilespmem:s11+$0x12900] =	vst v9  }
0x265: {  	s15 =	sand.u32 $0x3C00, s6;
	s14 =	sadd.s32 $0x20, s1;
	[tilespmem:s8+$0x12900] =	vst v11;
	v11 =	vor.u32 $0x80, v4;
	v9 =	vld.idx.msk [tilespmem:v17+s28+$0x0], $0xffff  }
0x266: {  	s12 =	sor.u32 $0x200, s14;
	s8 =	sadd.s32 $0x12900, s15;
	v17 =	vor.u32 $0x300, v8;
	v18 =	vld.idx.msk [tilespmem:v24+s28+$0x0], $0xffff  }
0x267: {  	v19 =	vor.u32 $0x80, v5;
	s7 =	sor.u32 s3, s8;
	[tilespmem:s12+$0x12900] =	vst v14;
	v21 =	vld.idx.msk [tilespmem:v13+s28+$0x0], $0xffff  }
0x268: {  	s16 =	sor.u32 $0x280, s22;
	v22 =	vor.u32 $0x80, v24;
	[tilespmem:s7+$0x0] =	vst v20;
	v10 =	vld.idx.msk [tilespmem:v10+s28+$0x0], $0xffff  }
0x269: {  	v14 =	vor.u32 $0x80, v13;
	s12 =	sor.u32 s17, s8;
	v15 =	vld.idx.msk [tilespmem:v15+s28+$0x0], $0xffff;
	[tilespmem:s16+$0x12900] =	vst v12  }
0x26a: {  	s17 =	sor.u32 $0x280, s13;
	v12 =	vor.u32 $0x300, v7;
	[tilespmem:s12+$0x0] =	vst v16;
	v11 =	vld.idx.msk [tilespmem:v11+s28+$0x0], $0xffff  }
0x26b: {  	s11 =	sor.u32 s19, s8;
	v16 =	vld.idx.msk [tilespmem:v17+s28+$0x0], $0xffff;
	v17 =	vor.u32 $0x300, v6;
	[tilespmem:s17+$0x12900] =	vst v9  }
0x26c: {  	v8 =	vor.u32 $0x380, v8;
	s8 =	sor.u32 s20, s8;
	v19 =	vld.idx.msk [tilespmem:v19+s28+$0x0], $0xffff;
	[tilespmem:s11+$0x0] =	vst v18  }
0x26d: {  	s18 =	sor.u32 $0x280, s14;
	v20 =	vor.u32 $0x100, v5;
	v18 =	vld.idx.msk [tilespmem:v22+s28+$0x0], $0xffff;
	[tilespmem:s8+$0x0] =	vst v21  }
0x26e: {  	v21 =	vor.u32 $0x100, v4;
	[tilespmem:s18+$0x12900] =	vst v15;
	v23 =	vld.idx.msk [tilespmem:v14+s28+$0x0], $0xffff  }
0x26f: {  	s19 =	sor.u32 $0x300, s22;
	v9 =	vor.u32 $0x100, v24;
	v25 =	vld.idx.msk [tilespmem:v12+s28+$0x0], $0xffff;
	[tilespmem:s7+$0x80] =	vst v11  }
0x270: {  	v26 =	vor.u32 $0x100, v13;
	v17 =	vld.idx.msk [tilespmem:v17+s28+$0x0], $0xffff;
	[tilespmem:s19+$0x12900] =	vst v16  }
0x271: {  	[tilespmem:s12+$0x80] =	vst v19;
	v19 =	vor.u32 $0x300, v3;
	v27 =	vld.idx.msk [tilespmem:v8+s28+$0x0], $0xffff  }
0x272: {  	v28 =	vor.u32 $0x380, v7;
	v22 =	vld.idx.msk [tilespmem:v20+s28+$0x0], $0xffff;
	[tilespmem:s11+$0x80] =	vst v18  }
0x273: {  	s21 =	sor.u32 $0x300, s13;
	v7 =	vor.u32 $0x380, v24;
	v20 =	vld.idx.msk [tilespmem:v21+s28+$0x0], $0xffff;
	[tilespmem:s8+$0x80] =	vst v23  }
0x274: {  	s20 =	sor.u32 $0x280, s1;
	v14 =	vor.u32 $0x200, v24;
	v11 =	vor.u32 $0x280, v24;
	v21 =	vld.idx.msk [tilespmem:v9+s28+$0x0], $0xffff;
	[tilespmem:s21+$0x12900] =	vst v25;
	v25 =	vor.u32 $0x180, v5  }
0x275: {  	s4 =	sor.u32 $0x300, s1;
	s10 =	sor.u32 $0x380, s1;
	[tilespmem:s20+$0x12900] =	vst v10;
	v16 =	vor.u32 $0x180, v24;
	v9 =	vor.u32 $0x300, v24;
	v24 =	vor.u32 $0x180, v4;
	v23 =	vld.idx.msk [tilespmem:v26+s28+$0x0], $0xffff  }
0x276: {  	s29 =	sor.u32 $0x380, s13;
	s31 =	sor.u32 $0x380, s14;
	s22 =	sor.u32 $0x380, s22;
	v6 =	vor.u32 $0x380, v6;
	v15 =	vor.u32 $0x180, v13;
	v10 =	vor.u32 $0x280, v13;
	v18 =	vld.idx.msk [tilespmem:v19+s28+$0x0], $0xffff  }
0x277: {  	s2 =	simm.s32 $0x4;
	s3 =	sor.u32 $0x300, s14;
	s1 =	simm.s32 $0x80;
	v12 =	vor.u32 $0x200, v13;
	v8 =	vor.u32 $0x300, v13;
	v13 =	vor.u32 $0x380, v13;
	v19 =	vld.idx.msk [tilespmem:v28+s28+$0x0], $0xffff;
	[tilespmem:s22+$0x12900] =	vst v27  }
.LBB2_12:
0x278: {  	v26 =	vld [tilespmem:s1+$0x0];
	[tilespmem:s12+$0x100] =	vst v22;
	s25 =	sadd.s32 $0x40, s25  }
0x279: {  	s2 =	sadd.s32 $0x4, s2;
	s13 =	sand.u32 $0x40, s25;
	[tilespmem:s7+$0x100] =	vst v20;
	v20 =	vld.idx.msk [tilespmem:v25+s28+$0x0], $0xffff  }
0x27a: {  	s17 =	sand.u32 $0x780, s25;
	p1 =	slt.u32 s2, $0x7C;
	s14 =	sor.u32 $0x30, s13;
	v22 =	vld.idx.msk [tilespmem:v24+s28+$0x0], $0xffff;
	[tilespmem:s11+$0x100] =	vst v21  }
0x27b: {  	s16 =	sor.u32 $0x10, s13;
	s15 =	sor.u32 $0x20, s13;
	v21 =	vor.u32 $0x200, v5;
	s18 =	sor.u32 s14, s17;
	v16 =	vld.idx.msk [tilespmem:v16+s28+$0x0], $0xffff;
	[tilespmem:s8+$0x100] =	vst v23  }
0x27c: {  	v24 =	vor.u32 $0x200, v4;
	s19 =	sor.u32 s16, s17;
	s17 =	sor.u32 s15, s17;
	v23 =	vld [tilespmem:s18+$0x0];
	[tilespmem:s3+$0x12900] =	vst v17  }
0x27d: {  	v17 =	vld [tilespmem:s19+$0x0];
	[tilespmem:s4+$0x12900] =	vst v18  }
0x27e: {  	v18 =	vshll.u32 v26, $0x3;
	v25 =	vld [tilespmem:s17+$0x0];
	[tilespmem:s29+$0x12900] =	vst v19  }
0x27f: {  	v19 =	vand.u32 $0x7F, v26;
	v18 =	vand.u32 $0xFFFFFC00, v18;
	v15 =	vld.idx.msk [tilespmem:v15+s28+$0x0], $0xffff;
	[tilespmem:s12+$0x180] =	vst v20;
	v20 =	vor.u32 $0x380, v3;
	v3 =	vmovc v4  }
0x280: {  	p0 =	por !p0, !p0;
	s3 =	simm.s32 $0x1;
	v4 =	vor.u32 v19, v18;
	[tilespmem:s7+$0x180] =	vst v22;
	v18 =	vld.idx.msk [tilespmem:v21+s28+$0x0], $0xffff  }
0x281: {  	s3 =	simm.s32 @!p0 $0x0;
	v19 =	vshll.u32 v23, $0x3;
	v21 =	vld.idx.msk [tilespmem:v24+s28+$0x0], $0xffff;
	[tilespmem:s11+$0x180] =	vst v16  }
0x282: {  	s3 =	sshll.u32 s3, $0x6;
	v16 =	vand.u32 $0x7F, v23;
	v19 =	vand.u32 $0xFFFFFC00, v19;
	v22 =	vld.idx.msk [tilespmem:v14+s28+$0x0], $0xffff;
	v14 =	vor.u32 $0x280, v5  }
0x283: {  	s7 =	sadd.s32 s3, s6;
	v23 =	vshll.u32 v17, $0x3;
	v24 =	vshll.u32 v25, $0x3;
	v19 =	vor.u32 v16, v19;
	v26 =	vld.idx.msk [tilespmem:v6+s28+$0x0], $0xffff;
	v6 =	vmovc v13  }
0x284: {  	s11 =	sadd.s32 $0x10, s7;
	s12 =	sadd.s32 $0x20, s7;
	s17 =	sadd.s32 $0x30, s7;
	v13 =	vand.u32 $0x7F, v17;
	v16 =	vand.u32 $0xFFFFFC00, v23;
	v17 =	vand.u32 $0xFFFFFC00, v24;
	v20 =	vld.idx.msk [tilespmem:v20+s28+$0x0], $0xffff  }
0x285: {  	s22 =	sor.u32 $0x200, s11;
	s3 =	sor.u32 $0x200, s17;
	v13 =	vor.u32 v13, v16;
	v16 =	vand.u32 $0x7F, v25;
	v24 =	vor.u32 $0x280, v3;
	v23 =	vld.idx.msk [tilespmem:v4+s28+$0x0], $0xffff;
	[tilespmem:s8+$0x180] =	vst v15;
	s8 =	sor.u32 $0x200, s12  }
0x286: {  	s4 =	sor.u32 $0x200, s7;
	s21 =	sor.u32 $0x280, s11;
	s20 =	sor.u32 $0x280, s12;
	v25 =	vor.u32 $0x80, v13;
	v27 =	vor.u32 $0x100, v13;
	v17 =	vor.u32 v16, v17;
	v28 =	vld.idx.msk [tilespmem:v12+s28+$0x0], $0xffff;
	[tilespmem:s3+$0x12900] =	vst v18  }
0x287: {  	s19 =	sor.u32 $0x280, s7;
	s18 =	sor.u32 $0x300, s11;
	v16 =	vor.u32 $0x180, v13;
	v18 =	vor.u32 $0x80, v17;
	v29 =	vor.u32 $0x100, v17;
	s3 =	sor.u32 $0x300, s12;
	[tilespmem:s4+$0x12900] =	vst v21;
	v21 =	vld.idx.msk [tilespmem:v14+s28+$0x0], $0xffff  }
0x288: {  	s29 =	sor.u32 $0x380, s11;
	s11 =	sor.u32 $0x380, s12;
	v15 =	vor.u32 $0x180, v17;
	v12 =	vor.u32 $0x200, v17;
	v14 =	vor.u32 $0x200, v13;
	s4 =	sor.u32 $0x300, s7;
	v30 =	vld.idx.msk [tilespmem:v19+s28+$0x0], $0xffff;
	[tilespmem:s22+$0x12900] =	vst v22  }
0x289: {  	v32 =	vor.u32 $0x300, v5;
	s7 =	sor.u32 $0x380, s7;
	v22 =	vor.u32 $0x280, v17;
	v31 =	vld.idx.msk [tilespmem:v11+s28+$0x0], $0xffff;
	v11 =	vor.u32 $0x280, v13;
	[tilespmem:s31+$0x12900] =	vst v26;
	s31 =	smov.u32 s11  }
0x28a: {  	s6 =	sadd.s32 $0x200, s6;
	v35 =	vor.u32 $0x80, v19;
	v33 =	vor.u32 $0x300, v13;
	v34 =	vor.u32 $0x300, v17;
	v26 =	vld.idx.msk [tilespmem:v13+s28+$0x0], $0xffff;
	[tilespmem:s10+$0x12900] =	vst v20;
	s10 =	smov.u32 s7  }
0x28b: {  	v36 =	vor.u32 $0x380, v13;
	s7 =	sand.u32 $0x3C00, s6;
	v20 =	vor.u32 $0x80, v4;
	v13 =	vor.u32 $0x380, v17;
	v37 =	vld.idx.msk [tilespmem:v17+s28+$0x0], $0xffff  }
0x28c: {  	s22 =	sadd.s32 $0x12900, s7;
	v38 =	vld.idx.msk [tilespmem:v24+s28+$0x0], $0xffff;
	[tilespmem:s8+$0x12900] =	vst v28;
	s8 =	sor.u32 $0x280, s17  }
0x28d: {  	s7 =	sor.u32 s13, s22;
	s11 =	sor.u32 s16, s22;
	s12 =	sor.u32 s14, s22;
	v17 =	vld.idx.msk [tilespmem:v10+s28+$0x0], $0xffff;
	[tilespmem:s8+$0x12900] =	vst v21;
	v10 =	vmov v22  }
0x28e: {  	s8 =	sor.u32 s15, s22;
	[tilespmem:s12+$0x0] =	vst v30;
	v21 =	vld.idx.msk [tilespmem:v32+s28+$0x0], $0xffff  }
0x28f: {  	[tilespmem:s7+$0x0] =	vst v23;
	v22 =	vld.idx.msk [tilespmem:v35+s28+$0x0], $0xffff  }
0x290: {  	v23 =	vor.u32 $0x380, v5;
	v5 =	vmov v19;
	v20 =	vld.idx.msk [tilespmem:v20+s28+$0x0], $0xffff;
	[tilespmem:s11+$0x0] =	vst v26  }
0x291: {  	v24 =	vor.u32 $0x100, v5;
	v19 =	vld.idx.msk [tilespmem:v25+s28+$0x0], $0xffff;
	[tilespmem:s8+$0x0] =	vst v37  }
0x292: {  	v25 =	vor.u32 $0x100, v4;
	v18 =	vld.idx.msk [tilespmem:v18+s28+$0x0], $0xffff;
	[tilespmem:s21+$0x12900] =	vst v31  }
0x293: {  	s13 =	sor.u32 $0x300, s17;
	v26 =	vld.idx.msk [tilespmem:v9+s28+$0x0], $0xffff;
	[tilespmem:s20+$0x12900] =	vst v17;
	v9 =	vmov v33  }
0x294: {  	v17 =	vld.idx.msk [tilespmem:v8+s28+$0x0], $0xffff;
	[tilespmem:s13+$0x12900] =	vst v21;
	v8 =	vmov v34  }
0x295: {  	v28 =	vor.u32 $0x300, v3;
	[tilespmem:s12+$0x80] =	vst v22;
	v30 =	vld.idx.msk [tilespmem:v23+s28+$0x0], $0xffff  }
0x296: {  	[tilespmem:s7+$0x80] =	vst v20;
	v22 =	vld.idx.msk [tilespmem:v24+s28+$0x0], $0xffff  }
.Ltmp7:
0x297: {  	v20 =	vld.idx.msk [tilespmem:v25+s28+$0x0], $0xffff;
	[tilespmem:s11+$0x80] =	vst v19;
	(pc) =	sbr.rel @p1 .LBB2_12-.Ltmp7, $4  }
0x298: {  	v25 =	vor.u32 $0x180, v5;
	v21 =	vld.idx.msk [tilespmem:v27+s28+$0x0], $0xffff;
	[tilespmem:s8+$0x80] =	vst v18  }
0x299: {  	v24 =	vor.u32 $0x180, v4;
	v23 =	vld.idx.msk [tilespmem:v29+s28+$0x0], $0xffff;
	[tilespmem:s19+$0x12900] =	vst v38  }
0x29a: {  	s13 =	sor.u32 $0x380, s17;
	v18 =	vld.idx.msk [tilespmem:v28+s28+$0x0], $0xffff;
	[tilespmem:s18+$0x12900] =	vst v26  }
0x29b: {  	s1 =	sadd.s32 $0x40, s1;
	v19 =	vld.idx.msk [tilespmem:v7+s28+$0x0], $0xffff;
	[tilespmem:s13+$0x12900] =	vst v30;
	v7 =	vmov v36  }
0x29c: {  	_ =	sdelay $0x2  }
0x29d: {  	[tilespmem:s12+$0x100] =	vst v22  }
0x29e: {  	v22 =	vld.idx.msk [tilespmem:v25+s28+$0x0], $0xffff;
	[tilespmem:s11+$0x100] =	vst v21  }
0x29f: {  	[tilespmem:s7+$0x100] =	vst v20;
	v21 =	vor.u32 $0x200, v5;
	v16 =	vld.idx.msk [tilespmem:v16+s28+$0x0], $0xffff  }
0x2a0: {  	v20 =	vld.idx.msk [tilespmem:v24+s28+$0x0], $0xffff;
	[tilespmem:s8+$0x100] =	vst v23  }
0x2a1: {  	v23 =	vor.u32 $0x200, v4;
	v15 =	vld.idx.msk [tilespmem:v15+s28+$0x0], $0xffff;
	_ =	sdelay $0x1  }
0x2a2: {  	p0 =	por !p0, !p0;
	s1 =	simm.s32 $0x1;
	[tilespmem:s12+$0x180] =	vst v22  }
0x2a3: {  	s1 =	simm.s32 @!p0 $0x0;
	v21 =	vld.idx.msk [tilespmem:v21+s28+$0x0], $0xffff;
	[tilespmem:s11+$0x180] =	vst v16  }
0x2a4: {  	s1 =	sshll.u32 s1, $0x6;
	[tilespmem:s7+$0x180] =	vst v20;
	v16 =	vor.u32 $0x280, v5;
	v14 =	vld.idx.msk [tilespmem:v14+s28+$0x0], $0xffff  }
0x2a5: {  	s1 =	sadd.s32 s1, s6;
	[tilespmem:s8+$0x180] =	vst v15;
	v15 =	vld.idx.msk [tilespmem:v23+s28+$0x0], $0xffff  }
0x2a6: {  	s2 =	sadd.s32 $0x30, s1;
	v20 =	vor.u32 $0x280, v4;
	v12 =	vld.idx.msk [tilespmem:v12+s28+$0x0], $0xffff  }
0x2a7: {  	s6 =	sadd.s32 $0x10, s1;
	s11 =	sor.u32 $0x200, s2  }
0x2a8: {  	s13 =	sor.u32 $0x200, s6;
	[tilespmem:s11+$0x12900] =	vst v21  }
0x2a9: {  	s15 =	sor.u32 $0x200, s1;
	s12 =	sadd.s32 $0x20, s1;
	v16 =	vld.idx.msk [tilespmem:v16+s28+$0x0], $0xffff;
	[tilespmem:s13+$0x12900] =	vst v14  }
0x2aa: {  	s14 =	sor.u32 $0x200, s12;
	v14 =	vor.u32 $0x300, v5;
	[tilespmem:s15+$0x12900] =	vst v15;
	v11 =	vld.idx.msk [tilespmem:v11+s28+$0x0], $0xffff  }
0x2ab: {  	[tilespmem:s14+$0x12900] =	vst v12;
	v12 =	vld.idx.msk [tilespmem:v20+s28+$0x0], $0xffff  }
0x2ac: {  	v15 =	vor.u32 $0x300, v4;
	v10 =	vld.idx.msk [tilespmem:v10+s28+$0x0], $0xffff  }
0x2ad: {  	[tilespmem:s3+$0x12900] =	vst v17;
	s16 =	sor.u32 $0x280, s2  }
0x2ae: {  	s17 =	sor.u32 $0x280, s6;
	[tilespmem:s16+$0x12900] =	vst v16  }
0x2af: {  	v3 =	vor.u32 $0x380, v3;
	s19 =	sor.u32 $0x280, s1;
	v14 =	vld.idx.msk [tilespmem:v14+s28+$0x0], $0xffff;
	[tilespmem:s17+$0x12900] =	vst v11  }
0x2b0: {  	s18 =	sor.u32 $0x280, s12;
	v5 =	vor.u32 $0x380, v5;
	[tilespmem:s19+$0x12900] =	vst v12;
	v9 =	vld.idx.msk [tilespmem:v9+s28+$0x0], $0xffff  }
0x2b1: {  	[tilespmem:s18+$0x12900] =	vst v10;
	v10 =	vld.idx.msk [tilespmem:v15+s28+$0x0], $0xffff  }
0x2b2: {  	[tilespmem:s4+$0x12900] =	vst v18;
	v4 =	vor.u32 $0x380, v4;
	v8 =	vld.idx.msk [tilespmem:v8+s28+$0x0], $0xffff  }
0x2b3: {  	v6 =	vld.idx.msk [tilespmem:v6+s28+$0x0], $0xffff;
	[tilespmem:s29+$0x12900] =	vst v19;
	s20 =	sor.u32 $0x300, s2  }
0x2b4: {  	v3 =	vld.idx.msk [tilespmem:v3+s28+$0x0], $0xffff;
	s21 =	sor.u32 $0x300, s6;
	[tilespmem:s20+$0x12900] =	vst v14  }
0x2b5: {  	s25 =	sor.u32 $0x300, s1;
	v5 =	vld.idx.msk [tilespmem:v5+s28+$0x0], $0xffff;
	[tilespmem:s21+$0x12900] =	vst v9  }
0x2b6: {  	s22 =	sor.u32 $0x300, s12;
	[tilespmem:s25+$0x12900] =	vst v10;
	v7 =	vld.idx.msk [tilespmem:v7+s28+$0x0], $0xffff  }
0x2b7: {  	[tilespmem:s22+$0x12900] =	vst v8;
	v4 =	vld.idx.msk [tilespmem:v4+s28+$0x0], $0xffff  }
0x2b8: {  	[tilespmem:s31+$0x12900] =	vst v6;
	v8 =	vld.idx.msk [tilespmem:v13+s28+$0x0], $0xffff  }
0x2b9: {  	s2 =	sor.u32 $0x380, s2;
	[tilespmem:s10+$0x12900] =	vst v3  }
0x2ba: {  	s7 =	sor.u32 $0x380, s6;
	[tilespmem:s2+$0x12900] =	vst v5  }
0x2bb: {  	s1 =	sor.u32 $0x380, s1;
	[tilespmem:s7+$0x12900] =	vst v7  }
0x2bc: {  	s8 =	sor.u32 $0x380, s12;
	[tilespmem:s1+$0x12900] =	vst v4  }
0x2bd: {  	[tilespmem:s8+$0x12900] =	vst v8  }
0x2be: {  	s10 =	simm.s32 $0x12900;
	s1 =	simm.s32 $0x0;
	s2 =	rddreg [dreg:$0x1a]  }
0x2bf: {  	[hbm4b:s2+s1] =	stream.linear.scatter [tilespmem:s10], [sflag:$0x4], $0x4000, $0x38;
	[tilespmem:$0x1A900] =	vst v63  }
0x2c0: {  	v3 =	vld.msk [tilespmem:$0x820], $0xff;
	_ =	sdelay $0x4  }
0x2c1: {  	v4 =	vshll.u32 v3, $0x5  }
0x2c2: {  	v3 =	vand.u32 $0x7, v3;
	v4 =	vand.u32 $0xFFFFFF00, v4  }
0x2c3: {  	v3 =	vor.u32 v3, v4  }
0x2c4: {  	v3 =	vperm.xlane v3, v1;
	_ =	sdelay $0x1  }
0x2c5: {  	v3 =	vadd.s32 v2, v3;
	_ =	sdelay $0x3  }
0x2c6: {  	s11 =	rddreg [dreg:$0x0]  }
0x2c7: {  	[tilespmem:s28], [sflag:$0x2] =	stream.indirect_vreg.gather [hbm4b:s11+s1], $0x80, v3, vm0, $0xb8;
	[tilespmem:$0x1A900] =	vst v63  }
0x2c8: {  	s13 =	simm.s32 $0x3100;
	s12 =	rddreg [dreg:$0xc]  }
0x2c9: {  	[tilespmem:s13], [sflag:$0x2] =	stream.indirect_vreg.gather [hbm4b:s12+s1], $0x80, v3, vm0, $0xb8;
	[tilespmem:$0x1A900] =	vst v63  }
0x2ca: {  	s15 =	simm.s32 $0x3900;
	s14 =	rddreg [dreg:$0xd]  }
0x2cb: {  	[tilespmem:s15], [sflag:$0x2] =	stream.indirect_vreg.gather [hbm4b:s14+s1], $0x80, v3, vm0, $0xb8;
	[tilespmem:$0x1A900] =	vst v63  }
0x2cc: {  	s17 =	simm.s32 $0x4100;
	s16 =	rddreg [dreg:$0xe]  }
0x2cd: {  	[tilespmem:s17], [sflag:$0x2] =	stream.indirect_vreg.gather [hbm4b:s16+s1], $0x80, v3, vm0, $0xb8;
	[tilespmem:$0x1A900] =	vst v63  }
0x2ce: {  	s19 =	simm.s32 $0x4900;
	s18 =	rddreg [dreg:$0xf]  }
0x2cf: {  	[tilespmem:s19], [sflag:$0x2] =	stream.indirect_vreg.gather [hbm4b:s18+s1], $0x80, v3, vm0, $0xb8;
	[tilespmem:$0x1A900] =	vst v63  }
0x2d0: {  	s21 =	simm.s32 $0x5100;
	s20 =	rddreg [dreg:$0x10]  }
0x2d1: {  	[tilespmem:s21], [sflag:$0x2] =	stream.indirect_vreg.gather [hbm4b:s20+s1], $0x80, v3, vm0, $0xb8;
	[tilespmem:$0x1A900] =	vst v63  }
0x2d2: {  	s25 =	simm.s32 $0x5900;
	s22 =	rddreg [dreg:$0x11]  }
0x2d3: {  	[tilespmem:s25], [sflag:$0x2] =	stream.indirect_vreg.gather [hbm4b:s22+s1], $0x80, v3, vm0, $0xb8;
	[tilespmem:$0x1A900] =	vst v63  }
0x2d4: {  	s6 =	simm.s32 $0x6100;
	s4 =	rddreg [dreg:$0x12]  }
0x2d5: {  	[tilespmem:s6], [sflag:$0x2] =	stream.indirect_vreg.gather [hbm4b:s4+s1], $0x80, v3, vm0, $0xb8;
	[tilespmem:$0x1A900] =	vst v63  }
0x2d6: {  	s8 =	simm.s32 $0x6900;
	s7 =	rddreg [dreg:$0x13]  }
0x2d7: {  	[tilespmem:s8], [sflag:$0x2] =	stream.indirect_vreg.gather [hbm4b:s7+s1], $0x80, v3, vm0, $0xb8;
	[tilespmem:$0x1A900] =	vst v63  }
0x2d8: {  	s10 =	rddreg [dreg:$0x14];
	s11 =	simm.s32 $0x7100  }
0x2d9: {  	[tilespmem:s11], [sflag:$0x2] =	stream.indirect_vreg.gather [hbm4b:s10+s1], $0x80, v3, vm0, $0xb8;
	[tilespmem:$0x1A900] =	vst v63  }
0x2da: {  	s12 =	rddreg [dreg:$0x15];
	s13 =	simm.s32 $0x7900  }
0x2db: {  	[tilespmem:s13], [sflag:$0x2] =	stream.indirect_vreg.gather [hbm4b:s12+s1], $0x80, v3, vm0, $0xb8;
	[tilespmem:$0x1A900] =	vst v63  }
0x2dc: {  	s14 =	rddreg [dreg:$0x16];
	s15 =	simm.s32 $0x8100  }
0x2dd: {  	[tilespmem:s15], [sflag:$0x2] =	stream.indirect_vreg.gather [hbm4b:s14+s1], $0x80, v3, vm0, $0xb8;
	[tilespmem:$0x1A900] =	vst v63  }
0x2de: {  	s16 =	rddreg [dreg:$0x17];
	s17 =	simm.s32 $0x8900  }
0x2df: {  	[tilespmem:s17], [sflag:$0x2] =	stream.indirect_vreg.gather [hbm4b:s16+s1], $0x80, v3, vm0, $0xb8;
	[tilespmem:$0x1A900] =	vst v63  }
0x2e0: {  	s18 =	simm.s32 $0x9100  }
0x2e1: {  	[tilespmem:s18], [sflag:$0x2] =	stream.indirect_vreg.gather [hbm4b:s23+s1], $0x80, v3, vm0, $0xb8;
	[tilespmem:$0x1A900] =	vst v63  }
0x2e2: {  	s19 =	simm.s32 $0x9900  }
0x2e3: {  	[tilespmem:s19], [sflag:$0x2] =	stream.indirect_vreg.gather [hbm4b:s24+s1], $0x80, v3, vm0, $0xb8;
	[tilespmem:$0x1A900] =	vst v63  }
0x2e4: {  	s20 =	simm.s32 $0xA100;
	s21 =	simm.s32 $0x3  }
0x2e5: {  	[tilespmem:s20], [sflag:$0x2] =	stream.indirect_vreg.gather [hbm4b:s26+s1], $0x80, v3, vm0, $0xb8;
	[tilespmem:$0x1A900] =	vst v63  }
0x2e6: {  	_ =	swait.ge [sflag:s21], $0x8000  }
0x2e7: {  	[sflag:s21] =	ssyncset.done $0x0  }
0x2e8: {  	s22 =	simm.s32 $0x5;
	[sflag:s21] =	ssyncadd.s32 $0xFFFF8000  }
0x2e9: {  	s25 =	sand.u32 $0x40, s1;
	_ =	swait.ge [sflag:s22], $0x4000  }
0x2ea: {  	s4 =	sand.u32 $0x780, s1;
	s7 =	sor.u32 $0x30, s25;
	[sflag:s22] =	ssyncset.done $0x0  }
0x2eb: {  	s10 =	sor.u32 s7, s4;
	[sflag:s22] =	ssyncadd.s32 $0xFFFFC000  }
0x2ec: {  	v3 =	vld [tilespmem:s10+$0x0]  }
0x2ed: {  	s11 =	sor.u32 $0x10, s25;
	v4 =	vld [tilespmem:s1+$0x0]  }
0x2ee: {  	s12 =	sor.u32 $0x20, s25;
	s13 =	sor.u32 s11, s4  }
0x2ef: {  	s3 =	sor.u32 s12, s4;
	v5 =	vld [tilespmem:s13+$0x0]  }
0x2f0: {  	v6 =	vld [tilespmem:s3+$0x0]  }
0x2f1: {  	v7 =	vshll.u32 v3, $0x3  }
0x2f2: {  	v8 =	vshll.u32 v4, $0x3;
	v3 =	vand.u32 $0x7F, v3;
	v7 =	vand.u32 $0xFFFFFC00, v7  }
0x2f3: {  	v4 =	vand.u32 $0x7F, v4;
	v9 =	vand.u32 $0xFFFFFC00, v8;
	v8 =	vor.u32 v3, v7  }
0x2f4: {  	v3 =	vor.u32 v4, v9;
	v4 =	vshll.u32 v5, $0x3  }
0x2f5: {  	v7 =	vshll.u32 v6, $0x3;
	v5 =	vand.u32 $0x7F, v5;
	v4 =	vand.u32 $0xFFFFFC00, v4  }
0x2f6: {  	v9 =	vand.u32 $0xFFFFFC00, v7;
	v7 =	vor.u32 v5, v4;
	v4 =	vand.u32 $0x7F, v6  }
0x2f7: {  	v6 =	vor.u32 v4, v9  }
0x2f8: {  	v4 =	vld.idx.msk [tilespmem:v8+s5+$0x0], $0xffff  }
0x2f9: {  	v9 =	vor.u32 $0x80, v8;
	v5 =	vld.idx.msk [tilespmem:v3+s5+$0x0], $0xffff  }
0x2fa: {  	s1 =	sand.u32 $0x3C00, s1;
	v10 =	vor.u32 $0x80, v3  }
0x2fb: {  	s14 =	sadd.s32 $0x16900, s1;
	v11 =	vld.idx.msk [tilespmem:v7+s5+$0x0], $0xffff  }
0x2fc: {  	s15 =	sor.u32 s7, s14;
	v12 =	vor.u32 $0x80, v7;
	v13 =	vld.idx.msk [tilespmem:v6+s5+$0x0], $0xffff  }
0x2fd: {  	s1 =	sor.u32 s25, s14;
	v14 =	vor.u32 $0x80, v6;
	[tilespmem:s15+$0x0] =	vst v4  }
0x2fe: {  	[tilespmem:s1+$0x0] =	vst v5;
	v4 =	vld.idx.msk [tilespmem:v9+s5+$0x0], $0xffff  }
0x2ff: {  	s22 =	sor.u32 s11, s14;
	v5 =	vld.idx.msk [tilespmem:v10+s5+$0x0], $0xffff;
	v9 =	vor.u32 $0x100, v8  }
0x300: {  	s2 =	sor.u32 s12, s14;
	v10 =	vor.u32 $0x100, v3;
	[tilespmem:s22+$0x0] =	vst v11  }
0x301: {  	v11 =	vld.idx.msk [tilespmem:v12+s5+$0x0], $0xffff;
	[tilespmem:s2+$0x0] =	vst v13  }
0x302: {  	v12 =	vor.u32 $0x100, v7;
	v13 =	vld.idx.msk [tilespmem:v14+s5+$0x0], $0xffff  }
0x303: {  	v14 =	vor.u32 $0x100, v6;
	[tilespmem:s15+$0x80] =	vst v4  }
0x304: {  	[tilespmem:s1+$0x80] =	vst v5;
	v4 =	vld.idx.msk [tilespmem:v9+s5+$0x0], $0xffff  }
0x305: {  	v5 =	vld.idx.msk [tilespmem:v10+s5+$0x0], $0xffff;
	v9 =	vor.u32 $0x180, v8  }
0x306: {  	v10 =	vor.u32 $0x180, v3;
	[tilespmem:s22+$0x80] =	vst v11  }
0x307: {  	v11 =	vld.idx.msk [tilespmem:v12+s5+$0x0], $0xffff;
	[tilespmem:s2+$0x80] =	vst v13  }
0x308: {  	s25 =	simm.s32 $0x40;
	v12 =	vor.u32 $0x180, v7;
	v13 =	vld.idx.msk [tilespmem:v14+s5+$0x0], $0xffff  }
0x309: {  	s3 =	sand.u32 $0x40, s25;
	v14 =	vld [tilespmem:s25+$0x0];
	[tilespmem:s15+$0x100] =	vst v4  }
0x30a: {  	s16 =	sand.u32 $0x780, s25;
	s17 =	sor.u32 $0x30, s3;
	[tilespmem:s1+$0x100] =	vst v5;
	v4 =	vld.idx.msk [tilespmem:v9+s5+$0x0], $0xffff  }
0x30b: {  	s18 =	sor.u32 s17, s16;
	v5 =	vor.u32 $0x180, v6;
	v9 =	vld.idx.msk [tilespmem:v10+s5+$0x0], $0xffff  }
0x30c: {  	s19 =	sor.u32 $0x10, s3;
	v10 =	vor.u32 $0x200, v8;
	[tilespmem:s22+$0x100] =	vst v11;
	v11 =	vld [tilespmem:s18+$0x0]  }
0x30d: {  	s20 =	sor.u32 $0x20, s3;
	s21 =	sor.u32 s19, s16;
	v12 =	vld.idx.msk [tilespmem:v12+s5+$0x0], $0xffff  }
0x30e: {  	s11 =	sor.u32 s20, s16;
	v16 =	vld [tilespmem:s21+$0x0];
	v15 =	vor.u32 $0x200, v7;
	v17 =	vshll.u32 v14, $0x3  }
0x30f: {  	v18 =	vld [tilespmem:s11+$0x0];
	[tilespmem:s2+$0x100] =	vst v13;
	v13 =	vor.u32 $0x200, v3;
	v14 =	vand.u32 $0x7F, v14;
	v17 =	vand.u32 $0xFFFFFC00, v17  }
0x310: {  	p0 =	por $0x0, $0x0;
	s8 =	simm.s32 $0x1;
	v19 =	vld.idx.msk [tilespmem:v5+s5+$0x0], $0xffff;
	[tilespmem:s15+$0x180] =	vst v4;
	v4 =	vor.u32 v14, v17  }
0x311: {  	s8 =	simm.s32 @!p0 $0x0;
	v14 =	vor.u32 $0x200, v6;
	v10 =	vld.idx.msk [tilespmem:v10+s5+$0x0], $0xffff;
	v5 =	vshll.u32 v11, $0x3  }
0x312: {  	s8 =	sshll.u32 s8, $0x6;
	v11 =	vand.u32 $0x7F, v11;
	[tilespmem:s22+$0x180] =	vst v12;
	v5 =	vand.u32 $0xFFFFFC00, v5;
	v12 =	vor.u32 $0x280, v8  }
0x313: {  	v17 =	vor.u32 $0x280, v7;
	[tilespmem:s1+$0x180] =	vst v9;
	s1 =	sadd.s32 $0x0, s8;
	v9 =	vld.idx.msk [tilespmem:v15+s5+$0x0], $0xffff;
	v15 =	vshll.u32 v16, $0x3;
	v5 =	vor.u32 v11, v5  }
0x314: {  	s22 =	sadd.s32 $0x30, s1;
	v11 =	vld.idx.msk [tilespmem:v13+s5+$0x0], $0xffff;
	v13 =	vshll.u32 v18, $0x3;
	v16 =	vand.u32 $0x7F, v16;
	v15 =	vand.u32 $0xFFFFFC00, v15  }
0x315: {  	s8 =	sor.u32 $0x200, s22;
	v13 =	vand.u32 $0xFFFFFC00, v13;
	[tilespmem:s2+$0x180] =	vst v19;
	v20 =	vld.idx.msk [tilespmem:v4+s5+$0x0], $0xffff;
	v24 =	vor.u32 v16, v15;
	v15 =	vand.u32 $0x7F, v18  }
0x316: {  	s13 =	sadd.s32 $0x10, s1;
	v14 =	vld.idx.msk [tilespmem:v14+s5+$0x0], $0xffff;
	v13 =	vor.u32 v15, v13;
	[tilespmem:s8+$0x16900] =	vst v10  }
0x317: {  	s11 =	sor.u32 $0x200, s13;
	v10 =	vor.u32 $0x280, v3;
	v12 =	vld.idx.msk [tilespmem:v12+s5+$0x0], $0xffff  }
0x318: {  	s6 =	simm.s32 $0x200;
	v15 =	vor.u32 $0x280, v6;
	s8 =	sor.u32 $0x200, s1;
	v16 =	vld.idx.msk [tilespmem:v5+s5+$0x0], $0xffff;
	[tilespmem:s11+$0x16900] =	vst v9  }
0x319: {  	s15 =	sand.u32 $0x3C00, s6;
	s14 =	sadd.s32 $0x20, s1;
	[tilespmem:s8+$0x16900] =	vst v11;
	v11 =	vor.u32 $0x80, v4;
	v9 =	vld.idx.msk [tilespmem:v17+s5+$0x0], $0xffff  }
0x31a: {  	s12 =	sor.u32 $0x200, s14;
	s8 =	sadd.s32 $0x16900, s15;
	v17 =	vor.u32 $0x300, v8;
	v18 =	vld.idx.msk [tilespmem:v24+s5+$0x0], $0xffff  }
0x31b: {  	v19 =	vor.u32 $0x80, v5;
	s7 =	sor.u32 s3, s8;
	[tilespmem:s12+$0x16900] =	vst v14;
	v21 =	vld.idx.msk [tilespmem:v13+s5+$0x0], $0xffff  }
0x31c: {  	s16 =	sor.u32 $0x280, s22;
	v22 =	vor.u32 $0x80, v24;
	[tilespmem:s7+$0x0] =	vst v20;
	v10 =	vld.idx.msk [tilespmem:v10+s5+$0x0], $0xffff  }
0x31d: {  	v14 =	vor.u32 $0x80, v13;
	s12 =	sor.u32 s17, s8;
	v15 =	vld.idx.msk [tilespmem:v15+s5+$0x0], $0xffff;
	[tilespmem:s16+$0x16900] =	vst v12  }
0x31e: {  	s17 =	sor.u32 $0x280, s13;
	v12 =	vor.u32 $0x300, v7;
	[tilespmem:s12+$0x0] =	vst v16;
	v11 =	vld.idx.msk [tilespmem:v11+s5+$0x0], $0xffff  }
0x31f: {  	s11 =	sor.u32 s19, s8;
	v16 =	vld.idx.msk [tilespmem:v17+s5+$0x0], $0xffff;
	v17 =	vor.u32 $0x300, v6;
	[tilespmem:s17+$0x16900] =	vst v9  }
0x320: {  	v8 =	vor.u32 $0x380, v8;
	s8 =	sor.u32 s20, s8;
	v19 =	vld.idx.msk [tilespmem:v19+s5+$0x0], $0xffff;
	[tilespmem:s11+$0x0] =	vst v18  }
0x321: {  	s18 =	sor.u32 $0x280, s14;
	v20 =	vor.u32 $0x100, v5;
	v18 =	vld.idx.msk [tilespmem:v22+s5+$0x0], $0xffff;
	[tilespmem:s8+$0x0] =	vst v21  }
0x322: {  	v21 =	vor.u32 $0x100, v4;
	[tilespmem:s18+$0x16900] =	vst v15;
	v23 =	vld.idx.msk [tilespmem:v14+s5+$0x0], $0xffff  }
0x323: {  	s19 =	sor.u32 $0x300, s22;
	v9 =	vor.u32 $0x100, v24;
	v25 =	vld.idx.msk [tilespmem:v12+s5+$0x0], $0xffff;
	[tilespmem:s7+$0x80] =	vst v11  }
0x324: {  	v26 =	vor.u32 $0x100, v13;
	v17 =	vld.idx.msk [tilespmem:v17+s5+$0x0], $0xffff;
	[tilespmem:s19+$0x16900] =	vst v16  }
0x325: {  	[tilespmem:s12+$0x80] =	vst v19;
	v19 =	vor.u32 $0x300, v3;
	v27 =	vld.idx.msk [tilespmem:v8+s5+$0x0], $0xffff  }
0x326: {  	v28 =	vor.u32 $0x380, v7;
	v22 =	vld.idx.msk [tilespmem:v20+s5+$0x0], $0xffff;
	[tilespmem:s11+$0x80] =	vst v18  }
0x327: {  	s21 =	sor.u32 $0x300, s13;
	v7 =	vor.u32 $0x380, v24;
	v20 =	vld.idx.msk [tilespmem:v21+s5+$0x0], $0xffff;
	[tilespmem:s8+$0x80] =	vst v23  }
0x328: {  	s20 =	sor.u32 $0x280, s1;
	v14 =	vor.u32 $0x200, v24;
	v11 =	vor.u32 $0x280, v24;
	v21 =	vld.idx.msk [tilespmem:v9+s5+$0x0], $0xffff;
	[tilespmem:s21+$0x16900] =	vst v25;
	v25 =	vor.u32 $0x180, v5  }
0x329: {  	s4 =	sor.u32 $0x300, s1;
	s10 =	sor.u32 $0x380, s1;
	[tilespmem:s20+$0x16900] =	vst v10;
	v16 =	vor.u32 $0x180, v24;
	v9 =	vor.u32 $0x300, v24;
	v24 =	vor.u32 $0x180, v4;
	v23 =	vld.idx.msk [tilespmem:v26+s5+$0x0], $0xffff  }
0x32a: {  	s29 =	sor.u32 $0x380, s13;
	s31 =	sor.u32 $0x380, s14;
	s22 =	sor.u32 $0x380, s22;
	v6 =	vor.u32 $0x380, v6;
	v15 =	vor.u32 $0x180, v13;
	v10 =	vor.u32 $0x280, v13;
	v18 =	vld.idx.msk [tilespmem:v19+s5+$0x0], $0xffff  }
0x32b: {  	s2 =	simm.s32 $0x4;
	s3 =	sor.u32 $0x300, s14;
	s1 =	simm.s32 $0x80;
	v12 =	vor.u32 $0x200, v13;
	v8 =	vor.u32 $0x300, v13;
	v13 =	vor.u32 $0x380, v13;
	v19 =	vld.idx.msk [tilespmem:v28+s5+$0x0], $0xffff;
	[tilespmem:s22+$0x16900] =	vst v27  }
.LBB2_14:
0x32c: {  	v26 =	vld [tilespmem:s1+$0x0];
	[tilespmem:s12+$0x100] =	vst v22;
	s25 =	sadd.s32 $0x40, s25  }
0x32d: {  	s2 =	sadd.s32 $0x4, s2;
	s13 =	sand.u32 $0x40, s25;
	[tilespmem:s7+$0x100] =	vst v20;
	v20 =	vld.idx.msk [tilespmem:v25+s5+$0x0], $0xffff  }
0x32e: {  	s17 =	sand.u32 $0x780, s25;
	p1 =	slt.u32 s2, $0x7C;
	s14 =	sor.u32 $0x30, s13;
	v22 =	vld.idx.msk [tilespmem:v24+s5+$0x0], $0xffff;
	[tilespmem:s11+$0x100] =	vst v21  }
0x32f: {  	s16 =	sor.u32 $0x10, s13;
	s15 =	sor.u32 $0x20, s13;
	v21 =	vor.u32 $0x200, v5;
	s18 =	sor.u32 s14, s17;
	v16 =	vld.idx.msk [tilespmem:v16+s5+$0x0], $0xffff;
	[tilespmem:s8+$0x100] =	vst v23  }
0x330: {  	v24 =	vor.u32 $0x200, v4;
	s19 =	sor.u32 s16, s17;
	s17 =	sor.u32 s15, s17;
	v23 =	vld [tilespmem:s18+$0x0];
	[tilespmem:s3+$0x16900] =	vst v17  }
0x331: {  	v17 =	vld [tilespmem:s19+$0x0];
	[tilespmem:s4+$0x16900] =	vst v18  }
0x332: {  	v18 =	vshll.u32 v26, $0x3;
	v25 =	vld [tilespmem:s17+$0x0];
	[tilespmem:s29+$0x16900] =	vst v19  }
0x333: {  	v19 =	vand.u32 $0x7F, v26;
	v18 =	vand.u32 $0xFFFFFC00, v18;
	v15 =	vld.idx.msk [tilespmem:v15+s5+$0x0], $0xffff;
	[tilespmem:s12+$0x180] =	vst v20;
	v20 =	vor.u32 $0x380, v3;
	v3 =	vmovc v4  }
0x334: {  	p0 =	por !p0, !p0;
	s3 =	simm.s32 $0x1;
	v4 =	vor.u32 v19, v18;
	[tilespmem:s7+$0x180] =	vst v22;
	v18 =	vld.idx.msk [tilespmem:v21+s5+$0x0], $0xffff  }
0x335: {  	s3 =	simm.s32 @!p0 $0x0;
	v19 =	vshll.u32 v23, $0x3;
	v21 =	vld.idx.msk [tilespmem:v24+s5+$0x0], $0xffff;
	[tilespmem:s11+$0x180] =	vst v16  }
0x336: {  	s3 =	sshll.u32 s3, $0x6;
	v16 =	vand.u32 $0x7F, v23;
	v19 =	vand.u32 $0xFFFFFC00, v19;
	v22 =	vld.idx.msk [tilespmem:v14+s5+$0x0], $0xffff;
	v14 =	vor.u32 $0x280, v5  }
0x337: {  	s7 =	sadd.s32 s3, s6;
	v23 =	vshll.u32 v17, $0x3;
	v24 =	vshll.u32 v25, $0x3;
	v19 =	vor.u32 v16, v19;
	v26 =	vld.idx.msk [tilespmem:v6+s5+$0x0], $0xffff;
	v6 =	vmovc v13  }
0x338: {  	s11 =	sadd.s32 $0x10, s7;
	s12 =	sadd.s32 $0x20, s7;
	s17 =	sadd.s32 $0x30, s7;
	v13 =	vand.u32 $0x7F, v17;
	v16 =	vand.u32 $0xFFFFFC00, v23;
	v17 =	vand.u32 $0xFFFFFC00, v24;
	v20 =	vld.idx.msk [tilespmem:v20+s5+$0x0], $0xffff  }
0x339: {  	s22 =	sor.u32 $0x200, s11;
	s3 =	sor.u32 $0x200, s17;
	v13 =	vor.u32 v13, v16;
	v16 =	vand.u32 $0x7F, v25;
	v24 =	vor.u32 $0x280, v3;
	v23 =	vld.idx.msk [tilespmem:v4+s5+$0x0], $0xffff;
	[tilespmem:s8+$0x180] =	vst v15;
	s8 =	sor.u32 $0x200, s12  }
0x33a: {  	s4 =	sor.u32 $0x200, s7;
	s21 =	sor.u32 $0x280, s11;
	s20 =	sor.u32 $0x280, s12;
	v25 =	vor.u32 $0x80, v13;
	v27 =	vor.u32 $0x100, v13;
	v17 =	vor.u32 v16, v17;
	v28 =	vld.idx.msk [tilespmem:v12+s5+$0x0], $0xffff;
	[tilespmem:s3+$0x16900] =	vst v18  }
0x33b: {  	s19 =	sor.u32 $0x280, s7;
	s18 =	sor.u32 $0x300, s11;
	v16 =	vor.u32 $0x180, v13;
	v18 =	vor.u32 $0x80, v17;
	v29 =	vor.u32 $0x100, v17;
	s3 =	sor.u32 $0x300, s12;
	[tilespmem:s4+$0x16900] =	vst v21;
	v21 =	vld.idx.msk [tilespmem:v14+s5+$0x0], $0xffff  }
0x33c: {  	s29 =	sor.u32 $0x380, s11;
	s11 =	sor.u32 $0x380, s12;
	v15 =	vor.u32 $0x180, v17;
	v12 =	vor.u32 $0x200, v17;
	v14 =	vor.u32 $0x200, v13;
	s4 =	sor.u32 $0x300, s7;
	v30 =	vld.idx.msk [tilespmem:v19+s5+$0x0], $0xffff;
	[tilespmem:s22+$0x16900] =	vst v22  }
0x33d: {  	v32 =	vor.u32 $0x300, v5;
	s7 =	sor.u32 $0x380, s7;
	v22 =	vor.u32 $0x280, v17;
	v31 =	vld.idx.msk [tilespmem:v11+s5+$0x0], $0xffff;
	v11 =	vor.u32 $0x280, v13;
	[tilespmem:s31+$0x16900] =	vst v26;
	s31 =	smov.u32 s11  }
0x33e: {  	s6 =	sadd.s32 $0x200, s6;
	v35 =	vor.u32 $0x80, v19;
	v33 =	vor.u32 $0x300, v13;
	v34 =	vor.u32 $0x300, v17;
	v26 =	vld.idx.msk [tilespmem:v13+s5+$0x0], $0xffff;
	[tilespmem:s10+$0x16900] =	vst v20;
	s10 =	smov.u32 s7  }
0x33f: {  	v36 =	vor.u32 $0x380, v13;
	s7 =	sand.u32 $0x3C00, s6;
	v20 =	vor.u32 $0x80, v4;
	v13 =	vor.u32 $0x380, v17;
	v37 =	vld.idx.msk [tilespmem:v17+s5+$0x0], $0xffff  }
0x340: {  	s22 =	sadd.s32 $0x16900, s7;
	v38 =	vld.idx.msk [tilespmem:v24+s5+$0x0], $0xffff;
	[tilespmem:s8+$0x16900] =	vst v28;
	s8 =	sor.u32 $0x280, s17  }
0x341: {  	s7 =	sor.u32 s13, s22;
	s11 =	sor.u32 s16, s22;
	s12 =	sor.u32 s14, s22;
	v17 =	vld.idx.msk [tilespmem:v10+s5+$0x0], $0xffff;
	[tilespmem:s8+$0x16900] =	vst v21;
	v10 =	vmov v22  }
0x342: {  	s8 =	sor.u32 s15, s22;
	[tilespmem:s12+$0x0] =	vst v30;
	v21 =	vld.idx.msk [tilespmem:v32+s5+$0x0], $0xffff  }
0x343: {  	[tilespmem:s7+$0x0] =	vst v23;
	v22 =	vld.idx.msk [tilespmem:v35+s5+$0x0], $0xffff  }
0x344: {  	v23 =	vor.u32 $0x380, v5;
	v5 =	vmov v19;
	v20 =	vld.idx.msk [tilespmem:v20+s5+$0x0], $0xffff;
	[tilespmem:s11+$0x0] =	vst v26  }
0x345: {  	v24 =	vor.u32 $0x100, v5;
	v19 =	vld.idx.msk [tilespmem:v25+s5+$0x0], $0xffff;
	[tilespmem:s8+$0x0] =	vst v37  }
0x346: {  	v25 =	vor.u32 $0x100, v4;
	v18 =	vld.idx.msk [tilespmem:v18+s5+$0x0], $0xffff;
	[tilespmem:s21+$0x16900] =	vst v31  }
0x347: {  	s13 =	sor.u32 $0x300, s17;
	v26 =	vld.idx.msk [tilespmem:v9+s5+$0x0], $0xffff;
	[tilespmem:s20+$0x16900] =	vst v17;
	v9 =	vmov v33  }
0x348: {  	v17 =	vld.idx.msk [tilespmem:v8+s5+$0x0], $0xffff;
	[tilespmem:s13+$0x16900] =	vst v21;
	v8 =	vmov v34  }
0x349: {  	v28 =	vor.u32 $0x300, v3;
	[tilespmem:s12+$0x80] =	vst v22;
	v30 =	vld.idx.msk [tilespmem:v23+s5+$0x0], $0xffff  }
0x34a: {  	[tilespmem:s7+$0x80] =	vst v20;
	v22 =	vld.idx.msk [tilespmem:v24+s5+$0x0], $0xffff  }
.Ltmp8:
0x34b: {  	v20 =	vld.idx.msk [tilespmem:v25+s5+$0x0], $0xffff;
	[tilespmem:s11+$0x80] =	vst v19;
	(pc) =	sbr.rel @p1 .LBB2_14-.Ltmp8, $4  }
0x34c: {  	v25 =	vor.u32 $0x180, v5;
	v21 =	vld.idx.msk [tilespmem:v27+s5+$0x0], $0xffff;
	[tilespmem:s8+$0x80] =	vst v18  }
0x34d: {  	v24 =	vor.u32 $0x180, v4;
	v23 =	vld.idx.msk [tilespmem:v29+s5+$0x0], $0xffff;
	[tilespmem:s19+$0x16900] =	vst v38  }
0x34e: {  	s13 =	sor.u32 $0x380, s17;
	v18 =	vld.idx.msk [tilespmem:v28+s5+$0x0], $0xffff;
	[tilespmem:s18+$0x16900] =	vst v26  }
0x34f: {  	s1 =	sadd.s32 $0x40, s1;
	v19 =	vld.idx.msk [tilespmem:v7+s5+$0x0], $0xffff;
	[tilespmem:s13+$0x16900] =	vst v30;
	v7 =	vmov v36  }
0x350: {  	_ =	sdelay $0x2  }
0x351: {  	[tilespmem:s12+$0x100] =	vst v22  }
0x352: {  	v22 =	vld.idx.msk [tilespmem:v25+s5+$0x0], $0xffff;
	[tilespmem:s11+$0x100] =	vst v21  }
0x353: {  	[tilespmem:s7+$0x100] =	vst v20;
	v21 =	vor.u32 $0x200, v5;
	v16 =	vld.idx.msk [tilespmem:v16+s5+$0x0], $0xffff  }
0x354: {  	v20 =	vld.idx.msk [tilespmem:v24+s5+$0x0], $0xffff;
	[tilespmem:s8+$0x100] =	vst v23  }
0x355: {  	v23 =	vor.u32 $0x200, v4;
	v15 =	vld.idx.msk [tilespmem:v15+s5+$0x0], $0xffff;
	_ =	sdelay $0x1  }
0x356: {  	p0 =	por !p0, !p0;
	s1 =	simm.s32 $0x1;
	[tilespmem:s12+$0x180] =	vst v22  }
0x357: {  	s1 =	simm.s32 @!p0 $0x0;
	v21 =	vld.idx.msk [tilespmem:v21+s5+$0x0], $0xffff;
	[tilespmem:s11+$0x180] =	vst v16  }
0x358: {  	s1 =	sshll.u32 s1, $0x6;
	[tilespmem:s7+$0x180] =	vst v20;
	v16 =	vor.u32 $0x280, v5;
	v14 =	vld.idx.msk [tilespmem:v14+s5+$0x0], $0xffff  }
0x359: {  	s1 =	sadd.s32 s1, s6;
	[tilespmem:s8+$0x180] =	vst v15;
	v15 =	vld.idx.msk [tilespmem:v23+s5+$0x0], $0xffff  }
0x35a: {  	s2 =	sadd.s32 $0x30, s1;
	v20 =	vor.u32 $0x280, v4;
	v12 =	vld.idx.msk [tilespmem:v12+s5+$0x0], $0xffff  }
0x35b: {  	s6 =	sadd.s32 $0x10, s1;
	s11 =	sor.u32 $0x200, s2  }
0x35c: {  	s13 =	sor.u32 $0x200, s6;
	[tilespmem:s11+$0x16900] =	vst v21  }
0x35d: {  	s15 =	sor.u32 $0x200, s1;
	s12 =	sadd.s32 $0x20, s1;
	v16 =	vld.idx.msk [tilespmem:v16+s5+$0x0], $0xffff;
	[tilespmem:s13+$0x16900] =	vst v14  }
0x35e: {  	s14 =	sor.u32 $0x200, s12;
	v14 =	vor.u32 $0x300, v5;
	[tilespmem:s15+$0x16900] =	vst v15;
	v11 =	vld.idx.msk [tilespmem:v11+s5+$0x0], $0xffff  }
0x35f: {  	[tilespmem:s14+$0x16900] =	vst v12;
	v12 =	vld.idx.msk [tilespmem:v20+s5+$0x0], $0xffff  }
0x360: {  	v15 =	vor.u32 $0x300, v4;
	v10 =	vld.idx.msk [tilespmem:v10+s5+$0x0], $0xffff  }
0x361: {  	[tilespmem:s3+$0x16900] =	vst v17;
	s16 =	sor.u32 $0x280, s2  }
0x362: {  	s17 =	sor.u32 $0x280, s6;
	[tilespmem:s16+$0x16900] =	vst v16  }
0x363: {  	v3 =	vor.u32 $0x380, v3;
	s19 =	sor.u32 $0x280, s1;
	v14 =	vld.idx.msk [tilespmem:v14+s5+$0x0], $0xffff;
	[tilespmem:s17+$0x16900] =	vst v11  }
0x364: {  	s18 =	sor.u32 $0x280, s12;
	v5 =	vor.u32 $0x380, v5;
	[tilespmem:s19+$0x16900] =	vst v12;
	v9 =	vld.idx.msk [tilespmem:v9+s5+$0x0], $0xffff  }
0x365: {  	[tilespmem:s18+$0x16900] =	vst v10;
	v10 =	vld.idx.msk [tilespmem:v15+s5+$0x0], $0xffff  }
0x366: {  	[tilespmem:s4+$0x16900] =	vst v18;
	v4 =	vor.u32 $0x380, v4;
	v8 =	vld.idx.msk [tilespmem:v8+s5+$0x0], $0xffff  }
0x367: {  	v6 =	vld.idx.msk [tilespmem:v6+s5+$0x0], $0xffff;
	[tilespmem:s29+$0x16900] =	vst v19;
	s20 =	sor.u32 $0x300, s2  }
0x368: {  	v3 =	vld.idx.msk [tilespmem:v3+s5+$0x0], $0xffff;
	s21 =	sor.u32 $0x300, s6;
	[tilespmem:s20+$0x16900] =	vst v14  }
0x369: {  	s25 =	sor.u32 $0x300, s1;
	v5 =	vld.idx.msk [tilespmem:v5+s5+$0x0], $0xffff;
	[tilespmem:s21+$0x16900] =	vst v9  }
0x36a: {  	s22 =	sor.u32 $0x300, s12;
	[tilespmem:s25+$0x16900] =	vst v10;
	v7 =	vld.idx.msk [tilespmem:v7+s5+$0x0], $0xffff  }
0x36b: {  	[tilespmem:s22+$0x16900] =	vst v8;
	v4 =	vld.idx.msk [tilespmem:v4+s5+$0x0], $0xffff  }
0x36c: {  	[tilespmem:s31+$0x16900] =	vst v6;
	v8 =	vld.idx.msk [tilespmem:v13+s5+$0x0], $0xffff  }
0x36d: {  	s2 =	sor.u32 $0x380, s2;
	[tilespmem:s10+$0x16900] =	vst v3  }
0x36e: {  	s7 =	sor.u32 $0x380, s6;
	[tilespmem:s2+$0x16900] =	vst v5  }
0x36f: {  	s1 =	sor.u32 $0x380, s1;
	[tilespmem:s7+$0x16900] =	vst v7  }
0x370: {  	s8 =	sor.u32 $0x380, s12;
	[tilespmem:s1+$0x16900] =	vst v4  }
0x371: {  	[tilespmem:s8+$0x16900] =	vst v8  }
0x372: {  	s10 =	simm.s32 $0x16900;
	s1 =	simm.s32 $0x0;
	s2 =	rddreg [dreg:$0x1b]  }
0x373: {  	[hbm4b:s2+s1] =	stream.linear.scatter [tilespmem:s10], [sflag:$0x5], $0x4000, $0x38;
	[tilespmem:$0x1A900] =	vst v63  }
0x374: {  	v3 =	vld.msk [tilespmem:$0x828], $0xff;
	_ =	sdelay $0x4  }
0x375: {  	v4 =	vshll.u32 v3, $0x5  }
0x376: {  	v3 =	vand.u32 $0x7, v3;
	v4 =	vand.u32 $0xFFFFFF00, v4  }
0x377: {  	v3 =	vor.u32 v3, v4  }
0x378: {  	v3 =	vperm.xlane v3, v1;
	_ =	sdelay $0x1  }
0x379: {  	v3 =	vadd.s32 v2, v3;
	_ =	sdelay $0x3  }
0x37a: {  	s11 =	rddreg [dreg:$0x0]  }
0x37b: {  	[tilespmem:s5], [sflag:$0x3] =	stream.indirect_vreg.gather [hbm4b:s11+s1], $0x80, v3, vm0, $0xb8;
	[tilespmem:$0x1A900] =	vst v63  }
0x37c: {  	s13 =	simm.s32 $0xB100;
	s12 =	rddreg [dreg:$0xc]  }
0x37d: {  	[tilespmem:s13], [sflag:$0x3] =	stream.indirect_vreg.gather [hbm4b:s12+s1], $0x80, v3, vm0, $0xb8;
	[tilespmem:$0x1A900] =	vst v63  }
0x37e: {  	s15 =	simm.s32 $0xB900;
	s14 =	rddreg [dreg:$0xd]  }
0x37f: {  	[tilespmem:s15], [sflag:$0x3] =	stream.indirect_vreg.gather [hbm4b:s14+s1], $0x80, v3, vm0, $0xb8;
	[tilespmem:$0x1A900] =	vst v63  }
0x380: {  	s17 =	simm.s32 $0xC100;
	s16 =	rddreg [dreg:$0xe]  }
0x381: {  	[tilespmem:s17], [sflag:$0x3] =	stream.indirect_vreg.gather [hbm4b:s16+s1], $0x80, v3, vm0, $0xb8;
	[tilespmem:$0x1A900] =	vst v63  }
0x382: {  	s19 =	simm.s32 $0xC900;
	s18 =	rddreg [dreg:$0xf]  }
0x383: {  	[tilespmem:s19], [sflag:$0x3] =	stream.indirect_vreg.gather [hbm4b:s18+s1], $0x80, v3, vm0, $0xb8;
	[tilespmem:$0x1A900] =	vst v63  }
0x384: {  	s21 =	simm.s32 $0xD100;
	s20 =	rddreg [dreg:$0x10]  }
0x385: {  	[tilespmem:s21], [sflag:$0x3] =	stream.indirect_vreg.gather [hbm4b:s20+s1], $0x80, v3, vm0, $0xb8;
	[tilespmem:$0x1A900] =	vst v63  }
0x386: {  	s25 =	simm.s32 $0xD900;
	s22 =	rddreg [dreg:$0x11]  }
0x387: {  	[tilespmem:s25], [sflag:$0x3] =	stream.indirect_vreg.gather [hbm4b:s22+s1], $0x80, v3, vm0, $0xb8;
	[tilespmem:$0x1A900] =	vst v63  }
0x388: {  	s6 =	simm.s32 $0xE100;
	s4 =	rddreg [dreg:$0x12]  }
0x389: {  	[tilespmem:s6], [sflag:$0x3] =	stream.indirect_vreg.gather [hbm4b:s4+s1], $0x80, v3, vm0, $0xb8;
	[tilespmem:$0x1A900] =	vst v63  }
0x38a: {  	s8 =	simm.s32 $0xE900;
	s7 =	rddreg [dreg:$0x13]  }
0x38b: {  	[tilespmem:s8], [sflag:$0x3] =	stream.indirect_vreg.gather [hbm4b:s7+s1], $0x80, v3, vm0, $0xb8;
	[tilespmem:$0x1A900] =	vst v63  }
0x38c: {  	s10 =	rddreg [dreg:$0x14];
	s11 =	simm.s32 $0xF100  }
0x38d: {  	[tilespmem:s11], [sflag:$0x3] =	stream.indirect_vreg.gather [hbm4b:s10+s1], $0x80, v3, vm0, $0xb8;
	[tilespmem:$0x1A900] =	vst v63  }
0x38e: {  	s12 =	rddreg [dreg:$0x15];
	s13 =	simm.s32 $0xF900  }
0x38f: {  	[tilespmem:s13], [sflag:$0x3] =	stream.indirect_vreg.gather [hbm4b:s12+s1], $0x80, v3, vm0, $0xb8;
	[tilespmem:$0x1A900] =	vst v63  }
0x390: {  	s14 =	rddreg [dreg:$0x16];
	s15 =	simm.s32 $0x10100  }
0x391: {  	[tilespmem:s15], [sflag:$0x3] =	stream.indirect_vreg.gather [hbm4b:s14+s1], $0x80, v3, vm0, $0xb8;
	[tilespmem:$0x1A900] =	vst v63  }
0x392: {  	s16 =	rddreg [dreg:$0x17];
	s17 =	simm.s32 $0x10900  }
0x393: {  	[tilespmem:s17], [sflag:$0x3] =	stream.indirect_vreg.gather [hbm4b:s16+s1], $0x80, v3, vm0, $0xb8;
	[tilespmem:$0x1A900] =	vst v63  }
0x394: {  	s18 =	simm.s32 $0x11100  }
0x395: {  	[tilespmem:s18], [sflag:$0x3] =	stream.indirect_vreg.gather [hbm4b:s23+s1], $0x80, v3, vm0, $0xb8;
	[tilespmem:$0x1A900] =	vst v63  }
0x396: {  	s19 =	simm.s32 $0x11900  }
0x397: {  	[tilespmem:s19], [sflag:$0x3] =	stream.indirect_vreg.gather [hbm4b:s24+s1], $0x80, v3, vm0, $0xb8;
	[tilespmem:$0x1A900] =	vst v63  }
0x398: {  	s20 =	simm.s32 $0x12100;
	s21 =	simm.s32 $0x2  }
0x399: {  	[tilespmem:s20], [sflag:$0x3] =	stream.indirect_vreg.gather [hbm4b:s26+s1], $0x80, v3, vm0, $0xb8;
	[tilespmem:$0x1A900] =	vst v63  }
0x39a: {  	_ =	swait.ge [sflag:s21], $0x8000  }
0x39b: {  	[sflag:s21] =	ssyncset.done $0x0  }
0x39c: {  	s22 =	simm.s32 $0x4;
	[sflag:s21] =	ssyncadd.s32 $0xFFFF8000  }
0x39d: {  	s25 =	sand.u32 $0x40, s1;
	_ =	swait.ge [sflag:s22], $0x4000  }
0x39e: {  	s4 =	sand.u32 $0x780, s1;
	s7 =	sor.u32 $0x30, s25;
	[sflag:s22] =	ssyncset.done $0x0  }
0x39f: {  	s10 =	sor.u32 s7, s4;
	[sflag:s22] =	ssyncadd.s32 $0xFFFFC000  }
0x3a0: {  	v3 =	vld [tilespmem:s10+$0x0]  }
0x3a1: {  	s11 =	sor.u32 $0x10, s25;
	v4 =	vld [tilespmem:s1+$0x0]  }
0x3a2: {  	s12 =	sor.u32 $0x20, s25;
	s13 =	sor.u32 s11, s4  }
0x3a3: {  	s3 =	sor.u32 s12, s4;
	v5 =	vld [tilespmem:s13+$0x0]  }
0x3a4: {  	v6 =	vld [tilespmem:s3+$0x0]  }
0x3a5: {  	v7 =	vshll.u32 v3, $0x3  }
0x3a6: {  	v8 =	vshll.u32 v4, $0x3;
	v3 =	vand.u32 $0x7F, v3;
	v7 =	vand.u32 $0xFFFFFC00, v7  }
0x3a7: {  	v4 =	vand.u32 $0x7F, v4;
	v9 =	vand.u32 $0xFFFFFC00, v8;
	v8 =	vor.u32 v3, v7  }
0x3a8: {  	v3 =	vor.u32 v4, v9;
	v4 =	vshll.u32 v5, $0x3  }
0x3a9: {  	v7 =	vshll.u32 v6, $0x3;
	v5 =	vand.u32 $0x7F, v5;
	v4 =	vand.u32 $0xFFFFFC00, v4  }
0x3aa: {  	v9 =	vand.u32 $0xFFFFFC00, v7;
	v7 =	vor.u32 v5, v4;
	v4 =	vand.u32 $0x7F, v6  }
0x3ab: {  	v6 =	vor.u32 v4, v9  }
0x3ac: {  	v4 =	vld.idx.msk [tilespmem:v8+s28+$0x0], $0xffff  }
0x3ad: {  	v9 =	vor.u32 $0x80, v8;
	v5 =	vld.idx.msk [tilespmem:v3+s28+$0x0], $0xffff  }
0x3ae: {  	s1 =	sand.u32 $0x3C00, s1;
	v10 =	vor.u32 $0x80, v3  }
0x3af: {  	s14 =	sadd.s32 $0x12900, s1;
	v11 =	vld.idx.msk [tilespmem:v7+s28+$0x0], $0xffff  }
0x3b0: {  	s15 =	sor.u32 s7, s14;
	v12 =	vor.u32 $0x80, v7;
	v13 =	vld.idx.msk [tilespmem:v6+s28+$0x0], $0xffff  }
0x3b1: {  	s1 =	sor.u32 s25, s14;
	v14 =	vor.u32 $0x80, v6;
	[tilespmem:s15+$0x0] =	vst v4  }
0x3b2: {  	[tilespmem:s1+$0x0] =	vst v5;
	v4 =	vld.idx.msk [tilespmem:v9+s28+$0x0], $0xffff  }
0x3b3: {  	s22 =	sor.u32 s11, s14;
	v5 =	vld.idx.msk [tilespmem:v10+s28+$0x0], $0xffff;
	v9 =	vor.u32 $0x100, v8  }
0x3b4: {  	s2 =	sor.u32 s12, s14;
	v10 =	vor.u32 $0x100, v3;
	[tilespmem:s22+$0x0] =	vst v11  }
0x3b5: {  	v11 =	vld.idx.msk [tilespmem:v12+s28+$0x0], $0xffff;
	[tilespmem:s2+$0x0] =	vst v13  }
0x3b6: {  	v12 =	vor.u32 $0x100, v7;
	v13 =	vld.idx.msk [tilespmem:v14+s28+$0x0], $0xffff  }
0x3b7: {  	v14 =	vor.u32 $0x100, v6;
	[tilespmem:s15+$0x80] =	vst v4  }
0x3b8: {  	[tilespmem:s1+$0x80] =	vst v5;
	v4 =	vld.idx.msk [tilespmem:v9+s28+$0x0], $0xffff  }
0x3b9: {  	v5 =	vld.idx.msk [tilespmem:v10+s28+$0x0], $0xffff;
	v9 =	vor.u32 $0x180, v8  }
0x3ba: {  	v10 =	vor.u32 $0x180, v3;
	[tilespmem:s22+$0x80] =	vst v11  }
0x3bb: {  	v11 =	vld.idx.msk [tilespmem:v12+s28+$0x0], $0xffff;
	[tilespmem:s2+$0x80] =	vst v13  }
0x3bc: {  	s25 =	simm.s32 $0x40;
	v12 =	vor.u32 $0x180, v7;
	v13 =	vld.idx.msk [tilespmem:v14+s28+$0x0], $0xffff  }
0x3bd: {  	s3 =	sand.u32 $0x40, s25;
	v14 =	vld [tilespmem:s25+$0x0];
	[tilespmem:s15+$0x100] =	vst v4  }
0x3be: {  	s16 =	sand.u32 $0x780, s25;
	s17 =	sor.u32 $0x30, s3;
	[tilespmem:s1+$0x100] =	vst v5;
	v4 =	vld.idx.msk [tilespmem:v9+s28+$0x0], $0xffff  }
0x3bf: {  	s18 =	sor.u32 s17, s16;
	v5 =	vor.u32 $0x180, v6;
	v9 =	vld.idx.msk [tilespmem:v10+s28+$0x0], $0xffff  }
0x3c0: {  	s19 =	sor.u32 $0x10, s3;
	v10 =	vor.u32 $0x200, v8;
	[tilespmem:s22+$0x100] =	vst v11;
	v11 =	vld [tilespmem:s18+$0x0]  }
0x3c1: {  	s20 =	sor.u32 $0x20, s3;
	s21 =	sor.u32 s19, s16;
	v12 =	vld.idx.msk [tilespmem:v12+s28+$0x0], $0xffff  }
0x3c2: {  	s11 =	sor.u32 s20, s16;
	v16 =	vld [tilespmem:s21+$0x0];
	v15 =	vor.u32 $0x200, v7;
	v17 =	vshll.u32 v14, $0x3  }
0x3c3: {  	v18 =	vld [tilespmem:s11+$0x0];
	[tilespmem:s2+$0x100] =	vst v13;
	v13 =	vor.u32 $0x200, v3;
	v14 =	vand.u32 $0x7F, v14;
	v17 =	vand.u32 $0xFFFFFC00, v17  }
0x3c4: {  	p0 =	por $0x0, $0x0;
	s8 =	simm.s32 $0x1;
	v19 =	vld.idx.msk [tilespmem:v5+s28+$0x0], $0xffff;
	[tilespmem:s15+$0x180] =	vst v4;
	v4 =	vor.u32 v14, v17  }
0x3c5: {  	s8 =	simm.s32 @!p0 $0x0;
	v14 =	vor.u32 $0x200, v6;
	v10 =	vld.idx.msk [tilespmem:v10+s28+$0x0], $0xffff;
	v5 =	vshll.u32 v11, $0x3  }
0x3c6: {  	s8 =	sshll.u32 s8, $0x6;
	v11 =	vand.u32 $0x7F, v11;
	[tilespmem:s22+$0x180] =	vst v12;
	v5 =	vand.u32 $0xFFFFFC00, v5;
	v12 =	vor.u32 $0x280, v8  }
0x3c7: {  	v17 =	vor.u32 $0x280, v7;
	[tilespmem:s1+$0x180] =	vst v9;
	s1 =	sadd.s32 $0x0, s8;
	v9 =	vld.idx.msk [tilespmem:v15+s28+$0x0], $0xffff;
	v15 =	vshll.u32 v16, $0x3;
	v5 =	vor.u32 v11, v5  }
0x3c8: {  	s22 =	sadd.s32 $0x30, s1;
	v11 =	vld.idx.msk [tilespmem:v13+s28+$0x0], $0xffff;
	v13 =	vshll.u32 v18, $0x3;
	v16 =	vand.u32 $0x7F, v16;
	v15 =	vand.u32 $0xFFFFFC00, v15  }
0x3c9: {  	s8 =	sor.u32 $0x200, s22;
	v13 =	vand.u32 $0xFFFFFC00, v13;
	[tilespmem:s2+$0x180] =	vst v19;
	v20 =	vld.idx.msk [tilespmem:v4+s28+$0x0], $0xffff;
	v24 =	vor.u32 v16, v15;
	v15 =	vand.u32 $0x7F, v18  }
0x3ca: {  	s13 =	sadd.s32 $0x10, s1;
	v14 =	vld.idx.msk [tilespmem:v14+s28+$0x0], $0xffff;
	v13 =	vor.u32 v15, v13;
	[tilespmem:s8+$0x12900] =	vst v10  }
0x3cb: {  	s11 =	sor.u32 $0x200, s13;
	v10 =	vor.u32 $0x280, v3;
	v12 =	vld.idx.msk [tilespmem:v12+s28+$0x0], $0xffff  }
0x3cc: {  	s6 =	simm.s32 $0x200;
	v15 =	vor.u32 $0x280, v6;
	s8 =	sor.u32 $0x200, s1;
	v16 =	vld.idx.msk [tilespmem:v5+s28+$0x0], $0xffff;
	[tilespmem:s11+$0x12900] =	vst v9  }
0x3cd: {  	s15 =	sand.u32 $0x3C00, s6;
	s14 =	sadd.s32 $0x20, s1;
	[tilespmem:s8+$0x12900] =	vst v11;
	v11 =	vor.u32 $0x80, v4;
	v9 =	vld.idx.msk [tilespmem:v17+s28+$0x0], $0xffff  }
0x3ce: {  	s12 =	sor.u32 $0x200, s14;
	s8 =	sadd.s32 $0x12900, s15;
	v17 =	vor.u32 $0x300, v8;
	v18 =	vld.idx.msk [tilespmem:v24+s28+$0x0], $0xffff  }
0x3cf: {  	v19 =	vor.u32 $0x80, v5;
	s7 =	sor.u32 s3, s8;
	[tilespmem:s12+$0x12900] =	vst v14;
	v21 =	vld.idx.msk [tilespmem:v13+s28+$0x0], $0xffff  }
0x3d0: {  	s16 =	sor.u32 $0x280, s22;
	v22 =	vor.u32 $0x80, v24;
	[tilespmem:s7+$0x0] =	vst v20;
	v10 =	vld.idx.msk [tilespmem:v10+s28+$0x0], $0xffff  }
0x3d1: {  	v14 =	vor.u32 $0x80, v13;
	s12 =	sor.u32 s17, s8;
	v15 =	vld.idx.msk [tilespmem:v15+s28+$0x0], $0xffff;
	[tilespmem:s16+$0x12900] =	vst v12  }
0x3d2: {  	s17 =	sor.u32 $0x280, s13;
	v12 =	vor.u32 $0x300, v7;
	[tilespmem:s12+$0x0] =	vst v16;
	v11 =	vld.idx.msk [tilespmem:v11+s28+$0x0], $0xffff  }
0x3d3: {  	s11 =	sor.u32 s19, s8;
	v16 =	vld.idx.msk [tilespmem:v17+s28+$0x0], $0xffff;
	v17 =	vor.u32 $0x300, v6;
	[tilespmem:s17+$0x12900] =	vst v9  }
0x3d4: {  	v8 =	vor.u32 $0x380, v8;
	s8 =	sor.u32 s20, s8;
	v19 =	vld.idx.msk [tilespmem:v19+s28+$0x0], $0xffff;
	[tilespmem:s11+$0x0] =	vst v18  }
0x3d5: {  	s18 =	sor.u32 $0x280, s14;
	v20 =	vor.u32 $0x100, v5;
	v18 =	vld.idx.msk [tilespmem:v22+s28+$0x0], $0xffff;
	[tilespmem:s8+$0x0] =	vst v21  }
0x3d6: {  	v21 =	vor.u32 $0x100, v4;
	[tilespmem:s18+$0x12900] =	vst v15;
	v23 =	vld.idx.msk [tilespmem:v14+s28+$0x0], $0xffff  }
0x3d7: {  	s19 =	sor.u32 $0x300, s22;
	v9 =	vor.u32 $0x100, v24;
	v25 =	vld.idx.msk [tilespmem:v12+s28+$0x0], $0xffff;
	[tilespmem:s7+$0x80] =	vst v11  }
0x3d8: {  	v26 =	vor.u32 $0x100, v13;
	v17 =	vld.idx.msk [tilespmem:v17+s28+$0x0], $0xffff;
	[tilespmem:s19+$0x12900] =	vst v16  }
0x3d9: {  	[tilespmem:s12+$0x80] =	vst v19;
	v19 =	vor.u32 $0x300, v3;
	v27 =	vld.idx.msk [tilespmem:v8+s28+$0x0], $0xffff  }
0x3da: {  	v28 =	vor.u32 $0x380, v7;
	v22 =	vld.idx.msk [tilespmem:v20+s28+$0x0], $0xffff;
	[tilespmem:s11+$0x80] =	vst v18  }
0x3db: {  	s21 =	sor.u32 $0x300, s13;
	v7 =	vor.u32 $0x380, v24;
	v20 =	vld.idx.msk [tilespmem:v21+s28+$0x0], $0xffff;
	[tilespmem:s8+$0x80] =	vst v23  }
0x3dc: {  	s20 =	sor.u32 $0x280, s1;
	v14 =	vor.u32 $0x200, v24;
	v11 =	vor.u32 $0x280, v24;
	v21 =	vld.idx.msk [tilespmem:v9+s28+$0x0], $0xffff;
	[tilespmem:s21+$0x12900] =	vst v25;
	v25 =	vor.u32 $0x180, v5  }
0x3dd: {  	s4 =	sor.u32 $0x300, s1;
	s10 =	sor.u32 $0x380, s1;
	[tilespmem:s20+$0x12900] =	vst v10;
	v16 =	vor.u32 $0x180, v24;
	v9 =	vor.u32 $0x300, v24;
	v24 =	vor.u32 $0x180, v4;
	v23 =	vld.idx.msk [tilespmem:v26+s28+$0x0], $0xffff  }
0x3de: {  	s29 =	sor.u32 $0x380, s13;
	s31 =	sor.u32 $0x380, s14;
	s22 =	sor.u32 $0x380, s22;
	v6 =	vor.u32 $0x380, v6;
	v15 =	vor.u32 $0x180, v13;
	v10 =	vor.u32 $0x280, v13;
	v18 =	vld.idx.msk [tilespmem:v19+s28+$0x0], $0xffff  }
0x3df: {  	s2 =	simm.s32 $0x4;
	s3 =	sor.u32 $0x300, s14;
	s1 =	simm.s32 $0x80;
	v12 =	vor.u32 $0x200, v13;
	v8 =	vor.u32 $0x300, v13;
	v13 =	vor.u32 $0x380, v13;
	v19 =	vld.idx.msk [tilespmem:v28+s28+$0x0], $0xffff;
	[tilespmem:s22+$0x12900] =	vst v27  }
.LBB2_16:
0x3e0: {  	v26 =	vld [tilespmem:s1+$0x0];
	[tilespmem:s12+$0x100] =	vst v22;
	s25 =	sadd.s32 $0x40, s25  }
0x3e1: {  	s2 =	sadd.s32 $0x4, s2;
	s13 =	sand.u32 $0x40, s25;
	[tilespmem:s7+$0x100] =	vst v20;
	v20 =	vld.idx.msk [tilespmem:v25+s28+$0x0], $0xffff  }
0x3e2: {  	s17 =	sand.u32 $0x780, s25;
	p1 =	slt.u32 s2, $0x7C;
	s14 =	sor.u32 $0x30, s13;
	v22 =	vld.idx.msk [tilespmem:v24+s28+$0x0], $0xffff;
	[tilespmem:s11+$0x100] =	vst v21  }
0x3e3: {  	s16 =	sor.u32 $0x10, s13;
	s15 =	sor.u32 $0x20, s13;
	v21 =	vor.u32 $0x200, v5;
	s18 =	sor.u32 s14, s17;
	v16 =	vld.idx.msk [tilespmem:v16+s28+$0x0], $0xffff;
	[tilespmem:s8+$0x100] =	vst v23  }
0x3e4: {  	v24 =	vor.u32 $0x200, v4;
	s19 =	sor.u32 s16, s17;
	s17 =	sor.u32 s15, s17;
	v23 =	vld [tilespmem:s18+$0x0];
	[tilespmem:s3+$0x12900] =	vst v17  }
0x3e5: {  	v17 =	vld [tilespmem:s19+$0x0];
	[tilespmem:s4+$0x12900] =	vst v18  }
0x3e6: {  	v18 =	vshll.u32 v26, $0x3;
	v25 =	vld [tilespmem:s17+$0x0];
	[tilespmem:s29+$0x12900] =	vst v19  }
0x3e7: {  	v19 =	vand.u32 $0x7F, v26;
	v18 =	vand.u32 $0xFFFFFC00, v18;
	v15 =	vld.idx.msk [tilespmem:v15+s28+$0x0], $0xffff;
	[tilespmem:s12+$0x180] =	vst v20;
	v20 =	vor.u32 $0x380, v3;
	v3 =	vmovc v4  }
0x3e8: {  	p0 =	por !p0, !p0;
	s3 =	simm.s32 $0x1;
	v4 =	vor.u32 v19, v18;
	[tilespmem:s7+$0x180] =	vst v22;
	v18 =	vld.idx.msk [tilespmem:v21+s28+$0x0], $0xffff  }
0x3e9: {  	s3 =	simm.s32 @!p0 $0x0;
	v19 =	vshll.u32 v23, $0x3;
	v21 =	vld.idx.msk [tilespmem:v24+s28+$0x0], $0xffff;
	[tilespmem:s11+$0x180] =	vst v16  }
0x3ea: {  	s3 =	sshll.u32 s3, $0x6;
	v16 =	vand.u32 $0x7F, v23;
	v19 =	vand.u32 $0xFFFFFC00, v19;
	v22 =	vld.idx.msk [tilespmem:v14+s28+$0x0], $0xffff;
	v14 =	vor.u32 $0x280, v5  }
0x3eb: {  	s7 =	sadd.s32 s3, s6;
	v23 =	vshll.u32 v17, $0x3;
	v24 =	vshll.u32 v25, $0x3;
	v19 =	vor.u32 v16, v19;
	v26 =	vld.idx.msk [tilespmem:v6+s28+$0x0], $0xffff;
	v6 =	vmovc v13  }
0x3ec: {  	s11 =	sadd.s32 $0x10, s7;
	s12 =	sadd.s32 $0x20, s7;
	s17 =	sadd.s32 $0x30, s7;
	v13 =	vand.u32 $0x7F, v17;
	v16 =	vand.u32 $0xFFFFFC00, v23;
	v17 =	vand.u32 $0xFFFFFC00, v24;
	v20 =	vld.idx.msk [tilespmem:v20+s28+$0x0], $0xffff  }
0x3ed: {  	s22 =	sor.u32 $0x200, s11;
	s3 =	sor.u32 $0x200, s17;
	v13 =	vor.u32 v13, v16;
	v16 =	vand.u32 $0x7F, v25;
	v24 =	vor.u32 $0x280, v3;
	v23 =	vld.idx.msk [tilespmem:v4+s28+$0x0], $0xffff;
	[tilespmem:s8+$0x180] =	vst v15;
	s8 =	sor.u32 $0x200, s12  }
0x3ee: {  	s4 =	sor.u32 $0x200, s7;
	s21 =	sor.u32 $0x280, s11;
	s20 =	sor.u32 $0x280, s12;
	v25 =	vor.u32 $0x80, v13;
	v27 =	vor.u32 $0x100, v13;
	v17 =	vor.u32 v16, v17;
	v28 =	vld.idx.msk [tilespmem:v12+s28+$0x0], $0xffff;
	[tilespmem:s3+$0x12900] =	vst v18  }
0x3ef: {  	s19 =	sor.u32 $0x280, s7;
	s18 =	sor.u32 $0x300, s11;
	v16 =	vor.u32 $0x180, v13;
	v18 =	vor.u32 $0x80, v17;
	v29 =	vor.u32 $0x100, v17;
	s3 =	sor.u32 $0x300, s12;
	[tilespmem:s4+$0x12900] =	vst v21;
	v21 =	vld.idx.msk [tilespmem:v14+s28+$0x0], $0xffff  }
0x3f0: {  	s29 =	sor.u32 $0x380, s11;
	s11 =	sor.u32 $0x380, s12;
	v15 =	vor.u32 $0x180, v17;
	v12 =	vor.u32 $0x200, v17;
	v14 =	vor.u32 $0x200, v13;
	s4 =	sor.u32 $0x300, s7;
	v30 =	vld.idx.msk [tilespmem:v19+s28+$0x0], $0xffff;
	[tilespmem:s22+$0x12900] =	vst v22  }
0x3f1: {  	v32 =	vor.u32 $0x300, v5;
	s7 =	sor.u32 $0x380, s7;
	v22 =	vor.u32 $0x280, v17;
	v31 =	vld.idx.msk [tilespmem:v11+s28+$0x0], $0xffff;
	v11 =	vor.u32 $0x280, v13;
	[tilespmem:s31+$0x12900] =	vst v26;
	s31 =	smov.u32 s11  }
0x3f2: {  	s6 =	sadd.s32 $0x200, s6;
	v35 =	vor.u32 $0x80, v19;
	v33 =	vor.u32 $0x300, v13;
	v34 =	vor.u32 $0x300, v17;
	v26 =	vld.idx.msk [tilespmem:v13+s28+$0x0], $0xffff;
	[tilespmem:s10+$0x12900] =	vst v20;
	s10 =	smov.u32 s7  }
0x3f3: {  	v36 =	vor.u32 $0x380, v13;
	s7 =	sand.u32 $0x3C00, s6;
	v20 =	vor.u32 $0x80, v4;
	v13 =	vor.u32 $0x380, v17;
	v37 =	vld.idx.msk [tilespmem:v17+s28+$0x0], $0xffff  }
0x3f4: {  	s22 =	sadd.s32 $0x12900, s7;
	v38 =	vld.idx.msk [tilespmem:v24+s28+$0x0], $0xffff;
	[tilespmem:s8+$0x12900] =	vst v28;
	s8 =	sor.u32 $0x280, s17  }
0x3f5: {  	s7 =	sor.u32 s13, s22;
	s11 =	sor.u32 s16, s22;
	s12 =	sor.u32 s14, s22;
	v17 =	vld.idx.msk [tilespmem:v10+s28+$0x0], $0xffff;
	[tilespmem:s8+$0x12900] =	vst v21;
	v10 =	vmov v22  }
0x3f6: {  	s8 =	sor.u32 s15, s22;
	[tilespmem:s12+$0x0] =	vst v30;
	v21 =	vld.idx.msk [tilespmem:v32+s28+$0x0], $0xffff  }
0x3f7: {  	[tilespmem:s7+$0x0] =	vst v23;
	v22 =	vld.idx.msk [tilespmem:v35+s28+$0x0], $0xffff  }
0x3f8: {  	v23 =	vor.u32 $0x380, v5;
	v5 =	vmov v19;
	v20 =	vld.idx.msk [tilespmem:v20+s28+$0x0], $0xffff;
	[tilespmem:s11+$0x0] =	vst v26  }
0x3f9: {  	v24 =	vor.u32 $0x100, v5;
	v19 =	vld.idx.msk [tilespmem:v25+s28+$0x0], $0xffff;
	[tilespmem:s8+$0x0] =	vst v37  }
0x3fa: {  	v25 =	vor.u32 $0x100, v4;
	v18 =	vld.idx.msk [tilespmem:v18+s28+$0x0], $0xffff;
	[tilespmem:s21+$0x12900] =	vst v31  }
0x3fb: {  	s13 =	sor.u32 $0x300, s17;
	v26 =	vld.idx.msk [tilespmem:v9+s28+$0x0], $0xffff;
	[tilespmem:s20+$0x12900] =	vst v17;
	v9 =	vmov v33  }
0x3fc: {  	v17 =	vld.idx.msk [tilespmem:v8+s28+$0x0], $0xffff;
	[tilespmem:s13+$0x12900] =	vst v21;
	v8 =	vmov v34  }
0x3fd: {  	v28 =	vor.u32 $0x300, v3;
	[tilespmem:s12+$0x80] =	vst v22;
	v30 =	vld.idx.msk [tilespmem:v23+s28+$0x0], $0xffff  }
0x3fe: {  	[tilespmem:s7+$0x80] =	vst v20;
	v22 =	vld.idx.msk [tilespmem:v24+s28+$0x0], $0xffff  }
.Ltmp9:
0x3ff: {  	v20 =	vld.idx.msk [tilespmem:v25+s28+$0x0], $0xffff;
	[tilespmem:s11+$0x80] =	vst v19;
	(pc) =	sbr.rel @p1 .LBB2_16-.Ltmp9, $4  }
0x400: {  	v25 =	vor.u32 $0x180, v5;
	v21 =	vld.idx.msk [tilespmem:v27+s28+$0x0], $0xffff;
	[tilespmem:s8+$0x80] =	vst v18  }
0x401: {  	v24 =	vor.u32 $0x180, v4;
	v23 =	vld.idx.msk [tilespmem:v29+s28+$0x0], $0xffff;
	[tilespmem:s19+$0x12900] =	vst v38  }
0x402: {  	s13 =	sor.u32 $0x380, s17;
	v18 =	vld.idx.msk [tilespmem:v28+s28+$0x0], $0xffff;
	[tilespmem:s18+$0x12900] =	vst v26  }
0x403: {  	s1 =	sadd.s32 $0x40, s1;
	v19 =	vld.idx.msk [tilespmem:v7+s28+$0x0], $0xffff;
	[tilespmem:s13+$0x12900] =	vst v30;
	v7 =	vmov v36  }
0x404: {  	_ =	sdelay $0x2  }
0x405: {  	[tilespmem:s12+$0x100] =	vst v22  }
0x406: {  	v22 =	vld.idx.msk [tilespmem:v25+s28+$0x0], $0xffff;
	[tilespmem:s11+$0x100] =	vst v21  }
0x407: {  	[tilespmem:s7+$0x100] =	vst v20;
	v21 =	vor.u32 $0x200, v5;
	v16 =	vld.idx.msk [tilespmem:v16+s28+$0x0], $0xffff  }
0x408: {  	v20 =	vld.idx.msk [tilespmem:v24+s28+$0x0], $0xffff;
	[tilespmem:s8+$0x100] =	vst v23  }
0x409: {  	v23 =	vor.u32 $0x200, v4;
	v15 =	vld.idx.msk [tilespmem:v15+s28+$0x0], $0xffff;
	_ =	sdelay $0x1  }
0x40a: {  	p0 =	por !p0, !p0;
	s1 =	simm.s32 $0x1;
	[tilespmem:s12+$0x180] =	vst v22  }
0x40b: {  	s1 =	simm.s32 @!p0 $0x0;
	v21 =	vld.idx.msk [tilespmem:v21+s28+$0x0], $0xffff;
	[tilespmem:s11+$0x180] =	vst v16  }
0x40c: {  	s1 =	sshll.u32 s1, $0x6;
	[tilespmem:s7+$0x180] =	vst v20;
	v16 =	vor.u32 $0x280, v5;
	v14 =	vld.idx.msk [tilespmem:v14+s28+$0x0], $0xffff  }
0x40d: {  	s1 =	sadd.s32 s1, s6;
	[tilespmem:s8+$0x180] =	vst v15;
	v15 =	vld.idx.msk [tilespmem:v23+s28+$0x0], $0xffff  }
0x40e: {  	s2 =	sadd.s32 $0x30, s1;
	v20 =	vor.u32 $0x280, v4;
	v12 =	vld.idx.msk [tilespmem:v12+s28+$0x0], $0xffff  }
0x40f: {  	s6 =	sadd.s32 $0x10, s1;
	s11 =	sor.u32 $0x200, s2  }
0x410: {  	s13 =	sor.u32 $0x200, s6;
	[tilespmem:s11+$0x12900] =	vst v21  }
0x411: {  	s15 =	sor.u32 $0x200, s1;
	s12 =	sadd.s32 $0x20, s1;
	v16 =	vld.idx.msk [tilespmem:v16+s28+$0x0], $0xffff;
	[tilespmem:s13+$0x12900] =	vst v14  }
0x412: {  	s14 =	sor.u32 $0x200, s12;
	v14 =	vor.u32 $0x300, v5;
	[tilespmem:s15+$0x12900] =	vst v15;
	v11 =	vld.idx.msk [tilespmem:v11+s28+$0x0], $0xffff  }
0x413: {  	[tilespmem:s14+$0x12900] =	vst v12;
	v12 =	vld.idx.msk [tilespmem:v20+s28+$0x0], $0xffff  }
0x414: {  	v15 =	vor.u32 $0x300, v4;
	v10 =	vld.idx.msk [tilespmem:v10+s28+$0x0], $0xffff  }
0x415: {  	[tilespmem:s3+$0x12900] =	vst v17;
	s16 =	sor.u32 $0x280, s2  }
0x416: {  	s17 =	sor.u32 $0x280, s6;
	[tilespmem:s16+$0x12900] =	vst v16  }
0x417: {  	v3 =	vor.u32 $0x380, v3;
	s19 =	sor.u32 $0x280, s1;
	v14 =	vld.idx.msk [tilespmem:v14+s28+$0x0], $0xffff;
	[tilespmem:s17+$0x12900] =	vst v11  }
0x418: {  	s18 =	sor.u32 $0x280, s12;
	v5 =	vor.u32 $0x380, v5;
	[tilespmem:s19+$0x12900] =	vst v12;
	v9 =	vld.idx.msk [tilespmem:v9+s28+$0x0], $0xffff  }
0x419: {  	[tilespmem:s18+$0x12900] =	vst v10;
	v10 =	vld.idx.msk [tilespmem:v15+s28+$0x0], $0xffff  }
0x41a: {  	[tilespmem:s4+$0x12900] =	vst v18;
	v4 =	vor.u32 $0x380, v4;
	v8 =	vld.idx.msk [tilespmem:v8+s28+$0x0], $0xffff  }
0x41b: {  	v6 =	vld.idx.msk [tilespmem:v6+s28+$0x0], $0xffff;
	[tilespmem:s29+$0x12900] =	vst v19;
	s20 =	sor.u32 $0x300, s2  }
0x41c: {  	v3 =	vld.idx.msk [tilespmem:v3+s28+$0x0], $0xffff;
	s21 =	sor.u32 $0x300, s6;
	[tilespmem:s20+$0x12900] =	vst v14  }
0x41d: {  	s25 =	sor.u32 $0x300, s1;
	v5 =	vld.idx.msk [tilespmem:v5+s28+$0x0], $0xffff;
	[tilespmem:s21+$0x12900] =	vst v9  }
0x41e: {  	s22 =	sor.u32 $0x300, s12;
	[tilespmem:s25+$0x12900] =	vst v10;
	v7 =	vld.idx.msk [tilespmem:v7+s28+$0x0], $0xffff  }
0x41f: {  	[tilespmem:s22+$0x12900] =	vst v8;
	v4 =	vld.idx.msk [tilespmem:v4+s28+$0x0], $0xffff  }
0x420: {  	[tilespmem:s31+$0x12900] =	vst v6;
	v8 =	vld.idx.msk [tilespmem:v13+s28+$0x0], $0xffff  }
0x421: {  	s2 =	sor.u32 $0x380, s2;
	[tilespmem:s10+$0x12900] =	vst v3  }
0x422: {  	s7 =	sor.u32 $0x380, s6;
	[tilespmem:s2+$0x12900] =	vst v5  }
0x423: {  	s1 =	sor.u32 $0x380, s1;
	[tilespmem:s7+$0x12900] =	vst v7  }
0x424: {  	s8 =	sor.u32 $0x380, s12;
	[tilespmem:s1+$0x12900] =	vst v4  }
0x425: {  	[tilespmem:s8+$0x12900] =	vst v8  }
0x426: {  	s10 =	simm.s32 $0x12900;
	s1 =	simm.s32 $0x0;
	s2 =	rddreg [dreg:$0x1c]  }
0x427: {  	[hbm4b:s2+s1] =	stream.linear.scatter [tilespmem:s10], [sflag:$0x4], $0x4000, $0x38;
	[tilespmem:$0x1A900] =	vst v63  }
0x428: {  	v3 =	vld.msk [tilespmem:$0x830], $0xff;
	_ =	sdelay $0x4  }
0x429: {  	v4 =	vshll.u32 v3, $0x5  }
0x42a: {  	v3 =	vand.u32 $0x7, v3;
	v4 =	vand.u32 $0xFFFFFF00, v4  }
0x42b: {  	v3 =	vor.u32 v3, v4  }
0x42c: {  	v3 =	vperm.xlane v3, v1;
	_ =	sdelay $0x1  }
0x42d: {  	v3 =	vadd.s32 v2, v3;
	_ =	sdelay $0x3  }
0x42e: {  	s11 =	rddreg [dreg:$0x0]  }
0x42f: {  	[tilespmem:s28], [sflag:$0x2] =	stream.indirect_vreg.gather [hbm4b:s11+s1], $0x80, v3, vm0, $0xb8;
	[tilespmem:$0x1A900] =	vst v63  }
0x430: {  	s13 =	simm.s32 $0x3100;
	s12 =	rddreg [dreg:$0xc]  }
0x431: {  	[tilespmem:s13], [sflag:$0x2] =	stream.indirect_vreg.gather [hbm4b:s12+s1], $0x80, v3, vm0, $0xb8;
	[tilespmem:$0x1A900] =	vst v63  }
0x432: {  	s15 =	simm.s32 $0x3900;
	s14 =	rddreg [dreg:$0xd]  }
0x433: {  	[tilespmem:s15], [sflag:$0x2] =	stream.indirect_vreg.gather [hbm4b:s14+s1], $0x80, v3, vm0, $0xb8;
	[tilespmem:$0x1A900] =	vst v63  }
0x434: {  	s17 =	simm.s32 $0x4100;
	s16 =	rddreg [dreg:$0xe]  }
0x435: {  	[tilespmem:s17], [sflag:$0x2] =	stream.indirect_vreg.gather [hbm4b:s16+s1], $0x80, v3, vm0, $0xb8;
	[tilespmem:$0x1A900] =	vst v63  }
0x436: {  	s19 =	simm.s32 $0x4900;
	s18 =	rddreg [dreg:$0xf]  }
0x437: {  	[tilespmem:s19], [sflag:$0x2] =	stream.indirect_vreg.gather [hbm4b:s18+s1], $0x80, v3, vm0, $0xb8;
	[tilespmem:$0x1A900] =	vst v63  }
0x438: {  	s21 =	simm.s32 $0x5100;
	s20 =	rddreg [dreg:$0x10]  }
0x439: {  	[tilespmem:s21], [sflag:$0x2] =	stream.indirect_vreg.gather [hbm4b:s20+s1], $0x80, v3, vm0, $0xb8;
	[tilespmem:$0x1A900] =	vst v63  }
0x43a: {  	s25 =	simm.s32 $0x5900;
	s22 =	rddreg [dreg:$0x11]  }
0x43b: {  	[tilespmem:s25], [sflag:$0x2] =	stream.indirect_vreg.gather [hbm4b:s22+s1], $0x80, v3, vm0, $0xb8;
	[tilespmem:$0x1A900] =	vst v63  }
0x43c: {  	s6 =	simm.s32 $0x6100;
	s4 =	rddreg [dreg:$0x12]  }
0x43d: {  	[tilespmem:s6], [sflag:$0x2] =	stream.indirect_vreg.gather [hbm4b:s4+s1], $0x80, v3, vm0, $0xb8;
	[tilespmem:$0x1A900] =	vst v63  }
0x43e: {  	s8 =	simm.s32 $0x6900;
	s7 =	rddreg [dreg:$0x13]  }
0x43f: {  	[tilespmem:s8], [sflag:$0x2] =	stream.indirect_vreg.gather [hbm4b:s7+s1], $0x80, v3, vm0, $0xb8;
	[tilespmem:$0x1A900] =	vst v63  }
0x440: {  	s10 =	rddreg [dreg:$0x14];
	s11 =	simm.s32 $0x7100  }
0x441: {  	[tilespmem:s11], [sflag:$0x2] =	stream.indirect_vreg.gather [hbm4b:s10+s1], $0x80, v3, vm0, $0xb8;
	[tilespmem:$0x1A900] =	vst v63  }
0x442: {  	s12 =	rddreg [dreg:$0x15];
	s13 =	simm.s32 $0x7900  }
0x443: {  	[tilespmem:s13], [sflag:$0x2] =	stream.indirect_vreg.gather [hbm4b:s12+s1], $0x80, v3, vm0, $0xb8;
	[tilespmem:$0x1A900] =	vst v63  }
0x444: {  	s14 =	rddreg [dreg:$0x16];
	s15 =	simm.s32 $0x8100  }
0x445: {  	[tilespmem:s15], [sflag:$0x2] =	stream.indirect_vreg.gather [hbm4b:s14+s1], $0x80, v3, vm0, $0xb8;
	[tilespmem:$0x1A900] =	vst v63  }
0x446: {  	s16 =	rddreg [dreg:$0x17];
	s17 =	simm.s32 $0x8900  }
0x447: {  	[tilespmem:s17], [sflag:$0x2] =	stream.indirect_vreg.gather [hbm4b:s16+s1], $0x80, v3, vm0, $0xb8;
	[tilespmem:$0x1A900] =	vst v63  }
0x448: {  	s18 =	simm.s32 $0x9100  }
0x449: {  	[tilespmem:s18], [sflag:$0x2] =	stream.indirect_vreg.gather [hbm4b:s23+s1], $0x80, v3, vm0, $0xb8;
	[tilespmem:$0x1A900] =	vst v63  }
0x44a: {  	s19 =	simm.s32 $0x9900  }
0x44b: {  	[tilespmem:s19], [sflag:$0x2] =	stream.indirect_vreg.gather [hbm4b:s24+s1], $0x80, v3, vm0, $0xb8;
	[tilespmem:$0x1A900] =	vst v63  }
0x44c: {  	s20 =	simm.s32 $0xA100;
	s21 =	simm.s32 $0x3  }
0x44d: {  	[tilespmem:s20], [sflag:$0x2] =	stream.indirect_vreg.gather [hbm4b:s26+s1], $0x80, v3, vm0, $0xb8;
	[tilespmem:$0x1A900] =	vst v63  }
0x44e: {  	_ =	swait.ge [sflag:s21], $0x8000  }
0x44f: {  	[sflag:s21] =	ssyncset.done $0x0  }
0x450: {  	s22 =	simm.s32 $0x5;
	[sflag:s21] =	ssyncadd.s32 $0xFFFF8000  }
0x451: {  	s25 =	sand.u32 $0x40, s1;
	_ =	swait.ge [sflag:s22], $0x4000  }
0x452: {  	s4 =	sand.u32 $0x780, s1;
	s7 =	sor.u32 $0x30, s25;
	[sflag:s22] =	ssyncset.done $0x0  }
0x453: {  	s10 =	sor.u32 s7, s4;
	[sflag:s22] =	ssyncadd.s32 $0xFFFFC000  }
0x454: {  	v3 =	vld [tilespmem:s10+$0x0]  }
0x455: {  	s11 =	sor.u32 $0x10, s25;
	v4 =	vld [tilespmem:s1+$0x0]  }
0x456: {  	s12 =	sor.u32 $0x20, s25;
	s13 =	sor.u32 s11, s4  }
0x457: {  	s3 =	sor.u32 s12, s4;
	v5 =	vld [tilespmem:s13+$0x0]  }
0x458: {  	v6 =	vld [tilespmem:s3+$0x0]  }
0x459: {  	v7 =	vshll.u32 v3, $0x3  }
0x45a: {  	v8 =	vshll.u32 v4, $0x3;
	v3 =	vand.u32 $0x7F, v3;
	v7 =	vand.u32 $0xFFFFFC00, v7  }
0x45b: {  	v4 =	vand.u32 $0x7F, v4;
	v9 =	vand.u32 $0xFFFFFC00, v8;
	v8 =	vor.u32 v3, v7  }
0x45c: {  	v3 =	vor.u32 v4, v9;
	v4 =	vshll.u32 v5, $0x3  }
0x45d: {  	v7 =	vshll.u32 v6, $0x3;
	v5 =	vand.u32 $0x7F, v5;
	v4 =	vand.u32 $0xFFFFFC00, v4  }
0x45e: {  	v9 =	vand.u32 $0xFFFFFC00, v7;
	v7 =	vor.u32 v5, v4;
	v4 =	vand.u32 $0x7F, v6  }
0x45f: {  	v6 =	vor.u32 v4, v9  }
0x460: {  	v4 =	vld.idx.msk [tilespmem:v8+s5+$0x0], $0xffff  }
0x461: {  	v9 =	vor.u32 $0x80, v8;
	v5 =	vld.idx.msk [tilespmem:v3+s5+$0x0], $0xffff  }
0x462: {  	s1 =	sand.u32 $0x3C00, s1;
	v10 =	vor.u32 $0x80, v3  }
0x463: {  	s14 =	sadd.s32 $0x16900, s1;
	v11 =	vld.idx.msk [tilespmem:v7+s5+$0x0], $0xffff  }
0x464: {  	s15 =	sor.u32 s7, s14;
	v12 =	vor.u32 $0x80, v7;
	v13 =	vld.idx.msk [tilespmem:v6+s5+$0x0], $0xffff  }
0x465: {  	s1 =	sor.u32 s25, s14;
	v14 =	vor.u32 $0x80, v6;
	[tilespmem:s15+$0x0] =	vst v4  }
0x466: {  	[tilespmem:s1+$0x0] =	vst v5;
	v4 =	vld.idx.msk [tilespmem:v9+s5+$0x0], $0xffff  }
0x467: {  	s22 =	sor.u32 s11, s14;
	v5 =	vld.idx.msk [tilespmem:v10+s5+$0x0], $0xffff;
	v9 =	vor.u32 $0x100, v8  }
0x468: {  	s2 =	sor.u32 s12, s14;
	v10 =	vor.u32 $0x100, v3;
	[tilespmem:s22+$0x0] =	vst v11  }
0x469: {  	v11 =	vld.idx.msk [tilespmem:v12+s5+$0x0], $0xffff;
	[tilespmem:s2+$0x0] =	vst v13  }
0x46a: {  	v12 =	vor.u32 $0x100, v7;
	v13 =	vld.idx.msk [tilespmem:v14+s5+$0x0], $0xffff  }
0x46b: {  	v14 =	vor.u32 $0x100, v6;
	[tilespmem:s15+$0x80] =	vst v4  }
0x46c: {  	[tilespmem:s1+$0x80] =	vst v5;
	v4 =	vld.idx.msk [tilespmem:v9+s5+$0x0], $0xffff  }
0x46d: {  	v5 =	vld.idx.msk [tilespmem:v10+s5+$0x0], $0xffff;
	v9 =	vor.u32 $0x180, v8  }
0x46e: {  	v10 =	vor.u32 $0x180, v3;
	[tilespmem:s22+$0x80] =	vst v11  }
0x46f: {  	v11 =	vld.idx.msk [tilespmem:v12+s5+$0x0], $0xffff;
	[tilespmem:s2+$0x80] =	vst v13  }
0x470: {  	s25 =	simm.s32 $0x40;
	v12 =	vor.u32 $0x180, v7;
	v13 =	vld.idx.msk [tilespmem:v14+s5+$0x0], $0xffff  }
0x471: {  	s3 =	sand.u32 $0x40, s25;
	v14 =	vld [tilespmem:s25+$0x0];
	[tilespmem:s15+$0x100] =	vst v4  }
0x472: {  	s16 =	sand.u32 $0x780, s25;
	s17 =	sor.u32 $0x30, s3;
	[tilespmem:s1+$0x100] =	vst v5;
	v4 =	vld.idx.msk [tilespmem:v9+s5+$0x0], $0xffff  }
0x473: {  	s18 =	sor.u32 s17, s16;
	v5 =	vor.u32 $0x180, v6;
	v9 =	vld.idx.msk [tilespmem:v10+s5+$0x0], $0xffff  }
0x474: {  	s19 =	sor.u32 $0x10, s3;
	v10 =	vor.u32 $0x200, v8;
	[tilespmem:s22+$0x100] =	vst v11;
	v11 =	vld [tilespmem:s18+$0x0]  }
0x475: {  	s20 =	sor.u32 $0x20, s3;
	s21 =	sor.u32 s19, s16;
	v12 =	vld.idx.msk [tilespmem:v12+s5+$0x0], $0xffff  }
0x476: {  	s11 =	sor.u32 s20, s16;
	v16 =	vld [tilespmem:s21+$0x0];
	v15 =	vor.u32 $0x200, v7;
	v17 =	vshll.u32 v14, $0x3  }
0x477: {  	v18 =	vld [tilespmem:s11+$0x0];
	[tilespmem:s2+$0x100] =	vst v13;
	v13 =	vor.u32 $0x200, v3;
	v14 =	vand.u32 $0x7F, v14;
	v17 =	vand.u32 $0xFFFFFC00, v17  }
0x478: {  	p0 =	por $0x0, $0x0;
	s8 =	simm.s32 $0x1;
	v19 =	vld.idx.msk [tilespmem:v5+s5+$0x0], $0xffff;
	[tilespmem:s15+$0x180] =	vst v4;
	v4 =	vor.u32 v14, v17  }
0x479: {  	s8 =	simm.s32 @!p0 $0x0;
	v14 =	vor.u32 $0x200, v6;
	v10 =	vld.idx.msk [tilespmem:v10+s5+$0x0], $0xffff;
	v5 =	vshll.u32 v11, $0x3  }
0x47a: {  	s8 =	sshll.u32 s8, $0x6;
	v11 =	vand.u32 $0x7F, v11;
	[tilespmem:s22+$0x180] =	vst v12;
	v5 =	vand.u32 $0xFFFFFC00, v5;
	v12 =	vor.u32 $0x280, v8  }
0x47b: {  	v17 =	vor.u32 $0x280, v7;
	[tilespmem:s1+$0x180] =	vst v9;
	s1 =	sadd.s32 $0x0, s8;
	v9 =	vld.idx.msk [tilespmem:v15+s5+$0x0], $0xffff;
	v15 =	vshll.u32 v16, $0x3;
	v5 =	vor.u32 v11, v5  }
0x47c: {  	s22 =	sadd.s32 $0x30, s1;
	v11 =	vld.idx.msk [tilespmem:v13+s5+$0x0], $0xffff;
	v13 =	vshll.u32 v18, $0x3;
	v16 =	vand.u32 $0x7F, v16;
	v15 =	vand.u32 $0xFFFFFC00, v15  }
0x47d: {  	s8 =	sor.u32 $0x200, s22;
	v13 =	vand.u32 $0xFFFFFC00, v13;
	[tilespmem:s2+$0x180] =	vst v19;
	v20 =	vld.idx.msk [tilespmem:v4+s5+$0x0], $0xffff;
	v24 =	vor.u32 v16, v15;
	v15 =	vand.u32 $0x7F, v18  }
0x47e: {  	s13 =	sadd.s32 $0x10, s1;
	v14 =	vld.idx.msk [tilespmem:v14+s5+$0x0], $0xffff;
	v13 =	vor.u32 v15, v13;
	[tilespmem:s8+$0x16900] =	vst v10  }
0x47f: {  	s11 =	sor.u32 $0x200, s13;
	v10 =	vor.u32 $0x280, v3;
	v12 =	vld.idx.msk [tilespmem:v12+s5+$0x0], $0xffff  }
0x480: {  	s6 =	simm.s32 $0x200;
	v15 =	vor.u32 $0x280, v6;
	s8 =	sor.u32 $0x200, s1;
	v16 =	vld.idx.msk [tilespmem:v5+s5+$0x0], $0xffff;
	[tilespmem:s11+$0x16900] =	vst v9  }
0x481: {  	s15 =	sand.u32 $0x3C00, s6;
	s14 =	sadd.s32 $0x20, s1;
	[tilespmem:s8+$0x16900] =	vst v11;
	v11 =	vor.u32 $0x80, v4;
	v9 =	vld.idx.msk [tilespmem:v17+s5+$0x0], $0xffff  }
0x482: {  	s12 =	sor.u32 $0x200, s14;
	s8 =	sadd.s32 $0x16900, s15;
	v17 =	vor.u32 $0x300, v8;
	v18 =	vld.idx.msk [tilespmem:v24+s5+$0x0], $0xffff  }
0x483: {  	v19 =	vor.u32 $0x80, v5;
	s7 =	sor.u32 s3, s8;
	[tilespmem:s12+$0x16900] =	vst v14;
	v21 =	vld.idx.msk [tilespmem:v13+s5+$0x0], $0xffff  }
0x484: {  	s16 =	sor.u32 $0x280, s22;
	v22 =	vor.u32 $0x80, v24;
	[tilespmem:s7+$0x0] =	vst v20;
	v10 =	vld.idx.msk [tilespmem:v10+s5+$0x0], $0xffff  }
0x485: {  	v14 =	vor.u32 $0x80, v13;
	s12 =	sor.u32 s17, s8;
	v15 =	vld.idx.msk [tilespmem:v15+s5+$0x0], $0xffff;
	[tilespmem:s16+$0x16900] =	vst v12  }
0x486: {  	s17 =	sor.u32 $0x280, s13;
	v12 =	vor.u32 $0x300, v7;
	[tilespmem:s12+$0x0] =	vst v16;
	v11 =	vld.idx.msk [tilespmem:v11+s5+$0x0], $0xffff  }
0x487: {  	s11 =	sor.u32 s19, s8;
	v16 =	vld.idx.msk [tilespmem:v17+s5+$0x0], $0xffff;
	v17 =	vor.u32 $0x300, v6;
	[tilespmem:s17+$0x16900] =	vst v9  }
0x488: {  	v8 =	vor.u32 $0x380, v8;
	s8 =	sor.u32 s20, s8;
	v19 =	vld.idx.msk [tilespmem:v19+s5+$0x0], $0xffff;
	[tilespmem:s11+$0x0] =	vst v18  }
0x489: {  	s18 =	sor.u32 $0x280, s14;
	v20 =	vor.u32 $0x100, v5;
	v18 =	vld.idx.msk [tilespmem:v22+s5+$0x0], $0xffff;
	[tilespmem:s8+$0x0] =	vst v21  }
0x48a: {  	v21 =	vor.u32 $0x100, v4;
	[tilespmem:s18+$0x16900] =	vst v15;
	v23 =	vld.idx.msk [tilespmem:v14+s5+$0x0], $0xffff  }
0x48b: {  	s19 =	sor.u32 $0x300, s22;
	v9 =	vor.u32 $0x100, v24;
	v25 =	vld.idx.msk [tilespmem:v12+s5+$0x0], $0xffff;
	[tilespmem:s7+$0x80] =	vst v11  }
0x48c: {  	v26 =	vor.u32 $0x100, v13;
	v17 =	vld.idx.msk [tilespmem:v17+s5+$0x0], $0xffff;
	[tilespmem:s19+$0x16900] =	vst v16  }
0x48d: {  	[tilespmem:s12+$0x80] =	vst v19;
	v19 =	vor.u32 $0x300, v3;
	v27 =	vld.idx.msk [tilespmem:v8+s5+$0x0], $0xffff  }
0x48e: {  	v28 =	vor.u32 $0x380, v7;
	v22 =	vld.idx.msk [tilespmem:v20+s5+$0x0], $0xffff;
	[tilespmem:s11+$0x80] =	vst v18  }
0x48f: {  	s21 =	sor.u32 $0x300, s13;
	v7 =	vor.u32 $0x380, v24;
	v20 =	vld.idx.msk [tilespmem:v21+s5+$0x0], $0xffff;
	[tilespmem:s8+$0x80] =	vst v23  }
0x490: {  	s20 =	sor.u32 $0x280, s1;
	v14 =	vor.u32 $0x200, v24;
	v11 =	vor.u32 $0x280, v24;
	v21 =	vld.idx.msk [tilespmem:v9+s5+$0x0], $0xffff;
	[tilespmem:s21+$0x16900] =	vst v25;
	v25 =	vor.u32 $0x180, v5  }
0x491: {  	s4 =	sor.u32 $0x300, s1;
	s10 =	sor.u32 $0x380, s1;
	[tilespmem:s20+$0x16900] =	vst v10;
	v16 =	vor.u32 $0x180, v24;
	v9 =	vor.u32 $0x300, v24;
	v24 =	vor.u32 $0x180, v4;
	v23 =	vld.idx.msk [tilespmem:v26+s5+$0x0], $0xffff  }
0x492: {  	s29 =	sor.u32 $0x380, s13;
	s31 =	sor.u32 $0x380, s14;
	s22 =	sor.u32 $0x380, s22;
	v6 =	vor.u32 $0x380, v6;
	v15 =	vor.u32 $0x180, v13;
	v10 =	vor.u32 $0x280, v13;
	v18 =	vld.idx.msk [tilespmem:v19+s5+$0x0], $0xffff  }
0x493: {  	s2 =	simm.s32 $0x4;
	s3 =	sor.u32 $0x300, s14;
	s1 =	simm.s32 $0x80;
	v12 =	vor.u32 $0x200, v13;
	v8 =	vor.u32 $0x300, v13;
	v13 =	vor.u32 $0x380, v13;
	v19 =	vld.idx.msk [tilespmem:v28+s5+$0x0], $0xffff;
	[tilespmem:s22+$0x16900] =	vst v27  }
.LBB2_18:
0x494: {  	v26 =	vld [tilespmem:s1+$0x0];
	[tilespmem:s12+$0x100] =	vst v22;
	s25 =	sadd.s32 $0x40, s25  }
0x495: {  	s2 =	sadd.s32 $0x4, s2;
	s13 =	sand.u32 $0x40, s25;
	[tilespmem:s7+$0x100] =	vst v20;
	v20 =	vld.idx.msk [tilespmem:v25+s5+$0x0], $0xffff  }
0x496: {  	s17 =	sand.u32 $0x780, s25;
	p1 =	slt.u32 s2, $0x7C;
	s14 =	sor.u32 $0x30, s13;
	v22 =	vld.idx.msk [tilespmem:v24+s5+$0x0], $0xffff;
	[tilespmem:s11+$0x100] =	vst v21  }
0x497: {  	s16 =	sor.u32 $0x10, s13;
	s15 =	sor.u32 $0x20, s13;
	v21 =	vor.u32 $0x200, v5;
	s18 =	sor.u32 s14, s17;
	v16 =	vld.idx.msk [tilespmem:v16+s5+$0x0], $0xffff;
	[tilespmem:s8+$0x100] =	vst v23  }
0x498: {  	v24 =	vor.u32 $0x200, v4;
	s19 =	sor.u32 s16, s17;
	s17 =	sor.u32 s15, s17;
	v23 =	vld [tilespmem:s18+$0x0];
	[tilespmem:s3+$0x16900] =	vst v17  }
0x499: {  	v17 =	vld [tilespmem:s19+$0x0];
	[tilespmem:s4+$0x16900] =	vst v18  }
0x49a: {  	v18 =	vshll.u32 v26, $0x3;
	v25 =	vld [tilespmem:s17+$0x0];
	[tilespmem:s29+$0x16900] =	vst v19  }
0x49b: {  	v19 =	vand.u32 $0x7F, v26;
	v18 =	vand.u32 $0xFFFFFC00, v18;
	v15 =	vld.idx.msk [tilespmem:v15+s5+$0x0], $0xffff;
	[tilespmem:s12+$0x180] =	vst v20;
	v20 =	vor.u32 $0x380, v3;
	v3 =	vmovc v4  }
0x49c: {  	p0 =	por !p0, !p0;
	s3 =	simm.s32 $0x1;
	v4 =	vor.u32 v19, v18;
	[tilespmem:s7+$0x180] =	vst v22;
	v18 =	vld.idx.msk [tilespmem:v21+s5+$0x0], $0xffff  }
0x49d: {  	s3 =	simm.s32 @!p0 $0x0;
	v19 =	vshll.u32 v23, $0x3;
	v21 =	vld.idx.msk [tilespmem:v24+s5+$0x0], $0xffff;
	[tilespmem:s11+$0x180] =	vst v16  }
0x49e: {  	s3 =	sshll.u32 s3, $0x6;
	v16 =	vand.u32 $0x7F, v23;
	v19 =	vand.u32 $0xFFFFFC00, v19;
	v22 =	vld.idx.msk [tilespmem:v14+s5+$0x0], $0xffff;
	v14 =	vor.u32 $0x280, v5  }
0x49f: {  	s7 =	sadd.s32 s3, s6;
	v23 =	vshll.u32 v17, $0x3;
	v24 =	vshll.u32 v25, $0x3;
	v19 =	vor.u32 v16, v19;
	v26 =	vld.idx.msk [tilespmem:v6+s5+$0x0], $0xffff;
	v6 =	vmovc v13  }
0x4a0: {  	s11 =	sadd.s32 $0x10, s7;
	s12 =	sadd.s32 $0x20, s7;
	s17 =	sadd.s32 $0x30, s7;
	v13 =	vand.u32 $0x7F, v17;
	v16 =	vand.u32 $0xFFFFFC00, v23;
	v17 =	vand.u32 $0xFFFFFC00, v24;
	v20 =	vld.idx.msk [tilespmem:v20+s5+$0x0], $0xffff  }
0x4a1: {  	s22 =	sor.u32 $0x200, s11;
	s3 =	sor.u32 $0x200, s17;
	v13 =	vor.u32 v13, v16;
	v16 =	vand.u32 $0x7F, v25;
	v24 =	vor.u32 $0x280, v3;
	v23 =	vld.idx.msk [tilespmem:v4+s5+$0x0], $0xffff;
	[tilespmem:s8+$0x180] =	vst v15;
	s8 =	sor.u32 $0x200, s12  }
0x4a2: {  	s4 =	sor.u32 $0x200, s7;
	s21 =	sor.u32 $0x280, s11;
	s20 =	sor.u32 $0x280, s12;
	v25 =	vor.u32 $0x80, v13;
	v27 =	vor.u32 $0x100, v13;
	v17 =	vor.u32 v16, v17;
	v28 =	vld.idx.msk [tilespmem:v12+s5+$0x0], $0xffff;
	[tilespmem:s3+$0x16900] =	vst v18  }
0x4a3: {  	s19 =	sor.u32 $0x280, s7;
	s18 =	sor.u32 $0x300, s11;
	v16 =	vor.u32 $0x180, v13;
	v18 =	vor.u32 $0x80, v17;
	v29 =	vor.u32 $0x100, v17;
	s3 =	sor.u32 $0x300, s12;
	[tilespmem:s4+$0x16900] =	vst v21;
	v21 =	vld.idx.msk [tilespmem:v14+s5+$0x0], $0xffff  }
0x4a4: {  	s29 =	sor.u32 $0x380, s11;
	s11 =	sor.u32 $0x380, s12;
	v15 =	vor.u32 $0x180, v17;
	v12 =	vor.u32 $0x200, v17;
	v14 =	vor.u32 $0x200, v13;
	s4 =	sor.u32 $0x300, s7;
	v30 =	vld.idx.msk [tilespmem:v19+s5+$0x0], $0xffff;
	[tilespmem:s22+$0x16900] =	vst v22  }
0x4a5: {  	v32 =	vor.u32 $0x300, v5;
	s7 =	sor.u32 $0x380, s7;
	v22 =	vor.u32 $0x280, v17;
	v31 =	vld.idx.msk [tilespmem:v11+s5+$0x0], $0xffff;
	v11 =	vor.u32 $0x280, v13;
	[tilespmem:s31+$0x16900] =	vst v26;
	s31 =	smov.u32 s11  }
0x4a6: {  	s6 =	sadd.s32 $0x200, s6;
	v35 =	vor.u32 $0x80, v19;
	v33 =	vor.u32 $0x300, v13;
	v34 =	vor.u32 $0x300, v17;
	v26 =	vld.idx.msk [tilespmem:v13+s5+$0x0], $0xffff;
	[tilespmem:s10+$0x16900] =	vst v20;
	s10 =	smov.u32 s7  }
0x4a7: {  	v36 =	vor.u32 $0x380, v13;
	s7 =	sand.u32 $0x3C00, s6;
	v20 =	vor.u32 $0x80, v4;
	v13 =	vor.u32 $0x380, v17;
	v37 =	vld.idx.msk [tilespmem:v17+s5+$0x0], $0xffff  }
0x4a8: {  	s22 =	sadd.s32 $0x16900, s7;
	v38 =	vld.idx.msk [tilespmem:v24+s5+$0x0], $0xffff;
	[tilespmem:s8+$0x16900] =	vst v28;
	s8 =	sor.u32 $0x280, s17  }
0x4a9: {  	s7 =	sor.u32 s13, s22;
	s11 =	sor.u32 s16, s22;
	s12 =	sor.u32 s14, s22;
	v17 =	vld.idx.msk [tilespmem:v10+s5+$0x0], $0xffff;
	[tilespmem:s8+$0x16900] =	vst v21;
	v10 =	vmov v22  }
0x4aa: {  	s8 =	sor.u32 s15, s22;
	[tilespmem:s12+$0x0] =	vst v30;
	v21 =	vld.idx.msk [tilespmem:v32+s5+$0x0], $0xffff  }
0x4ab: {  	[tilespmem:s7+$0x0] =	vst v23;
	v22 =	vld.idx.msk [tilespmem:v35+s5+$0x0], $0xffff  }
0x4ac: {  	v23 =	vor.u32 $0x380, v5;
	v5 =	vmov v19;
	v20 =	vld.idx.msk [tilespmem:v20+s5+$0x0], $0xffff;
	[tilespmem:s11+$0x0] =	vst v26  }
0x4ad: {  	v24 =	vor.u32 $0x100, v5;
	v19 =	vld.idx.msk [tilespmem:v25+s5+$0x0], $0xffff;
	[tilespmem:s8+$0x0] =	vst v37  }
0x4ae: {  	v25 =	vor.u32 $0x100, v4;
	v18 =	vld.idx.msk [tilespmem:v18+s5+$0x0], $0xffff;
	[tilespmem:s21+$0x16900] =	vst v31  }
0x4af: {  	s13 =	sor.u32 $0x300, s17;
	v26 =	vld.idx.msk [tilespmem:v9+s5+$0x0], $0xffff;
	[tilespmem:s20+$0x16900] =	vst v17;
	v9 =	vmov v33  }
0x4b0: {  	v17 =	vld.idx.msk [tilespmem:v8+s5+$0x0], $0xffff;
	[tilespmem:s13+$0x16900] =	vst v21;
	v8 =	vmov v34  }
0x4b1: {  	v28 =	vor.u32 $0x300, v3;
	[tilespmem:s12+$0x80] =	vst v22;
	v30 =	vld.idx.msk [tilespmem:v23+s5+$0x0], $0xffff  }
0x4b2: {  	[tilespmem:s7+$0x80] =	vst v20;
	v22 =	vld.idx.msk [tilespmem:v24+s5+$0x0], $0xffff  }
.Ltmp10:
0x4b3: {  	v20 =	vld.idx.msk [tilespmem:v25+s5+$0x0], $0xffff;
	[tilespmem:s11+$0x80] =	vst v19;
	(pc) =	sbr.rel @p1 .LBB2_18-.Ltmp10, $4  }
0x4b4: {  	v25 =	vor.u32 $0x180, v5;
	v21 =	vld.idx.msk [tilespmem:v27+s5+$0x0], $0xffff;
	[tilespmem:s8+$0x80] =	vst v18  }
0x4b5: {  	v24 =	vor.u32 $0x180, v4;
	v23 =	vld.idx.msk [tilespmem:v29+s5+$0x0], $0xffff;
	[tilespmem:s19+$0x16900] =	vst v38  }
0x4b6: {  	s13 =	sor.u32 $0x380, s17;
	v18 =	vld.idx.msk [tilespmem:v28+s5+$0x0], $0xffff;
	[tilespmem:s18+$0x16900] =	vst v26  }
0x4b7: {  	s1 =	sadd.s32 $0x40, s1;
	v19 =	vld.idx.msk [tilespmem:v7+s5+$0x0], $0xffff;
	[tilespmem:s13+$0x16900] =	vst v30;
	v7 =	vmov v36  }
0x4b8: {  	_ =	sdelay $0x2  }
0x4b9: {  	[tilespmem:s12+$0x100] =	vst v22  }
0x4ba: {  	v22 =	vld.idx.msk [tilespmem:v25+s5+$0x0], $0xffff;
	[tilespmem:s11+$0x100] =	vst v21  }
0x4bb: {  	[tilespmem:s7+$0x100] =	vst v20;
	v21 =	vor.u32 $0x200, v5;
	v16 =	vld.idx.msk [tilespmem:v16+s5+$0x0], $0xffff  }
0x4bc: {  	v20 =	vld.idx.msk [tilespmem:v24+s5+$0x0], $0xffff;
	[tilespmem:s8+$0x100] =	vst v23  }
0x4bd: {  	v23 =	vor.u32 $0x200, v4;
	v15 =	vld.idx.msk [tilespmem:v15+s5+$0x0], $0xffff;
	_ =	sdelay $0x1  }
0x4be: {  	p0 =	por !p0, !p0;
	s1 =	simm.s32 $0x1;
	[tilespmem:s12+$0x180] =	vst v22  }
0x4bf: {  	s1 =	simm.s32 @!p0 $0x0;
	v21 =	vld.idx.msk [tilespmem:v21+s5+$0x0], $0xffff;
	[tilespmem:s11+$0x180] =	vst v16  }
0x4c0: {  	s1 =	sshll.u32 s1, $0x6;
	[tilespmem:s7+$0x180] =	vst v20;
	v16 =	vor.u32 $0x280, v5;
	v14 =	vld.idx.msk [tilespmem:v14+s5+$0x0], $0xffff  }
0x4c1: {  	s1 =	sadd.s32 s1, s6;
	[tilespmem:s8+$0x180] =	vst v15;
	v15 =	vld.idx.msk [tilespmem:v23+s5+$0x0], $0xffff  }
0x4c2: {  	s2 =	sadd.s32 $0x30, s1;
	v20 =	vor.u32 $0x280, v4;
	v12 =	vld.idx.msk [tilespmem:v12+s5+$0x0], $0xffff  }
0x4c3: {  	s6 =	sadd.s32 $0x10, s1;
	s11 =	sor.u32 $0x200, s2  }
0x4c4: {  	s13 =	sor.u32 $0x200, s6;
	[tilespmem:s11+$0x16900] =	vst v21  }
0x4c5: {  	s15 =	sor.u32 $0x200, s1;
	s12 =	sadd.s32 $0x20, s1;
	v16 =	vld.idx.msk [tilespmem:v16+s5+$0x0], $0xffff;
	[tilespmem:s13+$0x16900] =	vst v14  }
0x4c6: {  	s14 =	sor.u32 $0x200, s12;
	v14 =	vor.u32 $0x300, v5;
	[tilespmem:s15+$0x16900] =	vst v15;
	v11 =	vld.idx.msk [tilespmem:v11+s5+$0x0], $0xffff  }
0x4c7: {  	[tilespmem:s14+$0x16900] =	vst v12;
	v12 =	vld.idx.msk [tilespmem:v20+s5+$0x0], $0xffff  }
0x4c8: {  	v15 =	vor.u32 $0x300, v4;
	v10 =	vld.idx.msk [tilespmem:v10+s5+$0x0], $0xffff  }
0x4c9: {  	[tilespmem:s3+$0x16900] =	vst v17;
	s16 =	sor.u32 $0x280, s2  }
0x4ca: {  	s17 =	sor.u32 $0x280, s6;
	[tilespmem:s16+$0x16900] =	vst v16  }
0x4cb: {  	v3 =	vor.u32 $0x380, v3;
	s19 =	sor.u32 $0x280, s1;
	v14 =	vld.idx.msk [tilespmem:v14+s5+$0x0], $0xffff;
	[tilespmem:s17+$0x16900] =	vst v11  }
0x4cc: {  	s18 =	sor.u32 $0x280, s12;
	v5 =	vor.u32 $0x380, v5;
	[tilespmem:s19+$0x16900] =	vst v12;
	v9 =	vld.idx.msk [tilespmem:v9+s5+$0x0], $0xffff  }
0x4cd: {  	[tilespmem:s18+$0x16900] =	vst v10;
	v10 =	vld.idx.msk [tilespmem:v15+s5+$0x0], $0xffff  }
0x4ce: {  	[tilespmem:s4+$0x16900] =	vst v18;
	v4 =	vor.u32 $0x380, v4;
	v8 =	vld.idx.msk [tilespmem:v8+s5+$0x0], $0xffff  }
0x4cf: {  	v6 =	vld.idx.msk [tilespmem:v6+s5+$0x0], $0xffff;
	[tilespmem:s29+$0x16900] =	vst v19;
	s20 =	sor.u32 $0x300, s2  }
0x4d0: {  	v3 =	vld.idx.msk [tilespmem:v3+s5+$0x0], $0xffff;
	s21 =	sor.u32 $0x300, s6;
	[tilespmem:s20+$0x16900] =	vst v14  }
0x4d1: {  	s25 =	sor.u32 $0x300, s1;
	v5 =	vld.idx.msk [tilespmem:v5+s5+$0x0], $0xffff;
	[tilespmem:s21+$0x16900] =	vst v9  }
0x4d2: {  	s22 =	sor.u32 $0x300, s12;
	[tilespmem:s25+$0x16900] =	vst v10;
	v7 =	vld.idx.msk [tilespmem:v7+s5+$0x0], $0xffff  }
0x4d3: {  	[tilespmem:s22+$0x16900] =	vst v8;
	v4 =	vld.idx.msk [tilespmem:v4+s5+$0x0], $0xffff  }
0x4d4: {  	[tilespmem:s31+$0x16900] =	vst v6;
	v8 =	vld.idx.msk [tilespmem:v13+s5+$0x0], $0xffff  }
0x4d5: {  	s2 =	sor.u32 $0x380, s2;
	[tilespmem:s10+$0x16900] =	vst v3  }
0x4d6: {  	s7 =	sor.u32 $0x380, s6;
	[tilespmem:s2+$0x16900] =	vst v5  }
0x4d7: {  	s1 =	sor.u32 $0x380, s1;
	[tilespmem:s7+$0x16900] =	vst v7  }
0x4d8: {  	s8 =	sor.u32 $0x380, s12;
	[tilespmem:s1+$0x16900] =	vst v4  }
0x4d9: {  	[tilespmem:s8+$0x16900] =	vst v8  }
0x4da: {  	s10 =	simm.s32 $0x16900;
	s1 =	simm.s32 $0x0;
	s2 =	rddreg [dreg:$0x1d]  }
0x4db: {  	[hbm4b:s2+s1] =	stream.linear.scatter [tilespmem:s10], [sflag:$0x5], $0x4000, $0x38;
	[tilespmem:$0x1A900] =	vst v63  }
0x4dc: {  	v3 =	vld.msk [tilespmem:$0x838], $0xff;
	_ =	sdelay $0x4  }
0x4dd: {  	v4 =	vshll.u32 v3, $0x5  }
0x4de: {  	v3 =	vand.u32 $0x7, v3;
	v4 =	vand.u32 $0xFFFFFF00, v4  }
0x4df: {  	v3 =	vor.u32 v3, v4  }
0x4e0: {  	v3 =	vperm.xlane v3, v1;
	_ =	sdelay $0x1  }
0x4e1: {  	v3 =	vadd.s32 v2, v3;
	_ =	sdelay $0x3  }
0x4e2: {  	s11 =	rddreg [dreg:$0x0]  }
0x4e3: {  	[tilespmem:s5], [sflag:$0x3] =	stream.indirect_vreg.gather [hbm4b:s11+s1], $0x80, v3, vm0, $0xb8;
	[tilespmem:$0x1A900] =	vst v63  }
0x4e4: {  	s13 =	simm.s32 $0xB100;
	s12 =	rddreg [dreg:$0xc]  }
0x4e5: {  	[tilespmem:s13], [sflag:$0x3] =	stream.indirect_vreg.gather [hbm4b:s12+s1], $0x80, v3, vm0, $0xb8;
	[tilespmem:$0x1A900] =	vst v63  }
0x4e6: {  	s15 =	simm.s32 $0xB900;
	s14 =	rddreg [dreg:$0xd]  }
0x4e7: {  	[tilespmem:s15], [sflag:$0x3] =	stream.indirect_vreg.gather [hbm4b:s14+s1], $0x80, v3, vm0, $0xb8;
	[tilespmem:$0x1A900] =	vst v63  }
0x4e8: {  	s17 =	simm.s32 $0xC100;
	s16 =	rddreg [dreg:$0xe]  }
0x4e9: {  	[tilespmem:s17], [sflag:$0x3] =	stream.indirect_vreg.gather [hbm4b:s16+s1], $0x80, v3, vm0, $0xb8;
	[tilespmem:$0x1A900] =	vst v63  }
0x4ea: {  	s19 =	simm.s32 $0xC900;
	s18 =	rddreg [dreg:$0xf]  }
0x4eb: {  	[tilespmem:s19], [sflag:$0x3] =	stream.indirect_vreg.gather [hbm4b:s18+s1], $0x80, v3, vm0, $0xb8;
	[tilespmem:$0x1A900] =	vst v63  }
0x4ec: {  	s21 =	simm.s32 $0xD100;
	s20 =	rddreg [dreg:$0x10]  }
0x4ed: {  	[tilespmem:s21], [sflag:$0x3] =	stream.indirect_vreg.gather [hbm4b:s20+s1], $0x80, v3, vm0, $0xb8;
	[tilespmem:$0x1A900] =	vst v63  }
0x4ee: {  	s25 =	simm.s32 $0xD900;
	s22 =	rddreg [dreg:$0x11]  }
0x4ef: {  	[tilespmem:s25], [sflag:$0x3] =	stream.indirect_vreg.gather [hbm4b:s22+s1], $0x80, v3, vm0, $0xb8;
	[tilespmem:$0x1A900] =	vst v63  }
0x4f0: {  	s6 =	simm.s32 $0xE100;
	s4 =	rddreg [dreg:$0x12]  }
0x4f1: {  	[tilespmem:s6], [sflag:$0x3] =	stream.indirect_vreg.gather [hbm4b:s4+s1], $0x80, v3, vm0, $0xb8;
	[tilespmem:$0x1A900] =	vst v63  }
0x4f2: {  	s8 =	simm.s32 $0xE900;
	s7 =	rddreg [dreg:$0x13]  }
0x4f3: {  	[tilespmem:s8], [sflag:$0x3] =	stream.indirect_vreg.gather [hbm4b:s7+s1], $0x80, v3, vm0, $0xb8;
	[tilespmem:$0x1A900] =	vst v63  }
0x4f4: {  	s10 =	rddreg [dreg:$0x14];
	s11 =	simm.s32 $0xF100  }
0x4f5: {  	[tilespmem:s11], [sflag:$0x3] =	stream.indirect_vreg.gather [hbm4b:s10+s1], $0x80, v3, vm0, $0xb8;
	[tilespmem:$0x1A900] =	vst v63  }
0x4f6: {  	s12 =	rddreg [dreg:$0x15];
	s13 =	simm.s32 $0xF900  }
0x4f7: {  	[tilespmem:s13], [sflag:$0x3] =	stream.indirect_vreg.gather [hbm4b:s12+s1], $0x80, v3, vm0, $0xb8;
	[tilespmem:$0x1A900] =	vst v63  }
0x4f8: {  	s14 =	rddreg [dreg:$0x16];
	s15 =	simm.s32 $0x10100  }
0x4f9: {  	[tilespmem:s15], [sflag:$0x3] =	stream.indirect_vreg.gather [hbm4b:s14+s1], $0x80, v3, vm0, $0xb8;
	[tilespmem:$0x1A900] =	vst v63  }
0x4fa: {  	s16 =	rddreg [dreg:$0x17];
	s17 =	simm.s32 $0x10900  }
0x4fb: {  	[tilespmem:s17], [sflag:$0x3] =	stream.indirect_vreg.gather [hbm4b:s16+s1], $0x80, v3, vm0, $0xb8;
	[tilespmem:$0x1A900] =	vst v63  }
0x4fc: {  	s18 =	simm.s32 $0x11100  }
0x4fd: {  	[tilespmem:s18], [sflag:$0x3] =	stream.indirect_vreg.gather [hbm4b:s23+s1], $0x80, v3, vm0, $0xb8;
	[tilespmem:$0x1A900] =	vst v63  }
0x4fe: {  	s19 =	simm.s32 $0x11900  }
0x4ff: {  	[tilespmem:s19], [sflag:$0x3] =	stream.indirect_vreg.gather [hbm4b:s24+s1], $0x80, v3, vm0, $0xb8;
	[tilespmem:$0x1A900] =	vst v63  }
0x500: {  	s20 =	simm.s32 $0x12100;
	s21 =	simm.s32 $0x2  }
0x501: {  	[tilespmem:s20], [sflag:$0x3] =	stream.indirect_vreg.gather [hbm4b:s26+s1], $0x80, v3, vm0, $0xb8;
	[tilespmem:$0x1A900] =	vst v63  }
0x502: {  	_ =	swait.ge [sflag:s21], $0x8000  }
0x503: {  	[sflag:s21] =	ssyncset.done $0x0  }
0x504: {  	s22 =	simm.s32 $0x4;
	[sflag:s21] =	ssyncadd.s32 $0xFFFF8000  }
0x505: {  	s25 =	sand.u32 $0x40, s1;
	_ =	swait.ge [sflag:s22], $0x4000  }
0x506: {  	s4 =	sand.u32 $0x780, s1;
	s7 =	sor.u32 $0x30, s25;
	[sflag:s22] =	ssyncset.done $0x0  }
0x507: {  	s10 =	sor.u32 s7, s4;
	[sflag:s22] =	ssyncadd.s32 $0xFFFFC000  }
0x508: {  	v3 =	vld [tilespmem:s10+$0x0]  }
0x509: {  	s11 =	sor.u32 $0x10, s25;
	v4 =	vld [tilespmem:s1+$0x0]  }
0x50a: {  	s12 =	sor.u32 $0x20, s25;
	s13 =	sor.u32 s11, s4  }
0x50b: {  	s3 =	sor.u32 s12, s4;
	v5 =	vld [tilespmem:s13+$0x0]  }
0x50c: {  	v6 =	vld [tilespmem:s3+$0x0]  }
0x50d: {  	v7 =	vshll.u32 v3, $0x3  }
0x50e: {  	v8 =	vshll.u32 v4, $0x3;
	v3 =	vand.u32 $0x7F, v3;
	v7 =	vand.u32 $0xFFFFFC00, v7  }
0x50f: {  	v4 =	vand.u32 $0x7F, v4;
	v9 =	vand.u32 $0xFFFFFC00, v8;
	v8 =	vor.u32 v3, v7  }
0x510: {  	v3 =	vor.u32 v4, v9;
	v4 =	vshll.u32 v5, $0x3  }
0x511: {  	v7 =	vshll.u32 v6, $0x3;
	v5 =	vand.u32 $0x7F, v5;
	v4 =	vand.u32 $0xFFFFFC00, v4  }
0x512: {  	v9 =	vand.u32 $0xFFFFFC00, v7;
	v7 =	vor.u32 v5, v4;
	v4 =	vand.u32 $0x7F, v6  }
0x513: {  	v6 =	vor.u32 v4, v9  }
0x514: {  	v4 =	vld.idx.msk [tilespmem:v8+s28+$0x0], $0xffff  }
0x515: {  	v9 =	vor.u32 $0x80, v8;
	v5 =	vld.idx.msk [tilespmem:v3+s28+$0x0], $0xffff  }
0x516: {  	s1 =	sand.u32 $0x3C00, s1;
	v10 =	vor.u32 $0x80, v3  }
0x517: {  	s14 =	sadd.s32 $0x12900, s1;
	v11 =	vld.idx.msk [tilespmem:v7+s28+$0x0], $0xffff  }
0x518: {  	s15 =	sor.u32 s7, s14;
	v12 =	vor.u32 $0x80, v7;
	v13 =	vld.idx.msk [tilespmem:v6+s28+$0x0], $0xffff  }
0x519: {  	s1 =	sor.u32 s25, s14;
	v14 =	vor.u32 $0x80, v6;
	[tilespmem:s15+$0x0] =	vst v4  }
0x51a: {  	[tilespmem:s1+$0x0] =	vst v5;
	v4 =	vld.idx.msk [tilespmem:v9+s28+$0x0], $0xffff  }
0x51b: {  	s22 =	sor.u32 s11, s14;
	v5 =	vld.idx.msk [tilespmem:v10+s28+$0x0], $0xffff;
	v9 =	vor.u32 $0x100, v8  }
0x51c: {  	s2 =	sor.u32 s12, s14;
	v10 =	vor.u32 $0x100, v3;
	[tilespmem:s22+$0x0] =	vst v11  }
0x51d: {  	v11 =	vld.idx.msk [tilespmem:v12+s28+$0x0], $0xffff;
	[tilespmem:s2+$0x0] =	vst v13  }
0x51e: {  	v12 =	vor.u32 $0x100, v7;
	v13 =	vld.idx.msk [tilespmem:v14+s28+$0x0], $0xffff  }
0x51f: {  	v14 =	vor.u32 $0x100, v6;
	[tilespmem:s15+$0x80] =	vst v4  }
0x520: {  	[tilespmem:s1+$0x80] =	vst v5;
	v4 =	vld.idx.msk [tilespmem:v9+s28+$0x0], $0xffff  }
0x521: {  	v5 =	vld.idx.msk [tilespmem:v10+s28+$0x0], $0xffff;
	v9 =	vor.u32 $0x180, v8  }
0x522: {  	v10 =	vor.u32 $0x180, v3;
	[tilespmem:s22+$0x80] =	vst v11  }
0x523: {  	v11 =	vld.idx.msk [tilespmem:v12+s28+$0x0], $0xffff;
	[tilespmem:s2+$0x80] =	vst v13  }
0x524: {  	s25 =	simm.s32 $0x40;
	v12 =	vor.u32 $0x180, v7;
	v13 =	vld.idx.msk [tilespmem:v14+s28+$0x0], $0xffff  }
0x525: {  	s3 =	sand.u32 $0x40, s25;
	v14 =	vld [tilespmem:s25+$0x0];
	[tilespmem:s15+$0x100] =	vst v4  }
0x526: {  	s16 =	sand.u32 $0x780, s25;
	s17 =	sor.u32 $0x30, s3;
	[tilespmem:s1+$0x100] =	vst v5;
	v4 =	vld.idx.msk [tilespmem:v9+s28+$0x0], $0xffff  }
0x527: {  	s18 =	sor.u32 s17, s16;
	v5 =	vor.u32 $0x180, v6;
	v9 =	vld.idx.msk [tilespmem:v10+s28+$0x0], $0xffff  }
0x528: {  	s19 =	sor.u32 $0x10, s3;
	v10 =	vor.u32 $0x200, v8;
	[tilespmem:s22+$0x100] =	vst v11;
	v11 =	vld [tilespmem:s18+$0x0]  }
0x529: {  	s20 =	sor.u32 $0x20, s3;
	s21 =	sor.u32 s19, s16;
	v12 =	vld.idx.msk [tilespmem:v12+s28+$0x0], $0xffff  }
0x52a: {  	s11 =	sor.u32 s20, s16;
	v16 =	vld [tilespmem:s21+$0x0];
	v15 =	vor.u32 $0x200, v7;
	v17 =	vshll.u32 v14, $0x3  }
0x52b: {  	v18 =	vld [tilespmem:s11+$0x0];
	[tilespmem:s2+$0x100] =	vst v13;
	v13 =	vor.u32 $0x200, v3;
	v14 =	vand.u32 $0x7F, v14;
	v17 =	vand.u32 $0xFFFFFC00, v17  }
0x52c: {  	p0 =	por $0x0, $0x0;
	s8 =	simm.s32 $0x1;
	v19 =	vld.idx.msk [tilespmem:v5+s28+$0x0], $0xffff;
	[tilespmem:s15+$0x180] =	vst v4;
	v4 =	vor.u32 v14, v17  }
0x52d: {  	s8 =	simm.s32 @!p0 $0x0;
	v14 =	vor.u32 $0x200, v6;
	v10 =	vld.idx.msk [tilespmem:v10+s28+$0x0], $0xffff;
	v5 =	vshll.u32 v11, $0x3  }
0x52e: {  	s8 =	sshll.u32 s8, $0x6;
	v11 =	vand.u32 $0x7F, v11;
	[tilespmem:s22+$0x180] =	vst v12;
	v5 =	vand.u32 $0xFFFFFC00, v5;
	v12 =	vor.u32 $0x280, v8  }
0x52f: {  	v17 =	vor.u32 $0x280, v7;
	[tilespmem:s1+$0x180] =	vst v9;
	s1 =	sadd.s32 $0x0, s8;
	v9 =	vld.idx.msk [tilespmem:v15+s28+$0x0], $0xffff;
	v15 =	vshll.u32 v16, $0x3;
	v5 =	vor.u32 v11, v5  }
0x530: {  	s22 =	sadd.s32 $0x30, s1;
	v11 =	vld.idx.msk [tilespmem:v13+s28+$0x0], $0xffff;
	v13 =	vshll.u32 v18, $0x3;
	v16 =	vand.u32 $0x7F, v16;
	v15 =	vand.u32 $0xFFFFFC00, v15  }
0x531: {  	s8 =	sor.u32 $0x200, s22;
	v13 =	vand.u32 $0xFFFFFC00, v13;
	[tilespmem:s2+$0x180] =	vst v19;
	v20 =	vld.idx.msk [tilespmem:v4+s28+$0x0], $0xffff;
	v24 =	vor.u32 v16, v15;
	v15 =	vand.u32 $0x7F, v18  }
0x532: {  	s13 =	sadd.s32 $0x10, s1;
	v14 =	vld.idx.msk [tilespmem:v14+s28+$0x0], $0xffff;
	v13 =	vor.u32 v15, v13;
	[tilespmem:s8+$0x12900] =	vst v10  }
0x533: {  	s11 =	sor.u32 $0x200, s13;
	v10 =	vor.u32 $0x280, v3;
	v12 =	vld.idx.msk [tilespmem:v12+s28+$0x0], $0xffff  }
0x534: {  	s6 =	simm.s32 $0x200;
	v15 =	vor.u32 $0x280, v6;
	s8 =	sor.u32 $0x200, s1;
	v16 =	vld.idx.msk [tilespmem:v5+s28+$0x0], $0xffff;
	[tilespmem:s11+$0x12900] =	vst v9  }
0x535: {  	s15 =	sand.u32 $0x3C00, s6;
	s14 =	sadd.s32 $0x20, s1;
	[tilespmem:s8+$0x12900] =	vst v11;
	v11 =	vor.u32 $0x80, v4;
	v9 =	vld.idx.msk [tilespmem:v17+s28+$0x0], $0xffff  }
0x536: {  	s12 =	sor.u32 $0x200, s14;
	s8 =	sadd.s32 $0x12900, s15;
	v17 =	vor.u32 $0x300, v8;
	v18 =	vld.idx.msk [tilespmem:v24+s28+$0x0], $0xffff  }
0x537: {  	v19 =	vor.u32 $0x80, v5;
	s7 =	sor.u32 s3, s8;
	[tilespmem:s12+$0x12900] =	vst v14;
	v21 =	vld.idx.msk [tilespmem:v13+s28+$0x0], $0xffff  }
0x538: {  	s16 =	sor.u32 $0x280, s22;
	v22 =	vor.u32 $0x80, v24;
	[tilespmem:s7+$0x0] =	vst v20;
	v10 =	vld.idx.msk [tilespmem:v10+s28+$0x0], $0xffff  }
0x539: {  	v14 =	vor.u32 $0x80, v13;
	s12 =	sor.u32 s17, s8;
	v15 =	vld.idx.msk [tilespmem:v15+s28+$0x0], $0xffff;
	[tilespmem:s16+$0x12900] =	vst v12  }
0x53a: {  	s17 =	sor.u32 $0x280, s13;
	v12 =	vor.u32 $0x300, v7;
	[tilespmem:s12+$0x0] =	vst v16;
	v11 =	vld.idx.msk [tilespmem:v11+s28+$0x0], $0xffff  }
0x53b: {  	s11 =	sor.u32 s19, s8;
	v16 =	vld.idx.msk [tilespmem:v17+s28+$0x0], $0xffff;
	v17 =	vor.u32 $0x300, v6;
	[tilespmem:s17+$0x12900] =	vst v9  }
0x53c: {  	v8 =	vor.u32 $0x380, v8;
	s8 =	sor.u32 s20, s8;
	v19 =	vld.idx.msk [tilespmem:v19+s28+$0x0], $0xffff;
	[tilespmem:s11+$0x0] =	vst v18  }
0x53d: {  	s18 =	sor.u32 $0x280, s14;
	v20 =	vor.u32 $0x100, v5;
	v18 =	vld.idx.msk [tilespmem:v22+s28+$0x0], $0xffff;
	[tilespmem:s8+$0x0] =	vst v21  }
0x53e: {  	v21 =	vor.u32 $0x100, v4;
	[tilespmem:s18+$0x12900] =	vst v15;
	v23 =	vld.idx.msk [tilespmem:v14+s28+$0x0], $0xffff  }
0x53f: {  	s19 =	sor.u32 $0x300, s22;
	v9 =	vor.u32 $0x100, v24;
	v25 =	vld.idx.msk [tilespmem:v12+s28+$0x0], $0xffff;
	[tilespmem:s7+$0x80] =	vst v11  }
0x540: {  	v26 =	vor.u32 $0x100, v13;
	v17 =	vld.idx.msk [tilespmem:v17+s28+$0x0], $0xffff;
	[tilespmem:s19+$0x12900] =	vst v16  }
0x541: {  	[tilespmem:s12+$0x80] =	vst v19;
	v19 =	vor.u32 $0x300, v3;
	v27 =	vld.idx.msk [tilespmem:v8+s28+$0x0], $0xffff  }
0x542: {  	v28 =	vor.u32 $0x380, v7;
	v22 =	vld.idx.msk [tilespmem:v20+s28+$0x0], $0xffff;
	[tilespmem:s11+$0x80] =	vst v18  }
0x543: {  	s21 =	sor.u32 $0x300, s13;
	v7 =	vor.u32 $0x380, v24;
	v20 =	vld.idx.msk [tilespmem:v21+s28+$0x0], $0xffff;
	[tilespmem:s8+$0x80] =	vst v23  }
0x544: {  	s20 =	sor.u32 $0x280, s1;
	v14 =	vor.u32 $0x200, v24;
	v11 =	vor.u32 $0x280, v24;
	v21 =	vld.idx.msk [tilespmem:v9+s28+$0x0], $0xffff;
	[tilespmem:s21+$0x12900] =	vst v25;
	v25 =	vor.u32 $0x180, v5  }
0x545: {  	s4 =	sor.u32 $0x300, s1;
	s10 =	sor.u32 $0x380, s1;
	[tilespmem:s20+$0x12900] =	vst v10;
	v16 =	vor.u32 $0x180, v24;
	v9 =	vor.u32 $0x300, v24;
	v24 =	vor.u32 $0x180, v4;
	v23 =	vld.idx.msk [tilespmem:v26+s28+$0x0], $0xffff  }
0x546: {  	s29 =	sor.u32 $0x380, s13;
	s31 =	sor.u32 $0x380, s14;
	s22 =	sor.u32 $0x380, s22;
	v6 =	vor.u32 $0x380, v6;
	v15 =	vor.u32 $0x180, v13;
	v10 =	vor.u32 $0x280, v13;
	v18 =	vld.idx.msk [tilespmem:v19+s28+$0x0], $0xffff  }
0x547: {  	s2 =	simm.s32 $0x4;
	s3 =	sor.u32 $0x300, s14;
	s1 =	simm.s32 $0x80;
	v12 =	vor.u32 $0x200, v13;
	v8 =	vor.u32 $0x300, v13;
	v13 =	vor.u32 $0x380, v13;
	v19 =	vld.idx.msk [tilespmem:v28+s28+$0x0], $0xffff;
	[tilespmem:s22+$0x12900] =	vst v27  }
.LBB2_20:
0x548: {  	v26 =	vld [tilespmem:s1+$0x0];
	[tilespmem:s12+$0x100] =	vst v22;
	s25 =	sadd.s32 $0x40, s25  }
0x549: {  	s2 =	sadd.s32 $0x4, s2;
	s13 =	sand.u32 $0x40, s25;
	[tilespmem:s7+$0x100] =	vst v20;
	v20 =	vld.idx.msk [tilespmem:v25+s28+$0x0], $0xffff  }
0x54a: {  	s17 =	sand.u32 $0x780, s25;
	p1 =	slt.u32 s2, $0x7C;
	s14 =	sor.u32 $0x30, s13;
	v22 =	vld.idx.msk [tilespmem:v24+s28+$0x0], $0xffff;
	[tilespmem:s11+$0x100] =	vst v21  }
0x54b: {  	s16 =	sor.u32 $0x10, s13;
	s15 =	sor.u32 $0x20, s13;
	v21 =	vor.u32 $0x200, v5;
	s18 =	sor.u32 s14, s17;
	v16 =	vld.idx.msk [tilespmem:v16+s28+$0x0], $0xffff;
	[tilespmem:s8+$0x100] =	vst v23  }
0x54c: {  	v24 =	vor.u32 $0x200, v4;
	s19 =	sor.u32 s16, s17;
	s17 =	sor.u32 s15, s17;
	v23 =	vld [tilespmem:s18+$0x0];
	[tilespmem:s3+$0x12900] =	vst v17  }
0x54d: {  	v17 =	vld [tilespmem:s19+$0x0];
	[tilespmem:s4+$0x12900] =	vst v18  }
0x54e: {  	v18 =	vshll.u32 v26, $0x3;
	v25 =	vld [tilespmem:s17+$0x0];
	[tilespmem:s29+$0x12900] =	vst v19  }
0x54f: {  	v19 =	vand.u32 $0x7F, v26;
	v18 =	vand.u32 $0xFFFFFC00, v18;
	v15 =	vld.idx.msk [tilespmem:v15+s28+$0x0], $0xffff;
	[tilespmem:s12+$0x180] =	vst v20;
	v20 =	vor.u32 $0x380, v3;
	v3 =	vmovc v4  }
0x550: {  	p0 =	por !p0, !p0;
	s3 =	simm.s32 $0x1;
	v4 =	vor.u32 v19, v18;
	[tilespmem:s7+$0x180] =	vst v22;
	v18 =	vld.idx.msk [tilespmem:v21+s28+$0x0], $0xffff  }
0x551: {  	s3 =	simm.s32 @!p0 $0x0;
	v19 =	vshll.u32 v23, $0x3;
	v21 =	vld.idx.msk [tilespmem:v24+s28+$0x0], $0xffff;
	[tilespmem:s11+$0x180] =	vst v16  }
0x552: {  	s3 =	sshll.u32 s3, $0x6;
	v16 =	vand.u32 $0x7F, v23;
	v19 =	vand.u32 $0xFFFFFC00, v19;
	v22 =	vld.idx.msk [tilespmem:v14+s28+$0x0], $0xffff;
	v14 =	vor.u32 $0x280, v5  }
0x553: {  	s7 =	sadd.s32 s3, s6;
	v23 =	vshll.u32 v17, $0x3;
	v24 =	vshll.u32 v25, $0x3;
	v19 =	vor.u32 v16, v19;
	v26 =	vld.idx.msk [tilespmem:v6+s28+$0x0], $0xffff;
	v6 =	vmovc v13  }
0x554: {  	s11 =	sadd.s32 $0x10, s7;
	s12 =	sadd.s32 $0x20, s7;
	s17 =	sadd.s32 $0x30, s7;
	v13 =	vand.u32 $0x7F, v17;
	v16 =	vand.u32 $0xFFFFFC00, v23;
	v17 =	vand.u32 $0xFFFFFC00, v24;
	v20 =	vld.idx.msk [tilespmem:v20+s28+$0x0], $0xffff  }
0x555: {  	s22 =	sor.u32 $0x200, s11;
	s3 =	sor.u32 $0x200, s17;
	v13 =	vor.u32 v13, v16;
	v16 =	vand.u32 $0x7F, v25;
	v24 =	vor.u32 $0x280, v3;
	v23 =	vld.idx.msk [tilespmem:v4+s28+$0x0], $0xffff;
	[tilespmem:s8+$0x180] =	vst v15;
	s8 =	sor.u32 $0x200, s12  }
0x556: {  	s4 =	sor.u32 $0x200, s7;
	s21 =	sor.u32 $0x280, s11;
	s20 =	sor.u32 $0x280, s12;
	v25 =	vor.u32 $0x80, v13;
	v27 =	vor.u32 $0x100, v13;
	v17 =	vor.u32 v16, v17;
	v28 =	vld.idx.msk [tilespmem:v12+s28+$0x0], $0xffff;
	[tilespmem:s3+$0x12900] =	vst v18  }
0x557: {  	s19 =	sor.u32 $0x280, s7;
	s18 =	sor.u32 $0x300, s11;
	v16 =	vor.u32 $0x180, v13;
	v18 =	vor.u32 $0x80, v17;
	v29 =	vor.u32 $0x100, v17;
	s3 =	sor.u32 $0x300, s12;
	[tilespmem:s4+$0x12900] =	vst v21;
	v21 =	vld.idx.msk [tilespmem:v14+s28+$0x0], $0xffff  }
0x558: {  	s29 =	sor.u32 $0x380, s11;
	s11 =	sor.u32 $0x380, s12;
	v15 =	vor.u32 $0x180, v17;
	v12 =	vor.u32 $0x200, v17;
	v14 =	vor.u32 $0x200, v13;
	s4 =	sor.u32 $0x300, s7;
	v30 =	vld.idx.msk [tilespmem:v19+s28+$0x0], $0xffff;
	[tilespmem:s22+$0x12900] =	vst v22  }
0x559: {  	v32 =	vor.u32 $0x300, v5;
	s7 =	sor.u32 $0x380, s7;
	v22 =	vor.u32 $0x280, v17;
	v31 =	vld.idx.msk [tilespmem:v11+s28+$0x0], $0xffff;
	v11 =	vor.u32 $0x280, v13;
	[tilespmem:s31+$0x12900] =	vst v26;
	s31 =	smov.u32 s11  }
0x55a: {  	s6 =	sadd.s32 $0x200, s6;
	v35 =	vor.u32 $0x80, v19;
	v33 =	vor.u32 $0x300, v13;
	v34 =	vor.u32 $0x300, v17;
	v26 =	vld.idx.msk [tilespmem:v13+s28+$0x0], $0xffff;
	[tilespmem:s10+$0x12900] =	vst v20;
	s10 =	smov.u32 s7  }
0x55b: {  	v36 =	vor.u32 $0x380, v13;
	s7 =	sand.u32 $0x3C00, s6;
	v20 =	vor.u32 $0x80, v4;
	v13 =	vor.u32 $0x380, v17;
	v37 =	vld.idx.msk [tilespmem:v17+s28+$0x0], $0xffff  }
0x55c: {  	s22 =	sadd.s32 $0x12900, s7;
	v38 =	vld.idx.msk [tilespmem:v24+s28+$0x0], $0xffff;
	[tilespmem:s8+$0x12900] =	vst v28;
	s8 =	sor.u32 $0x280, s17  }
0x55d: {  	s7 =	sor.u32 s13, s22;
	s11 =	sor.u32 s16, s22;
	s12 =	sor.u32 s14, s22;
	v17 =	vld.idx.msk [tilespmem:v10+s28+$0x0], $0xffff;
	[tilespmem:s8+$0x12900] =	vst v21;
	v10 =	vmov v22  }
0x55e: {  	s8 =	sor.u32 s15, s22;
	[tilespmem:s12+$0x0] =	vst v30;
	v21 =	vld.idx.msk [tilespmem:v32+s28+$0x0], $0xffff  }
0x55f: {  	[tilespmem:s7+$0x0] =	vst v23;
	v22 =	vld.idx.msk [tilespmem:v35+s28+$0x0], $0xffff  }
0x560: {  	v23 =	vor.u32 $0x380, v5;
	v5 =	vmov v19;
	v20 =	vld.idx.msk [tilespmem:v20+s28+$0x0], $0xffff;
	[tilespmem:s11+$0x0] =	vst v26  }
0x561: {  	v24 =	vor.u32 $0x100, v5;
	v19 =	vld.idx.msk [tilespmem:v25+s28+$0x0], $0xffff;
	[tilespmem:s8+$0x0] =	vst v37  }
0x562: {  	v25 =	vor.u32 $0x100, v4;
	v18 =	vld.idx.msk [tilespmem:v18+s28+$0x0], $0xffff;
	[tilespmem:s21+$0x12900] =	vst v31  }
0x563: {  	s13 =	sor.u32 $0x300, s17;
	v26 =	vld.idx.msk [tilespmem:v9+s28+$0x0], $0xffff;
	[tilespmem:s20+$0x12900] =	vst v17;
	v9 =	vmov v33  }
0x564: {  	v17 =	vld.idx.msk [tilespmem:v8+s28+$0x0], $0xffff;
	[tilespmem:s13+$0x12900] =	vst v21;
	v8 =	vmov v34  }
0x565: {  	v28 =	vor.u32 $0x300, v3;
	[tilespmem:s12+$0x80] =	vst v22;
	v30 =	vld.idx.msk [tilespmem:v23+s28+$0x0], $0xffff  }
0x566: {  	[tilespmem:s7+$0x80] =	vst v20;
	v22 =	vld.idx.msk [tilespmem:v24+s28+$0x0], $0xffff  }
.Ltmp11:
0x567: {  	v20 =	vld.idx.msk [tilespmem:v25+s28+$0x0], $0xffff;
	[tilespmem:s11+$0x80] =	vst v19;
	(pc) =	sbr.rel @p1 .LBB2_20-.Ltmp11, $4  }
0x568: {  	v25 =	vor.u32 $0x180, v5;
	v21 =	vld.idx.msk [tilespmem:v27+s28+$0x0], $0xffff;
	[tilespmem:s8+$0x80] =	vst v18  }
0x569: {  	v24 =	vor.u32 $0x180, v4;
	v23 =	vld.idx.msk [tilespmem:v29+s28+$0x0], $0xffff;
	[tilespmem:s19+$0x12900] =	vst v38  }
0x56a: {  	s13 =	sor.u32 $0x380, s17;
	v18 =	vld.idx.msk [tilespmem:v28+s28+$0x0], $0xffff;
	[tilespmem:s18+$0x12900] =	vst v26  }
0x56b: {  	s1 =	sadd.s32 $0x40, s1;
	v19 =	vld.idx.msk [tilespmem:v7+s28+$0x0], $0xffff;
	[tilespmem:s13+$0x12900] =	vst v30;
	v7 =	vmov v36  }
0x56c: {  	_ =	sdelay $0x2  }
0x56d: {  	[tilespmem:s12+$0x100] =	vst v22  }
0x56e: {  	v22 =	vld.idx.msk [tilespmem:v25+s28+$0x0], $0xffff;
	[tilespmem:s11+$0x100] =	vst v21  }
0x56f: {  	[tilespmem:s7+$0x100] =	vst v20;
	v21 =	vor.u32 $0x200, v5;
	v16 =	vld.idx.msk [tilespmem:v16+s28+$0x0], $0xffff  }
0x570: {  	v20 =	vld.idx.msk [tilespmem:v24+s28+$0x0], $0xffff;
	[tilespmem:s8+$0x100] =	vst v23  }
0x571: {  	v23 =	vor.u32 $0x200, v4;
	v15 =	vld.idx.msk [tilespmem:v15+s28+$0x0], $0xffff;
	_ =	sdelay $0x1  }
0x572: {  	p0 =	por !p0, !p0;
	s1 =	simm.s32 $0x1;
	[tilespmem:s12+$0x180] =	vst v22  }
0x573: {  	s1 =	simm.s32 @!p0 $0x0;
	v21 =	vld.idx.msk [tilespmem:v21+s28+$0x0], $0xffff;
	[tilespmem:s11+$0x180] =	vst v16  }
0x574: {  	s1 =	sshll.u32 s1, $0x6;
	[tilespmem:s7+$0x180] =	vst v20;
	v16 =	vor.u32 $0x280, v5;
	v14 =	vld.idx.msk [tilespmem:v14+s28+$0x0], $0xffff  }
0x575: {  	s1 =	sadd.s32 s1, s6;
	[tilespmem:s8+$0x180] =	vst v15;
	v15 =	vld.idx.msk [tilespmem:v23+s28+$0x0], $0xffff  }
0x576: {  	s2 =	sadd.s32 $0x30, s1;
	v20 =	vor.u32 $0x280, v4;
	v12 =	vld.idx.msk [tilespmem:v12+s28+$0x0], $0xffff  }
0x577: {  	s6 =	sadd.s32 $0x10, s1;
	s17 =	sor.u32 $0x200, s2  }
0x578: {  	s19 =	sor.u32 $0x200, s6;
	[tilespmem:s17+$0x12900] =	vst v21  }
0x579: {  	s18 =	sadd.s32 $0x20, s1;
	s21 =	sor.u32 $0x200, s1;
	v16 =	vld.idx.msk [tilespmem:v16+s28+$0x0], $0xffff;
	[tilespmem:s19+$0x12900] =	vst v14  }
0x57a: {  	s20 =	sor.u32 $0x200, s18;
	v14 =	vor.u32 $0x300, v5;
	[tilespmem:s21+$0x12900] =	vst v15;
	v11 =	vld.idx.msk [tilespmem:v11+s28+$0x0], $0xffff  }
0x57b: {  	[tilespmem:s20+$0x12900] =	vst v12;
	v12 =	vld.idx.msk [tilespmem:v20+s28+$0x0], $0xffff  }
0x57c: {  	v15 =	vor.u32 $0x300, v4;
	v10 =	vld.idx.msk [tilespmem:v10+s28+$0x0], $0xffff  }
0x57d: {  	[tilespmem:s3+$0x12900] =	vst v17;
	s22 =	sor.u32 $0x280, s2  }
0x57e: {  	s25 =	sor.u32 $0x280, s6;
	[tilespmem:s22+$0x12900] =	vst v16  }
0x57f: {  	v3 =	vor.u32 $0x380, v3;
	s12 =	sor.u32 $0x280, s1;
	v14 =	vld.idx.msk [tilespmem:v14+s28+$0x0], $0xffff;
	[tilespmem:s25+$0x12900] =	vst v11  }
0x580: {  	s11 =	sor.u32 $0x280, s18;
	v5 =	vor.u32 $0x380, v5;
	[tilespmem:s12+$0x12900] =	vst v12;
	v9 =	vld.idx.msk [tilespmem:v9+s28+$0x0], $0xffff  }
0x581: {  	[tilespmem:s11+$0x12900] =	vst v10;
	v10 =	vld.idx.msk [tilespmem:v15+s28+$0x0], $0xffff  }
0x582: {  	[tilespmem:s4+$0x12900] =	vst v18;
	v4 =	vor.u32 $0x380, v4;
	v8 =	vld.idx.msk [tilespmem:v8+s28+$0x0], $0xffff  }
0x583: {  	v6 =	vld.idx.msk [tilespmem:v6+s28+$0x0], $0xffff;
	[tilespmem:s29+$0x12900] =	vst v19;
	s13 =	sor.u32 $0x300, s2  }
0x584: {  	v3 =	vld.idx.msk [tilespmem:v3+s28+$0x0], $0xffff;
	s14 =	sor.u32 $0x300, s6;
	[tilespmem:s13+$0x12900] =	vst v14  }
0x585: {  	s16 =	sor.u32 $0x300, s1;
	v5 =	vld.idx.msk [tilespmem:v5+s28+$0x0], $0xffff;
	[tilespmem:s14+$0x12900] =	vst v9  }
0x586: {  	s15 =	sor.u32 $0x300, s18;
	[tilespmem:s16+$0x12900] =	vst v10;
	v7 =	vld.idx.msk [tilespmem:v7+s28+$0x0], $0xffff  }
0x587: {  	[tilespmem:s15+$0x12900] =	vst v8;
	v4 =	vld.idx.msk [tilespmem:v4+s28+$0x0], $0xffff  }
0x588: {  	[tilespmem:s31+$0x12900] =	vst v6;
	v8 =	vld.idx.msk [tilespmem:v13+s28+$0x0], $0xffff  }
0x589: {  	s2 =	sor.u32 $0x380, s2;
	[tilespmem:s10+$0x12900] =	vst v3  }
0x58a: {  	s17 =	sor.u32 $0x380, s6;
	[tilespmem:s2+$0x12900] =	vst v5  }
0x58b: {  	s1 =	sor.u32 $0x380, s1;
	[tilespmem:s17+$0x12900] =	vst v7  }
0x58c: {  	s18 =	sor.u32 $0x380, s18;
	[tilespmem:s1+$0x12900] =	vst v4  }
0x58d: {  	s19 =	simm.s32 $0x0;
	[tilespmem:s18+$0x12900] =	vst v8  }
0x58e: {  	s21 =	simm.s32 $0x3;
	s20 =	simm.s32 $0x12900;
	s2 =	rddreg [dreg:$0x1e]  }
0x58f: {  	[hbm4b:s2+s19] =	stream.linear.scatter [tilespmem:s20], [sflag:$0x4], $0x4000, $0x38;
	[tilespmem:$0x1A900] =	vst v63  }
0x590: {  	_ =	swait.ge [sflag:s21], $0x8000  }
0x591: {  	[sflag:s21] =	ssyncset.done $0x0  }
0x592: {  	s22 =	simm.s32 $0x5;
	[sflag:s21] =	ssyncadd.s32 $0xFFFF8000  }
0x593: {  	s25 =	sand.u32 $0x40, s19;
	_ =	swait.ge [sflag:s22], $0x4000  }
0x594: {  	s4 =	sand.u32 $0x780, s19;
	s7 =	sor.u32 $0x30, s25;
	[sflag:s22] =	ssyncset.done $0x0  }
0x595: {  	s10 =	sor.u32 s7, s4;
	[sflag:s22] =	ssyncadd.s32 $0xFFFFC000  }
0x596: {  	v3 =	vld [tilespmem:s10+$0x0]  }
0x597: {  	s11 =	sor.u32 $0x10, s25;
	v4 =	vld [tilespmem:s19+$0x0]  }
0x598: {  	s12 =	sor.u32 $0x20, s25;
	s13 =	sor.u32 s11, s4  }
0x599: {  	s3 =	sor.u32 s12, s4;
	v5 =	vld [tilespmem:s13+$0x0]  }
0x59a: {  	v6 =	vld [tilespmem:s3+$0x0]  }
0x59b: {  	v7 =	vshll.u32 v3, $0x3  }
0x59c: {  	v8 =	vshll.u32 v4, $0x3;
	v3 =	vand.u32 $0x7F, v3;
	v7 =	vand.u32 $0xFFFFFC00, v7  }
0x59d: {  	v4 =	vand.u32 $0x7F, v4;
	v9 =	vand.u32 $0xFFFFFC00, v8;
	v8 =	vor.u32 v3, v7  }
0x59e: {  	v3 =	vor.u32 v4, v9;
	v4 =	vshll.u32 v5, $0x3  }
0x59f: {  	v7 =	vshll.u32 v6, $0x3;
	v5 =	vand.u32 $0x7F, v5;
	v4 =	vand.u32 $0xFFFFFC00, v4  }
0x5a0: {  	v9 =	vand.u32 $0xFFFFFC00, v7;
	v7 =	vor.u32 v5, v4;
	v4 =	vand.u32 $0x7F, v6  }
0x5a1: {  	v6 =	vor.u32 v4, v9  }
0x5a2: {  	v4 =	vld.idx.msk [tilespmem:v8+s5+$0x0], $0xffff  }
0x5a3: {  	v9 =	vor.u32 $0x80, v8;
	v5 =	vld.idx.msk [tilespmem:v3+s5+$0x0], $0xffff  }
0x5a4: {  	s1 =	sand.u32 $0x3C00, s19;
	v10 =	vor.u32 $0x80, v3  }
0x5a5: {  	s14 =	sadd.s32 $0x16900, s1;
	v11 =	vld.idx.msk [tilespmem:v7+s5+$0x0], $0xffff  }
0x5a6: {  	s15 =	sor.u32 s7, s14;
	v12 =	vor.u32 $0x80, v7;
	v13 =	vld.idx.msk [tilespmem:v6+s5+$0x0], $0xffff  }
0x5a7: {  	s1 =	sor.u32 s25, s14;
	v14 =	vor.u32 $0x80, v6;
	[tilespmem:s15+$0x0] =	vst v4  }
0x5a8: {  	[tilespmem:s1+$0x0] =	vst v5;
	v4 =	vld.idx.msk [tilespmem:v9+s5+$0x0], $0xffff  }
0x5a9: {  	s16 =	sor.u32 s11, s14;
	v5 =	vld.idx.msk [tilespmem:v10+s5+$0x0], $0xffff;
	v9 =	vor.u32 $0x100, v8  }
0x5aa: {  	s17 =	sor.u32 s12, s14;
	v10 =	vor.u32 $0x100, v3;
	[tilespmem:s16+$0x0] =	vst v11  }
0x5ab: {  	v11 =	vld.idx.msk [tilespmem:v12+s5+$0x0], $0xffff;
	[tilespmem:s17+$0x0] =	vst v13  }
0x5ac: {  	v12 =	vor.u32 $0x100, v7;
	v13 =	vld.idx.msk [tilespmem:v14+s5+$0x0], $0xffff  }
0x5ad: {  	v14 =	vor.u32 $0x100, v6;
	[tilespmem:s15+$0x80] =	vst v4  }
0x5ae: {  	[tilespmem:s1+$0x80] =	vst v5;
	v4 =	vld.idx.msk [tilespmem:v9+s5+$0x0], $0xffff  }
0x5af: {  	v5 =	vld.idx.msk [tilespmem:v10+s5+$0x0], $0xffff;
	v9 =	vor.u32 $0x180, v8  }
0x5b0: {  	v10 =	vor.u32 $0x180, v3;
	[tilespmem:s16+$0x80] =	vst v11  }
0x5b1: {  	v11 =	vld.idx.msk [tilespmem:v12+s5+$0x0], $0xffff;
	[tilespmem:s17+$0x80] =	vst v13  }
0x5b2: {  	s25 =	simm.s32 $0x40;
	v12 =	vor.u32 $0x180, v7;
	v13 =	vld.idx.msk [tilespmem:v14+s5+$0x0], $0xffff  }
0x5b3: {  	s2 =	sand.u32 $0x40, s25;
	v14 =	vld [tilespmem:s25+$0x0];
	[tilespmem:s15+$0x100] =	vst v4  }
0x5b4: {  	s22 =	sand.u32 $0x780, s25;
	s3 =	sor.u32 $0x30, s2;
	[tilespmem:s1+$0x100] =	vst v5;
	v4 =	vld.idx.msk [tilespmem:v9+s5+$0x0], $0xffff  }
0x5b5: {  	s18 =	sor.u32 s3, s22;
	v5 =	vor.u32 $0x180, v6;
	v9 =	vld.idx.msk [tilespmem:v10+s5+$0x0], $0xffff  }
0x5b6: {  	s19 =	sor.u32 $0x10, s2;
	v10 =	vor.u32 $0x200, v8;
	[tilespmem:s16+$0x100] =	vst v11;
	v11 =	vld [tilespmem:s18+$0x0]  }
0x5b7: {  	s20 =	sor.u32 $0x20, s2;
	s21 =	sor.u32 s19, s22;
	v12 =	vld.idx.msk [tilespmem:v12+s5+$0x0], $0xffff  }
0x5b8: {  	s11 =	sor.u32 s20, s22;
	v16 =	vld [tilespmem:s21+$0x0];
	v15 =	vor.u32 $0x200, v7;
	v17 =	vshll.u32 v14, $0x3  }
0x5b9: {  	v18 =	vld [tilespmem:s11+$0x0];
	[tilespmem:s17+$0x100] =	vst v13;
	v13 =	vor.u32 $0x200, v3;
	v14 =	vand.u32 $0x7F, v14;
	v17 =	vand.u32 $0xFFFFFC00, v17  }
0x5ba: {  	p0 =	por $0x0, $0x0;
	s8 =	simm.s32 $0x1;
	v19 =	vld.idx.msk [tilespmem:v5+s5+$0x0], $0xffff;
	[tilespmem:s15+$0x180] =	vst v4;
	v4 =	vor.u32 v14, v17  }
0x5bb: {  	s8 =	simm.s32 @!p0 $0x0;
	v14 =	vor.u32 $0x200, v6;
	v10 =	vld.idx.msk [tilespmem:v10+s5+$0x0], $0xffff;
	v5 =	vshll.u32 v11, $0x3  }
0x5bc: {  	s8 =	sshll.u32 s8, $0x6;
	v11 =	vand.u32 $0x7F, v11;
	[tilespmem:s16+$0x180] =	vst v12;
	v5 =	vand.u32 $0xFFFFFC00, v5;
	v12 =	vor.u32 $0x280, v8  }
0x5bd: {  	v17 =	vor.u32 $0x280, v7;
	[tilespmem:s1+$0x180] =	vst v9;
	s1 =	sadd.s32 $0x0, s8;
	v9 =	vld.idx.msk [tilespmem:v15+s5+$0x0], $0xffff;
	v15 =	vshll.u32 v16, $0x3;
	v5 =	vor.u32 v11, v5  }
0x5be: {  	s22 =	sadd.s32 $0x30, s1;
	v11 =	vld.idx.msk [tilespmem:v13+s5+$0x0], $0xffff;
	v13 =	vshll.u32 v18, $0x3;
	v16 =	vand.u32 $0x7F, v16;
	v15 =	vand.u32 $0xFFFFFC00, v15  }
0x5bf: {  	s12 =	sor.u32 $0x200, s22;
	v13 =	vand.u32 $0xFFFFFC00, v13;
	[tilespmem:s17+$0x180] =	vst v19;
	v20 =	vld.idx.msk [tilespmem:v4+s5+$0x0], $0xffff;
	v24 =	vor.u32 v16, v15;
	v15 =	vand.u32 $0x7F, v18  }
0x5c0: {  	s13 =	sadd.s32 $0x10, s1;
	v14 =	vld.idx.msk [tilespmem:v14+s5+$0x0], $0xffff;
	v13 =	vor.u32 v15, v13;
	[tilespmem:s12+$0x16900] =	vst v10  }
0x5c1: {  	s14 =	sor.u32 $0x200, s13;
	v10 =	vor.u32 $0x280, v3;
	v12 =	vld.idx.msk [tilespmem:v12+s5+$0x0], $0xffff  }
0x5c2: {  	s6 =	simm.s32 $0x200;
	s8 =	sor.u32 $0x200, s1;
	v15 =	vor.u32 $0x280, v6;
	v16 =	vld.idx.msk [tilespmem:v5+s5+$0x0], $0xffff;
	[tilespmem:s14+$0x16900] =	vst v9  }
0x5c3: {  	s16 =	sand.u32 $0x3C00, s6;
	s14 =	sadd.s32 $0x20, s1;
	[tilespmem:s8+$0x16900] =	vst v11;
	v11 =	vor.u32 $0x80, v4;
	v9 =	vld.idx.msk [tilespmem:v17+s5+$0x0], $0xffff  }
0x5c4: {  	s8 =	sadd.s32 $0x16900, s16;
	v17 =	vor.u32 $0x300, v8;
	s15 =	sor.u32 $0x200, s14;
	v18 =	vld.idx.msk [tilespmem:v24+s5+$0x0], $0xffff  }
0x5c5: {  	v19 =	vor.u32 $0x80, v5;
	s7 =	sor.u32 s2, s8;
	[tilespmem:s15+$0x16900] =	vst v14;
	v21 =	vld.idx.msk [tilespmem:v13+s5+$0x0], $0xffff  }
0x5c6: {  	s17 =	sor.u32 $0x280, s22;
	v22 =	vor.u32 $0x80, v24;
	[tilespmem:s7+$0x0] =	vst v20;
	v25 =	vld.idx.msk [tilespmem:v10+s5+$0x0], $0xffff  }
0x5c7: {  	s12 =	sor.u32 s3, s8;
	v10 =	vor.u32 $0x80, v13;
	v14 =	vld.idx.msk [tilespmem:v15+s5+$0x0], $0xffff;
	[tilespmem:s17+$0x16900] =	vst v12  }
0x5c8: {  	s18 =	sor.u32 $0x280, s13;
	v12 =	vor.u32 $0x300, v7;
	[tilespmem:s12+$0x0] =	vst v16;
	v11 =	vld.idx.msk [tilespmem:v11+s5+$0x0], $0xffff  }
0x5c9: {  	s11 =	sor.u32 s19, s8;
	v16 =	vor.u32 $0x300, v6;
	v15 =	vld.idx.msk [tilespmem:v17+s5+$0x0], $0xffff;
	[tilespmem:s18+$0x16900] =	vst v9  }
0x5ca: {  	s8 =	sor.u32 s20, s8;
	v8 =	vor.u32 $0x380, v8;
	v19 =	vld.idx.msk [tilespmem:v19+s5+$0x0], $0xffff;
	[tilespmem:s11+$0x0] =	vst v18  }
0x5cb: {  	s19 =	sor.u32 $0x280, s14;
	v20 =	vor.u32 $0x100, v5;
	v18 =	vld.idx.msk [tilespmem:v22+s5+$0x0], $0xffff;
	[tilespmem:s8+$0x0] =	vst v21  }
0x5cc: {  	s21 =	sor.u32 $0x280, s1;
	v21 =	vor.u32 $0x100, v4;
	[tilespmem:s19+$0x16900] =	vst v14;
	v10 =	vld.idx.msk [tilespmem:v10+s5+$0x0], $0xffff  }
0x5cd: {  	s20 =	sor.u32 $0x300, s22;
	v9 =	vor.u32 $0x100, v24;
	[tilespmem:s21+$0x16900] =	vst v25;
	v26 =	vld.idx.msk [tilespmem:v12+s5+$0x0], $0xffff  }
0x5ce: {  	v23 =	vor.u32 $0x100, v13;
	v17 =	vld.idx.msk [tilespmem:v16+s5+$0x0], $0xffff;
	[tilespmem:s20+$0x16900] =	vst v15  }
0x5cf: {  	[tilespmem:s12+$0x80] =	vst v19;
	v19 =	vor.u32 $0x300, v3;
	v27 =	vld.idx.msk [tilespmem:v8+s5+$0x0], $0xffff  }
0x5d0: {  	v28 =	vor.u32 $0x380, v7;
	[tilespmem:s7+$0x80] =	vst v11;
	v22 =	vld.idx.msk [tilespmem:v20+s5+$0x0], $0xffff  }
0x5d1: {  	v7 =	vor.u32 $0x380, v24;
	v20 =	vld.idx.msk [tilespmem:v21+s5+$0x0], $0xffff;
	[tilespmem:s11+$0x80] =	vst v18  }
0x5d2: {  	v14 =	vor.u32 $0x200, v24;
	v25 =	vor.u32 $0x180, v5;
	v16 =	vor.u32 $0x180, v24;
	v21 =	vld.idx.msk [tilespmem:v9+s5+$0x0], $0xffff;
	[tilespmem:s8+$0x80] =	vst v10  }
0x5d3: {  	s4 =	sor.u32 $0x300, s1;
	s10 =	sor.u32 $0x380, s1;
	s15 =	sor.u32 $0x300, s13;
	v11 =	vor.u32 $0x280, v24;
	v9 =	vor.u32 $0x300, v24;
	v24 =	vor.u32 $0x180, v4;
	v23 =	vld.idx.msk [tilespmem:v23+s5+$0x0], $0xffff  }
0x5d4: {  	s29 =	sor.u32 $0x380, s13;
	s1 =	simm.s32 $0x80;
	s22 =	sor.u32 $0x380, s22;
	v6 =	vor.u32 $0x380, v6;
	v12 =	vor.u32 $0x200, v13;
	v15 =	vor.u32 $0x180, v13;
	[tilespmem:s15+$0x16900] =	vst v26;
	v18 =	vld.idx.msk [tilespmem:v19+s5+$0x0], $0xffff  }
0x5d5: {  	s2 =	simm.s32 $0x4;
	s3 =	sor.u32 $0x300, s14;
	s31 =	sor.u32 $0x380, s14;
	v8 =	vor.u32 $0x300, v13;
	v10 =	vor.u32 $0x280, v13;
	v13 =	vor.u32 $0x380, v13;
	v19 =	vld.idx.msk [tilespmem:v28+s5+$0x0], $0xffff;
	[tilespmem:s22+$0x16900] =	vst v27  }
.LBB2_22:
0x5d6: {  	v26 =	vld [tilespmem:s1+$0x0];
	[tilespmem:s12+$0x100] =	vst v22;
	s25 =	sadd.s32 $0x40, s25  }
0x5d7: {  	s2 =	sadd.s32 $0x4, s2;
	s13 =	sand.u32 $0x40, s25;
	[tilespmem:s7+$0x100] =	vst v20;
	v20 =	vld.idx.msk [tilespmem:v25+s5+$0x0], $0xffff  }
0x5d8: {  	s17 =	sand.u32 $0x780, s25;
	p1 =	slt.u32 s2, $0x7C;
	s14 =	sor.u32 $0x30, s13;
	v22 =	vld.idx.msk [tilespmem:v24+s5+$0x0], $0xffff;
	[tilespmem:s11+$0x100] =	vst v21  }
0x5d9: {  	s16 =	sor.u32 $0x10, s13;
	s15 =	sor.u32 $0x20, s13;
	v21 =	vor.u32 $0x200, v5;
	s18 =	sor.u32 s14, s17;
	v16 =	vld.idx.msk [tilespmem:v16+s5+$0x0], $0xffff;
	[tilespmem:s8+$0x100] =	vst v23  }
0x5da: {  	v24 =	vor.u32 $0x200, v4;
	s19 =	sor.u32 s16, s17;
	s17 =	sor.u32 s15, s17;
	v23 =	vld [tilespmem:s18+$0x0];
	[tilespmem:s3+$0x16900] =	vst v17  }
0x5db: {  	v17 =	vld [tilespmem:s19+$0x0];
	[tilespmem:s4+$0x16900] =	vst v18  }
0x5dc: {  	v18 =	vshll.u32 v26, $0x3;
	v25 =	vld [tilespmem:s17+$0x0];
	[tilespmem:s29+$0x16900] =	vst v19  }
0x5dd: {  	v19 =	vand.u32 $0x7F, v26;
	v18 =	vand.u32 $0xFFFFFC00, v18;
	v15 =	vld.idx.msk [tilespmem:v15+s5+$0x0], $0xffff;
	[tilespmem:s12+$0x180] =	vst v20;
	v20 =	vor.u32 $0x380, v3;
	v3 =	vmovc v4  }
0x5de: {  	p0 =	por !p0, !p0;
	s3 =	simm.s32 $0x1;
	v4 =	vor.u32 v19, v18;
	[tilespmem:s7+$0x180] =	vst v22;
	v18 =	vld.idx.msk [tilespmem:v21+s5+$0x0], $0xffff  }
0x5df: {  	s3 =	simm.s32 @!p0 $0x0;
	v19 =	vshll.u32 v23, $0x3;
	v21 =	vld.idx.msk [tilespmem:v24+s5+$0x0], $0xffff;
	[tilespmem:s11+$0x180] =	vst v16  }
0x5e0: {  	s3 =	sshll.u32 s3, $0x6;
	v16 =	vand.u32 $0x7F, v23;
	v19 =	vand.u32 $0xFFFFFC00, v19;
	v22 =	vld.idx.msk [tilespmem:v14+s5+$0x0], $0xffff;
	v14 =	vor.u32 $0x280, v5  }
0x5e1: {  	s7 =	sadd.s32 s3, s6;
	v23 =	vshll.u32 v17, $0x3;
	v24 =	vshll.u32 v25, $0x3;
	v19 =	vor.u32 v16, v19;
	v26 =	vld.idx.msk [tilespmem:v6+s5+$0x0], $0xffff;
	v6 =	vmovc v13  }
0x5e2: {  	s11 =	sadd.s32 $0x10, s7;
	s12 =	sadd.s32 $0x20, s7;
	s17 =	sadd.s32 $0x30, s7;
	v13 =	vand.u32 $0x7F, v17;
	v16 =	vand.u32 $0xFFFFFC00, v23;
	v17 =	vand.u32 $0xFFFFFC00, v24;
	v20 =	vld.idx.msk [tilespmem:v20+s5+$0x0], $0xffff  }
0x5e3: {  	s22 =	sor.u32 $0x200, s11;
	s3 =	sor.u32 $0x200, s17;
	v13 =	vor.u32 v13, v16;
	v16 =	vand.u32 $0x7F, v25;
	v24 =	vor.u32 $0x280, v3;
	v23 =	vld.idx.msk [tilespmem:v4+s5+$0x0], $0xffff;
	[tilespmem:s8+$0x180] =	vst v15;
	s8 =	sor.u32 $0x200, s12  }
0x5e4: {  	s4 =	sor.u32 $0x200, s7;
	s21 =	sor.u32 $0x280, s11;
	s20 =	sor.u32 $0x280, s12;
	v25 =	vor.u32 $0x80, v13;
	v27 =	vor.u32 $0x100, v13;
	v17 =	vor.u32 v16, v17;
	v28 =	vld.idx.msk [tilespmem:v12+s5+$0x0], $0xffff;
	[tilespmem:s3+$0x16900] =	vst v18  }
0x5e5: {  	s19 =	sor.u32 $0x280, s7;
	s18 =	sor.u32 $0x300, s11;
	v16 =	vor.u32 $0x180, v13;
	v18 =	vor.u32 $0x80, v17;
	v29 =	vor.u32 $0x100, v17;
	s3 =	sor.u32 $0x300, s12;
	[tilespmem:s4+$0x16900] =	vst v21;
	v21 =	vld.idx.msk [tilespmem:v14+s5+$0x0], $0xffff  }
0x5e6: {  	s29 =	sor.u32 $0x380, s11;
	s11 =	sor.u32 $0x380, s12;
	v15 =	vor.u32 $0x180, v17;
	v12 =	vor.u32 $0x200, v17;
	v14 =	vor.u32 $0x200, v13;
	s4 =	sor.u32 $0x300, s7;
	v30 =	vld.idx.msk [tilespmem:v19+s5+$0x0], $0xffff;
	[tilespmem:s22+$0x16900] =	vst v22  }
0x5e7: {  	v32 =	vor.u32 $0x300, v5;
	s7 =	sor.u32 $0x380, s7;
	v22 =	vor.u32 $0x280, v17;
	v31 =	vld.idx.msk [tilespmem:v11+s5+$0x0], $0xffff;
	v11 =	vor.u32 $0x280, v13;
	[tilespmem:s31+$0x16900] =	vst v26;
	s31 =	smov.u32 s11  }
0x5e8: {  	s6 =	sadd.s32 $0x200, s6;
	v35 =	vor.u32 $0x80, v19;
	v33 =	vor.u32 $0x300, v13;
	v34 =	vor.u32 $0x300, v17;
	v26 =	vld.idx.msk [tilespmem:v13+s5+$0x0], $0xffff;
	[tilespmem:s10+$0x16900] =	vst v20;
	s10 =	smov.u32 s7  }
0x5e9: {  	v36 =	vor.u32 $0x380, v13;
	s7 =	sand.u32 $0x3C00, s6;
	v20 =	vor.u32 $0x80, v4;
	v13 =	vor.u32 $0x380, v17;
	v37 =	vld.idx.msk [tilespmem:v17+s5+$0x0], $0xffff  }
0x5ea: {  	s22 =	sadd.s32 $0x16900, s7;
	v38 =	vld.idx.msk [tilespmem:v24+s5+$0x0], $0xffff;
	[tilespmem:s8+$0x16900] =	vst v28;
	s8 =	sor.u32 $0x280, s17  }
0x5eb: {  	s7 =	sor.u32 s13, s22;
	s11 =	sor.u32 s16, s22;
	s12 =	sor.u32 s14, s22;
	v17 =	vld.idx.msk [tilespmem:v10+s5+$0x0], $0xffff;
	[tilespmem:s8+$0x16900] =	vst v21;
	v10 =	vmov v22  }
0x5ec: {  	s8 =	sor.u32 s15, s22;
	[tilespmem:s12+$0x0] =	vst v30;
	v21 =	vld.idx.msk [tilespmem:v32+s5+$0x0], $0xffff  }
0x5ed: {  	[tilespmem:s7+$0x0] =	vst v23;
	v22 =	vld.idx.msk [tilespmem:v35+s5+$0x0], $0xffff  }
0x5ee: {  	v23 =	vor.u32 $0x380, v5;
	v5 =	vmov v19;
	v20 =	vld.idx.msk [tilespmem:v20+s5+$0x0], $0xffff;
	[tilespmem:s11+$0x0] =	vst v26  }
0x5ef: {  	v24 =	vor.u32 $0x100, v5;
	v19 =	vld.idx.msk [tilespmem:v25+s5+$0x0], $0xffff;
	[tilespmem:s8+$0x0] =	vst v37  }
0x5f0: {  	v25 =	vor.u32 $0x100, v4;
	v18 =	vld.idx.msk [tilespmem:v18+s5+$0x0], $0xffff;
	[tilespmem:s21+$0x16900] =	vst v31  }
0x5f1: {  	s13 =	sor.u32 $0x300, s17;
	v26 =	vld.idx.msk [tilespmem:v9+s5+$0x0], $0xffff;
	[tilespmem:s20+$0x16900] =	vst v17;
	v9 =	vmov v33  }
0x5f2: {  	v17 =	vld.idx.msk [tilespmem:v8+s5+$0x0], $0xffff;
	[tilespmem:s13+$0x16900] =	vst v21;
	v8 =	vmov v34  }
0x5f3: {  	v28 =	vor.u32 $0x300, v3;
	[tilespmem:s12+$0x80] =	vst v22;
	v30 =	vld.idx.msk [tilespmem:v23+s5+$0x0], $0xffff  }
0x5f4: {  	[tilespmem:s7+$0x80] =	vst v20;
	v22 =	vld.idx.msk [tilespmem:v24+s5+$0x0], $0xffff  }
.Ltmp12:
0x5f5: {  	v20 =	vld.idx.msk [tilespmem:v25+s5+$0x0], $0xffff;
	[tilespmem:s11+$0x80] =	vst v19;
	(pc) =	sbr.rel @p1 .LBB2_22-.Ltmp12, $4  }
0x5f6: {  	v25 =	vor.u32 $0x180, v5;
	v21 =	vld.idx.msk [tilespmem:v27+s5+$0x0], $0xffff;
	[tilespmem:s8+$0x80] =	vst v18  }
0x5f7: {  	v24 =	vor.u32 $0x180, v4;
	v23 =	vld.idx.msk [tilespmem:v29+s5+$0x0], $0xffff;
	[tilespmem:s19+$0x16900] =	vst v38  }
0x5f8: {  	s13 =	sor.u32 $0x380, s17;
	v18 =	vld.idx.msk [tilespmem:v28+s5+$0x0], $0xffff;
	[tilespmem:s18+$0x16900] =	vst v26  }
0x5f9: {  	s1 =	sadd.s32 $0x40, s1;
	v19 =	vld.idx.msk [tilespmem:v7+s5+$0x0], $0xffff;
	[tilespmem:s13+$0x16900] =	vst v30;
	v7 =	vmov v36  }
0x5fa: {  	_ =	sdelay $0x2  }
0x5fb: {  	[tilespmem:s12+$0x100] =	vst v22  }
0x5fc: {  	[tilespmem:s7+$0x100] =	vst v20;
	v22 =	vld.idx.msk [tilespmem:v25+s5+$0x0], $0xffff  }
0x5fd: {  	v53 =	vor.u32 $0x200, v5;
	[tilespmem:s11+$0x100] =	vst v21;
	v20 =	vld.idx.msk [tilespmem:v24+s5+$0x0], $0xffff  }
0x5fe: {  	v54 =	vor.u32 $0x200, v4;
	v16 =	vld.idx.msk [tilespmem:v16+s5+$0x0], $0xffff;
	[tilespmem:s8+$0x100] =	vst v23  }
0x5ff: {  	v15 =	vld.idx.msk [tilespmem:v15+s5+$0x0], $0xffff;
	_ =	sdelay $0x1  }
0x600: {  	p0 =	por !p0, !p0;
	s1 =	simm.s32 $0x1;
	[tilespmem:s12+$0x180] =	vst v22  }
0x601: {  	s1 =	simm.s32 @!p0 $0x0;
	[tilespmem:s7+$0x180] =	vst v20;
	v21 =	vld.idx.msk [tilespmem:v53+s5+$0x0], $0xffff  }
0x602: {  	v55 =	vor.u32 $0x280, v5;
	s1 =	sshll.u32 s1, $0x6;
	[tilespmem:s11+$0x180] =	vst v16;
	v56 =	vld.idx.msk [tilespmem:v54+s5+$0x0], $0xffff  }
0x603: {  	v57 =	vor.u32 $0x280, v4;
	s1 =	sadd.s32 s1, s6;
	v14 =	vld.idx.msk [tilespmem:v14+s5+$0x0], $0xffff;
	[tilespmem:s8+$0x180] =	vst v15  }
0x604: {  	s2 =	sadd.s32 $0x30, s1;
	v12 =	vld.idx.msk [tilespmem:v12+s5+$0x0], $0xffff  }
0x605: {  	s22 =	sor.u32 $0x200, s2  }
0x606: {  	s6 =	sadd.s32 $0x10, s1;
	s13 =	sor.u32 $0x200, s1;
	[tilespmem:s22+$0x16900] =	vst v21  }
0x607: {  	s25 =	sor.u32 $0x200, s6;
	s8 =	sadd.s32 $0x20, s1;
	[tilespmem:s13+$0x16900] =	vst v56;
	v16 =	vld.idx.msk [tilespmem:v55+s5+$0x0], $0xffff  }
0x608: {  	v58 =	vor.u32 $0x300, v5;
	s12 =	sor.u32 $0x200, s8;
	[tilespmem:s25+$0x16900] =	vst v14;
	v59 =	vld.idx.msk [tilespmem:v57+s5+$0x0], $0xffff  }
0x609: {  	v60 =	vor.u32 $0x300, v4;
	v11 =	vld.idx.msk [tilespmem:v11+s5+$0x0], $0xffff;
	[tilespmem:s12+$0x16900] =	vst v12  }
0x60a: {  	v10 =	vld.idx.msk [tilespmem:v10+s5+$0x0], $0xffff  }
0x60b: {  	[tilespmem:s3+$0x16900] =	vst v17;
	s14 =	sor.u32 $0x280, s2  }
0x60c: {  	s17 =	sor.u32 $0x280, s1;
	[tilespmem:s14+$0x16900] =	vst v16  }
0x60d: {  	v3 =	vor.u32 $0x380, v3;
	s15 =	sor.u32 $0x280, s6;
	[tilespmem:s17+$0x16900] =	vst v59;
	v14 =	vld.idx.msk [tilespmem:v58+s5+$0x0], $0xffff  }
0x60e: {  	v61 =	vor.u32 $0x380, v5;
	s16 =	sor.u32 $0x280, s8;
	[tilespmem:s15+$0x16900] =	vst v11;
	v62 =	vld.idx.msk [tilespmem:v60+s5+$0x0], $0xffff  }
0x60f: {  	v63 =	vor.u32 $0x380, v4;
	v9 =	vld.idx.msk [tilespmem:v9+s5+$0x0], $0xffff;
	[tilespmem:s16+$0x16900] =	vst v10  }
0x610: {  	[tilespmem:s4+$0x16900] =	vst v18;
	v8 =	vld.idx.msk [tilespmem:v8+s5+$0x0], $0xffff  }
0x611: {  	v6 =	vld.idx.msk [tilespmem:v6+s5+$0x0], $0xffff;
	[tilespmem:s29+$0x16900] =	vst v19;
	s18 =	sor.u32 $0x300, s2  }
0x612: {  	s21 =	sor.u32 $0x300, s1;
	v3 =	vld.idx.msk [tilespmem:v3+s5+$0x0], $0xffff;
	[tilespmem:s18+$0x16900] =	vst v14  }
0x613: {  	s19 =	sor.u32 $0x300, s6;
	[tilespmem:s21+$0x16900] =	vst v62;
	v5 =	vld.idx.msk [tilespmem:v61+s5+$0x0], $0xffff  }
0x614: {  	s20 =	sor.u32 $0x300, s8;
	[tilespmem:s19+$0x16900] =	vst v9;
	v4 =	vld.idx.msk [tilespmem:v63+s5+$0x0], $0xffff  }
0x615: {  	v7 =	vld.idx.msk [tilespmem:v7+s5+$0x0], $0xffff;
	[tilespmem:s20+$0x16900] =	vst v8  }
0x616: {  	[tilespmem:s31+$0x16900] =	vst v6;
	v8 =	vld.idx.msk [tilespmem:v13+s5+$0x0], $0xffff  }
0x617: {  	s2 =	sor.u32 $0x380, s2;
	[tilespmem:s10+$0x16900] =	vst v3  }
0x618: {  	s1 =	sor.u32 $0x380, s1;
	[tilespmem:s2+$0x16900] =	vst v5  }
0x619: {  	s22 =	sor.u32 $0x380, s6;
	[tilespmem:s1+$0x16900] =	vst v4  }
0x61a: {  	s25 =	sor.u32 $0x380, s8;
	[tilespmem:s22+$0x16900] =	vst v7  }
0x61b: {  	s29 =	simm.s32 $0x16900;
	[tilespmem:s25+$0x16900] =	vst v8  }
0x61c: {  	s31 =	simm.s32 $0x4;
	s8 =	simm.s32 $0x0;
	s1 =	rddreg [dreg:$0x1f]  }
0x61d: {  	[hbm4b:s1+s8] =	stream.linear.scatter [tilespmem:s29], [sflag:$0x5], $0x4000, $0x38;
	[tilespmem:$0x1A900] =	vst v63  }
0x61e: {  	_ =	swait.ge [sflag:s31], $0x4000  }
0x61f: {  	s10 =	rddreg [dreg:$0x5]  }
0x620: {  	s7 =	stileid.u32;
	s11 =	rddreg [dreg:$0x6]  }
.Ltmp13:
0x621: {  	s6 =	simm.s32 $0x800;
	s12 =	rddreg [dreg:$0x7];
	(pc) =	sbr.rel .LBB2_24-.Ltmp13, $4  }
0x622: {  	s17 =	simm.s32 $0x40;
	s18 =	simm.s32 $0x900;
	s13 =	rddreg [dreg:$0x8]  }
0x623: {  	s21 =	simm.s32 $0x1000;
	s19 =	simm.s32 $0x1;
	s14 =	rddreg [dreg:$0x9]  }
0x624: {  	s20 =	simm.s32 $0x80;
	[sflag:s31] =	ssyncset.done $0x0;
	s15 =	rddreg [dreg:$0xa]  }
0x625: {  	s1 =	simm.s32 $0x5;
	s16 =	rddreg [dreg:$0x18];
	[sflag:s31] =	ssyncadd.s32 $0xFFFFC000  }
.LBB2_25:
0x626: {  	_ =	sfence.sel $0x180000  }
0x627: {  	[bflag:$0x0] =	sbarrier.arrive $0xFFFF  }
0x628: {  	_ =	strace $0x90000047  }
0x629: {  	[bflag:$0x2] =	sbarrier.arrive $0xFFFF  }
0x62a: {  	p0 =	sne.s32 s7, $0x0;
	s0 =	rddreg [dreg:$0x4]  }
0x62b: {  	s0 =	sadd.s32 @!p0 $0x100000, s0  }
0x62c: {  	[sflag:s0] =	ssyncadd.tile.s32 @!p0 $0x1;
	_ =	shalt  }
.Lfunc_end2:
_tile_overlayer_lowered:
.L_overlay_start_2:
0x62d: {  	(tag) =	ssettag $0x2  }
0x62e: {  	s0 =	rddreg [dreg:$0x0];
	s2 =	stileid.u32  }
0x62f: {  	s1 =	rddreg [dreg:$0x1];
	p0 =	sne.s32 s2, $0x0  }
0x630: {  	s3 =	rddreg [dreg:$0x2];
	[bflag:$0x3] =	sbarrier.arrive $0xFFFF;
	s2 =	simm.s32 @!p0 $0x1C06  }
0x631: {  	[timem:s3], [sflag:s2] =	dma.local @!p0 [hbm:s0], s1  }
0x632: {  	s0 =	simm.s32 @!p0 $0x6  }
0x633: {  	_ =	swait.ge @!p0 [sflag:s0], s1  }
0x634: {  	s1 =	ssub.s32 @!p0 $0x0, s1;
	[sflag:s0] =	ssyncset.done @!p0 $0x0  }
0x635: {  	[sflag:s0] =	ssyncadd.s32 @!p0 s1  }
0x636: {  	[bflag:$0x3] =	sbarrier.arrive $0xFFFF  }
0x637: {  	_ =	shalt  }

</sc_bundles>
